<compile_context>
chip_gen: v7x
topology: tpu7x:2x2x1
jax: 0.10.2.dev20260603
libtpu: 0.0.44.dev20260713+nightly
codegen_flags: <defaults>
</compile_context>

<pallas_src>
import jax
import jax.numpy as jnp
from jax import lax
from jax.experimental import pallas as pl
from jax.experimental.pallas import tpu as pltpu
from jax.experimental.pallas import tpu_sc as plsc

B = 16384
RANK = 32
NMODE = 3
PACK = 4
NC = 2
NS = 16
NW = NC * NS
BPW = B // NW
L = 16
CHUNK = 128
NCHUNK = BPW // CHUNK
CGROUPS = CHUNK // L
NACC = 4


def _cpd_body(idx0_h, idx1_h, idx2_h, e0_h, e1_h, e2_h, out_h,
              i0, i1, i2,
              ga0, ga1, ga2, gb0, gb1, gb2,
              ra0, ra1, ra2, rb0, rb1, rb2,
              out_v,
              sa0, sa1, sa2, sb0, sb1, sb2):
    wid = lax.axis_index("s") * NC + lax.axis_index("c")
    base = wid * BPW

    pltpu.sync_copy(idx0_h.at[pl.ds(base, BPW)], i0)
    pltpu.sync_copy(idx1_h.at[pl.ds(base, BPW)], i1)
    pltpu.sync_copy(idx2_h.at[pl.ds(base, BPW)], i2)

    ii = [i0, i1, i2]
    tables = [e0_h, e1_h, e2_h]
    gsets = [[ga0, ga1, ga2], [gb0, gb1, gb2]]
    rsets = [[ra0, ra1, ra2], [rb0, rb1, rb2]]
    ssets = [[sa0, sa1, sa2], [sb0, sb1, sb2]]

    def issue(c):
        s = c & 1
        gg, rows, sems = gsets[s], rsets[s], ssets[s]
        cbase = c * CHUNK

        def packrow(g, carry):
            src = pl.ds(cbase + g * L, L)
            dst = pl.ds(g * L, L)
            for m in range(NMODE):
                gg[m][dst] = lax.shift_right_logical(ii[m][src], 2)
            return carry

        lax.fori_loop(0, CGROUPS, packrow, 0)
        return [
            pltpu.async_copy(tables[m].at[gg[m]], rows[m], sems[m])
            for m in range(NMODE)
        ]

    def compute(c):
        s = c & 1
        rows0, rows1, rows2 = rsets[s]
        cbase = c * CHUNK

        def group(g, carry):
            row = g * L + lax.iota(jnp.int32, L)
            sl = pl.ds(cbase + g * L, L)
            col0 = lax.shift_left(jnp.bitwise_and(i0[sl], 3), 5)
            col1 = lax.shift_left(jnp.bitwise_and(i1[sl], 3), 5)
            col2 = lax.shift_left(jnp.bitwise_and(i2[sl], 3), 5)
            accs = [jnp.zeros((L,), jnp.float32) for _ in range(NACC)]
            for r in range(RANK):
                a = plsc.load_gather(rows0, [row, col0 + r])
                b = plsc.load_gather(rows1, [row, col1 + r])
                cc = plsc.load_gather(rows2, [row, col2 + r])
                accs[r % NACC] = accs[r % NACC] + a * b * cc
            out_v[sl] = (accs[0] + accs[1]) + (accs[2] + accs[3])
            return carry

        lax.fori_loop(0, CGROUPS, group, 0)

    inflight = issue(0)
    for c in range(NCHUNK):
        for cp in inflight:
            cp.wait()
        if c + 1 < NCHUNK:
            nxt = issue(c + 1)
        else:
            nxt = []
        compute(c)
        inflight = nxt

    pltpu.sync_copy(out_v, out_h.at[pl.ds(base, BPW)])


def kernel(idxs, E0, E1, E2):
    idxs32 = idxs.astype(jnp.int32)
    idx0 = idxs32[:, 0]
    idx1 = idxs32[:, 1]
    idx2 = idxs32[:, 2]
    e0 = E0.reshape(-1, 128)
    e1 = E1.reshape(-1, 128)
    e2 = E2.reshape(-1, 128)
    mesh = plsc.VectorSubcoreMesh(core_axis_name="c", subcore_axis_name="s")
    f = pl.kernel(
        _cpd_body,
        out_type=jax.ShapeDtypeStruct((B,), jnp.float32),
        mesh=mesh,
        compiler_params=pltpu.CompilerParams(needs_layout_passes=False),
        scratch_types=(
            [pltpu.VMEM((BPW,), jnp.int32)] * 3
            + [pltpu.VMEM((CHUNK,), jnp.int32)] * 6
            + [pltpu.VMEM((CHUNK, 128), jnp.float32)] * 6
            + [pltpu.VMEM((BPW,), jnp.float32)]
            + [pltpu.SemaphoreType.DMA] * 6
        ),
    )
    return f(idx0, idx1, idx2, e0, e1, e2)

# --- scband reference (transcript-rebuilt; emitter-appended) ---
"""Pipeline reference for scband-cpd-smooth-18433999635120 (READ-ONLY COPY).

The authoritative reference and input builder live on the scoring server;
editing this copy changes nothing except your own understanding.
"""

import jax, jax.numpy as jnp
import numpy as np

B = 16384
NMODE = 3
SIZES = [100000, 100000, 100000]
RANK = 32

def setup_inputs(seed: int = 0) -> dict:
    key = jax.random.key(seed)
    k_idx, k0, k1, k2 = jax.random.split(key, 4)
    idxs = jax.random.randint(k_idx, (B, NMODE), 0, 100000, dtype=jnp.int64) if jax.config.jax_enable_x64 else jax.random.randint(k_idx, (B, NMODE), 0, 100000, dtype=jnp.int32)
    E0 = jax.random.normal(k0, (SIZES[0], RANK), dtype=jnp.float32)
    E1 = jax.random.normal(k1, (SIZES[1], RANK), dtype=jnp.float32)
    E2 = jax.random.normal(k2, (SIZES[2], RANK), dtype=jnp.float32)
    return {"idxs": idxs, "E0": E0, "E1": E1, "E2": E2}

def reference(idxs, E0, E1, E2):
    # CPD reconstruction: gather factor rows per mode, elementwise product over modes, sum over rank
    f0 = jnp.take(E0, idxs[:, 0], axis=0)  # [B, R]
    f1 = jnp.take(E1, idxs[:, 1], axis=0)  # [B, R]
    f2 = jnp.take(E2, idxs[:, 2], axis=0)  # [B, R]
    concat = jnp.stack([f0, f1, f2], axis=-1)  # [B, R, nmode]
    rec = jnp.prod(concat, axis=-1)            # [B, R]
    return rec.sum(-1)                          # [B]

if __name__ == "__main__":
    import jax
    _d = setup_inputs()
    print(jax.jit(kernel)(*tuple(_d.values())))

</pallas_src>

<mosaic_0001>
#map = affine_map<(d0, d1) -> (0)>
#map1 = affine_map<(d0, d1) -> (0, 0)>
module attributes {stable_mosaic.version = 14 : i64} {
  func.func @_cpd_body(%arg0: i32, %arg1: i32, %arg2: memref<16384xi32, #tpu.memory_space<hbm>>, %arg3: memref<16384xi32, #tpu.memory_space<hbm>>, %arg4: memref<16384xi32, #tpu.memory_space<hbm>>, %arg5: memref<25000x128xf32, #tpu.memory_space<hbm>>, %arg6: memref<25000x128xf32, #tpu.memory_space<hbm>>, %arg7: memref<25000x128xf32, #tpu.memory_space<hbm>>, %arg8: memref<16384xf32, #tpu.memory_space<hbm>>, %arg9: memref<512xi32, #tpu.memory_space<vmem>>, %arg10: memref<512xi32, #tpu.memory_space<vmem>>, %arg11: memref<512xi32, #tpu.memory_space<vmem>>, %arg12: memref<128xi32, #tpu.memory_space<vmem>>, %arg13: memref<128xi32, #tpu.memory_space<vmem>>, %arg14: memref<128xi32, #tpu.memory_space<vmem>>, %arg15: memref<128xi32, #tpu.memory_space<vmem>>, %arg16: memref<128xi32, #tpu.memory_space<vmem>>, %arg17: memref<128xi32, #tpu.memory_space<vmem>>, %arg18: memref<128x128xf32, #tpu.memory_space<vmem>>, %arg19: memref<128x128xf32, #tpu.memory_space<vmem>>, %arg20: memref<128x128xf32, #tpu.memory_space<vmem>>, %arg21: memref<128x128xf32, #tpu.memory_space<vmem>>, %arg22: memref<128x128xf32, #tpu.memory_space<vmem>>, %arg23: memref<128x128xf32, #tpu.memory_space<vmem>>, %arg24: memref<512xf32, #tpu.memory_space<vmem>>, %arg25: memref<!tpu.dma_semaphore, #tpu.memory_space<semaphore_mem>>, %arg26: memref<!tpu.dma_semaphore, #tpu.memory_space<semaphore_mem>>, %arg27: memref<!tpu.dma_semaphore, #tpu.memory_space<semaphore_mem>>, %arg28: memref<!tpu.dma_semaphore, #tpu.memory_space<semaphore_mem>>, %arg29: memref<!tpu.dma_semaphore, #tpu.memory_space<semaphore_mem>>, %arg30: memref<!tpu.dma_semaphore, #tpu.memory_space<semaphore_mem>>) attributes {dimension_semantics = [#tpu.dimension_semantics<core_parallel>, #tpu.dimension_semantics<subcore_parallel>], iteration_bounds = array<i64: 2, 16>, scalar_prefetch = 0 : i64, scratch_operands = 22 : i64, tpu.core_type = #tpu.core_type<sc_vector_subcore>, window_params = [{transform_indices = #map}, {transform_indices = #map}, {transform_indices = #map}, {transform_indices = #map1}, {transform_indices = #map1}, {transform_indices = #map1}, {transform_indices = #map}]} {
    %mul3A = arith.constant 2 : i32
    %mul3A_0 = arith.muli %arg1, %mul3A : i32
    %add3A = arith.addi %mul3A_0, %arg0 : i32
    %mul3A_1 = arith.constant 512 : i32
    %mul3A_2 = arith.muli %add3A, %mul3A_1 : i32
    "tpu.region"() ({
      %run_scoped3A = tpu.sem_alloc : memref<!tpu.dma_semaphore, #tpu.memory_space<semaphore_mem>>
      %dma_start3A_120 = tpu.memref_slice %arg2[%mul3A_2] : memref<16384xi32, #tpu.memory_space<hbm>> -> memref<512xi32, #tpu.memory_space<hbm>>
      %dma_start3A_121 = tpu.memref_slice %arg2[%mul3A_2] : memref<16384xi32, #tpu.memory_space<hbm>> -> memref<512xi32, #tpu.memory_space<hbm>>
      tpu.enqueue_dma source(%dma_start3A_121 : memref<512xi32, #tpu.memory_space<hbm>>) target(%arg9 : memref<512xi32, #tpu.memory_space<vmem>>) target_semaphore(%run_scoped3A : memref<!tpu.dma_semaphore, #tpu.memory_space<semaphore_mem>>)
      %dma_wait3A_122 = tpu.memref_slice %arg2[%mul3A_2] : memref<16384xi32, #tpu.memory_space<hbm>> -> memref<512xi32, #tpu.memory_space<hbm>>
      %dma_wait3A_123 = tpu.memref_slice %arg2[%mul3A_2] : memref<16384xi32, #tpu.memory_space<hbm>> -> memref<512xi32, #tpu.memory_space<hbm>>
      tpu.wait_dma2 semaphore(%run_scoped3A : memref<!tpu.dma_semaphore, #tpu.memory_space<semaphore_mem>>) src(%dma_wait3A_123 : memref<512xi32, #tpu.memory_space<hbm>>) dst(%arg9 : memref<512xi32, #tpu.memory_space<vmem>>)
      tpu.yield
    }) : () -> ()
    "tpu.region"() ({
      %run_scoped3A = tpu.sem_alloc : memref<!tpu.dma_semaphore, #tpu.memory_space<semaphore_mem>>
      %dma_start3A_120 = tpu.memref_slice %arg3[%mul3A_2] : memref<16384xi32, #tpu.memory_space<hbm>> -> memref<512xi32, #tpu.memory_space<hbm>>
      %dma_start3A_121 = tpu.memref_slice %arg3[%mul3A_2] : memref<16384xi32, #tpu.memory_space<hbm>> -> memref<512xi32, #tpu.memory_space<hbm>>
      tpu.enqueue_dma source(%dma_start3A_121 : memref<512xi32, #tpu.memory_space<hbm>>) target(%arg10 : memref<512xi32, #tpu.memory_space<vmem>>) target_semaphore(%run_scoped3A : memref<!tpu.dma_semaphore, #tpu.memory_space<semaphore_mem>>)
      %dma_wait3A_122 = tpu.memref_slice %arg3[%mul3A_2] : memref<16384xi32, #tpu.memory_space<hbm>> -> memref<512xi32, #tpu.memory_space<hbm>>
      %dma_wait3A_123 = tpu.memref_slice %arg3[%mul3A_2] : memref<16384xi32, #tpu.memory_space<hbm>> -> memref<512xi32, #tpu.memory_space<hbm>>
      tpu.wait_dma2 semaphore(%run_scoped3A : memref<!tpu.dma_semaphore, #tpu.memory_space<semaphore_mem>>) src(%dma_wait3A_123 : memref<512xi32, #tpu.memory_space<hbm>>) dst(%arg10 : memref<512xi32, #tpu.memory_space<vmem>>)
      tpu.yield
    }) : () -> ()
    "tpu.region"() ({
      %run_scoped3A = tpu.sem_alloc : memref<!tpu.dma_semaphore, #tpu.memory_space<semaphore_mem>>
      %dma_start3A_120 = tpu.memref_slice %arg4[%mul3A_2] : memref<16384xi32, #tpu.memory_space<hbm>> -> memref<512xi32, #tpu.memory_space<hbm>>
      %dma_start3A_121 = tpu.memref_slice %arg4[%mul3A_2] : memref<16384xi32, #tpu.memory_space<hbm>> -> memref<512xi32, #tpu.memory_space<hbm>>
      tpu.enqueue_dma source(%dma_start3A_121 : memref<512xi32, #tpu.memory_space<hbm>>) target(%arg11 : memref<512xi32, #tpu.memory_space<vmem>>) target_semaphore(%run_scoped3A : memref<!tpu.dma_semaphore, #tpu.memory_space<semaphore_mem>>)
      %dma_wait3A_122 = tpu.memref_slice %arg4[%mul3A_2] : memref<16384xi32, #tpu.memory_space<hbm>> -> memref<512xi32, #tpu.memory_space<hbm>>
      %dma_wait3A_123 = tpu.memref_slice %arg4[%mul3A_2] : memref<16384xi32, #tpu.memory_space<hbm>> -> memref<512xi32, #tpu.memory_space<hbm>>
      tpu.wait_dma2 semaphore(%run_scoped3A : memref<!tpu.dma_semaphore, #tpu.memory_space<semaphore_mem>>) src(%dma_wait3A_123 : memref<512xi32, #tpu.memory_space<hbm>>) dst(%arg11 : memref<512xi32, #tpu.memory_space<vmem>>)
      tpu.yield
    }) : () -> ()
    %scan3A = arith.constant 0 : i32
    %scan3A_3 = arith.constant 0 : i32
    %scan3A_4 = arith.constant 8 : i32
    %scan3A_5 = arith.addi %scan3A_3, %scan3A_4 : i32
    %scan3A_6 = arith.constant 1 : i32
    scf.for %scan3A_120 = %scan3A_3 to %scan3A_5 step %scan3A_6  : i32 {
      %mul3A_121 = arith.constant 16 : i32
      %mul3A_122 = arith.muli %scan3A_120, %mul3A_121 : i32
      %add3A_123 = arith.constant 0 : i32
      %add3A_124 = arith.addi %add3A_123, %mul3A_122 : i32
      %mul3A_125 = arith.constant 16 : i32
      %mul3A_126 = arith.muli %scan3A_120, %mul3A_125 : i32
      %get3A = arith.index_cast %add3A_124 : i32 to index
      %get3A_127 = tpu.vector_load %arg9[%get3A] {strides = array<i32>} : memref<512xi32, #tpu.memory_space<vmem>>, vector<16xi32>,
      %shift_right_logical3A = arith.constant 2 : i32
      %shift_right_logical3A_128 = vector.broadcast %shift_right_logical3A : i32 to vector<16xi32>
      %shift_right_logical3A_129 = arith.shrui %get3A_127, %shift_right_logical3A_128 : vector<16xi32>
      %swap3A = arith.index_cast %mul3A_126 : i32 to index
      %swap3A_130 = tpu.vector_load %arg12[%swap3A] {strides = array<i32>} : memref<128xi32, #tpu.memory_space<vmem>>, vector<16xi32>,
      tpu.vector_store %arg12[%swap3A], %shift_right_logical3A_129 {strides = array<i32>} : memref<128xi32, #tpu.memory_space<vmem>>, vector<16xi32>,
      %get3A_131 = arith.index_cast %add3A_124 : i32 to index
      %get3A_132 = tpu.vector_load %arg10[%get3A_131] {strides = array<i32>} : memref<512xi32, #tpu.memory_space<vmem>>, vector<16xi32>,
      %shift_right_logical3A_133 = arith.constant 2 : i32
      %shift_right_logical3A_134 = vector.broadcast %shift_right_logical3A_133 : i32 to vector<16xi32>
      %shift_right_logical3A_135 = arith.shrui %get3A_132, %shift_right_logical3A_134 : vector<16xi32>
      %swap3A_136 = arith.index_cast %mul3A_126 : i32 to index
      %swap3A_137 = tpu.vector_load %arg13[%swap3A_136] {strides = array<i32>} : memref<128xi32, #tpu.memory_space<vmem>>, vector<16xi32>,
      tpu.vector_store %arg13[%swap3A_136], %shift_right_logical3A_135 {strides = array<i32>} : memref<128xi32, #tpu.memory_space<vmem>>, vector<16xi32>,
      %get3A_138 = arith.index_cast %add3A_124 : i32 to index
      %get3A_139 = tpu.vector_load %arg11[%get3A_138] {strides = array<i32>} : memref<512xi32, #tpu.memory_space<vmem>>, vector<16xi32>,
      %shift_right_logical3A_140 = arith.constant 2 : i32
      %shift_right_logical3A_141 = vector.broadcast %shift_right_logical3A_140 : i32 to vector<16xi32>
      %shift_right_logical3A_142 = arith.shrui %get3A_139, %shift_right_logical3A_141 : vector<16xi32>
      %swap3A_143 = arith.index_cast %mul3A_126 : i32 to index
      %swap3A_144 = tpu.vector_load %arg14[%swap3A_143] {strides = array<i32>} : memref<128xi32, #tpu.memory_space<vmem>>, vector<16xi32>,
      tpu.vector_store %arg14[%swap3A_143], %shift_right_logical3A_142 {strides = array<i32>} : memref<128xi32, #tpu.memory_space<vmem>>, vector<16xi32>,
    }
    %scan3A_7 = arith.constant 8 : i32
    %dma_start3A = arith.constant 0 : i32
    %dma_start3A_8 = arith.constant 0 : i32
    %dma_start3A_9 = tpu.memref_slice %arg5[%dma_start3A, %dma_start3A_8] : memref<25000x128xf32, #tpu.memory_space<hbm>> -> memref<25000x128xf32, #tpu.memory_space<hbm>>
    tpu.enqueue_indirect_dma source(%dma_start3A_9 : memref<25000x128xf32, #tpu.memory_space<hbm>>) target(%arg18 : memref<128x128xf32, #tpu.memory_space<vmem>>) offsets(%arg12 : memref<128xi32, #tpu.memory_space<vmem>>) semaphore(%arg25 : memref<!tpu.dma_semaphore, #tpu.memory_space<semaphore_mem>>)
    %dma_start3A_10 = arith.constant 0 : i32
    %dma_start3A_11 = arith.constant 0 : i32
    %dma_start3A_12 = tpu.memref_slice %arg6[%dma_start3A_10, %dma_start3A_11] : memref<25000x128xf32, #tpu.memory_space<hbm>> -> memref<25000x128xf32, #tpu.memory_space<hbm>>
    tpu.enqueue_indirect_dma source(%dma_start3A_12 : memref<25000x128xf32, #tpu.memory_space<hbm>>) target(%arg19 : memref<128x128xf32, #tpu.memory_space<vmem>>) offsets(%arg13 : memref<128xi32, #tpu.memory_space<vmem>>) semaphore(%arg26 : memref<!tpu.dma_semaphore, #tpu.memory_space<semaphore_mem>>)
    %dma_start3A_13 = arith.constant 0 : i32
    %dma_start3A_14 = arith.constant 0 : i32
    %dma_start3A_15 = tpu.memref_slice %arg7[%dma_start3A_13, %dma_start3A_14] : memref<25000x128xf32, #tpu.memory_space<hbm>> -> memref<25000x128xf32, #tpu.memory_space<hbm>>
    tpu.enqueue_indirect_dma source(%dma_start3A_15 : memref<25000x128xf32, #tpu.memory_space<hbm>>) target(%arg20 : memref<128x128xf32, #tpu.memory_space<vmem>>) offsets(%arg14 : memref<128xi32, #tpu.memory_space<vmem>>) semaphore(%arg27 : memref<!tpu.dma_semaphore, #tpu.memory_space<semaphore_mem>>)
    %dma_wait3A = arith.constant 0 : i32
    %dma_wait3A_16 = arith.constant 0 : i32
    %dma_wait3A_17 = tpu.memref_slice %arg5[%dma_wait3A, %dma_wait3A_16] : memref<25000x128xf32, #tpu.memory_space<hbm>> -> memref<25000x128xf32, #tpu.memory_space<hbm>>
    tpu.wait_indirect_dma semaphore(%arg25 : memref<!tpu.dma_semaphore, #tpu.memory_space<semaphore_mem>>) src(%dma_wait3A_17 : memref<25000x128xf32, #tpu.memory_space<hbm>>) dst(%arg18 : memref<128x128xf32, #tpu.memory_space<vmem>>)
    %dma_wait3A_18 = arith.constant 0 : i32
    %dma_wait3A_19 = arith.constant 0 : i32
    %dma_wait3A_20 = tpu.memref_slice %arg6[%dma_wait3A_18, %dma_wait3A_19] : memref<25000x128xf32, #tpu.memory_space<hbm>> -> memref<25000x128xf32, #tpu.memory_space<hbm>>
    tpu.wait_indirect_dma semaphore(%arg26 : memref<!tpu.dma_semaphore, #tpu.memory_space<semaphore_mem>>) src(%dma_wait3A_20 : memref<25000x128xf32, #tpu.memory_space<hbm>>) dst(%arg19 : memref<128x128xf32, #tpu.memory_space<vmem>>)
    %dma_wait3A_21 = arith.constant 0 : i32
    %dma_wait3A_22 = arith.constant 0 : i32
    %dma_wait3A_23 = tpu.memref_slice %arg7[%dma_wait3A_21, %dma_wait3A_22] : memref<25000x128xf32, #tpu.memory_space<hbm>> -> memref<25000x128xf32, #tpu.memory_space<hbm>>
    tpu.wait_indirect_dma semaphore(%arg27 : memref<!tpu.dma_semaphore, #tpu.memory_space<semaphore_mem>>) src(%dma_wait3A_23 : memref<25000x128xf32, #tpu.memory_space<hbm>>) dst(%arg20 : memref<128x128xf32, #tpu.memory_space<vmem>>)
    %scan3A_24 = arith.constant 0 : i32
    %scan3A_25 = arith.constant 0 : i32
    %scan3A_26 = arith.constant 8 : i32
    %scan3A_27 = arith.addi %scan3A_25, %scan3A_26 : i32
    %scan3A_28 = arith.constant 1 : i32
    scf.for %scan3A_120 = %scan3A_25 to %scan3A_27 step %scan3A_28  : i32 {
      %mul3A_121 = arith.constant 16 : i32
      %mul3A_122 = arith.muli %scan3A_120, %mul3A_121 : i32
      %add3A_123 = arith.constant 128 : i32
      %add3A_124 = arith.addi %add3A_123, %mul3A_122 : i32
      %mul3A_125 = arith.constant 16 : i32
      %mul3A_126 = arith.muli %scan3A_120, %mul3A_125 : i32
      %get3A = arith.index_cast %add3A_124 : i32 to index
      %get3A_127 = tpu.vector_load %arg9[%get3A] {strides = array<i32>} : memref<512xi32, #tpu.memory_space<vmem>>, vector<16xi32>,
      %shift_right_logical3A = arith.constant 2 : i32
      %shift_right_logical3A_128 = vector.broadcast %shift_right_logical3A : i32 to vector<16xi32>
      %shift_right_logical3A_129 = arith.shrui %get3A_127, %shift_right_logical3A_128 : vector<16xi32>
      %swap3A = arith.index_cast %mul3A_126 : i32 to index
      %swap3A_130 = tpu.vector_load %arg15[%swap3A] {strides = array<i32>} : memref<128xi32, #tpu.memory_space<vmem>>, vector<16xi32>,
      tpu.vector_store %arg15[%swap3A], %shift_right_logical3A_129 {strides = array<i32>} : memref<128xi32, #tpu.memory_space<vmem>>, vector<16xi32>,
      %get3A_131 = arith.index_cast %add3A_124 : i32 to index
      %get3A_132 = tpu.vector_load %arg10[%get3A_131] {strides = array<i32>} : memref<512xi32, #tpu.memory_space<vmem>>, vector<16xi32>,
      %shift_right_logical3A_133 = arith.constant 2 : i32
      %shift_right_logical3A_134 = vector.broadcast %shift_right_logical3A_133 : i32 to vector<16xi32>
      %shift_right_logical3A_135 = arith.shrui %get3A_132, %shift_right_logical3A_134 : vector<16xi32>
      %swap3A_136 = arith.index_cast %mul3A_126 : i32 to index
      %swap3A_137 = tpu.vector_load %arg16[%swap3A_136] {strides = array<i32>} : memref<128xi32, #tpu.memory_space<vmem>>, vector<16xi32>,
      tpu.vector_store %arg16[%swap3A_136], %shift_right_logical3A_135 {strides = array<i32>} : memref<128xi32, #tpu.memory_space<vmem>>, vector<16xi32>,
      %get3A_138 = arith.index_cast %add3A_124 : i32 to index
      %get3A_139 = tpu.vector_load %arg11[%get3A_138] {strides = array<i32>} : memref<512xi32, #tpu.memory_space<vmem>>, vector<16xi32>,
      %shift_right_logical3A_140 = arith.constant 2 : i32
      %shift_right_logical3A_141 = vector.broadcast %shift_right_logical3A_140 : i32 to vector<16xi32>
      %shift_right_logical3A_142 = arith.shrui %get3A_139, %shift_right_logical3A_141 : vector<16xi32>
      %swap3A_143 = arith.index_cast %mul3A_126 : i32 to index
      %swap3A_144 = tpu.vector_load %arg17[%swap3A_143] {strides = array<i32>} : memref<128xi32, #tpu.memory_space<vmem>>, vector<16xi32>,
      tpu.vector_store %arg17[%swap3A_143], %shift_right_logical3A_142 {strides = array<i32>} : memref<128xi32, #tpu.memory_space<vmem>>, vector<16xi32>,
    }
    %scan3A_29 = arith.constant 8 : i32
    %dma_start3A_30 = arith.constant 0 : i32
    %dma_start3A_31 = arith.constant 0 : i32
    %dma_start3A_32 = tpu.memref_slice %arg5[%dma_start3A_30, %dma_start3A_31] : memref<25000x128xf32, #tpu.memory_space<hbm>> -> memref<25000x128xf32, #tpu.memory_space<hbm>>
    tpu.enqueue_indirect_dma source(%dma_start3A_32 : memref<25000x128xf32, #tpu.memory_space<hbm>>) target(%arg21 : memref<128x128xf32, #tpu.memory_space<vmem>>) offsets(%arg15 : memref<128xi32, #tpu.memory_space<vmem>>) semaphore(%arg28 : memref<!tpu.dma_semaphore, #tpu.memory_space<semaphore_mem>>)
    %dma_start3A_33 = arith.constant 0 : i32
    %dma_start3A_34 = arith.constant 0 : i32
    %dma_start3A_35 = tpu.memref_slice %arg6[%dma_start3A_33, %dma_start3A_34] : memref<25000x128xf32, #tpu.memory_space<hbm>> -> memref<25000x128xf32, #tpu.memory_space<hbm>>
    tpu.enqueue_indirect_dma source(%dma_start3A_35 : memref<25000x128xf32, #tpu.memory_space<hbm>>) target(%arg22 : memref<128x128xf32, #tpu.memory_space<vmem>>) offsets(%arg16 : memref<128xi32, #tpu.memory_space<vmem>>) semaphore(%arg29 : memref<!tpu.dma_semaphore, #tpu.memory_space<semaphore_mem>>)
    %dma_start3A_36 = arith.constant 0 : i32
    %dma_start3A_37 = arith.constant 0 : i32
    %dma_start3A_38 = tpu.memref_slice %arg7[%dma_start3A_36, %dma_start3A_37] : memref<25000x128xf32, #tpu.memory_space<hbm>> -> memref<25000x128xf32, #tpu.memory_space<hbm>>
    tpu.enqueue_indirect_dma source(%dma_start3A_38 : memref<25000x128xf32, #tpu.memory_space<hbm>>) target(%arg23 : memref<128x128xf32, #tpu.memory_space<vmem>>) offsets(%arg17 : memref<128xi32, #tpu.memory_space<vmem>>) semaphore(%arg30 : memref<!tpu.dma_semaphore, #tpu.memory_space<semaphore_mem>>)
    %scan3A_39 = arith.constant 0 : i32
    %scan3A_40 = arith.constant 0 : i32
    %scan3A_41 = arith.constant 8 : i32
    %scan3A_42 = arith.addi %scan3A_40, %scan3A_41 : i32
    %scan3A_43 = arith.constant 1 : i32
    scf.for %scan3A_120 = %scan3A_40 to %scan3A_42 step %scan3A_43  : i32 {
      %mul3A_121 = arith.constant 16 : i32
      %mul3A_122 = arith.muli %scan3A_120, %mul3A_121 : i32
      %iota3A = tpu.iota {dimensions = array<i32: 0>} : vector<16xi32>
      %add3A_123 = vector.broadcast %mul3A_122 : i32 to vector<16xi32>
      %add3A_124 = arith.addi %add3A_123, %iota3A : vector<16xi32>
      %mul3A_125 = arith.constant 16 : i32
      %mul3A_126 = arith.muli %scan3A_120, %mul3A_125 : i32
      %add3A_127 = arith.constant 0 : i32
      %add3A_128 = arith.addi %add3A_127, %mul3A_126 : i32
      %get3A = arith.index_cast %add3A_128 : i32 to index
      %get3A_129 = tpu.vector_load %arg9[%get3A] {strides = array<i32>} : memref<512xi32, #tpu.memory_space<vmem>>, vector<16xi32>,
      %and3A = arith.constant 3 : i32
      %and3A_130 = vector.broadcast %and3A : i32 to vector<16xi32>
      %and3A_131 = arith.andi %get3A_129, %and3A_130 : vector<16xi32>
      %shift_left3A = arith.constant 5 : i32
      %shift_left3A_132 = vector.broadcast %shift_left3A : i32 to vector<16xi32>
      %shift_left3A_133 = arith.shli %and3A_131, %shift_left3A_132 : vector<16xi32>
      %get3A_134 = arith.index_cast %add3A_128 : i32 to index
      %get3A_135 = tpu.vector_load %arg10[%get3A_134] {strides = array<i32>} : memref<512xi32, #tpu.memory_space<vmem>>, vector<16xi32>,
      %and3A_136 = arith.constant 3 : i32
      %and3A_137 = vector.broadcast %and3A_136 : i32 to vector<16xi32>
      %and3A_138 = arith.andi %get3A_135, %and3A_137 : vector<16xi32>
      %shift_left3A_139 = arith.constant 5 : i32
      %shift_left3A_140 = vector.broadcast %shift_left3A_139 : i32 to vector<16xi32>
      %shift_left3A_141 = arith.shli %and3A_138, %shift_left3A_140 : vector<16xi32>
      %get3A_142 = arith.index_cast %add3A_128 : i32 to index
      %get3A_143 = tpu.vector_load %arg11[%get3A_142] {strides = array<i32>} : memref<512xi32, #tpu.memory_space<vmem>>, vector<16xi32>,
      %and3A_144 = arith.constant 3 : i32
      %and3A_145 = vector.broadcast %and3A_144 : i32 to vector<16xi32>
      %and3A_146 = arith.andi %get3A_143, %and3A_145 : vector<16xi32>
      %shift_left3A_147 = arith.constant 5 : i32
      %shift_left3A_148 = vector.broadcast %shift_left3A_147 : i32 to vector<16xi32>
      %shift_left3A_149 = arith.shli %and3A_146, %shift_left3A_148 : vector<16xi32>
      %broadcast_in_dim3A = arith.constant 0.000000e+00 : f32
      %broadcast_in_dim3A_150 = vector.broadcast %broadcast_in_dim3A : f32 to vector<16xf32>
      %broadcast_in_dim3A_151 = arith.constant 0.000000e+00 : f32
      %broadcast_in_dim3A_152 = vector.broadcast %broadcast_in_dim3A_151 : f32 to vector<16xf32>
      %broadcast_in_dim3A_153 = arith.constant 0.000000e+00 : f32
      %broadcast_in_dim3A_154 = vector.broadcast %broadcast_in_dim3A_153 : f32 to vector<16xf32>
      %broadcast_in_dim3A_155 = arith.constant 0.000000e+00 : f32
      %broadcast_in_dim3A_156 = vector.broadcast %broadcast_in_dim3A_155 : f32 to vector<16xf32>
      %add3A_157 = arith.constant 0 : i32
      %add3A_158 = vector.broadcast %add3A_157 : i32 to vector<16xi32>
      %add3A_159 = arith.addi %shift_left3A_133, %add3A_158 : vector<16xi32>
      %gather3A = tpu.vector_load_idx %arg18[%add3A_124, %add3A_159] : memref<128x128xf32, #tpu.memory_space<vmem>>[vector<16xi32>, vector<16xi32>], vector<16xf32>,
      %add3A_160 = arith.constant 0 : i32
      %add3A_161 = vector.broadcast %add3A_160 : i32 to vector<16xi32>
      %add3A_162 = arith.addi %shift_left3A_141, %add3A_161 : vector<16xi32>
      %gather3A_163 = tpu.vector_load_idx %arg19[%add3A_124, %add3A_162] : memref<128x128xf32, #tpu.memory_space<vmem>>[vector<16xi32>, vector<16xi32>], vector<16xf32>,
      %add3A_164 = arith.constant 0 : i32
      %add3A_165 = vector.broadcast %add3A_164 : i32 to vector<16xi32>
      %add3A_166 = arith.addi %shift_left3A_149, %add3A_165 : vector<16xi32>
      %gather3A_167 = tpu.vector_load_idx %arg20[%add3A_124, %add3A_166] : memref<128x128xf32, #tpu.memory_space<vmem>>[vector<16xi32>, vector<16xi32>], vector<16xf32>,
      %mul3A_168 = arith.mulf %gather3A, %gather3A_163 : vector<16xf32>
      %mul3A_169 = arith.mulf %mul3A_168, %gather3A_167 : vector<16xf32>
      %add3A_170 = arith.addf %broadcast_in_dim3A_150, %mul3A_169 : vector<16xf32>
      %add3A_171 = arith.constant 1 : i32
      %add3A_172 = vector.broadcast %add3A_171 : i32 to vector<16xi32>
      %add3A_173 = arith.addi %shift_left3A_133, %add3A_172 : vector<16xi32>
      %gather3A_174 = tpu.vector_load_idx %arg18[%add3A_124, %add3A_173] : memref<128x128xf32, #tpu.memory_space<vmem>>[vector<16xi32>, vector<16xi32>], vector<16xf32>,
      %add3A_175 = arith.constant 1 : i32
      %add3A_176 = vector.broadcast %add3A_175 : i32 to vector<16xi32>
      %add3A_177 = arith.addi %shift_left3A_141, %add3A_176 : vector<16xi32>
      %gather3A_178 = tpu.vector_load_idx %arg19[%add3A_124, %add3A_177] : memref<128x128xf32, #tpu.memory_space<vmem>>[vector<16xi32>, vector<16xi32>], vector<16xf32>,
      %add3A_179 = arith.constant 1 : i32
      %add3A_180 = vector.broadcast %add3A_179 : i32 to vector<16xi32>
      %add3A_181 = arith.addi %shift_left3A_149, %add3A_180 : vector<16xi32>
      %gather3A_182 = tpu.vector_load_idx %arg20[%add3A_124, %add3A_181] : memref<128x128xf32, #tpu.memory_space<vmem>>[vector<16xi32>, vector<16xi32>], vector<16xf32>,
      %mul3A_183 = arith.mulf %gather3A_174, %gather3A_178 : vector<16xf32>
      %mul3A_184 = arith.mulf %mul3A_183, %gather3A_182 : vector<16xf32>
      %add3A_185 = arith.addf %broadcast_in_dim3A_152, %mul3A_184 : vector<16xf32>
      %add3A_186 = arith.constant 2 : i32
      %add3A_187 = vector.broadcast %add3A_186 : i32 to vector<16xi32>
      %add3A_188 = arith.addi %shift_left3A_133, %add3A_187 : vector<16xi32>
      %gather3A_189 = tpu.vector_load_idx %arg18[%add3A_124, %add3A_188] : memref<128x128xf32, #tpu.memory_space<vmem>>[vector<16xi32>, vector<16xi32>], vector<16xf32>,
      %add3A_190 = arith.constant 2 : i32
      %add3A_191 = vector.broadcast %add3A_190 : i32 to vector<16xi32>
      %add3A_192 = arith.addi %shift_left3A_141, %add3A_191 : vector<16xi32>
      %gather3A_193 = tpu.vector_load_idx %arg19[%add3A_124, %add3A_192] : memref<128x128xf32, #tpu.memory_space<vmem>>[vector<16xi32>, vector<16xi32>], vector<16xf32>,
      %add3A_194 = arith.constant 2 : i32
      %add3A_195 = vector.broadcast %add3A_194 : i32 to vector<16xi32>
      %add3A_196 = arith.addi %shift_left3A_149, %add3A_195 : vector<16xi32>
      %gather3A_197 = tpu.vector_load_idx %arg20[%add3A_124, %add3A_196] : memref<128x128xf32, #tpu.memory_space<vmem>>[vector<16xi32>, vector<16xi32>], vector<16xf32>,
      %mul3A_198 = arith.mulf %gather3A_189, %gather3A_193 : vector<16xf32>
      %mul3A_199 = arith.mulf %mul3A_198, %gather3A_197 : vector<16xf32>
      %add3A_200 = arith.addf %broadcast_in_dim3A_154, %mul3A_199 : vector<16xf32>
      %add3A_201 = arith.constant 3 : i32
      %add3A_202 = vector.broadcast %add3A_201 : i32 to vector<16xi32>
      %add3A_203 = arith.addi %shift_left3A_133, %add3A_202 : vector<16xi32>
      %gather3A_204 = tpu.vector_load_idx %arg18[%add3A_124, %add3A_203] : memref<128x128xf32, #tpu.memory_space<vmem>>[vector<16xi32>, vector<16xi32>], vector<16xf32>,
      %add3A_205 = arith.constant 3 : i32
      %add3A_206 = vector.broadcast %add3A_205 : i32 to vector<16xi32>
      %add3A_207 = arith.addi %shift_left3A_141, %add3A_206 : vector<16xi32>
      %gather3A_208 = tpu.vector_load_idx %arg19[%add3A_124, %add3A_207] : memref<128x128xf32, #tpu.memory_space<vmem>>[vector<16xi32>, vector<16xi32>], vector<16xf32>,
      %add3A_209 = arith.constant 3 : i32
      %add3A_210 = vector.broadcast %add3A_209 : i32 to vector<16xi32>
      %add3A_211 = arith.addi %shift_left3A_149, %add3A_210 : vector<16xi32>
      %gather3A_212 = tpu.vector_load_idx %arg20[%add3A_124, %add3A_211] : memref<128x128xf32, #tpu.memory_space<vmem>>[vector<16xi32>, vector<16xi32>], vector<16xf32>,
      %mul3A_213 = arith.mulf %gather3A_204, %gather3A_208 : vector<16xf32>
      %mul3A_214 = arith.mulf %mul3A_213, %gather3A_212 : vector<16xf32>
      %add3A_215 = arith.addf %broadcast_in_dim3A_156, %mul3A_214 : vector<16xf32>
      %add3A_216 = arith.constant 4 : i32
      %add3A_217 = vector.broadcast %add3A_216 : i32 to vector<16xi32>
      %add3A_218 = arith.addi %shift_left3A_133, %add3A_217 : vector<16xi32>
      %gather3A_219 = tpu.vector_load_idx %arg18[%add3A_124, %add3A_218] : memref<128x128xf32, #tpu.memory_space<vmem>>[vector<16xi32>, vector<16xi32>], vector<16xf32>,
      %add3A_220 = arith.constant 4 : i32
      %add3A_221 = vector.broadcast %add3A_220 : i32 to vector<16xi32>
      %add3A_222 = arith.addi %shift_left3A_141, %add3A_221 : vector<16xi32>
      %gather3A_223 = tpu.vector_load_idx %arg19[%add3A_124, %add3A_222] : memref<128x128xf32, #tpu.memory_space<vmem>>[vector<16xi32>, vector<16xi32>], vector<16xf32>,
      %add3A_224 = arith.constant 4 : i32
      %add3A_225 = vector.broadcast %add3A_224 : i32 to vector<16xi32>
      %add3A_226 = arith.addi %shift_left3A_149, %add3A_225 : vector<16xi32>
      %gather3A_227 = tpu.vector_load_idx %arg20[%add3A_124, %add3A_226] : memref<128x128xf32, #tpu.memory_space<vmem>>[vector<16xi32>, vector<16xi32>], vector<16xf32>,
      %mul3A_228 = arith.mulf %gather3A_219, %gather3A_223 : vector<16xf32>
      %mul3A_229 = arith.mulf %mul3A_228, %gather3A_227 : vector<16xf32>
      %add3A_230 = arith.addf %add3A_170, %mul3A_229 : vector<16xf32>
      %add3A_231 = arith.constant 5 : i32
      %add3A_232 = vector.broadcast %add3A_231 : i32 to vector<16xi32>
      %add3A_233 = arith.addi %shift_left3A_133, %add3A_232 : vector<16xi32>
      %gather3A_234 = tpu.vector_load_idx %arg18[%add3A_124, %add3A_233] : memref<128x128xf32, #tpu.memory_space<vmem>>[vector<16xi32>, vector<16xi32>], vector<16xf32>,
      %add3A_235 = arith.constant 5 : i32
      %add3A_236 = vector.broadcast %add3A_235 : i32 to vector<16xi32>
      %add3A_237 = arith.addi %shift_left3A_141, %add3A_236 : vector<16xi32>
      %gather3A_238 = tpu.vector_load_idx %arg19[%add3A_124, %add3A_237] : memref<128x128xf32, #tpu.memory_space<vmem>>[vector<16xi32>, vector<16xi32>], vector<16xf32>,
      %add3A_239 = arith.constant 5 : i32
      %add3A_240 = vector.broadcast %add3A_239 : i32 to vector<16xi32>
      %add3A_241 = arith.addi %shift_left3A_149, %add3A_240 : vector<16xi32>
      %gather3A_242 = tpu.vector_load_idx %arg20[%add3A_124, %add3A_241] : memref<128x128xf32, #tpu.memory_space<vmem>>[vector<16xi32>, vector<16xi32>], vector<16xf32>,
      %mul3A_243 = arith.mulf %gather3A_234, %gather3A_238 : vector<16xf32>
      %mul3A_244 = arith.mulf %mul3A_243, %gather3A_242 : vector<16xf32>
      %add3A_245 = arith.addf %add3A_185, %mul3A_244 : vector<16xf32>
      %add3A_246 = arith.constant 6 : i32
      %add3A_247 = vector.broadcast %add3A_246 : i32 to vector<16xi32>
      %add3A_248 = arith.addi %shift_left3A_133, %add3A_247 : vector<16xi32>
      %gather3A_249 = tpu.vector_load_idx %arg18[%add3A_124, %add3A_248] : memref<128x128xf32, #tpu.memory_space<vmem>>[vector<16xi32>, vector<16xi32>], vector<16xf32>,
      %add3A_250 = arith.constant 6 : i32
      %add3A_251 = vector.broadcast %add3A_250 : i32 to vector<16xi32>
      %add3A_252 = arith.addi %shift_left3A_141, %add3A_251 : vector<16xi32>
      %gather3A_253 = tpu.vector_load_idx %arg19[%add3A_124, %add3A_252] : memref<128x128xf32, #tpu.memory_space<vmem>>[vector<16xi32>, vector<16xi32>], vector<16xf32>,
      %add3A_254 = arith.constant 6 : i32
      %add3A_255 = vector.broadcast %add3A_254 : i32 to vector<16xi32>
      %add3A_256 = arith.addi %shift_left3A_149, %add3A_255 : vector<16xi32>
      %gather3A_257 = tpu.vector_load_idx %arg20[%add3A_124, %add3A_256] : memref<128x128xf32, #tpu.memory_space<vmem>>[vector<16xi32>, vector<16xi32>], vector<16xf32>,
      %mul3A_258 = arith.mulf %gather3A_249, %gather3A_253 : vector<16xf32>
      %mul3A_259 = arith.mulf %mul3A_258, %gather3A_257 : vector<16xf32>
      %add3A_260 = arith.addf %add3A_200, %mul3A_259 : vector<16xf32>
      %add3A_261 = arith.constant 7 : i32
      %add3A_262 = vector.broadcast %add3A_261 : i32 to vector<16xi32>
      %add3A_263 = arith.addi %shift_left3A_133, %add3A_262 : vector<16xi32>
      %gather3A_264 = tpu.vector_load_idx %arg18[%add3A_124, %add3A_263] : memref<128x128xf32, #tpu.memory_space<vmem>>[vector<16xi32>, vector<16xi32>], vector<16xf32>,
      %add3A_265 = arith.constant 7 : i32
      %add3A_266 = vector.broadcast %add3A_265 : i32 to vector<16xi32>
      %add3A_267 = arith.addi %shift_left3A_141, %add3A_266 : vector<16xi32>
      %gather3A_268 = tpu.vector_load_idx %arg19[%add3A_124, %add3A_267] : memref<128x128xf32, #tpu.memory_space<vmem>>[vector<16xi32>, vector<16xi32>], vector<16xf32>,
      %add3A_269 = arith.constant 7 : i32
      %add3A_270 = vector.broadcast %add3A_269 : i32 to vector<16xi32>
      %add3A_271 = arith.addi %shift_left3A_149, %add3A_270 : vector<16xi32>
      %gather3A_272 = tpu.vector_load_idx %arg20[%add3A_124, %add3A_271] : memref<128x128xf32, #tpu.memory_space<vmem>>[vector<16xi32>, vector<16xi32>], vector<16xf32>,
      %mul3A_273 = arith.mulf %gather3A_264, %gather3A_268 : vector<16xf32>
      %mul3A_274 = arith.mulf %mul3A_273, %gather3A_272 : vector<16xf32>
      %add3A_275 = arith.addf %add3A_215, %mul3A_274 : vector<16xf32>
      %add3A_276 = arith.constant 8 : i32
      %add3A_277 = vector.broadcast %add3A_276 : i32 to vector<16xi32>
      %add3A_278 = arith.addi %shift_left3A_133, %add3A_277 : vector<16xi32>
      %gather3A_279 = tpu.vector_load_idx %arg18[%add3A_124, %add3A_278] : memref<128x128xf32, #tpu.memory_space<vmem>>[vector<16xi32>, vector<16xi32>], vector<16xf32>,
      %add3A_280 = arith.constant 8 : i32
      %add3A_281 = vector.broadcast %add3A_280 : i32 to vector<16xi32>
      %add3A_282 = arith.addi %shift_left3A_141, %add3A_281 : vector<16xi32>
      %gather3A_283 = tpu.vector_load_idx %arg19[%add3A_124, %add3A_282] : memref<128x128xf32, #tpu.memory_space<vmem>>[vector<16xi32>, vector<16xi32>], vector<16xf32>,
      %add3A_284 = arith.constant 8 : i32
      %add3A_285 = vector.broadcast %add3A_284 : i32 to vector<16xi32>
      %add3A_286 = arith.addi %shift_left3A_149, %add3A_285 : vector<16xi32>
      %gather3A_287 = tpu.vector_load_idx %arg20[%add3A_124, %add3A_286] : memref<128x128xf32, #tpu.memory_space<vmem>>[vector<16xi32>, vector<16xi32>], vector<16xf32>,
      %mul3A_288 = arith.mulf %gather3A_279, %gather3A_283 : vector<16xf32>
      %mul3A_289 = arith.mulf %mul3A_288, %gather3A_287 : vector<16xf32>
      %add3A_290 = arith.addf %add3A_230, %mul3A_289 : vector<16xf32>
      %add3A_291 = arith.constant 9 : i32
      %add3A_292 = vector.broadcast %add3A_291 : i32 to vector<16xi32>
      %add3A_293 = arith.addi %shift_left3A_133, %add3A_292 : vector<16xi32>
      %gather3A_294 = tpu.vector_load_idx %arg18[%add3A_124, %add3A_293] : memref<128x128xf32, #tpu.memory_space<vmem>>[vector<16xi32>, vector<16xi32>], vector<16xf32>,
      %add3A_295 = arith.constant 9 : i32
      %add3A_296 = vector.broadcast %add3A_295 : i32 to vector<16xi32>
      %add3A_297 = arith.addi %shift_left3A_141, %add3A_296 : vector<16xi32>
      %gather3A_298 = tpu.vector_load_idx %arg19[%add3A_124, %add3A_297] : memref<128x128xf32, #tpu.memory_space<vmem>>[vector<16xi32>, vector<16xi32>], vector<16xf32>,
      %add3A_299 = arith.constant 9 : i32
      %add3A_300 = vector.broadcast %add3A_299 : i32 to vector<16xi32>
      %add3A_301 = arith.addi %shift_left3A_149, %add3A_300 : vector<16xi32>
      %gather3A_302 = tpu.vector_load_idx %arg20[%add3A_124, %add3A_301] : memref<128x128xf32, #tpu.memory_space<vmem>>[vector<16xi32>, vector<16xi32>], vector<16xf32>,
      %mul3A_303 = arith.mulf %gather3A_294, %gather3A_298 : vector<16xf32>
      %mul3A_304 = arith.mulf %mul3A_303, %gather3A_302 : vector<16xf32>
      %add3A_305 = arith.addf %add3A_245, %mul3A_304 : vector<16xf32>
      %add3A_306 = arith.constant 10 : i32
      %add3A_307 = vector.broadcast %add3A_306 : i32 to vector<16xi32>
      %add3A_308 = arith.addi %shift_left3A_133, %add3A_307 : vector<16xi32>
      %gather3A_309 = tpu.vector_load_idx %arg18[%add3A_124, %add3A_308] : memref<128x128xf32, #tpu.memory_space<vmem>>[vector<16xi32>, vector<16xi32>], vector<16xf32>,
      %add3A_310 = arith.constant 10 : i32
      %add3A_311 = vector.broadcast %add3A_310 : i32 to vector<16xi32>
      %add3A_312 = arith.addi %shift_left3A_141, %add3A_311 : vector<16xi32>
      %gather3A_313 = tpu.vector_load_idx %arg19[%add3A_124, %add3A_312] : memref<128x128xf32, #tpu.memory_space<vmem>>[vector<16xi32>, vector<16xi32>], vector<16xf32>,
      %add3A_314 = arith.constant 10 : i32
      %add3A_315 = vector.broadcast %add3A_314 : i32 to vector<16xi32>
      %add3A_316 = arith.addi %shift_left3A_149, %add3A_315 : vector<16xi32>
      %gather3A_317 = tpu.vector_load_idx %arg20[%add3A_124, %add3A_316] : memref<128x128xf32, #tpu.memory_space<vmem>>[vector<16xi32>, vector<16xi32>], vector<16xf32>,
      %mul3A_318 = arith.mulf %gather3A_309, %gather3A_313 : vector<16xf32>
      %mul3A_319 = arith.mulf %mul3A_318, %gather3A_317 : vector<16xf32>
      %add3A_320 = arith.addf %add3A_260, %mul3A_319 : vector<16xf32>
      %add3A_321 = arith.constant 11 : i32
      %add3A_322 = vector.broadcast %add3A_321 : i32 to vector<16xi32>
      %add3A_323 = arith.addi %shift_left3A_133, %add3A_322 : vector<16xi32>
      %gather3A_324 = tpu.vector_load_idx %arg18[%add3A_124, %add3A_323] : memref<128x128xf32, #tpu.memory_space<vmem>>[vector<16xi32>, vector<16xi32>], vector<16xf32>,
      %add3A_325 = arith.constant 11 : i32
      %add3A_326 = vector.broadcast %add3A_325 : i32 to vector<16xi32>
      %add3A_327 = arith.addi %shift_left3A_141, %add3A_326 : vector<16xi32>
      %gather3A_328 = tpu.vector_load_idx %arg19[%add3A_124, %add3A_327] : memref<128x128xf32, #tpu.memory_space<vmem>>[vector<16xi32>, vector<16xi32>], vector<16xf32>,
      %add3A_329 = arith.constant 11 : i32
      %add3A_330 = vector.broadcast %add3A_329 : i32 to vector<16xi32>
      %add3A_331 = arith.addi %shift_left3A_149, %add3A_330 : vector<16xi32>
      %gather3A_332 = tpu.vector_load_idx %arg20[%add3A_124, %add3A_331] : memref<128x128xf32, #tpu.memory_space<vmem>>[vector<16xi32>, vector<16xi32>], vector<16xf32>,
      %mul3A_333 = arith.mulf %gather3A_324, %gather3A_328 : vector<16xf32>
      %mul3A_334 = arith.mulf %mul3A_333, %gather3A_332 : vector<16xf32>
      %add3A_335 = arith.addf %add3A_275, %mul3A_334 : vector<16xf32>
      %add3A_336 = arith.constant 12 : i32
      %add3A_337 = vector.broadcast %add3A_336 : i32 to vector<16xi32>
      %add3A_338 = arith.addi %shift_left3A_133, %add3A_337 : vector<16xi32>
      %gather3A_339 = tpu.vector_load_idx %arg18[%add3A_124, %add3A_338] : memref<128x128xf32, #tpu.memory_space<vmem>>[vector<16xi32>, vector<16xi32>], vector<16xf32>,
      %add3A_340 = arith.constant 12 : i32
      %add3A_341 = vector.broadcast %add3A_340 : i32 to vector<16xi32>
      %add3A_342 = arith.addi %shift_left3A_141, %add3A_341 : vector<16xi32>
      %gather3A_343 = tpu.vector_load_idx %arg19[%add3A_124, %add3A_342] : memref<128x128xf32, #tpu.memory_space<vmem>>[vector<16xi32>, vector<16xi32>], vector<16xf32>,
      %add3A_344 = arith.constant 12 : i32
      %add3A_345 = vector.broadcast %add3A_344 : i32 to vector<16xi32>
      %add3A_346 = arith.addi %shift_left3A_149, %add3A_345 : vector<16xi32>
      %gather3A_347 = tpu.vector_load_idx %arg20[%add3A_124, %add3A_346] : memref<128x128xf32, #tpu.memory_space<vmem>>[vector<16xi32>, vector<16xi32>], vector<16xf32>,
      %mul3A_348 = arith.mulf %gather3A_339, %gather3A_343 : vector<16xf32>
      %mul3A_349 = arith.mulf %mul3A_348, %gather3A_347 : vector<16xf32>
      %add3A_350 = arith.addf %add3A_290, %mul3A_349 : vector<16xf32>
      %add3A_351 = arith.constant 13 : i32
      %add3A_352 = vector.broadcast %add3A_351 : i32 to vector<16xi32>
      %add3A_353 = arith.addi %shift_left3A_133, %add3A_352 : vector<16xi32>
      %gather3A_354 = tpu.vector_load_idx %arg18[%add3A_124, %add3A_353] : memref<128x128xf32, #tpu.memory_space<vmem>>[vector<16xi32>, vector<16xi32>], vector<16xf32>,
      %add3A_355 = arith.constant 13 : i32
      %add3A_356 = vector.broadcast %add3A_355 : i32 to vector<16xi32>
      %add3A_357 = arith.addi %shift_left3A_141, %add3A_356 : vector<16xi32>
      %gather3A_358 = tpu.vector_load_idx %arg19[%add3A_124, %add3A_357] : memref<128x128xf32, #tpu.memory_space<vmem>>[vector<16xi32>, vector<16xi32>], vector<16xf32>,
      %add3A_359 = arith.constant 13 : i32
      %add3A_360 = vector.broadcast %add3A_359 : i32 to vector<16xi32>
      %add3A_361 = arith.addi %shift_left3A_149, %add3A_360 : vector<16xi32>
      %gather3A_362 = tpu.vector_load_idx %arg20[%add3A_124, %add3A_361] : memref<128x128xf32, #tpu.memory_space<vmem>>[vector<16xi32>, vector<16xi32>], vector<16xf32>,
      %mul3A_363 = arith.mulf %gather3A_354, %gather3A_358 : vector<16xf32>
      %mul3A_364 = arith.mulf %mul3A_363, %gather3A_362 : vector<16xf32>
      %add3A_365 = arith.addf %add3A_305, %mul3A_364 : vector<16xf32>
      %add3A_366 = arith.constant 14 : i32
      %add3A_367 = vector.broadcast %add3A_366 : i32 to vector<16xi32>
      %add3A_368 = arith.addi %shift_left3A_133, %add3A_367 : vector<16xi32>
      %gather3A_369 = tpu.vector_load_idx %arg18[%add3A_124, %add3A_368] : memref<128x128xf32, #tpu.memory_space<vmem>>[vector<16xi32>, vector<16xi32>], vector<16xf32>,
      %add3A_370 = arith.constant 14 : i32
      %add3A_371 = vector.broadcast %add3A_370 : i32 to vector<16xi32>
      %add3A_372 = arith.addi %shift_left3A_141, %add3A_371 : vector<16xi32>
      %gather3A_373 = tpu.vector_load_idx %arg19[%add3A_124, %add3A_372] : memref<128x128xf32, #tpu.memory_space<vmem>>[vector<16xi32>, vector<16xi32>], vector<16xf32>,
      %add3A_374 = arith.constant 14 : i32
      %add3A_375 = vector.broadcast %add3A_374 : i32 to vector<16xi32>
      %add3A_376 = arith.addi %shift_left3A_149, %add3A_375 : vector<16xi32>
      %gather3A_377 = tpu.vector_load_idx %arg20[%add3A_124, %add3A_376] : memref<128x128xf32, #tpu.memory_space<vmem>>[vector<16xi32>, vector<16xi32>], vector<16xf32>,
      %mul3A_378 = arith.mulf %gather3A_369, %gather3A_373 : vector<16xf32>
      %mul3A_379 = arith.mulf %mul3A_378, %gather3A_377 : vector<16xf32>
      %add3A_380 = arith.addf %add3A_320, %mul3A_379 : vector<16xf32>
      %add3A_381 = arith.constant 15 : i32
      %add3A_382 = vector.broadcast %add3A_381 : i32 to vector<16xi32>
      %add3A_383 = arith.addi %shift_left3A_133, %add3A_382 : vector<16xi32>
      %gather3A_384 = tpu.vector_load_idx %arg18[%add3A_124, %add3A_383] : memref<128x128xf32, #tpu.memory_space<vmem>>[vector<16xi32>, vector<16xi32>], vector<16xf32>,
      %add3A_385 = arith.constant 15 : i32
      %add3A_386 = vector.broadcast %add3A_385 : i32 to vector<16xi32>
      %add3A_387 = arith.addi %shift_left3A_141, %add3A_386 : vector<16xi32>
      %gather3A_388 = tpu.vector_load_idx %arg19[%add3A_124, %add3A_387] : memref<128x128xf32, #tpu.memory_space<vmem>>[vector<16xi32>, vector<16xi32>], vector<16xf32>,
      %add3A_389 = arith.constant 15 : i32
      %add3A_390 = vector.broadcast %add3A_389 : i32 to vector<16xi32>
      %add3A_391 = arith.addi %shift_left3A_149, %add3A_390 : vector<16xi32>
      %gather3A_392 = tpu.vector_load_idx %arg20[%add3A_124, %add3A_391] : memref<128x128xf32, #tpu.memory_space<vmem>>[vector<16xi32>, vector<16xi32>], vector<16xf32>,
      %mul3A_393 = arith.mulf %gather3A_384, %gather3A_388 : vector<16xf32>
      %mul3A_394 = arith.mulf %mul3A_393, %gather3A_392 : vector<16xf32>
      %add3A_395 = arith.addf %add3A_335, %mul3A_394 : vector<16xf32>
      %add3A_396 = arith.constant 16 : i32
      %add3A_397 = vector.broadcast %add3A_396 : i32 to vector<16xi32>
      %add3A_398 = arith.addi %shift_left3A_133, %add3A_397 : vector<16xi32>
      %gather3A_399 = tpu.vector_load_idx %arg18[%add3A_124, %add3A_398] : memref<128x128xf32, #tpu.memory_space<vmem>>[vector<16xi32>, vector<16xi32>], vector<16xf32>,
      %add3A_400 = arith.constant 16 : i32
      %add3A_401 = vector.broadcast %add3A_400 : i32 to vector<16xi32>
      %add3A_402 = arith.addi %shift_left3A_141, %add3A_401 : vector<16xi32>
      %gather3A_403 = tpu.vector_load_idx %arg19[%add3A_124, %add3A_402] : memref<128x128xf32, #tpu.memory_space<vmem>>[vector<16xi32>, vector<16xi32>], vector<16xf32>,
      %add3A_404 = arith.constant 16 : i32
      %add3A_405 = vector.broadcast %add3A_404 : i32 to vector<16xi32>
      %add3A_406 = arith.addi %shift_left3A_149, %add3A_405 : vector<16xi32>
      %gather3A_407 = tpu.vector_load_idx %arg20[%add3A_124, %add3A_406] : memref<128x128xf32, #tpu.memory_space<vmem>>[vector<16xi32>, vector<16xi32>], vector<16xf32>,
      %mul3A_408 = arith.mulf %gather3A_399, %gather3A_403 : vector<16xf32>
      %mul3A_409 = arith.mulf %mul3A_408, %gather3A_407 : vector<16xf32>
      %add3A_410 = arith.addf %add3A_350, %mul3A_409 : vector<16xf32>
      %add3A_411 = arith.constant 17 : i32
      %add3A_412 = vector.broadcast %add3A_411 : i32 to vector<16xi32>
      %add3A_413 = arith.addi %shift_left3A_133, %add3A_412 : vector<16xi32>
      %gather3A_414 = tpu.vector_load_idx %arg18[%add3A_124, %add3A_413] : memref<128x128xf32, #tpu.memory_space<vmem>>[vector<16xi32>, vector<16xi32>], vector<16xf32>,
      %add3A_415 = arith.constant 17 : i32
      %add3A_416 = vector.broadcast %add3A_415 : i32 to vector<16xi32>
      %add3A_417 = arith.addi %shift_left3A_141, %add3A_416 : vector<16xi32>
      %gather3A_418 = tpu.vector_load_idx %arg19[%add3A_124, %add3A_417] : memref<128x128xf32, #tpu.memory_space<vmem>>[vector<16xi32>, vector<16xi32>], vector<16xf32>,
      %add3A_419 = arith.constant 17 : i32
      %add3A_420 = vector.broadcast %add3A_419 : i32 to vector<16xi32>
      %add3A_421 = arith.addi %shift_left3A_149, %add3A_420 : vector<16xi32>
      %gather3A_422 = tpu.vector_load_idx %arg20[%add3A_124, %add3A_421] : memref<128x128xf32, #tpu.memory_space<vmem>>[vector<16xi32>, vector<16xi32>], vector<16xf32>,
      %mul3A_423 = arith.mulf %gather3A_414, %gather3A_418 : vector<16xf32>
      %mul3A_424 = arith.mulf %mul3A_423, %gather3A_422 : vector<16xf32>
      %add3A_425 = arith.addf %add3A_365, %mul3A_424 : vector<16xf32>
      %add3A_426 = arith.constant 18 : i32
      %add3A_427 = vector.broadcast %add3A_426 : i32 to vector<16xi32>
      %add3A_428 = arith.addi %shift_left3A_133, %add3A_427 : vector<16xi32>
      %gather3A_429 = tpu.vector_load_idx %arg18[%add3A_124, %add3A_428] : memref<128x128xf32, #tpu.memory_space<vmem>>[vector<16xi32>, vector<16xi32>], vector<16xf32>,
      %add3A_430 = arith.constant 18 : i32
      %add3A_431 = vector.broadcast %add3A_430 : i32 to vector<16xi32>
      %add3A_432 = arith.addi %shift_left3A_141, %add3A_431 : vector<16xi32>
      %gather3A_433 = tpu.vector_load_idx %arg19[%add3A_124, %add3A_432] : memref<128x128xf32, #tpu.memory_space<vmem>>[vector<16xi32>, vector<16xi32>], vector<16xf32>,
      %add3A_434 = arith.constant 18 : i32
      %add3A_435 = vector.broadcast %add3A_434 : i32 to vector<16xi32>
      %add3A_436 = arith.addi %shift_left3A_149, %add3A_435 : vector<16xi32>
      %gather3A_437 = tpu.vector_load_idx %arg20[%add3A_124, %add3A_436] : memref<128x128xf32, #tpu.memory_space<vmem>>[vector<16xi32>, vector<16xi32>], vector<16xf32>,
      %mul3A_438 = arith.mulf %gather3A_429, %gather3A_433 : vector<16xf32>
      %mul3A_439 = arith.mulf %mul3A_438, %gather3A_437 : vector<16xf32>
      %add3A_440 = arith.addf %add3A_380, %mul3A_439 : vector<16xf32>
      %add3A_441 = arith.constant 19 : i32
      %add3A_442 = vector.broadcast %add3A_441 : i32 to vector<16xi32>
      %add3A_443 = arith.addi %shift_left3A_133, %add3A_442 : vector<16xi32>
      %gather3A_444 = tpu.vector_load_idx %arg18[%add3A_124, %add3A_443] : memref<128x128xf32, #tpu.memory_space<vmem>>[vector<16xi32>, vector<16xi32>], vector<16xf32>,
      %add3A_445 = arith.constant 19 : i32
      %add3A_446 = vector.broadcast %add3A_445 : i32 to vector<16xi32>
      %add3A_447 = arith.addi %shift_left3A_141, %add3A_446 : vector<16xi32>
      %gather3A_448 = tpu.vector_load_idx %arg19[%add3A_124, %add3A_447] : memref<128x128xf32, #tpu.memory_space<vmem>>[vector<16xi32>, vector<16xi32>], vector<16xf32>,
      %add3A_449 = arith.constant 19 : i32
      %add3A_450 = vector.broadcast %add3A_449 : i32 to vector<16xi32>
      %add3A_451 = arith.addi %shift_left3A_149, %add3A_450 : vector<16xi32>
      %gather3A_452 = tpu.vector_load_idx %arg20[%add3A_124, %add3A_451] : memref<128x128xf32, #tpu.memory_space<vmem>>[vector<16xi32>, vector<16xi32>], vector<16xf32>,
      %mul3A_453 = arith.mulf %gather3A_444, %gather3A_448 : vector<16xf32>
      %mul3A_454 = arith.mulf %mul3A_453, %gather3A_452 : vector<16xf32>
      %add3A_455 = arith.addf %add3A_395, %mul3A_454 : vector<16xf32>
      %add3A_456 = arith.constant 20 : i32
      %add3A_457 = vector.broadcast %add3A_456 : i32 to vector<16xi32>
      %add3A_458 = arith.addi %shift_left3A_133, %add3A_457 : vector<16xi32>
      %gather3A_459 = tpu.vector_load_idx %arg18[%add3A_124, %add3A_458] : memref<128x128xf32, #tpu.memory_space<vmem>>[vector<16xi32>, vector<16xi32>], vector<16xf32>,
      %add3A_460 = arith.constant 20 : i32
      %add3A_461 = vector.broadcast %add3A_460 : i32 to vector<16xi32>
      %add3A_462 = arith.addi %shift_left3A_141, %add3A_461 : vector<16xi32>
      %gather3A_463 = tpu.vector_load_idx %arg19[%add3A_124, %add3A_462] : memref<128x128xf32, #tpu.memory_space<vmem>>[vector<16xi32>, vector<16xi32>], vector<16xf32>,
      %add3A_464 = arith.constant 20 : i32
      %add3A_465 = vector.broadcast %add3A_464 : i32 to vector<16xi32>
      %add3A_466 = arith.addi %shift_left3A_149, %add3A_465 : vector<16xi32>
      %gather3A_467 = tpu.vector_load_idx %arg20[%add3A_124, %add3A_466] : memref<128x128xf32, #tpu.memory_space<vmem>>[vector<16xi32>, vector<16xi32>], vector<16xf32>,
      %mul3A_468 = arith.mulf %gather3A_459, %gather3A_463 : vector<16xf32>
      %mul3A_469 = arith.mulf %mul3A_468, %gather3A_467 : vector<16xf32>
      %add3A_470 = arith.addf %add3A_410, %mul3A_469 : vector<16xf32>
      %add3A_471 = arith.constant 21 : i32
      %add3A_472 = vector.broadcast %add3A_471 : i32 to vector<16xi32>
      %add3A_473 = arith.addi %shift_left3A_133, %add3A_472 : vector<16xi32>
      %gather3A_474 = tpu.vector_load_idx %arg18[%add3A_124, %add3A_473] : memref<128x128xf32, #tpu.memory_space<vmem>>[vector<16xi32>, vector<16xi32>], vector<16xf32>,
      %add3A_475 = arith.constant 21 : i32
      %add3A_476 = vector.broadcast %add3A_475 : i32 to vector<16xi32>
      %add3A_477 = arith.addi %shift_left3A_141, %add3A_476 : vector<16xi32>
      %gather3A_478 = tpu.vector_load_idx %arg19[%add3A_124, %add3A_477] : memref<128x128xf32, #tpu.memory_space<vmem>>[vector<16xi32>, vector<16xi32>], vector<16xf32>,
      %add3A_479 = arith.constant 21 : i32
      %add3A_480 = vector.broadcast %add3A_479 : i32 to vector<16xi32>
      %add3A_481 = arith.addi %shift_left3A_149, %add3A_480 : vector<16xi32>
      %gather3A_482 = tpu.vector_load_idx %arg20[%add3A_124, %add3A_481] : memref<128x128xf32, #tpu.memory_space<vmem>>[vector<16xi32>, vector<16xi32>], vector<16xf32>,
      %mul3A_483 = arith.mulf %gather3A_474, %gather3A_478 : vector<16xf32>
      %mul3A_484 = arith.mulf %mul3A_483, %gather3A_482 : vector<16xf32>
      %add3A_485 = arith.addf %add3A_425, %mul3A_484 : vector<16xf32>
      %add3A_486 = arith.constant 22 : i32
      %add3A_487 = vector.broadcast %add3A_486 : i32 to vector<16xi32>
      %add3A_488 = arith.addi %shift_left3A_133, %add3A_487 : vector<16xi32>
      %gather3A_489 = tpu.vector_load_idx %arg18[%add3A_124, %add3A_488] : memref<128x128xf32, #tpu.memory_space<vmem>>[vector<16xi32>, vector<16xi32>], vector<16xf32>,
      %add3A_490 = arith.constant 22 : i32
      %add3A_491 = vector.broadcast %add3A_490 : i32 to vector<16xi32>
      %add3A_492 = arith.addi %shift_left3A_141, %add3A_491 : vector<16xi32>
      %gather3A_493 = tpu.vector_load_idx %arg19[%add3A_124, %add3A_492] : memref<128x128xf32, #tpu.memory_space<vmem>>[vector<16xi32>, vector<16xi32>], vector<16xf32>,
      %add3A_494 = arith.constant 22 : i32
      %add3A_495 = vector.broadcast %add3A_494 : i32 to vector<16xi32>
      %add3A_496 = arith.addi %shift_left3A_149, %add3A_495 : vector<16xi32>
      %gather3A_497 = tpu.vector_load_idx %arg20[%add3A_124, %add3A_496] : memref<128x128xf32, #tpu.memory_space<vmem>>[vector<16xi32>, vector<16xi32>], vector<16xf32>,
      %mul3A_498 = arith.mulf %gather3A_489, %gather3A_493 : vector<16xf32>
      %mul3A_499 = arith.mulf %mul3A_498, %gather3A_497 : vector<16xf32>
      %add3A_500 = arith.addf %add3A_440, %mul3A_499 : vector<16xf32>
      %add3A_501 = arith.constant 23 : i32
      %add3A_502 = vector.broadcast %add3A_501 : i32 to vector<16xi32>
      %add3A_503 = arith.addi %shift_left3A_133, %add3A_502 : vector<16xi32>
      %gather3A_504 = tpu.vector_load_idx %arg18[%add3A_124, %add3A_503] : memref<128x128xf32, #tpu.memory_space<vmem>>[vector<16xi32>, vector<16xi32>], vector<16xf32>,
      %add3A_505 = arith.constant 23 : i32
      %add3A_506 = vector.broadcast %add3A_505 : i32 to vector<16xi32>
      %add3A_507 = arith.addi %shift_left3A_141, %add3A_506 : vector<16xi32>
      %gather3A_508 = tpu.vector_load_idx %arg19[%add3A_124, %add3A_507] : memref<128x128xf32, #tpu.memory_space<vmem>>[vector<16xi32>, vector<16xi32>], vector<16xf32>,
      %add3A_509 = arith.constant 23 : i32
      %add3A_510 = vector.broadcast %add3A_509 : i32 to vector<16xi32>
      %add3A_511 = arith.addi %shift_left3A_149, %add3A_510 : vector<16xi32>
      %gather3A_512 = tpu.vector_load_idx %arg20[%add3A_124, %add3A_511] : memref<128x128xf32, #tpu.memory_space<vmem>>[vector<16xi32>, vector<16xi32>], vector<16xf32>,
      %mul3A_513 = arith.mulf %gather3A_504, %gather3A_508 : vector<16xf32>
      %mul3A_514 = arith.mulf %mul3A_513, %gather3A_512 : vector<16xf32>
      %add3A_515 = arith.addf %add3A_455, %mul3A_514 : vector<16xf32>
      %add3A_516 = arith.constant 24 : i32
      %add3A_517 = vector.broadcast %add3A_516 : i32 to vector<16xi32>
      %add3A_518 = arith.addi %shift_left3A_133, %add3A_517 : vector<16xi32>
      %gather3A_519 = tpu.vector_load_idx %arg18[%add3A_124, %add3A_518] : memref<128x128xf32, #tpu.memory_space<vmem>>[vector<16xi32>, vector<16xi32>], vector<16xf32>,
      %add3A_520 = arith.constant 24 : i32
      %add3A_521 = vector.broadcast %add3A_520 : i32 to vector<16xi32>
      %add3A_522 = arith.addi %shift_left3A_141, %add3A_521 : vector<16xi32>
      %gather3A_523 = tpu.vector_load_idx %arg19[%add3A_124, %add3A_522] : memref<128x128xf32, #tpu.memory_space<vmem>>[vector<16xi32>, vector<16xi32>], vector<16xf32>,
      %add3A_524 = arith.constant 24 : i32
      %add3A_525 = vector.broadcast %add3A_524 : i32 to vector<16xi32>
      %add3A_526 = arith.addi %shift_left3A_149, %add3A_525 : vector<16xi32>
      %gather3A_527 = tpu.vector_load_idx %arg20[%add3A_124, %add3A_526] : memref<128x128xf32, #tpu.memory_space<vmem>>[vector<16xi32>, vector<16xi32>], vector<16xf32>,
      %mul3A_528 = arith.mulf %gather3A_519, %gather3A_523 : vector<16xf32>
      %mul3A_529 = arith.mulf %mul3A_528, %gather3A_527 : vector<16xf32>
      %add3A_530 = arith.addf %add3A_470, %mul3A_529 : vector<16xf32>
      %add3A_531 = arith.constant 25 : i32
      %add3A_532 = vector.broadcast %add3A_531 : i32 to vector<16xi32>
      %add3A_533 = arith.addi %shift_left3A_133, %add3A_532 : vector<16xi32>
      %gather3A_534 = tpu.vector_load_idx %arg18[%add3A_124, %add3A_533] : memref<128x128xf32, #tpu.memory_space<vmem>>[vector<16xi32>, vector<16xi32>], vector<16xf32>,
      %add3A_535 = arith.constant 25 : i32
      %add3A_536 = vector.broadcast %add3A_535 : i32 to vector<16xi32>
      %add3A_537 = arith.addi %shift_left3A_141, %add3A_536 : vector<16xi32>
      %gather3A_538 = tpu.vector_load_idx %arg19[%add3A_124, %add3A_537] : memref<128x128xf32, #tpu.memory_space<vmem>>[vector<16xi32>, vector<16xi32>], vector<16xf32>,
      %add3A_539 = arith.constant 25 : i32
      %add3A_540 = vector.broadcast %add3A_539 : i32 to vector<16xi32>
      %add3A_541 = arith.addi %shift_left3A_149, %add3A_540 : vector<16xi32>
      %gather3A_542 = tpu.vector_load_idx %arg20[%add3A_124, %add3A_541] : memref<128x128xf32, #tpu.memory_space<vmem>>[vector<16xi32>, vector<16xi32>], vector<16xf32>,
      %mul3A_543 = arith.mulf %gather3A_534, %gather3A_538 : vector<16xf32>
      %mul3A_544 = arith.mulf %mul3A_543, %gather3A_542 : vector<16xf32>
      %add3A_545 = arith.addf %add3A_485, %mul3A_544 : vector<16xf32>
      %add3A_546 = arith.constant 26 : i32
      %add3A_547 = vector.broadcast %add3A_546 : i32 to vector<16xi32>
      %add3A_548 = arith.addi %shift_left3A_133, %add3A_547 : vector<16xi32>
      %gather3A_549 = tpu.vector_load_idx %arg18[%add3A_124, %add3A_548] : memref<128x128xf32, #tpu.memory_space<vmem>>[vector<16xi32>, vector<16xi32>], vector<16xf32>,
      %add3A_550 = arith.constant 26 : i32
      %add3A_551 = vector.broadcast %add3A_550 : i32 to vector<16xi32>
      %add3A_552 = arith.addi %shift_left3A_141, %add3A_551 : vector<16xi32>
      %gather3A_553 = tpu.vector_load_idx %arg19[%add3A_124, %add3A_552] : memref<128x128xf32, #tpu.memory_space<vmem>>[vector<16xi32>, vector<16xi32>], vector<16xf32>,
      %add3A_554 = arith.constant 26 : i32
      %add3A_555 = vector.broadcast %add3A_554 : i32 to vector<16xi32>
      %add3A_556 = arith.addi %shift_left3A_149, %add3A_555 : vector<16xi32>
      %gather3A_557 = tpu.vector_load_idx %arg20[%add3A_124, %add3A_556] : memref<128x128xf32, #tpu.memory_space<vmem>>[vector<16xi32>, vector<16xi32>], vector<16xf32>,
      %mul3A_558 = arith.mulf %gather3A_549, %gather3A_553 : vector<16xf32>
      %mul3A_559 = arith.mulf %mul3A_558, %gather3A_557 : vector<16xf32>
      %add3A_560 = arith.addf %add3A_500, %mul3A_559 : vector<16xf32>
      %add3A_561 = arith.constant 27 : i32
      %add3A_562 = vector.broadcast %add3A_561 : i32 to vector<16xi32>
      %add3A_563 = arith.addi %shift_left3A_133, %add3A_562 : vector<16xi32>
      %gather3A_564 = tpu.vector_load_idx %arg18[%add3A_124, %add3A_563] : memref<128x128xf32, #tpu.memory_space<vmem>>[vector<16xi32>, vector<16xi32>], vector<16xf32>,
      %add3A_565 = arith.constant 27 : i32
      %add3A_566 = vector.broadcast %add3A_565 : i32 to vector<16xi32>
      %add3A_567 = arith.addi %shift_left3A_141, %add3A_566 : vector<16xi32>
      %gather3A_568 = tpu.vector_load_idx %arg19[%add3A_124, %add3A_567] : memref<128x128xf32, #tpu.memory_space<vmem>>[vector<16xi32>, vector<16xi32>], vector<16xf32>,
      %add3A_569 = arith.constant 27 : i32
      %add3A_570 = vector.broadcast %add3A_569 : i32 to vector<16xi32>
      %add3A_571 = arith.addi %shift_left3A_149, %add3A_570 : vector<16xi32>
      %gather3A_572 = tpu.vector_load_idx %arg20[%add3A_124, %add3A_571] : memref<128x128xf32, #tpu.memory_space<vmem>>[vector<16xi32>, vector<16xi32>], vector<16xf32>,
      %mul3A_573 = arith.mulf %gather3A_564, %gather3A_568 : vector<16xf32>
      %mul3A_574 = arith.mulf %mul3A_573, %gather3A_572 : vector<16xf32>
      %add3A_575 = arith.addf %add3A_515, %mul3A_574 : vector<16xf32>
      %add3A_576 = arith.constant 28 : i32
      %add3A_577 = vector.broadcast %add3A_576 : i32 to vector<16xi32>
      %add3A_578 = arith.addi %shift_left3A_133, %add3A_577 : vector<16xi32>
      %gather3A_579 = tpu.vector_load_idx %arg18[%add3A_124, %add3A_578] : memref<128x128xf32, #tpu.memory_space<vmem>>[vector<16xi32>, vector<16xi32>], vector<16xf32>,
      %add3A_580 = arith.constant 28 : i32
      %add3A_581 = vector.broadcast %add3A_580 : i32 to vector<16xi32>
      %add3A_582 = arith.addi %shift_left3A_141, %add3A_581 : vector<16xi32>
      %gather3A_583 = tpu.vector_load_idx %arg19[%add3A_124, %add3A_582] : memref<128x128xf32, #tpu.memory_space<vmem>>[vector<16xi32>, vector<16xi32>], vector<16xf32>,
      %add3A_584 = arith.constant 28 : i32
      %add3A_585 = vector.broadcast %add3A_584 : i32 to vector<16xi32>
      %add3A_586 = arith.addi %shift_left3A_149, %add3A_585 : vector<16xi32>
      %gather3A_587 = tpu.vector_load_idx %arg20[%add3A_124, %add3A_586] : memref<128x128xf32, #tpu.memory_space<vmem>>[vector<16xi32>, vector<16xi32>], vector<16xf32>,
      %mul3A_588 = arith.mulf %gather3A_579, %gather3A_583 : vector<16xf32>
      %mul3A_589 = arith.mulf %mul3A_588, %gather3A_587 : vector<16xf32>
      %add3A_590 = arith.addf %add3A_530, %mul3A_589 : vector<16xf32>
      %add3A_591 = arith.constant 29 : i32
      %add3A_592 = vector.broadcast %add3A_591 : i32 to vector<16xi32>
      %add3A_593 = arith.addi %shift_left3A_133, %add3A_592 : vector<16xi32>
      %gather3A_594 = tpu.vector_load_idx %arg18[%add3A_124, %add3A_593] : memref<128x128xf32, #tpu.memory_space<vmem>>[vector<16xi32>, vector<16xi32>], vector<16xf32>,
      %add3A_595 = arith.constant 29 : i32
      %add3A_596 = vector.broadcast %add3A_595 : i32 to vector<16xi32>
      %add3A_597 = arith.addi %shift_left3A_141, %add3A_596 : vector<16xi32>
      %gather3A_598 = tpu.vector_load_idx %arg19[%add3A_124, %add3A_597] : memref<128x128xf32, #tpu.memory_space<vmem>>[vector<16xi32>, vector<16xi32>], vector<16xf32>,
      %add3A_599 = arith.constant 29 : i32
      %add3A_600 = vector.broadcast %add3A_599 : i32 to vector<16xi32>
      %add3A_601 = arith.addi %shift_left3A_149, %add3A_600 : vector<16xi32>
      %gather3A_602 = tpu.vector_load_idx %arg20[%add3A_124, %add3A_601] : memref<128x128xf32, #tpu.memory_space<vmem>>[vector<16xi32>, vector<16xi32>], vector<16xf32>,
      %mul3A_603 = arith.mulf %gather3A_594, %gather3A_598 : vector<16xf32>
      %mul3A_604 = arith.mulf %mul3A_603, %gather3A_602 : vector<16xf32>
      %add3A_605 = arith.addf %add3A_545, %mul3A_604 : vector<16xf32>
      %add3A_606 = arith.constant 30 : i32
      %add3A_607 = vector.broadcast %add3A_606 : i32 to vector<16xi32>
      %add3A_608 = arith.addi %shift_left3A_133, %add3A_607 : vector<16xi32>
      %gather3A_609 = tpu.vector_load_idx %arg18[%add3A_124, %add3A_608] : memref<128x128xf32, #tpu.memory_space<vmem>>[vector<16xi32>, vector<16xi32>], vector<16xf32>,
      %add3A_610 = arith.constant 30 : i32
      %add3A_611 = vector.broadcast %add3A_610 : i32 to vector<16xi32>
      %add3A_612 = arith.addi %shift_left3A_141, %add3A_611 : vector<16xi32>
      %gather3A_613 = tpu.vector_load_idx %arg19[%add3A_124, %add3A_612] : memref<128x128xf32, #tpu.memory_space<vmem>>[vector<16xi32>, vector<16xi32>], vector<16xf32>,
      %add3A_614 = arith.constant 30 : i32
      %add3A_615 = vector.broadcast %add3A_614 : i32 to vector<16xi32>
      %add3A_616 = arith.addi %shift_left3A_149, %add3A_615 : vector<16xi32>
      %gather3A_617 = tpu.vector_load_idx %arg20[%add3A_124, %add3A_616] : memref<128x128xf32, #tpu.memory_space<vmem>>[vector<16xi32>, vector<16xi32>], vector<16xf32>,
      %mul3A_618 = arith.mulf %gather3A_609, %gather3A_613 : vector<16xf32>
      %mul3A_619 = arith.mulf %mul3A_618, %gather3A_617 : vector<16xf32>
      %add3A_620 = arith.addf %add3A_560, %mul3A_619 : vector<16xf32>
      %add3A_621 = arith.constant 31 : i32
      %add3A_622 = vector.broadcast %add3A_621 : i32 to vector<16xi32>
      %add3A_623 = arith.addi %shift_left3A_133, %add3A_622 : vector<16xi32>
      %gather3A_624 = tpu.vector_load_idx %arg18[%add3A_124, %add3A_623] : memref<128x128xf32, #tpu.memory_space<vmem>>[vector<16xi32>, vector<16xi32>], vector<16xf32>,
      %add3A_625 = arith.constant 31 : i32
      %add3A_626 = vector.broadcast %add3A_625 : i32 to vector<16xi32>
      %add3A_627 = arith.addi %shift_left3A_141, %add3A_626 : vector<16xi32>
      %gather3A_628 = tpu.vector_load_idx %arg19[%add3A_124, %add3A_627] : memref<128x128xf32, #tpu.memory_space<vmem>>[vector<16xi32>, vector<16xi32>], vector<16xf32>,
      %add3A_629 = arith.constant 31 : i32
      %add3A_630 = vector.broadcast %add3A_629 : i32 to vector<16xi32>
      %add3A_631 = arith.addi %shift_left3A_149, %add3A_630 : vector<16xi32>
      %gather3A_632 = tpu.vector_load_idx %arg20[%add3A_124, %add3A_631] : memref<128x128xf32, #tpu.memory_space<vmem>>[vector<16xi32>, vector<16xi32>], vector<16xf32>,
      %mul3A_633 = arith.mulf %gather3A_624, %gather3A_628 : vector<16xf32>
      %mul3A_634 = arith.mulf %mul3A_633, %gather3A_632 : vector<16xf32>
      %add3A_635 = arith.addf %add3A_575, %mul3A_634 : vector<16xf32>
      %add3A_636 = arith.addf %add3A_590, %add3A_605 : vector<16xf32>
      %add3A_637 = arith.addf %add3A_620, %add3A_635 : vector<16xf32>
      %add3A_638 = arith.addf %add3A_636, %add3A_637 : vector<16xf32>
      %swap3A = arith.index_cast %add3A_128 : i32 to index
      %swap3A_639 = tpu.vector_load %arg24[%swap3A] {strides = array<i32>} : memref<512xf32, #tpu.memory_space<vmem>>, vector<16xf32>,
      tpu.vector_store %arg24[%swap3A], %add3A_638 {strides = array<i32>} : memref<512xf32, #tpu.memory_space<vmem>>, vector<16xf32>,
    }
    %scan3A_44 = arith.constant 8 : i32
    %dma_wait3A_45 = arith.constant 0 : i32
    %dma_wait3A_46 = arith.constant 0 : i32
    %dma_wait3A_47 = tpu.memref_slice %arg5[%dma_wait3A_45, %dma_wait3A_46] : memref<25000x128xf32, #tpu.memory_space<hbm>> -> memref<25000x128xf32, #tpu.memory_space<hbm>>
    tpu.wait_indirect_dma semaphore(%arg28 : memref<!tpu.dma_semaphore, #tpu.memory_space<semaphore_mem>>) src(%dma_wait3A_47 : memref<25000x128xf32, #tpu.memory_space<hbm>>) dst(%arg21 : memref<128x128xf32, #tpu.memory_space<vmem>>)
    %dma_wait3A_48 = arith.constant 0 : i32
    %dma_wait3A_49 = arith.constant 0 : i32
    %dma_wait3A_50 = tpu.memref_slice %arg6[%dma_wait3A_48, %dma_wait3A_49] : memref<25000x128xf32, #tpu.memory_space<hbm>> -> memref<25000x128xf32, #tpu.memory_space<hbm>>
    tpu.wait_indirect_dma semaphore(%arg29 : memref<!tpu.dma_semaphore, #tpu.memory_space<semaphore_mem>>) src(%dma_wait3A_50 : memref<25000x128xf32, #tpu.memory_space<hbm>>) dst(%arg22 : memref<128x128xf32, #tpu.memory_space<vmem>>)
    %dma_wait3A_51 = arith.constant 0 : i32
    %dma_wait3A_52 = arith.constant 0 : i32
    %dma_wait3A_53 = tpu.memref_slice %arg7[%dma_wait3A_51, %dma_wait3A_52] : memref<25000x128xf32, #tpu.memory_space<hbm>> -> memref<25000x128xf32, #tpu.memory_space<hbm>>
    tpu.wait_indirect_dma semaphore(%arg30 : memref<!tpu.dma_semaphore, #tpu.memory_space<semaphore_mem>>) src(%dma_wait3A_53 : memref<25000x128xf32, #tpu.memory_space<hbm>>) dst(%arg23 : memref<128x128xf32, #tpu.memory_space<vmem>>)
    %scan3A_54 = arith.constant 0 : i32
    %scan3A_55 = arith.constant 0 : i32
    %scan3A_56 = arith.constant 8 : i32
    %scan3A_57 = arith.addi %scan3A_55, %scan3A_56 : i32
    %scan3A_58 = arith.constant 1 : i32
    scf.for %scan3A_120 = %scan3A_55 to %scan3A_57 step %scan3A_58  : i32 {
      %mul3A_121 = arith.constant 16 : i32
      %mul3A_122 = arith.muli %scan3A_120, %mul3A_121 : i32
      %add3A_123 = arith.constant 256 : i32
      %add3A_124 = arith.addi %add3A_123, %mul3A_122 : i32
      %mul3A_125 = arith.constant 16 : i32
      %mul3A_126 = arith.muli %scan3A_120, %mul3A_125 : i32
      %get3A = arith.index_cast %add3A_124 : i32 to index
      %get3A_127 = tpu.vector_load %arg9[%get3A] {strides = array<i32>} : memref<512xi32, #tpu.memory_space<vmem>>, vector<16xi32>,
      %shift_right_logical3A = arith.constant 2 : i32
      %shift_right_logical3A_128 = vector.broadcast %shift_right_logical3A : i32 to vector<16xi32>
      %shift_right_logical3A_129 = arith.shrui %get3A_127, %shift_right_logical3A_128 : vector<16xi32>
      %swap3A = arith.index_cast %mul3A_126 : i32 to index
      %swap3A_130 = tpu.vector_load %arg12[%swap3A] {strides = array<i32>} : memref<128xi32, #tpu.memory_space<vmem>>, vector<16xi32>,
      tpu.vector_store %arg12[%swap3A], %shift_right_logical3A_129 {strides = array<i32>} : memref<128xi32, #tpu.memory_space<vmem>>, vector<16xi32>,
      %get3A_131 = arith.index_cast %add3A_124 : i32 to index
      %get3A_132 = tpu.vector_load %arg10[%get3A_131] {strides = array<i32>} : memref<512xi32, #tpu.memory_space<vmem>>, vector<16xi32>,
      %shift_right_logical3A_133 = arith.constant 2 : i32
      %shift_right_logical3A_134 = vector.broadcast %shift_right_logical3A_133 : i32 to vector<16xi32>
      %shift_right_logical3A_135 = arith.shrui %get3A_132, %shift_right_logical3A_134 : vector<16xi32>
      %swap3A_136 = arith.index_cast %mul3A_126 : i32 to index
      %swap3A_137 = tpu.vector_load %arg13[%swap3A_136] {strides = array<i32>} : memref<128xi32, #tpu.memory_space<vmem>>, vector<16xi32>,
      tpu.vector_store %arg13[%swap3A_136], %shift_right_logical3A_135 {strides = array<i32>} : memref<128xi32, #tpu.memory_space<vmem>>, vector<16xi32>,
      %get3A_138 = arith.index_cast %add3A_124 : i32 to index
      %get3A_139 = tpu.vector_load %arg11[%get3A_138] {strides = array<i32>} : memref<512xi32, #tpu.memory_space<vmem>>, vector<16xi32>,
      %shift_right_logical3A_140 = arith.constant 2 : i32
      %shift_right_logical3A_141 = vector.broadcast %shift_right_logical3A_140 : i32 to vector<16xi32>
      %shift_right_logical3A_142 = arith.shrui %get3A_139, %shift_right_logical3A_141 : vector<16xi32>
      %swap3A_143 = arith.index_cast %mul3A_126 : i32 to index
      %swap3A_144 = tpu.vector_load %arg14[%swap3A_143] {strides = array<i32>} : memref<128xi32, #tpu.memory_space<vmem>>, vector<16xi32>,
      tpu.vector_store %arg14[%swap3A_143], %shift_right_logical3A_142 {strides = array<i32>} : memref<128xi32, #tpu.memory_space<vmem>>, vector<16xi32>,
    }
    %scan3A_59 = arith.constant 8 : i32
    %dma_start3A_60 = arith.constant 0 : i32
    %dma_start3A_61 = arith.constant 0 : i32
    %dma_start3A_62 = tpu.memref_slice %arg5[%dma_start3A_60, %dma_start3A_61] : memref<25000x128xf32, #tpu.memory_space<hbm>> -> memref<25000x128xf32, #tpu.memory_space<hbm>>
    tpu.enqueue_indirect_dma source(%dma_start3A_62 : memref<25000x128xf32, #tpu.memory_space<hbm>>) target(%arg18 : memref<128x128xf32, #tpu.memory_space<vmem>>) offsets(%arg12 : memref<128xi32, #tpu.memory_space<vmem>>) semaphore(%arg25 : memref<!tpu.dma_semaphore, #tpu.memory_space<semaphore_mem>>)
    %dma_start3A_63 = arith.constant 0 : i32
    %dma_start3A_64 = arith.constant 0 : i32
    %dma_start3A_65 = tpu.memref_slice %arg6[%dma_start3A_63, %dma_start3A_64] : memref<25000x128xf32, #tpu.memory_space<hbm>> -> memref<25000x128xf32, #tpu.memory_space<hbm>>
    tpu.enqueue_indirect_dma source(%dma_start3A_65 : memref<25000x128xf32, #tpu.memory_space<hbm>>) target(%arg19 : memref<128x128xf32, #tpu.memory_space<vmem>>) offsets(%arg13 : memref<128xi32, #tpu.memory_space<vmem>>) semaphore(%arg26 : memref<!tpu.dma_semaphore, #tpu.memory_space<semaphore_mem>>)
    %dma_start3A_66 = arith.constant 0 : i32
    %dma_start3A_67 = arith.constant 0 : i32
    %dma_start3A_68 = tpu.memref_slice %arg7[%dma_start3A_66, %dma_start3A_67] : memref<25000x128xf32, #tpu.memory_space<hbm>> -> memref<25000x128xf32, #tpu.memory_space<hbm>>
    tpu.enqueue_indirect_dma source(%dma_start3A_68 : memref<25000x128xf32, #tpu.memory_space<hbm>>) target(%arg20 : memref<128x128xf32, #tpu.memory_space<vmem>>) offsets(%arg14 : memref<128xi32, #tpu.memory_space<vmem>>) semaphore(%arg27 : memref<!tpu.dma_semaphore, #tpu.memory_space<semaphore_mem>>)
    %scan3A_69 = arith.constant 0 : i32
    %scan3A_70 = arith.constant 0 : i32
    %scan3A_71 = arith.constant 8 : i32
    %scan3A_72 = arith.addi %scan3A_70, %scan3A_71 : i32
    %scan3A_73 = arith.constant 1 : i32
    scf.for %scan3A_120 = %scan3A_70 to %scan3A_72 step %scan3A_73  : i32 {
      %mul3A_121 = arith.constant 16 : i32
      %mul3A_122 = arith.muli %scan3A_120, %mul3A_121 : i32
      %iota3A = tpu.iota {dimensions = array<i32: 0>} : vector<16xi32>
      %add3A_123 = vector.broadcast %mul3A_122 : i32 to vector<16xi32>
      %add3A_124 = arith.addi %add3A_123, %iota3A : vector<16xi32>
      %mul3A_125 = arith.constant 16 : i32
      %mul3A_126 = arith.muli %scan3A_120, %mul3A_125 : i32
      %add3A_127 = arith.constant 128 : i32
      %add3A_128 = arith.addi %add3A_127, %mul3A_126 : i32
      %get3A = arith.index_cast %add3A_128 : i32 to index
      %get3A_129 = tpu.vector_load %arg9[%get3A] {strides = array<i32>} : memref<512xi32, #tpu.memory_space<vmem>>, vector<16xi32>,
      %and3A = arith.constant 3 : i32
      %and3A_130 = vector.broadcast %and3A : i32 to vector<16xi32>
      %and3A_131 = arith.andi %get3A_129, %and3A_130 : vector<16xi32>
      %shift_left3A = arith.constant 5 : i32
      %shift_left3A_132 = vector.broadcast %shift_left3A : i32 to vector<16xi32>
      %shift_left3A_133 = arith.shli %and3A_131, %shift_left3A_132 : vector<16xi32>
      %get3A_134 = arith.index_cast %add3A_128 : i32 to index
      %get3A_135 = tpu.vector_load %arg10[%get3A_134] {strides = array<i32>} : memref<512xi32, #tpu.memory_space<vmem>>, vector<16xi32>,
      %and3A_136 = arith.constant 3 : i32
      %and3A_137 = vector.broadcast %and3A_136 : i32 to vector<16xi32>
      %and3A_138 = arith.andi %get3A_135, %and3A_137 : vector<16xi32>
      %shift_left3A_139 = arith.constant 5 : i32
      %shift_left3A_140 = vector.broadcast %shift_left3A_139 : i32 to vector<16xi32>
      %shift_left3A_141 = arith.shli %and3A_138, %shift_left3A_140 : vector<16xi32>
      %get3A_142 = arith.index_cast %add3A_128 : i32 to index
      %get3A_143 = tpu.vector_load %arg11[%get3A_142] {strides = array<i32>} : memref<512xi32, #tpu.memory_space<vmem>>, vector<16xi32>,
      %and3A_144 = arith.constant 3 : i32
      %and3A_145 = vector.broadcast %and3A_144 : i32 to vector<16xi32>
      %and3A_146 = arith.andi %get3A_143, %and3A_145 : vector<16xi32>
      %shift_left3A_147 = arith.constant 5 : i32
      %shift_left3A_148 = vector.broadcast %shift_left3A_147 : i32 to vector<16xi32>
      %shift_left3A_149 = arith.shli %and3A_146, %shift_left3A_148 : vector<16xi32>
      %broadcast_in_dim3A = arith.constant 0.000000e+00 : f32
      %broadcast_in_dim3A_150 = vector.broadcast %broadcast_in_dim3A : f32 to vector<16xf32>
      %broadcast_in_dim3A_151 = arith.constant 0.000000e+00 : f32
      %broadcast_in_dim3A_152 = vector.broadcast %broadcast_in_dim3A_151 : f32 to vector<16xf32>
      %broadcast_in_dim3A_153 = arith.constant 0.000000e+00 : f32
      %broadcast_in_dim3A_154 = vector.broadcast %broadcast_in_dim3A_153 : f32 to vector<16xf32>
      %broadcast_in_dim3A_155 = arith.constant 0.000000e+00 : f32
      %broadcast_in_dim3A_156 = vector.broadcast %broadcast_in_dim3A_155 : f32 to vector<16xf32>
      %add3A_157 = arith.constant 0 : i32
      %add3A_158 = vector.broadcast %add3A_157 : i32 to vector<16xi32>
      %add3A_159 = arith.addi %shift_left3A_133, %add3A_158 : vector<16xi32>
      %gather3A = tpu.vector_load_idx %arg21[%add3A_124, %add3A_159] : memref<128x128xf32, #tpu.memory_space<vmem>>[vector<16xi32>, vector<16xi32>], vector<16xf32>,
      %add3A_160 = arith.constant 0 : i32
      %add3A_161 = vector.broadcast %add3A_160 : i32 to vector<16xi32>
      %add3A_162 = arith.addi %shift_left3A_141, %add3A_161 : vector<16xi32>
      %gather3A_163 = tpu.vector_load_idx %arg22[%add3A_124, %add3A_162] : memref<128x128xf32, #tpu.memory_space<vmem>>[vector<16xi32>, vector<16xi32>], vector<16xf32>,
      %add3A_164 = arith.constant 0 : i32
      %add3A_165 = vector.broadcast %add3A_164 : i32 to vector<16xi32>
      %add3A_166 = arith.addi %shift_left3A_149, %add3A_165 : vector<16xi32>
      %gather3A_167 = tpu.vector_load_idx %arg23[%add3A_124, %add3A_166] : memref<128x128xf32, #tpu.memory_space<vmem>>[vector<16xi32>, vector<16xi32>], vector<16xf32>,
      %mul3A_168 = arith.mulf %gather3A, %gather3A_163 : vector<16xf32>
      %mul3A_169 = arith.mulf %mul3A_168, %gather3A_167 : vector<16xf32>
      %add3A_170 = arith.addf %broadcast_in_dim3A_150, %mul3A_169 : vector<16xf32>
      %add3A_171 = arith.constant 1 : i32
      %add3A_172 = vector.broadcast %add3A_171 : i32 to vector<16xi32>
      %add3A_173 = arith.addi %shift_left3A_133, %add3A_172 : vector<16xi32>
      %gather3A_174 = tpu.vector_load_idx %arg21[%add3A_124, %add3A_173] : memref<128x128xf32, #tpu.memory_space<vmem>>[vector<16xi32>, vector<16xi32>], vector<16xf32>,
      %add3A_175 = arith.constant 1 : i32
      %add3A_176 = vector.broadcast %add3A_175 : i32 to vector<16xi32>
      %add3A_177 = arith.addi %shift_left3A_141, %add3A_176 : vector<16xi32>
      %gather3A_178 = tpu.vector_load_idx %arg22[%add3A_124, %add3A_177] : memref<128x128xf32, #tpu.memory_space<vmem>>[vector<16xi32>, vector<16xi32>], vector<16xf32>,
      %add3A_179 = arith.constant 1 : i32
      %add3A_180 = vector.broadcast %add3A_179 : i32 to vector<16xi32>
      %add3A_181 = arith.addi %shift_left3A_149, %add3A_180 : vector<16xi32>
      %gather3A_182 = tpu.vector_load_idx %arg23[%add3A_124, %add3A_181] : memref<128x128xf32, #tpu.memory_space<vmem>>[vector<16xi32>, vector<16xi32>], vector<16xf32>,
      %mul3A_183 = arith.mulf %gather3A_174, %gather3A_178 : vector<16xf32>
      %mul3A_184 = arith.mulf %mul3A_183, %gather3A_182 : vector<16xf32>
      %add3A_185 = arith.addf %broadcast_in_dim3A_152, %mul3A_184 : vector<16xf32>
      %add3A_186 = arith.constant 2 : i32
      %add3A_187 = vector.broadcast %add3A_186 : i32 to vector<16xi32>
      %add3A_188 = arith.addi %shift_left3A_133, %add3A_187 : vector<16xi32>
      %gather3A_189 = tpu.vector_load_idx %arg21[%add3A_124, %add3A_188] : memref<128x128xf32, #tpu.memory_space<vmem>>[vector<16xi32>, vector<16xi32>], vector<16xf32>,
      %add3A_190 = arith.constant 2 : i32
      %add3A_191 = vector.broadcast %add3A_190 : i32 to vector<16xi32>
      %add3A_192 = arith.addi %shift_left3A_141, %add3A_191 : vector<16xi32>
      %gather3A_193 = tpu.vector_load_idx %arg22[%add3A_124, %add3A_192] : memref<128x128xf32, #tpu.memory_space<vmem>>[vector<16xi32>, vector<16xi32>], vector<16xf32>,
      %add3A_194 = arith.constant 2 : i32
      %add3A_195 = vector.broadcast %add3A_194 : i32 to vector<16xi32>
      %add3A_196 = arith.addi %shift_left3A_149, %add3A_195 : vector<16xi32>
      %gather3A_197 = tpu.vector_load_idx %arg23[%add3A_124, %add3A_196] : memref<128x128xf32, #tpu.memory_space<vmem>>[vector<16xi32>, vector<16xi32>], vector<16xf32>,
      %mul3A_198 = arith.mulf %gather3A_189, %gather3A_193 : vector<16xf32>
      %mul3A_199 = arith.mulf %mul3A_198, %gather3A_197 : vector<16xf32>
      %add3A_200 = arith.addf %broadcast_in_dim3A_154, %mul3A_199 : vector<16xf32>
      %add3A_201 = arith.constant 3 : i32
      %add3A_202 = vector.broadcast %add3A_201 : i32 to vector<16xi32>
      %add3A_203 = arith.addi %shift_left3A_133, %add3A_202 : vector<16xi32>
      %gather3A_204 = tpu.vector_load_idx %arg21[%add3A_124, %add3A_203] : memref<128x128xf32, #tpu.memory_space<vmem>>[vector<16xi32>, vector<16xi32>], vector<16xf32>,
      %add3A_205 = arith.constant 3 : i32
      %add3A_206 = vector.broadcast %add3A_205 : i32 to vector<16xi32>
      %add3A_207 = arith.addi %shift_left3A_141, %add3A_206 : vector<16xi32>
      %gather3A_208 = tpu.vector_load_idx %arg22[%add3A_124, %add3A_207] : memref<128x128xf32, #tpu.memory_space<vmem>>[vector<16xi32>, vector<16xi32>], vector<16xf32>,
      %add3A_209 = arith.constant 3 : i32
      %add3A_210 = vector.broadcast %add3A_209 : i32 to vector<16xi32>
      %add3A_211 = arith.addi %shift_left3A_149, %add3A_210 : vector<16xi32>
      %gather3A_212 = tpu.vector_load_idx %arg23[%add3A_124, %add3A_211] : memref<128x128xf32, #tpu.memory_space<vmem>>[vector<16xi32>, vector<16xi32>], vector<16xf32>,
      %mul3A_213 = arith.mulf %gather3A_204, %gather3A_208 : vector<16xf32>
      %mul3A_214 = arith.mulf %mul3A_213, %gather3A_212 : vector<16xf32>
      %add3A_215 = arith.addf %broadcast_in_dim3A_156, %mul3A_214 : vector<16xf32>
      %add3A_216 = arith.constant 4 : i32
      %add3A_217 = vector.broadcast %add3A_216 : i32 to vector<16xi32>
      %add3A_218 = arith.addi %shift_left3A_133, %add3A_217 : vector<16xi32>
      %gather3A_219 = tpu.vector_load_idx %arg21[%add3A_124, %add3A_218] : memref<128x128xf32, #tpu.memory_space<vmem>>[vector<16xi32>, vector<16xi32>], vector<16xf32>,
      %add3A_220 = arith.constant 4 : i32
      %add3A_221 = vector.broadcast %add3A_220 : i32 to vector<16xi32>
      %add3A_222 = arith.addi %shift_left3A_141, %add3A_221 : vector<16xi32>
      %gather3A_223 = tpu.vector_load_idx %arg22[%add3A_124, %add3A_222] : memref<128x128xf32, #tpu.memory_space<vmem>>[vector<16xi32>, vector<16xi32>], vector<16xf32>,
      %add3A_224 = arith.constant 4 : i32
      %add3A_225 = vector.broadcast %add3A_224 : i32 to vector<16xi32>
      %add3A_226 = arith.addi %shift_left3A_149, %add3A_225 : vector<16xi32>
      %gather3A_227 = tpu.vector_load_idx %arg23[%add3A_124, %add3A_226] : memref<128x128xf32, #tpu.memory_space<vmem>>[vector<16xi32>, vector<16xi32>], vector<16xf32>,
      %mul3A_228 = arith.mulf %gather3A_219, %gather3A_223 : vector<16xf32>
      %mul3A_229 = arith.mulf %mul3A_228, %gather3A_227 : vector<16xf32>
      %add3A_230 = arith.addf %add3A_170, %mul3A_229 : vector<16xf32>
      %add3A_231 = arith.constant 5 : i32
      %add3A_232 = vector.broadcast %add3A_231 : i32 to vector<16xi32>
      %add3A_233 = arith.addi %shift_left3A_133, %add3A_232 : vector<16xi32>
      %gather3A_234 = tpu.vector_load_idx %arg21[%add3A_124, %add3A_233] : memref<128x128xf32, #tpu.memory_space<vmem>>[vector<16xi32>, vector<16xi32>], vector<16xf32>,
      %add3A_235 = arith.constant 5 : i32
      %add3A_236 = vector.broadcast %add3A_235 : i32 to vector<16xi32>
      %add3A_237 = arith.addi %shift_left3A_141, %add3A_236 : vector<16xi32>
      %gather3A_238 = tpu.vector_load_idx %arg22[%add3A_124, %add3A_237] : memref<128x128xf32, #tpu.memory_space<vmem>>[vector<16xi32>, vector<16xi32>], vector<16xf32>,
      %add3A_239 = arith.constant 5 : i32
      %add3A_240 = vector.broadcast %add3A_239 : i32 to vector<16xi32>
      %add3A_241 = arith.addi %shift_left3A_149, %add3A_240 : vector<16xi32>
      %gather3A_242 = tpu.vector_load_idx %arg23[%add3A_124, %add3A_241] : memref<128x128xf32, #tpu.memory_space<vmem>>[vector<16xi32>, vector<16xi32>], vector<16xf32>,
      %mul3A_243 = arith.mulf %gather3A_234, %gather3A_238 : vector<16xf32>
      %mul3A_244 = arith.mulf %mul3A_243, %gather3A_242 : vector<16xf32>
      %add3A_245 = arith.addf %add3A_185, %mul3A_244 : vector<16xf32>
      %add3A_246 = arith.constant 6 : i32
      %add3A_247 = vector.broadcast %add3A_246 : i32 to vector<16xi32>
      %add3A_248 = arith.addi %shift_left3A_133, %add3A_247 : vector<16xi32>
      %gather3A_249 = tpu.vector_load_idx %arg21[%add3A_124, %add3A_248] : memref<128x128xf32, #tpu.memory_space<vmem>>[vector<16xi32>, vector<16xi32>], vector<16xf32>,
      %add3A_250 = arith.constant 6 : i32
      %add3A_251 = vector.broadcast %add3A_250 : i32 to vector<16xi32>
      %add3A_252 = arith.addi %shift_left3A_141, %add3A_251 : vector<16xi32>
      %gather3A_253 = tpu.vector_load_idx %arg22[%add3A_124, %add3A_252] : memref<128x128xf32, #tpu.memory_space<vmem>>[vector<16xi32>, vector<16xi32>], vector<16xf32>,
      %add3A_254 = arith.constant 6 : i32
      %add3A_255 = vector.broadcast %add3A_254 : i32 to vector<16xi32>
      %add3A_256 = arith.addi %shift_left3A_149, %add3A_255 : vector<16xi32>
      %gather3A_257 = tpu.vector_load_idx %arg23[%add3A_124, %add3A_256] : memref<128x128xf32, #tpu.memory_space<vmem>>[vector<16xi32>, vector<16xi32>], vector<16xf32>,
      %mul3A_258 = arith.mulf %gather3A_249, %gather3A_253 : vector<16xf32>
      %mul3A_259 = arith.mulf %mul3A_258, %gather3A_257 : vector<16xf32>
      %add3A_260 = arith.addf %add3A_200, %mul3A_259 : vector<16xf32>
      %add3A_261 = arith.constant 7 : i32
      %add3A_262 = vector.broadcast %add3A_261 : i32 to vector<16xi32>
      %add3A_263 = arith.addi %shift_left3A_133, %add3A_262 : vector<16xi32>
      %gather3A_264 = tpu.vector_load_idx %arg21[%add3A_124, %add3A_263] : memref<128x128xf32, #tpu.memory_space<vmem>>[vector<16xi32>, vector<16xi32>], vector<16xf32>,
      %add3A_265 = arith.constant 7 : i32
      %add3A_266 = vector.broadcast %add3A_265 : i32 to vector<16xi32>
      %add3A_267 = arith.addi %shift_left3A_141, %add3A_266 : vector<16xi32>
      %gather3A_268 = tpu.vector_load_idx %arg22[%add3A_124, %add3A_267] : memref<128x128xf32, #tpu.memory_space<vmem>>[vector<16xi32>, vector<16xi32>], vector<16xf32>,
      %add3A_269 = arith.constant 7 : i32
      %add3A_270 = vector.broadcast %add3A_269 : i32 to vector<16xi32>
      %add3A_271 = arith.addi %shift_left3A_149, %add3A_270 : vector<16xi32>
      %gather3A_272 = tpu.vector_load_idx %arg23[%add3A_124, %add3A_271] : memref<128x128xf32, #tpu.memory_space<vmem>>[vector<16xi32>, vector<16xi32>], vector<16xf32>,
      %mul3A_273 = arith.mulf %gather3A_264, %gather3A_268 : vector<16xf32>
      %mul3A_274 = arith.mulf %mul3A_273, %gather3A_272 : vector<16xf32>
      %add3A_275 = arith.addf %add3A_215, %mul3A_274 : vector<16xf32>
      %add3A_276 = arith.constant 8 : i32
      %add3A_277 = vector.broadcast %add3A_276 : i32 to vector<16xi32>
      %add3A_278 = arith.addi %shift_left3A_133, %add3A_277 : vector<16xi32>
      %gather3A_279 = tpu.vector_load_idx %arg21[%add3A_124, %add3A_278] : memref<128x128xf32, #tpu.memory_space<vmem>>[vector<16xi32>, vector<16xi32>], vector<16xf32>,
      %add3A_280 = arith.constant 8 : i32
      %add3A_281 = vector.broadcast %add3A_280 : i32 to vector<16xi32>
      %add3A_282 = arith.addi %shift_left3A_141, %add3A_281 : vector<16xi32>
      %gather3A_283 = tpu.vector_load_idx %arg22[%add3A_124, %add3A_282] : memref<128x128xf32, #tpu.memory_space<vmem>>[vector<16xi32>, vector<16xi32>], vector<16xf32>,
      %add3A_284 = arith.constant 8 : i32
      %add3A_285 = vector.broadcast %add3A_284 : i32 to vector<16xi32>
      %add3A_286 = arith.addi %shift_left3A_149, %add3A_285 : vector<16xi32>
      %gather3A_287 = tpu.vector_load_idx %arg23[%add3A_124, %add3A_286] : memref<128x128xf32, #tpu.memory_space<vmem>>[vector<16xi32>, vector<16xi32>], vector<16xf32>,
      %mul3A_288 = arith.mulf %gather3A_279, %gather3A_283 : vector<16xf32>
      %mul3A_289 = arith.mulf %mul3A_288, %gather3A_287 : vector<16xf32>
      %add3A_290 = arith.addf %add3A_230, %mul3A_289 : vector<16xf32>
      %add3A_291 = arith.constant 9 : i32
      %add3A_292 = vector.broadcast %add3A_291 : i32 to vector<16xi32>
      %add3A_293 = arith.addi %shift_left3A_133, %add3A_292 : vector<16xi32>
      %gather3A_294 = tpu.vector_load_idx %arg21[%add3A_124, %add3A_293] : memref<128x128xf32, #tpu.memory_space<vmem>>[vector<16xi32>, vector<16xi32>], vector<16xf32>,
      %add3A_295 = arith.constant 9 : i32
      %add3A_296 = vector.broadcast %add3A_295 : i32 to vector<16xi32>
      %add3A_297 = arith.addi %shift_left3A_141, %add3A_296 : vector<16xi32>
      %gather3A_298 = tpu.vector_load_idx %arg22[%add3A_124, %add3A_297] : memref<128x128xf32, #tpu.memory_space<vmem>>[vector<16xi32>, vector<16xi32>], vector<16xf32>,
      %add3A_299 = arith.constant 9 : i32
      %add3A_300 = vector.broadcast %add3A_299 : i32 to vector<16xi32>
      %add3A_301 = arith.addi %shift_left3A_149, %add3A_300 : vector<16xi32>
      %gather3A_302 = tpu.vector_load_idx %arg23[%add3A_124, %add3A_301] : memref<128x128xf32, #tpu.memory_space<vmem>>[vector<16xi32>, vector<16xi32>], vector<16xf32>,
      %mul3A_303 = arith.mulf %gather3A_294, %gather3A_298 : vector<16xf32>
      %mul3A_304 = arith.mulf %mul3A_303, %gather3A_302 : vector<16xf32>
      %add3A_305 = arith.addf %add3A_245, %mul3A_304 : vector<16xf32>
      %add3A_306 = arith.constant 10 : i32
      %add3A_307 = vector.broadcast %add3A_306 : i32 to vector<16xi32>
      %add3A_308 = arith.addi %shift_left3A_133, %add3A_307 : vector<16xi32>
      %gather3A_309 = tpu.vector_load_idx %arg21[%add3A_124, %add3A_308] : memref<128x128xf32, #tpu.memory_space<vmem>>[vector<16xi32>, vector<16xi32>], vector<16xf32>,
      %add3A_310 = arith.constant 10 : i32
      %add3A_311 = vector.broadcast %add3A_310 : i32 to vector<16xi32>
      %add3A_312 = arith.addi %shift_left3A_141, %add3A_311 : vector<16xi32>
      %gather3A_313 = tpu.vector_load_idx %arg22[%add3A_124, %add3A_312] : memref<128x128xf32, #tpu.memory_space<vmem>>[vector<16xi32>, vector<16xi32>], vector<16xf32>,
      %add3A_314 = arith.constant 10 : i32
      %add3A_315 = vector.broadcast %add3A_314 : i32 to vector<16xi32>
      %add3A_316 = arith.addi %shift_left3A_149, %add3A_315 : vector<16xi32>
      %gather3A_317 = tpu.vector_load_idx %arg23[%add3A_124, %add3A_316] : memref<128x128xf32, #tpu.memory_space<vmem>>[vector<16xi32>, vector<16xi32>], vector<16xf32>,
      %mul3A_318 = arith.mulf %gather3A_309, %gather3A_313 : vector<16xf32>
      %mul3A_319 = arith.mulf %mul3A_318, %gather3A_317 : vector<16xf32>
      %add3A_320 = arith.addf %add3A_260, %mul3A_319 : vector<16xf32>
      %add3A_321 = arith.constant 11 : i32
      %add3A_322 = vector.broadcast %add3A_321 : i32 to vector<16xi32>
      %add3A_323 = arith.addi %shift_left3A_133, %add3A_322 : vector<16xi32>
      %gather3A_324 = tpu.vector_load_idx %arg21[%add3A_124, %add3A_323] : memref<128x128xf32, #tpu.memory_space<vmem>>[vector<16xi32>, vector<16xi32>], vector<16xf32>,
      %add3A_325 = arith.constant 11 : i32
      %add3A_326 = vector.broadcast %add3A_325 : i32 to vector<16xi32>
      %add3A_327 = arith.addi %shift_left3A_141, %add3A_326 : vector<16xi32>
      %gather3A_328 = tpu.vector_load_idx %arg22[%add3A_124, %add3A_327] : memref<128x128xf32, #tpu.memory_space<vmem>>[vector<16xi32>, vector<16xi32>], vector<16xf32>,
      %add3A_329 = arith.constant 11 : i32
      %add3A_330 = vector.broadcast %add3A_329 : i32 to vector<16xi32>
      %add3A_331 = arith.addi %shift_left3A_149, %add3A_330 : vector<16xi32>
      %gather3A_332 = tpu.vector_load_idx %arg23[%add3A_124, %add3A_331] : memref<128x128xf32, #tpu.memory_space<vmem>>[vector<16xi32>, vector<16xi32>], vector<16xf32>,
      %mul3A_333 = arith.mulf %gather3A_324, %gather3A_328 : vector<16xf32>
      %mul3A_334 = arith.mulf %mul3A_333, %gather3A_332 : vector<16xf32>
      %add3A_335 = arith.addf %add3A_275, %mul3A_334 : vector<16xf32>
      %add3A_336 = arith.constant 12 : i32
      %add3A_337 = vector.broadcast %add3A_336 : i32 to vector<16xi32>
      %add3A_338 = arith.addi %shift_left3A_133, %add3A_337 : vector<16xi32>
      %gather3A_339 = tpu.vector_load_idx %arg21[%add3A_124, %add3A_338] : memref<128x128xf32, #tpu.memory_space<vmem>>[vector<16xi32>, vector<16xi32>], vector<16xf32>,
      %add3A_340 = arith.constant 12 : i32
      %add3A_341 = vector.broadcast %add3A_340 : i32 to vector<16xi32>
      %add3A_342 = arith.addi %shift_left3A_141, %add3A_341 : vector<16xi32>
      %gather3A_343 = tpu.vector_load_idx %arg22[%add3A_124, %add3A_342] : memref<128x128xf32, #tpu.memory_space<vmem>>[vector<16xi32>, vector<16xi32>], vector<16xf32>,
      %add3A_344 = arith.constant 12 : i32
      %add3A_345 = vector.broadcast %add3A_344 : i32 to vector<16xi32>
      %add3A_346 = arith.addi %shift_left3A_149, %add3A_345 : vector<16xi32>
      %gather3A_347 = tpu.vector_load_idx %arg23[%add3A_124, %add3A_346] : memref<128x128xf32, #tpu.memory_space<vmem>>[vector<16xi32>, vector<16xi32>], vector<16xf32>,
      %mul3A_348 = arith.mulf %gather3A_339, %gather3A_343 : vector<16xf32>
      %mul3A_349 = arith.mulf %mul3A_348, %gather3A_347 : vector<16xf32>
      %add3A_350 = arith.addf %add3A_290, %mul3A_349 : vector<16xf32>
      %add3A_351 = arith.constant 13 : i32
      %add3A_352 = vector.broadcast %add3A_351 : i32 to vector<16xi32>
      %add3A_353 = arith.addi %shift_left3A_133, %add3A_352 : vector<16xi32>
      %gather3A_354 = tpu.vector_load_idx %arg21[%add3A_124, %add3A_353] : memref<128x128xf32, #tpu.memory_space<vmem>>[vector<16xi32>, vector<16xi32>], vector<16xf32>,
      %add3A_355 = arith.constant 13 : i32
      %add3A_356 = vector.broadcast %add3A_355 : i32 to vector<16xi32>
      %add3A_357 = arith.addi %shift_left3A_141, %add3A_356 : vector<16xi32>
      %gather3A_358 = tpu.vector_load_idx %arg22[%add3A_124, %add3A_357] : memref<128x128xf32, #tpu.memory_space<vmem>>[vector<16xi32>, vector<16xi32>], vector<16xf32>,
      %add3A_359 = arith.constant 13 : i32
      %add3A_360 = vector.broadcast %add3A_359 : i32 to vector<16xi32>
      %add3A_361 = arith.addi %shift_left3A_149, %add3A_360 : vector<16xi32>
      %gather3A_362 = tpu.vector_load_idx %arg23[%add3A_124, %add3A_361] : memref<128x128xf32, #tpu.memory_space<vmem>>[vector<16xi32>, vector<16xi32>], vector<16xf32>,
      %mul3A_363 = arith.mulf %gather3A_354, %gather3A_358 : vector<16xf32>
      %mul3A_364 = arith.mulf %mul3A_363, %gather3A_362 : vector<16xf32>
      %add3A_365 = arith.addf %add3A_305, %mul3A_364 : vector<16xf32>
      %add3A_366 = arith.constant 14 : i32
      %add3A_367 = vector.broadcast %add3A_366 : i32 to vector<16xi32>
      %add3A_368 = arith.addi %shift_left3A_133, %add3A_367 : vector<16xi32>
      %gather3A_369 = tpu.vector_load_idx %arg21[%add3A_124, %add3A_368] : memref<128x128xf32, #tpu.memory_space<vmem>>[vector<16xi32>, vector<16xi32>], vector<16xf32>,
      %add3A_370 = arith.constant 14 : i32
      %add3A_371 = vector.broadcast %add3A_370 : i32 to vector<16xi32>
      %add3A_372 = arith.addi %shift_left3A_141, %add3A_371 : vector<16xi32>
      %gather3A_373 = tpu.vector_load_idx %arg22[%add3A_124, %add3A_372] : memref<128x128xf32, #tpu.memory_space<vmem>>[vector<16xi32>, vector<16xi32>], vector<16xf32>,
      %add3A_374 = arith.constant 14 : i32
      %add3A_375 = vector.broadcast %add3A_374 : i32 to vector<16xi32>
      %add3A_376 = arith.addi %shift_left3A_149, %add3A_375 : vector<16xi32>
      %gather3A_377 = tpu.vector_load_idx %arg23[%add3A_124, %add3A_376] : memref<128x128xf32, #tpu.memory_space<vmem>>[vector<16xi32>, vector<16xi32>], vector<16xf32>,
      %mul3A_378 = arith.mulf %gather3A_369, %gather3A_373 : vector<16xf32>
      %mul3A_379 = arith.mulf %mul3A_378, %gather3A_377 : vector<16xf32>
      %add3A_380 = arith.addf %add3A_320, %mul3A_379 : vector<16xf32>
      %add3A_381 = arith.constant 15 : i32
      %add3A_382 = vector.broadcast %add3A_381 : i32 to vector<16xi32>
      %add3A_383 = arith.addi %shift_left3A_133, %add3A_382 : vector<16xi32>
      %gather3A_384 = tpu.vector_load_idx %arg21[%add3A_124, %add3A_383] : memref<128x128xf32, #tpu.memory_space<vmem>>[vector<16xi32>, vector<16xi32>], vector<16xf32>,
      %add3A_385 = arith.constant 15 : i32
      %add3A_386 = vector.broadcast %add3A_385 : i32 to vector<16xi32>
      %add3A_387 = arith.addi %shift_left3A_141, %add3A_386 : vector<16xi32>
      %gather3A_388 = tpu.vector_load_idx %arg22[%add3A_124, %add3A_387] : memref<128x128xf32, #tpu.memory_space<vmem>>[vector<16xi32>, vector<16xi32>], vector<16xf32>,
      %add3A_389 = arith.constant 15 : i32
      %add3A_390 = vector.broadcast %add3A_389 : i32 to vector<16xi32>
      %add3A_391 = arith.addi %shift_left3A_149, %add3A_390 : vector<16xi32>
      %gather3A_392 = tpu.vector_load_idx %arg23[%add3A_124, %add3A_391] : memref<128x128xf32, #tpu.memory_space<vmem>>[vector<16xi32>, vector<16xi32>], vector<16xf32>,
      %mul3A_393 = arith.mulf %gather3A_384, %gather3A_388 : vector<16xf32>
      %mul3A_394 = arith.mulf %mul3A_393, %gather3A_392 : vector<16xf32>
      %add3A_395 = arith.addf %add3A_335, %mul3A_394 : vector<16xf32>
      %add3A_396 = arith.constant 16 : i32
      %add3A_397 = vector.broadcast %add3A_396 : i32 to vector<16xi32>
      %add3A_398 = arith.addi %shift_left3A_133, %add3A_397 : vector<16xi32>
      %gather3A_399 = tpu.vector_load_idx %arg21[%add3A_124, %add3A_398] : memref<128x128xf32, #tpu.memory_space<vmem>>[vector<16xi32>, vector<16xi32>], vector<16xf32>,
      %add3A_400 = arith.constant 16 : i32
      %add3A_401 = vector.broadcast %add3A_400 : i32 to vector<16xi32>
      %add3A_402 = arith.addi %shift_left3A_141, %add3A_401 : vector<16xi32>
      %gather3A_403 = tpu.vector_load_idx %arg22[%add3A_124, %add3A_402] : memref<128x128xf32, #tpu.memory_space<vmem>>[vector<16xi32>, vector<16xi32>], vector<16xf32>,
      %add3A_404 = arith.constant 16 : i32
      %add3A_405 = vector.broadcast %add3A_404 : i32 to vector<16xi32>
      %add3A_406 = arith.addi %shift_left3A_149, %add3A_405 : vector<16xi32>
      %gather3A_407 = tpu.vector_load_idx %arg23[%add3A_124, %add3A_406] : memref<128x128xf32, #tpu.memory_space<vmem>>[vector<16xi32>, vector<16xi32>], vector<16xf32>,
      %mul3A_408 = arith.mulf %gather3A_399, %gather3A_403 : vector<16xf32>
      %mul3A_409 = arith.mulf %mul3A_408, %gather3A_407 : vector<16xf32>
      %add3A_410 = arith.addf %add3A_350, %mul3A_409 : vector<16xf32>
      %add3A_411 = arith.constant 17 : i32
      %add3A_412 = vector.broadcast %add3A_411 : i32 to vector<16xi32>
      %add3A_413 = arith.addi %shift_left3A_133, %add3A_412 : vector<16xi32>
      %gather3A_414 = tpu.vector_load_idx %arg21[%add3A_124, %add3A_413] : memref<128x128xf32, #tpu.memory_space<vmem>>[vector<16xi32>, vector<16xi32>], vector<16xf32>,
      %add3A_415 = arith.constant 17 : i32
      %add3A_416 = vector.broadcast %add3A_415 : i32 to vector<16xi32>
      %add3A_417 = arith.addi %shift_left3A_141, %add3A_416 : vector<16xi32>
      %gather3A_418 = tpu.vector_load_idx %arg22[%add3A_124, %add3A_417] : memref<128x128xf32, #tpu.memory_space<vmem>>[vector<16xi32>, vector<16xi32>], vector<16xf32>,
      %add3A_419 = arith.constant 17 : i32
      %add3A_420 = vector.broadcast %add3A_419 : i32 to vector<16xi32>
      %add3A_421 = arith.addi %shift_left3A_149, %add3A_420 : vector<16xi32>
      %gather3A_422 = tpu.vector_load_idx %arg23[%add3A_124, %add3A_421] : memref<128x128xf32, #tpu.memory_space<vmem>>[vector<16xi32>, vector<16xi32>], vector<16xf32>,
      %mul3A_423 = arith.mulf %gather3A_414, %gather3A_418 : vector<16xf32>
      %mul3A_424 = arith.mulf %mul3A_423, %gather3A_422 : vector<16xf32>
      %add3A_425 = arith.addf %add3A_365, %mul3A_424 : vector<16xf32>
      %add3A_426 = arith.constant 18 : i32
      %add3A_427 = vector.broadcast %add3A_426 : i32 to vector<16xi32>
      %add3A_428 = arith.addi %shift_left3A_133, %add3A_427 : vector<16xi32>
      %gather3A_429 = tpu.vector_load_idx %arg21[%add3A_124, %add3A_428] : memref<128x128xf32, #tpu.memory_space<vmem>>[vector<16xi32>, vector<16xi32>], vector<16xf32>,
      %add3A_430 = arith.constant 18 : i32
      %add3A_431 = vector.broadcast %add3A_430 : i32 to vector<16xi32>
      %add3A_432 = arith.addi %shift_left3A_141, %add3A_431 : vector<16xi32>
      %gather3A_433 = tpu.vector_load_idx %arg22[%add3A_124, %add3A_432] : memref<128x128xf32, #tpu.memory_space<vmem>>[vector<16xi32>, vector<16xi32>], vector<16xf32>,
      %add3A_434 = arith.constant 18 : i32
      %add3A_435 = vector.broadcast %add3A_434 : i32 to vector<16xi32>
      %add3A_436 = arith.addi %shift_left3A_149, %add3A_435 : vector<16xi32>
      %gather3A_437 = tpu.vector_load_idx %arg23[%add3A_124, %add3A_436] : memref<128x128xf32, #tpu.memory_space<vmem>>[vector<16xi32>, vector<16xi32>], vector<16xf32>,
      %mul3A_438 = arith.mulf %gather3A_429, %gather3A_433 : vector<16xf32>
      %mul3A_439 = arith.mulf %mul3A_438, %gather3A_437 : vector<16xf32>
      %add3A_440 = arith.addf %add3A_380, %mul3A_439 : vector<16xf32>
      %add3A_441 = arith.constant 19 : i32
      %add3A_442 = vector.broadcast %add3A_441 : i32 to vector<16xi32>
      %add3A_443 = arith.addi %shift_left3A_133, %add3A_442 : vector<16xi32>
      %gather3A_444 = tpu.vector_load_idx %arg21[%add3A_124, %add3A_443] : memref<128x128xf32, #tpu.memory_space<vmem>>[vector<16xi32>, vector<16xi32>], vector<16xf32>,
      %add3A_445 = arith.constant 19 : i32
      %add3A_446 = vector.broadcast %add3A_445 : i32 to vector<16xi32>
      %add3A_447 = arith.addi %shift_left3A_141, %add3A_446 : vector<16xi32>
      %gather3A_448 = tpu.vector_load_idx %arg22[%add3A_124, %add3A_447] : memref<128x128xf32, #tpu.memory_space<vmem>>[vector<16xi32>, vector<16xi32>], vector<16xf32>,
      %add3A_449 = arith.constant 19 : i32
      %add3A_450 = vector.broadcast %add3A_449 : i32 to vector<16xi32>
      %add3A_451 = arith.addi %shift_left3A_149, %add3A_450 : vector<16xi32>
      %gather3A_452 = tpu.vector_load_idx %arg23[%add3A_124, %add3A_451] : memref<128x128xf32, #tpu.memory_space<vmem>>[vector<16xi32>, vector<16xi32>], vector<16xf32>,
      %mul3A_453 = arith.mulf %gather3A_444, %gather3A_448 : vector<16xf32>
      %mul3A_454 = arith.mulf %mul3A_453, %gather3A_452 : vector<16xf32>
      %add3A_455 = arith.addf %add3A_395, %mul3A_454 : vector<16xf32>
      %add3A_456 = arith.constant 20 : i32
      %add3A_457 = vector.broadcast %add3A_456 : i32 to vector<16xi32>
      %add3A_458 = arith.addi %shift_left3A_133, %add3A_457 : vector<16xi32>
      %gather3A_459 = tpu.vector_load_idx %arg21[%add3A_124, %add3A_458] : memref<128x128xf32, #tpu.memory_space<vmem>>[vector<16xi32>, vector<16xi32>], vector<16xf32>,
      %add3A_460 = arith.constant 20 : i32
      %add3A_461 = vector.broadcast %add3A_460 : i32 to vector<16xi32>
      %add3A_462 = arith.addi %shift_left3A_141, %add3A_461 : vector<16xi32>
      %gather3A_463 = tpu.vector_load_idx %arg22[%add3A_124, %add3A_462] : memref<128x128xf32, #tpu.memory_space<vmem>>[vector<16xi32>, vector<16xi32>], vector<16xf32>,
      %add3A_464 = arith.constant 20 : i32
      %add3A_465 = vector.broadcast %add3A_464 : i32 to vector<16xi32>
      %add3A_466 = arith.addi %shift_left3A_149, %add3A_465 : vector<16xi32>
      %gather3A_467 = tpu.vector_load_idx %arg23[%add3A_124, %add3A_466] : memref<128x128xf32, #tpu.memory_space<vmem>>[vector<16xi32>, vector<16xi32>], vector<16xf32>,
      %mul3A_468 = arith.mulf %gather3A_459, %gather3A_463 : vector<16xf32>
      %mul3A_469 = arith.mulf %mul3A_468, %gather3A_467 : vector<16xf32>
      %add3A_470 = arith.addf %add3A_410, %mul3A_469 : vector<16xf32>
      %add3A_471 = arith.constant 21 : i32
      %add3A_472 = vector.broadcast %add3A_471 : i32 to vector<16xi32>
      %add3A_473 = arith.addi %shift_left3A_133, %add3A_472 : vector<16xi32>
      %gather3A_474 = tpu.vector_load_idx %arg21[%add3A_124, %add3A_473] : memref<128x128xf32, #tpu.memory_space<vmem>>[vector<16xi32>, vector<16xi32>], vector<16xf32>,
      %add3A_475 = arith.constant 21 : i32
      %add3A_476 = vector.broadcast %add3A_475 : i32 to vector<16xi32>
      %add3A_477 = arith.addi %shift_left3A_141, %add3A_476 : vector<16xi32>
      %gather3A_478 = tpu.vector_load_idx %arg22[%add3A_124, %add3A_477] : memref<128x128xf32, #tpu.memory_space<vmem>>[vector<16xi32>, vector<16xi32>], vector<16xf32>,
      %add3A_479 = arith.constant 21 : i32
      %add3A_480 = vector.broadcast %add3A_479 : i32 to vector<16xi32>
      %add3A_481 = arith.addi %shift_left3A_149, %add3A_480 : vector<16xi32>
      %gather3A_482 = tpu.vector_load_idx %arg23[%add3A_124, %add3A_481] : memref<128x128xf32, #tpu.memory_space<vmem>>[vector<16xi32>, vector<16xi32>], vector<16xf32>,
      %mul3A_483 = arith.mulf %gather3A_474, %gather3A_478 : vector<16xf32>
      %mul3A_484 = arith.mulf %mul3A_483, %gather3A_482 : vector<16xf32>
      %add3A_485 = arith.addf %add3A_425, %mul3A_484 : vector<16xf32>
      %add3A_486 = arith.constant 22 : i32
      %add3A_487 = vector.broadcast %add3A_486 : i32 to vector<16xi32>
      %add3A_488 = arith.addi %shift_left3A_133, %add3A_487 : vector<16xi32>
      %gather3A_489 = tpu.vector_load_idx %arg21[%add3A_124, %add3A_488] : memref<128x128xf32, #tpu.memory_space<vmem>>[vector<16xi32>, vector<16xi32>], vector<16xf32>,
      %add3A_490 = arith.constant 22 : i32
      %add3A_491 = vector.broadcast %add3A_490 : i32 to vector<16xi32>
      %add3A_492 = arith.addi %shift_left3A_141, %add3A_491 : vector<16xi32>
      %gather3A_493 = tpu.vector_load_idx %arg22[%add3A_124, %add3A_492] : memref<128x128xf32, #tpu.memory_space<vmem>>[vector<16xi32>, vector<16xi32>], vector<16xf32>,
      %add3A_494 = arith.constant 22 : i32
      %add3A_495 = vector.broadcast %add3A_494 : i32 to vector<16xi32>
      %add3A_496 = arith.addi %shift_left3A_149, %add3A_495 : vector<16xi32>
      %gather3A_497 = tpu.vector_load_idx %arg23[%add3A_124, %add3A_496] : memref<128x128xf32, #tpu.memory_space<vmem>>[vector<16xi32>, vector<16xi32>], vector<16xf32>,
      %mul3A_498 = arith.mulf %gather3A_489, %gather3A_493 : vector<16xf32>
      %mul3A_499 = arith.mulf %mul3A_498, %gather3A_497 : vector<16xf32>
      %add3A_500 = arith.addf %add3A_440, %mul3A_499 : vector<16xf32>
      %add3A_501 = arith.constant 23 : i32
      %add3A_502 = vector.broadcast %add3A_501 : i32 to vector<16xi32>
      %add3A_503 = arith.addi %shift_left3A_133, %add3A_502 : vector<16xi32>
      %gather3A_504 = tpu.vector_load_idx %arg21[%add3A_124, %add3A_503] : memref<128x128xf32, #tpu.memory_space<vmem>>[vector<16xi32>, vector<16xi32>], vector<16xf32>,
      %add3A_505 = arith.constant 23 : i32
      %add3A_506 = vector.broadcast %add3A_505 : i32 to vector<16xi32>
      %add3A_507 = arith.addi %shift_left3A_141, %add3A_506 : vector<16xi32>
      %gather3A_508 = tpu.vector_load_idx %arg22[%add3A_124, %add3A_507] : memref<128x128xf32, #tpu.memory_space<vmem>>[vector<16xi32>, vector<16xi32>], vector<16xf32>,
      %add3A_509 = arith.constant 23 : i32
      %add3A_510 = vector.broadcast %add3A_509 : i32 to vector<16xi32>
      %add3A_511 = arith.addi %shift_left3A_149, %add3A_510 : vector<16xi32>
      %gather3A_512 = tpu.vector_load_idx %arg23[%add3A_124, %add3A_511] : memref<128x128xf32, #tpu.memory_space<vmem>>[vector<16xi32>, vector<16xi32>], vector<16xf32>,
      %mul3A_513 = arith.mulf %gather3A_504, %gather3A_508 : vector<16xf32>
      %mul3A_514 = arith.mulf %mul3A_513, %gather3A_512 : vector<16xf32>
      %add3A_515 = arith.addf %add3A_455, %mul3A_514 : vector<16xf32>
      %add3A_516 = arith.constant 24 : i32
      %add3A_517 = vector.broadcast %add3A_516 : i32 to vector<16xi32>
      %add3A_518 = arith.addi %shift_left3A_133, %add3A_517 : vector<16xi32>
      %gather3A_519 = tpu.vector_load_idx %arg21[%add3A_124, %add3A_518] : memref<128x128xf32, #tpu.memory_space<vmem>>[vector<16xi32>, vector<16xi32>], vector<16xf32>,
      %add3A_520 = arith.constant 24 : i32
      %add3A_521 = vector.broadcast %add3A_520 : i32 to vector<16xi32>
      %add3A_522 = arith.addi %shift_left3A_141, %add3A_521 : vector<16xi32>
      %gather3A_523 = tpu.vector_load_idx %arg22[%add3A_124, %add3A_522] : memref<128x128xf32, #tpu.memory_space<vmem>>[vector<16xi32>, vector<16xi32>], vector<16xf32>,
      %add3A_524 = arith.constant 24 : i32
      %add3A_525 = vector.broadcast %add3A_524 : i32 to vector<16xi32>
      %add3A_526 = arith.addi %shift_left3A_149, %add3A_525 : vector<16xi32>
      %gather3A_527 = tpu.vector_load_idx %arg23[%add3A_124, %add3A_526] : memref<128x128xf32, #tpu.memory_space<vmem>>[vector<16xi32>, vector<16xi32>], vector<16xf32>,
      %mul3A_528 = arith.mulf %gather3A_519, %gather3A_523 : vector<16xf32>
      %mul3A_529 = arith.mulf %mul3A_528, %gather3A_527 : vector<16xf32>
      %add3A_530 = arith.addf %add3A_470, %mul3A_529 : vector<16xf32>
      %add3A_531 = arith.constant 25 : i32
      %add3A_532 = vector.broadcast %add3A_531 : i32 to vector<16xi32>
      %add3A_533 = arith.addi %shift_left3A_133, %add3A_532 : vector<16xi32>
      %gather3A_534 = tpu.vector_load_idx %arg21[%add3A_124, %add3A_533] : memref<128x128xf32, #tpu.memory_space<vmem>>[vector<16xi32>, vector<16xi32>], vector<16xf32>,
      %add3A_535 = arith.constant 25 : i32
      %add3A_536 = vector.broadcast %add3A_535 : i32 to vector<16xi32>
      %add3A_537 = arith.addi %shift_left3A_141, %add3A_536 : vector<16xi32>
      %gather3A_538 = tpu.vector_load_idx %arg22[%add3A_124, %add3A_537] : memref<128x128xf32, #tpu.memory_space<vmem>>[vector<16xi32>, vector<16xi32>], vector<16xf32>,
      %add3A_539 = arith.constant 25 : i32
      %add3A_540 = vector.broadcast %add3A_539 : i32 to vector<16xi32>
      %add3A_541 = arith.addi %shift_left3A_149, %add3A_540 : vector<16xi32>
      %gather3A_542 = tpu.vector_load_idx %arg23[%add3A_124, %add3A_541] : memref<128x128xf32, #tpu.memory_space<vmem>>[vector<16xi32>, vector<16xi32>], vector<16xf32>,
      %mul3A_543 = arith.mulf %gather3A_534, %gather3A_538 : vector<16xf32>
      %mul3A_544 = arith.mulf %mul3A_543, %gather3A_542 : vector<16xf32>
      %add3A_545 = arith.addf %add3A_485, %mul3A_544 : vector<16xf32>
      %add3A_546 = arith.constant 26 : i32
      %add3A_547 = vector.broadcast %add3A_546 : i32 to vector<16xi32>
      %add3A_548 = arith.addi %shift_left3A_133, %add3A_547 : vector<16xi32>
      %gather3A_549 = tpu.vector_load_idx %arg21[%add3A_124, %add3A_548] : memref<128x128xf32, #tpu.memory_space<vmem>>[vector<16xi32>, vector<16xi32>], vector<16xf32>,
      %add3A_550 = arith.constant 26 : i32
      %add3A_551 = vector.broadcast %add3A_550 : i32 to vector<16xi32>
      %add3A_552 = arith.addi %shift_left3A_141, %add3A_551 : vector<16xi32>
      %gather3A_553 = tpu.vector_load_idx %arg22[%add3A_124, %add3A_552] : memref<128x128xf32, #tpu.memory_space<vmem>>[vector<16xi32>, vector<16xi32>], vector<16xf32>,
      %add3A_554 = arith.constant 26 : i32
      %add3A_555 = vector.broadcast %add3A_554 : i32 to vector<16xi32>
      %add3A_556 = arith.addi %shift_left3A_149, %add3A_555 : vector<16xi32>
      %gather3A_557 = tpu.vector_load_idx %arg23[%add3A_124, %add3A_556] : memref<128x128xf32, #tpu.memory_space<vmem>>[vector<16xi32>, vector<16xi32>], vector<16xf32>,
      %mul3A_558 = arith.mulf %gather3A_549, %gather3A_553 : vector<16xf32>
      %mul3A_559 = arith.mulf %mul3A_558, %gather3A_557 : vector<16xf32>
      %add3A_560 = arith.addf %add3A_500, %mul3A_559 : vector<16xf32>
      %add3A_561 = arith.constant 27 : i32
      %add3A_562 = vector.broadcast %add3A_561 : i32 to vector<16xi32>
      %add3A_563 = arith.addi %shift_left3A_133, %add3A_562 : vector<16xi32>
      %gather3A_564 = tpu.vector_load_idx %arg21[%add3A_124, %add3A_563] : memref<128x128xf32, #tpu.memory_space<vmem>>[vector<16xi32>, vector<16xi32>], vector<16xf32>,
      %add3A_565 = arith.constant 27 : i32
      %add3A_566 = vector.broadcast %add3A_565 : i32 to vector<16xi32>
      %add3A_567 = arith.addi %shift_left3A_141, %add3A_566 : vector<16xi32>
      %gather3A_568 = tpu.vector_load_idx %arg22[%add3A_124, %add3A_567] : memref<128x128xf32, #tpu.memory_space<vmem>>[vector<16xi32>, vector<16xi32>], vector<16xf32>,
      %add3A_569 = arith.constant 27 : i32
      %add3A_570 = vector.broadcast %add3A_569 : i32 to vector<16xi32>
      %add3A_571 = arith.addi %shift_left3A_149, %add3A_570 : vector<16xi32>
      %gather3A_572 = tpu.vector_load_idx %arg23[%add3A_124, %add3A_571] : memref<128x128xf32, #tpu.memory_space<vmem>>[vector<16xi32>, vector<16xi32>], vector<16xf32>,
      %mul3A_573 = arith.mulf %gather3A_564, %gather3A_568 : vector<16xf32>
      %mul3A_574 = arith.mulf %mul3A_573, %gather3A_572 : vector<16xf32>
      %add3A_575 = arith.addf %add3A_515, %mul3A_574 : vector<16xf32>
      %add3A_576 = arith.constant 28 : i32
      %add3A_577 = vector.broadcast %add3A_576 : i32 to vector<16xi32>
      %add3A_578 = arith.addi %shift_left3A_133, %add3A_577 : vector<16xi32>
      %gather3A_579 = tpu.vector_load_idx %arg21[%add3A_124, %add3A_578] : memref<128x128xf32, #tpu.memory_space<vmem>>[vector<16xi32>, vector<16xi32>], vector<16xf32>,
      %add3A_580 = arith.constant 28 : i32
      %add3A_581 = vector.broadcast %add3A_580 : i32 to vector<16xi32>
      %add3A_582 = arith.addi %shift_left3A_141, %add3A_581 : vector<16xi32>
      %gather3A_583 = tpu.vector_load_idx %arg22[%add3A_124, %add3A_582] : memref<128x128xf32, #tpu.memory_space<vmem>>[vector<16xi32>, vector<16xi32>], vector<16xf32>,
      %add3A_584 = arith.constant 28 : i32
      %add3A_585 = vector.broadcast %add3A_584 : i32 to vector<16xi32>
      %add3A_586 = arith.addi %shift_left3A_149, %add3A_585 : vector<16xi32>
      %gather3A_587 = tpu.vector_load_idx %arg23[%add3A_124, %add3A_586] : memref<128x128xf32, #tpu.memory_space<vmem>>[vector<16xi32>, vector<16xi32>], vector<16xf32>,
      %mul3A_588 = arith.mulf %gather3A_579, %gather3A_583 : vector<16xf32>
      %mul3A_589 = arith.mulf %mul3A_588, %gather3A_587 : vector<16xf32>
      %add3A_590 = arith.addf %add3A_530, %mul3A_589 : vector<16xf32>
      %add3A_591 = arith.constant 29 : i32
      %add3A_592 = vector.broadcast %add3A_591 : i32 to vector<16xi32>
      %add3A_593 = arith.addi %shift_left3A_133, %add3A_592 : vector<16xi32>
      %gather3A_594 = tpu.vector_load_idx %arg21[%add3A_124, %add3A_593] : memref<128x128xf32, #tpu.memory_space<vmem>>[vector<16xi32>, vector<16xi32>], vector<16xf32>,
      %add3A_595 = arith.constant 29 : i32
      %add3A_596 = vector.broadcast %add3A_595 : i32 to vector<16xi32>
      %add3A_597 = arith.addi %shift_left3A_141, %add3A_596 : vector<16xi32>
      %gather3A_598 = tpu.vector_load_idx %arg22[%add3A_124, %add3A_597] : memref<128x128xf32, #tpu.memory_space<vmem>>[vector<16xi32>, vector<16xi32>], vector<16xf32>,
      %add3A_599 = arith.constant 29 : i32
      %add3A_600 = vector.broadcast %add3A_599 : i32 to vector<16xi32>
      %add3A_601 = arith.addi %shift_left3A_149, %add3A_600 : vector<16xi32>
      %gather3A_602 = tpu.vector_load_idx %arg23[%add3A_124, %add3A_601] : memref<128x128xf32, #tpu.memory_space<vmem>>[vector<16xi32>, vector<16xi32>], vector<16xf32>,
      %mul3A_603 = arith.mulf %gather3A_594, %gather3A_598 : vector<16xf32>
      %mul3A_604 = arith.mulf %mul3A_603, %gather3A_602 : vector<16xf32>
      %add3A_605 = arith.addf %add3A_545, %mul3A_604 : vector<16xf32>
      %add3A_606 = arith.constant 30 : i32
      %add3A_607 = vector.broadcast %add3A_606 : i32 to vector<16xi32>
      %add3A_608 = arith.addi %shift_left3A_133, %add3A_607 : vector<16xi32>
      %gather3A_609 = tpu.vector_load_idx %arg21[%add3A_124, %add3A_608] : memref<128x128xf32, #tpu.memory_space<vmem>>[vector<16xi32>, vector<16xi32>], vector<16xf32>,
      %add3A_610 = arith.constant 30 : i32
      %add3A_611 = vector.broadcast %add3A_610 : i32 to vector<16xi32>
      %add3A_612 = arith.addi %shift_left3A_141, %add3A_611 : vector<16xi32>
      %gather3A_613 = tpu.vector_load_idx %arg22[%add3A_124, %add3A_612] : memref<128x128xf32, #tpu.memory_space<vmem>>[vector<16xi32>, vector<16xi32>], vector<16xf32>,
      %add3A_614 = arith.constant 30 : i32
      %add3A_615 = vector.broadcast %add3A_614 : i32 to vector<16xi32>
      %add3A_616 = arith.addi %shift_left3A_149, %add3A_615 : vector<16xi32>
      %gather3A_617 = tpu.vector_load_idx %arg23[%add3A_124, %add3A_616] : memref<128x128xf32, #tpu.memory_space<vmem>>[vector<16xi32>, vector<16xi32>], vector<16xf32>,
      %mul3A_618 = arith.mulf %gather3A_609, %gather3A_613 : vector<16xf32>
      %mul3A_619 = arith.mulf %mul3A_618, %gather3A_617 : vector<16xf32>
      %add3A_620 = arith.addf %add3A_560, %mul3A_619 : vector<16xf32>
      %add3A_621 = arith.constant 31 : i32
      %add3A_622 = vector.broadcast %add3A_621 : i32 to vector<16xi32>
      %add3A_623 = arith.addi %shift_left3A_133, %add3A_622 : vector<16xi32>
      %gather3A_624 = tpu.vector_load_idx %arg21[%add3A_124, %add3A_623] : memref<128x128xf32, #tpu.memory_space<vmem>>[vector<16xi32>, vector<16xi32>], vector<16xf32>,
      %add3A_625 = arith.constant 31 : i32
      %add3A_626 = vector.broadcast %add3A_625 : i32 to vector<16xi32>
      %add3A_627 = arith.addi %shift_left3A_141, %add3A_626 : vector<16xi32>
      %gather3A_628 = tpu.vector_load_idx %arg22[%add3A_124, %add3A_627] : memref<128x128xf32, #tpu.memory_space<vmem>>[vector<16xi32>, vector<16xi32>], vector<16xf32>,
      %add3A_629 = arith.constant 31 : i32
      %add3A_630 = vector.broadcast %add3A_629 : i32 to vector<16xi32>
      %add3A_631 = arith.addi %shift_left3A_149, %add3A_630 : vector<16xi32>
      %gather3A_632 = tpu.vector_load_idx %arg23[%add3A_124, %add3A_631] : memref<128x128xf32, #tpu.memory_space<vmem>>[vector<16xi32>, vector<16xi32>], vector<16xf32>,
      %mul3A_633 = arith.mulf %gather3A_624, %gather3A_628 : vector<16xf32>
      %mul3A_634 = arith.mulf %mul3A_633, %gather3A_632 : vector<16xf32>
      %add3A_635 = arith.addf %add3A_575, %mul3A_634 : vector<16xf32>
      %add3A_636 = arith.addf %add3A_590, %add3A_605 : vector<16xf32>
      %add3A_637 = arith.addf %add3A_620, %add3A_635 : vector<16xf32>
      %add3A_638 = arith.addf %add3A_636, %add3A_637 : vector<16xf32>
      %swap3A = arith.index_cast %add3A_128 : i32 to index
      %swap3A_639 = tpu.vector_load %arg24[%swap3A] {strides = array<i32>} : memref<512xf32, #tpu.memory_space<vmem>>, vector<16xf32>,
      tpu.vector_store %arg24[%swap3A], %add3A_638 {strides = array<i32>} : memref<512xf32, #tpu.memory_space<vmem>>, vector<16xf32>,
    }
    %scan3A_74 = arith.constant 8 : i32
    %dma_wait3A_75 = arith.constant 0 : i32
    %dma_wait3A_76 = arith.constant 0 : i32
    %dma_wait3A_77 = tpu.memref_slice %arg5[%dma_wait3A_75, %dma_wait3A_76] : memref<25000x128xf32, #tpu.memory_space<hbm>> -> memref<25000x128xf32, #tpu.memory_space<hbm>>
    tpu.wait_indirect_dma semaphore(%arg25 : memref<!tpu.dma_semaphore, #tpu.memory_space<semaphore_mem>>) src(%dma_wait3A_77 : memref<25000x128xf32, #tpu.memory_space<hbm>>) dst(%arg18 : memref<128x128xf32, #tpu.memory_space<vmem>>)
    %dma_wait3A_78 = arith.constant 0 : i32
    %dma_wait3A_79 = arith.constant 0 : i32
    %dma_wait3A_80 = tpu.memref_slice %arg6[%dma_wait3A_78, %dma_wait3A_79] : memref<25000x128xf32, #tpu.memory_space<hbm>> -> memref<25000x128xf32, #tpu.memory_space<hbm>>
    tpu.wait_indirect_dma semaphore(%arg26 : memref<!tpu.dma_semaphore, #tpu.memory_space<semaphore_mem>>) src(%dma_wait3A_80 : memref<25000x128xf32, #tpu.memory_space<hbm>>) dst(%arg19 : memref<128x128xf32, #tpu.memory_space<vmem>>)
    %dma_wait3A_81 = arith.constant 0 : i32
    %dma_wait3A_82 = arith.constant 0 : i32
    %dma_wait3A_83 = tpu.memref_slice %arg7[%dma_wait3A_81, %dma_wait3A_82] : memref<25000x128xf32, #tpu.memory_space<hbm>> -> memref<25000x128xf32, #tpu.memory_space<hbm>>
    tpu.wait_indirect_dma semaphore(%arg27 : memref<!tpu.dma_semaphore, #tpu.memory_space<semaphore_mem>>) src(%dma_wait3A_83 : memref<25000x128xf32, #tpu.memory_space<hbm>>) dst(%arg20 : memref<128x128xf32, #tpu.memory_space<vmem>>)
    %scan3A_84 = arith.constant 0 : i32
    %scan3A_85 = arith.constant 0 : i32
    %scan3A_86 = arith.constant 8 : i32
    %scan3A_87 = arith.addi %scan3A_85, %scan3A_86 : i32
    %scan3A_88 = arith.constant 1 : i32
    scf.for %scan3A_120 = %scan3A_85 to %scan3A_87 step %scan3A_88  : i32 {
      %mul3A_121 = arith.constant 16 : i32
      %mul3A_122 = arith.muli %scan3A_120, %mul3A_121 : i32
      %add3A_123 = arith.constant 384 : i32
      %add3A_124 = arith.addi %add3A_123, %mul3A_122 : i32
      %mul3A_125 = arith.constant 16 : i32
      %mul3A_126 = arith.muli %scan3A_120, %mul3A_125 : i32
      %get3A = arith.index_cast %add3A_124 : i32 to index
      %get3A_127 = tpu.vector_load %arg9[%get3A] {strides = array<i32>} : memref<512xi32, #tpu.memory_space<vmem>>, vector<16xi32>,
      %shift_right_logical3A = arith.constant 2 : i32
      %shift_right_logical3A_128 = vector.broadcast %shift_right_logical3A : i32 to vector<16xi32>
      %shift_right_logical3A_129 = arith.shrui %get3A_127, %shift_right_logical3A_128 : vector<16xi32>
      %swap3A = arith.index_cast %mul3A_126 : i32 to index
      %swap3A_130 = tpu.vector_load %arg15[%swap3A] {strides = array<i32>} : memref<128xi32, #tpu.memory_space<vmem>>, vector<16xi32>,
      tpu.vector_store %arg15[%swap3A], %shift_right_logical3A_129 {strides = array<i32>} : memref<128xi32, #tpu.memory_space<vmem>>, vector<16xi32>,
      %get3A_131 = arith.index_cast %add3A_124 : i32 to index
      %get3A_132 = tpu.vector_load %arg10[%get3A_131] {strides = array<i32>} : memref<512xi32, #tpu.memory_space<vmem>>, vector<16xi32>,
      %shift_right_logical3A_133 = arith.constant 2 : i32
      %shift_right_logical3A_134 = vector.broadcast %shift_right_logical3A_133 : i32 to vector<16xi32>
      %shift_right_logical3A_135 = arith.shrui %get3A_132, %shift_right_logical3A_134 : vector<16xi32>
      %swap3A_136 = arith.index_cast %mul3A_126 : i32 to index
      %swap3A_137 = tpu.vector_load %arg16[%swap3A_136] {strides = array<i32>} : memref<128xi32, #tpu.memory_space<vmem>>, vector<16xi32>,
      tpu.vector_store %arg16[%swap3A_136], %shift_right_logical3A_135 {strides = array<i32>} : memref<128xi32, #tpu.memory_space<vmem>>, vector<16xi32>,
      %get3A_138 = arith.index_cast %add3A_124 : i32 to index
      %get3A_139 = tpu.vector_load %arg11[%get3A_138] {strides = array<i32>} : memref<512xi32, #tpu.memory_space<vmem>>, vector<16xi32>,
      %shift_right_logical3A_140 = arith.constant 2 : i32
      %shift_right_logical3A_141 = vector.broadcast %shift_right_logical3A_140 : i32 to vector<16xi32>
      %shift_right_logical3A_142 = arith.shrui %get3A_139, %shift_right_logical3A_141 : vector<16xi32>
      %swap3A_143 = arith.index_cast %mul3A_126 : i32 to index
      %swap3A_144 = tpu.vector_load %arg17[%swap3A_143] {strides = array<i32>} : memref<128xi32, #tpu.memory_space<vmem>>, vector<16xi32>,
      tpu.vector_store %arg17[%swap3A_143], %shift_right_logical3A_142 {strides = array<i32>} : memref<128xi32, #tpu.memory_space<vmem>>, vector<16xi32>,
    }
    %scan3A_89 = arith.constant 8 : i32
    %dma_start3A_90 = arith.constant 0 : i32
    %dma_start3A_91 = arith.constant 0 : i32
    %dma_start3A_92 = tpu.memref_slice %arg5[%dma_start3A_90, %dma_start3A_91] : memref<25000x128xf32, #tpu.memory_space<hbm>> -> memref<25000x128xf32, #tpu.memory_space<hbm>>
    tpu.enqueue_indirect_dma source(%dma_start3A_92 : memref<25000x128xf32, #tpu.memory_space<hbm>>) target(%arg21 : memref<128x128xf32, #tpu.memory_space<vmem>>) offsets(%arg15 : memref<128xi32, #tpu.memory_space<vmem>>) semaphore(%arg28 : memref<!tpu.dma_semaphore, #tpu.memory_space<semaphore_mem>>)
    %dma_start3A_93 = arith.constant 0 : i32
    %dma_start3A_94 = arith.constant 0 : i32
    %dma_start3A_95 = tpu.memref_slice %arg6[%dma_start3A_93, %dma_start3A_94] : memref<25000x128xf32, #tpu.memory_space<hbm>> -> memref<25000x128xf32, #tpu.memory_space<hbm>>
    tpu.enqueue_indirect_dma source(%dma_start3A_95 : memref<25000x128xf32, #tpu.memory_space<hbm>>) target(%arg22 : memref<128x128xf32, #tpu.memory_space<vmem>>) offsets(%arg16 : memref<128xi32, #tpu.memory_space<vmem>>) semaphore(%arg29 : memref<!tpu.dma_semaphore, #tpu.memory_space<semaphore_mem>>)
    %dma_start3A_96 = arith.constant 0 : i32
    %dma_start3A_97 = arith.constant 0 : i32
    %dma_start3A_98 = tpu.memref_slice %arg7[%dma_start3A_96, %dma_start3A_97] : memref<25000x128xf32, #tpu.memory_space<hbm>> -> memref<25000x128xf32, #tpu.memory_space<hbm>>
    tpu.enqueue_indirect_dma source(%dma_start3A_98 : memref<25000x128xf32, #tpu.memory_space<hbm>>) target(%arg23 : memref<128x128xf32, #tpu.memory_space<vmem>>) offsets(%arg17 : memref<128xi32, #tpu.memory_space<vmem>>) semaphore(%arg30 : memref<!tpu.dma_semaphore, #tpu.memory_space<semaphore_mem>>)
    %scan3A_99 = arith.constant 0 : i32
    %scan3A_100 = arith.constant 0 : i32
    %scan3A_101 = arith.constant 8 : i32
    %scan3A_102 = arith.addi %scan3A_100, %scan3A_101 : i32
    %scan3A_103 = arith.constant 1 : i32
    scf.for %scan3A_120 = %scan3A_100 to %scan3A_102 step %scan3A_103  : i32 {
      %mul3A_121 = arith.constant 16 : i32
      %mul3A_122 = arith.muli %scan3A_120, %mul3A_121 : i32
      %iota3A = tpu.iota {dimensions = array<i32: 0>} : vector<16xi32>
      %add3A_123 = vector.broadcast %mul3A_122 : i32 to vector<16xi32>
      %add3A_124 = arith.addi %add3A_123, %iota3A : vector<16xi32>
      %mul3A_125 = arith.constant 16 : i32
      %mul3A_126 = arith.muli %scan3A_120, %mul3A_125 : i32
      %add3A_127 = arith.constant 256 : i32
      %add3A_128 = arith.addi %add3A_127, %mul3A_126 : i32
      %get3A = arith.index_cast %add3A_128 : i32 to index
      %get3A_129 = tpu.vector_load %arg9[%get3A] {strides = array<i32>} : memref<512xi32, #tpu.memory_space<vmem>>, vector<16xi32>,
      %and3A = arith.constant 3 : i32
      %and3A_130 = vector.broadcast %and3A : i32 to vector<16xi32>
      %and3A_131 = arith.andi %get3A_129, %and3A_130 : vector<16xi32>
      %shift_left3A = arith.constant 5 : i32
      %shift_left3A_132 = vector.broadcast %shift_left3A : i32 to vector<16xi32>
      %shift_left3A_133 = arith.shli %and3A_131, %shift_left3A_132 : vector<16xi32>
      %get3A_134 = arith.index_cast %add3A_128 : i32 to index
      %get3A_135 = tpu.vector_load %arg10[%get3A_134] {strides = array<i32>} : memref<512xi32, #tpu.memory_space<vmem>>, vector<16xi32>,
      %and3A_136 = arith.constant 3 : i32
      %and3A_137 = vector.broadcast %and3A_136 : i32 to vector<16xi32>
      %and3A_138 = arith.andi %get3A_135, %and3A_137 : vector<16xi32>
      %shift_left3A_139 = arith.constant 5 : i32
      %shift_left3A_140 = vector.broadcast %shift_left3A_139 : i32 to vector<16xi32>
      %shift_left3A_141 = arith.shli %and3A_138, %shift_left3A_140 : vector<16xi32>
      %get3A_142 = arith.index_cast %add3A_128 : i32 to index
      %get3A_143 = tpu.vector_load %arg11[%get3A_142] {strides = array<i32>} : memref<512xi32, #tpu.memory_space<vmem>>, vector<16xi32>,
      %and3A_144 = arith.constant 3 : i32
      %and3A_145 = vector.broadcast %and3A_144 : i32 to vector<16xi32>
      %and3A_146 = arith.andi %get3A_143, %and3A_145 : vector<16xi32>
      %shift_left3A_147 = arith.constant 5 : i32
      %shift_left3A_148 = vector.broadcast %shift_left3A_147 : i32 to vector<16xi32>
      %shift_left3A_149 = arith.shli %and3A_146, %shift_left3A_148 : vector<16xi32>
      %broadcast_in_dim3A = arith.constant 0.000000e+00 : f32
      %broadcast_in_dim3A_150 = vector.broadcast %broadcast_in_dim3A : f32 to vector<16xf32>
      %broadcast_in_dim3A_151 = arith.constant 0.000000e+00 : f32
      %broadcast_in_dim3A_152 = vector.broadcast %broadcast_in_dim3A_151 : f32 to vector<16xf32>
      %broadcast_in_dim3A_153 = arith.constant 0.000000e+00 : f32
      %broadcast_in_dim3A_154 = vector.broadcast %broadcast_in_dim3A_153 : f32 to vector<16xf32>
      %broadcast_in_dim3A_155 = arith.constant 0.000000e+00 : f32
      %broadcast_in_dim3A_156 = vector.broadcast %broadcast_in_dim3A_155 : f32 to vector<16xf32>
      %add3A_157 = arith.constant 0 : i32
      %add3A_158 = vector.broadcast %add3A_157 : i32 to vector<16xi32>
      %add3A_159 = arith.addi %shift_left3A_133, %add3A_158 : vector<16xi32>
      %gather3A = tpu.vector_load_idx %arg18[%add3A_124, %add3A_159] : memref<128x128xf32, #tpu.memory_space<vmem>>[vector<16xi32>, vector<16xi32>], vector<16xf32>,
      %add3A_160 = arith.constant 0 : i32
      %add3A_161 = vector.broadcast %add3A_160 : i32 to vector<16xi32>
      %add3A_162 = arith.addi %shift_left3A_141, %add3A_161 : vector<16xi32>
      %gather3A_163 = tpu.vector_load_idx %arg19[%add3A_124, %add3A_162] : memref<128x128xf32, #tpu.memory_space<vmem>>[vector<16xi32>, vector<16xi32>], vector<16xf32>,
      %add3A_164 = arith.constant 0 : i32
      %add3A_165 = vector.broadcast %add3A_164 : i32 to vector<16xi32>
      %add3A_166 = arith.addi %shift_left3A_149, %add3A_165 : vector<16xi32>
      %gather3A_167 = tpu.vector_load_idx %arg20[%add3A_124, %add3A_166] : memref<128x128xf32, #tpu.memory_space<vmem>>[vector<16xi32>, vector<16xi32>], vector<16xf32>,
      %mul3A_168 = arith.mulf %gather3A, %gather3A_163 : vector<16xf32>
      %mul3A_169 = arith.mulf %mul3A_168, %gather3A_167 : vector<16xf32>
      %add3A_170 = arith.addf %broadcast_in_dim3A_150, %mul3A_169 : vector<16xf32>
      %add3A_171 = arith.constant 1 : i32
      %add3A_172 = vector.broadcast %add3A_171 : i32 to vector<16xi32>
      %add3A_173 = arith.addi %shift_left3A_133, %add3A_172 : vector<16xi32>
      %gather3A_174 = tpu.vector_load_idx %arg18[%add3A_124, %add3A_173] : memref<128x128xf32, #tpu.memory_space<vmem>>[vector<16xi32>, vector<16xi32>], vector<16xf32>,
      %add3A_175 = arith.constant 1 : i32
      %add3A_176 = vector.broadcast %add3A_175 : i32 to vector<16xi32>
      %add3A_177 = arith.addi %shift_left3A_141, %add3A_176 : vector<16xi32>
      %gather3A_178 = tpu.vector_load_idx %arg19[%add3A_124, %add3A_177] : memref<128x128xf32, #tpu.memory_space<vmem>>[vector<16xi32>, vector<16xi32>], vector<16xf32>,
      %add3A_179 = arith.constant 1 : i32
      %add3A_180 = vector.broadcast %add3A_179 : i32 to vector<16xi32>
      %add3A_181 = arith.addi %shift_left3A_149, %add3A_180 : vector<16xi32>
      %gather3A_182 = tpu.vector_load_idx %arg20[%add3A_124, %add3A_181] : memref<128x128xf32, #tpu.memory_space<vmem>>[vector<16xi32>, vector<16xi32>], vector<16xf32>,
      %mul3A_183 = arith.mulf %gather3A_174, %gather3A_178 : vector<16xf32>
      %mul3A_184 = arith.mulf %mul3A_183, %gather3A_182 : vector<16xf32>
      %add3A_185 = arith.addf %broadcast_in_dim3A_152, %mul3A_184 : vector<16xf32>
      %add3A_186 = arith.constant 2 : i32
      %add3A_187 = vector.broadcast %add3A_186 : i32 to vector<16xi32>
      %add3A_188 = arith.addi %shift_left3A_133, %add3A_187 : vector<16xi32>
      %gather3A_189 = tpu.vector_load_idx %arg18[%add3A_124, %add3A_188] : memref<128x128xf32, #tpu.memory_space<vmem>>[vector<16xi32>, vector<16xi32>], vector<16xf32>,
      %add3A_190 = arith.constant 2 : i32
      %add3A_191 = vector.broadcast %add3A_190 : i32 to vector<16xi32>
      %add3A_192 = arith.addi %shift_left3A_141, %add3A_191 : vector<16xi32>
      %gather3A_193 = tpu.vector_load_idx %arg19[%add3A_124, %add3A_192] : memref<128x128xf32, #tpu.memory_space<vmem>>[vector<16xi32>, vector<16xi32>], vector<16xf32>,
      %add3A_194 = arith.constant 2 : i32
      %add3A_195 = vector.broadcast %add3A_194 : i32 to vector<16xi32>
      %add3A_196 = arith.addi %shift_left3A_149, %add3A_195 : vector<16xi32>
      %gather3A_197 = tpu.vector_load_idx %arg20[%add3A_124, %add3A_196] : memref<128x128xf32, #tpu.memory_space<vmem>>[vector<16xi32>, vector<16xi32>], vector<16xf32>,
      %mul3A_198 = arith.mulf %gather3A_189, %gather3A_193 : vector<16xf32>
      %mul3A_199 = arith.mulf %mul3A_198, %gather3A_197 : vector<16xf32>
      %add3A_200 = arith.addf %broadcast_in_dim3A_154, %mul3A_199 : vector<16xf32>
      %add3A_201 = arith.constant 3 : i32
      %add3A_202 = vector.broadcast %add3A_201 : i32 to vector<16xi32>
      %add3A_203 = arith.addi %shift_left3A_133, %add3A_202 : vector<16xi32>
      %gather3A_204 = tpu.vector_load_idx %arg18[%add3A_124, %add3A_203] : memref<128x128xf32, #tpu.memory_space<vmem>>[vector<16xi32>, vector<16xi32>], vector<16xf32>,
      %add3A_205 = arith.constant 3 : i32
      %add3A_206 = vector.broadcast %add3A_205 : i32 to vector<16xi32>
      %add3A_207 = arith.addi %shift_left3A_141, %add3A_206 : vector<16xi32>
      %gather3A_208 = tpu.vector_load_idx %arg19[%add3A_124, %add3A_207] : memref<128x128xf32, #tpu.memory_space<vmem>>[vector<16xi32>, vector<16xi32>], vector<16xf32>,
      %add3A_209 = arith.constant 3 : i32
      %add3A_210 = vector.broadcast %add3A_209 : i32 to vector<16xi32>
      %add3A_211 = arith.addi %shift_left3A_149, %add3A_210 : vector<16xi32>
      %gather3A_212 = tpu.vector_load_idx %arg20[%add3A_124, %add3A_211] : memref<128x128xf32, #tpu.memory_space<vmem>>[vector<16xi32>, vector<16xi32>], vector<16xf32>,
      %mul3A_213 = arith.mulf %gather3A_204, %gather3A_208 : vector<16xf32>
      %mul3A_214 = arith.mulf %mul3A_213, %gather3A_212 : vector<16xf32>
      %add3A_215 = arith.addf %broadcast_in_dim3A_156, %mul3A_214 : vector<16xf32>
      %add3A_216 = arith.constant 4 : i32
      %add3A_217 = vector.broadcast %add3A_216 : i32 to vector<16xi32>
      %add3A_218 = arith.addi %shift_left3A_133, %add3A_217 : vector<16xi32>
      %gather3A_219 = tpu.vector_load_idx %arg18[%add3A_124, %add3A_218] : memref<128x128xf32, #tpu.memory_space<vmem>>[vector<16xi32>, vector<16xi32>], vector<16xf32>,
      %add3A_220 = arith.constant 4 : i32
      %add3A_221 = vector.broadcast %add3A_220 : i32 to vector<16xi32>
      %add3A_222 = arith.addi %shift_left3A_141, %add3A_221 : vector<16xi32>
      %gather3A_223 = tpu.vector_load_idx %arg19[%add3A_124, %add3A_222] : memref<128x128xf32, #tpu.memory_space<vmem>>[vector<16xi32>, vector<16xi32>], vector<16xf32>,
      %add3A_224 = arith.constant 4 : i32
      %add3A_225 = vector.broadcast %add3A_224 : i32 to vector<16xi32>
      %add3A_226 = arith.addi %shift_left3A_149, %add3A_225 : vector<16xi32>
      %gather3A_227 = tpu.vector_load_idx %arg20[%add3A_124, %add3A_226] : memref<128x128xf32, #tpu.memory_space<vmem>>[vector<16xi32>, vector<16xi32>], vector<16xf32>,
      %mul3A_228 = arith.mulf %gather3A_219, %gather3A_223 : vector<16xf32>
      %mul3A_229 = arith.mulf %mul3A_228, %gather3A_227 : vector<16xf32>
      %add3A_230 = arith.addf %add3A_170, %mul3A_229 : vector<16xf32>
      %add3A_231 = arith.constant 5 : i32
      %add3A_232 = vector.broadcast %add3A_231 : i32 to vector<16xi32>
      %add3A_233 = arith.addi %shift_left3A_133, %add3A_232 : vector<16xi32>
      %gather3A_234 = tpu.vector_load_idx %arg18[%add3A_124, %add3A_233] : memref<128x128xf32, #tpu.memory_space<vmem>>[vector<16xi32>, vector<16xi32>], vector<16xf32>,
      %add3A_235 = arith.constant 5 : i32
      %add3A_236 = vector.broadcast %add3A_235 : i32 to vector<16xi32>
      %add3A_237 = arith.addi %shift_left3A_141, %add3A_236 : vector<16xi32>
      %gather3A_238 = tpu.vector_load_idx %arg19[%add3A_124, %add3A_237] : memref<128x128xf32, #tpu.memory_space<vmem>>[vector<16xi32>, vector<16xi32>], vector<16xf32>,
      %add3A_239 = arith.constant 5 : i32
      %add3A_240 = vector.broadcast %add3A_239 : i32 to vector<16xi32>
      %add3A_241 = arith.addi %shift_left3A_149, %add3A_240 : vector<16xi32>
      %gather3A_242 = tpu.vector_load_idx %arg20[%add3A_124, %add3A_241] : memref<128x128xf32, #tpu.memory_space<vmem>>[vector<16xi32>, vector<16xi32>], vector<16xf32>,
      %mul3A_243 = arith.mulf %gather3A_234, %gather3A_238 : vector<16xf32>
      %mul3A_244 = arith.mulf %mul3A_243, %gather3A_242 : vector<16xf32>
      %add3A_245 = arith.addf %add3A_185, %mul3A_244 : vector<16xf32>
      %add3A_246 = arith.constant 6 : i32
      %add3A_247 = vector.broadcast %add3A_246 : i32 to vector<16xi32>
      %add3A_248 = arith.addi %shift_left3A_133, %add3A_247 : vector<16xi32>
      %gather3A_249 = tpu.vector_load_idx %arg18[%add3A_124, %add3A_248] : memref<128x128xf32, #tpu.memory_space<vmem>>[vector<16xi32>, vector<16xi32>], vector<16xf32>,
      %add3A_250 = arith.constant 6 : i32
      %add3A_251 = vector.broadcast %add3A_250 : i32 to vector<16xi32>
      %add3A_252 = arith.addi %shift_left3A_141, %add3A_251 : vector<16xi32>
      %gather3A_253 = tpu.vector_load_idx %arg19[%add3A_124, %add3A_252] : memref<128x128xf32, #tpu.memory_space<vmem>>[vector<16xi32>, vector<16xi32>], vector<16xf32>,
      %add3A_254 = arith.constant 6 : i32
      %add3A_255 = vector.broadcast %add3A_254 : i32 to vector<16xi32>
      %add3A_256 = arith.addi %shift_left3A_149, %add3A_255 : vector<16xi32>
      %gather3A_257 = tpu.vector_load_idx %arg20[%add3A_124, %add3A_256] : memref<128x128xf32, #tpu.memory_space<vmem>>[vector<16xi32>, vector<16xi32>], vector<16xf32>,
      %mul3A_258 = arith.mulf %gather3A_249, %gather3A_253 : vector<16xf32>
      %mul3A_259 = arith.mulf %mul3A_258, %gather3A_257 : vector<16xf32>
      %add3A_260 = arith.addf %add3A_200, %mul3A_259 : vector<16xf32>
      %add3A_261 = arith.constant 7 : i32
      %add3A_262 = vector.broadcast %add3A_261 : i32 to vector<16xi32>
      %add3A_263 = arith.addi %shift_left3A_133, %add3A_262 : vector<16xi32>
      %gather3A_264 = tpu.vector_load_idx %arg18[%add3A_124, %add3A_263] : memref<128x128xf32, #tpu.memory_space<vmem>>[vector<16xi32>, vector<16xi32>], vector<16xf32>,
      %add3A_265 = arith.constant 7 : i32
      %add3A_266 = vector.broadcast %add3A_265 : i32 to vector<16xi32>
      %add3A_267 = arith.addi %shift_left3A_141, %add3A_266 : vector<16xi32>
      %gather3A_268 = tpu.vector_load_idx %arg19[%add3A_124, %add3A_267] : memref<128x128xf32, #tpu.memory_space<vmem>>[vector<16xi32>, vector<16xi32>], vector<16xf32>,
      %add3A_269 = arith.constant 7 : i32
      %add3A_270 = vector.broadcast %add3A_269 : i32 to vector<16xi32>
      %add3A_271 = arith.addi %shift_left3A_149, %add3A_270 : vector<16xi32>
      %gather3A_272 = tpu.vector_load_idx %arg20[%add3A_124, %add3A_271] : memref<128x128xf32, #tpu.memory_space<vmem>>[vector<16xi32>, vector<16xi32>], vector<16xf32>,
      %mul3A_273 = arith.mulf %gather3A_264, %gather3A_268 : vector<16xf32>
      %mul3A_274 = arith.mulf %mul3A_273, %gather3A_272 : vector<16xf32>
      %add3A_275 = arith.addf %add3A_215, %mul3A_274 : vector<16xf32>
      %add3A_276 = arith.constant 8 : i32
      %add3A_277 = vector.broadcast %add3A_276 : i32 to vector<16xi32>
      %add3A_278 = arith.addi %shift_left3A_133, %add3A_277 : vector<16xi32>
      %gather3A_279 = tpu.vector_load_idx %arg18[%add3A_124, %add3A_278] : memref<128x128xf32, #tpu.memory_space<vmem>>[vector<16xi32>, vector<16xi32>], vector<16xf32>,
      %add3A_280 = arith.constant 8 : i32
      %add3A_281 = vector.broadcast %add3A_280 : i32 to vector<16xi32>
      %add3A_282 = arith.addi %shift_left3A_141, %add3A_281 : vector<16xi32>
      %gather3A_283 = tpu.vector_load_idx %arg19[%add3A_124, %add3A_282] : memref<128x128xf32, #tpu.memory_space<vmem>>[vector<16xi32>, vector<16xi32>], vector<16xf32>,
      %add3A_284 = arith.constant 8 : i32
      %add3A_285 = vector.broadcast %add3A_284 : i32 to vector<16xi32>
      %add3A_286 = arith.addi %shift_left3A_149, %add3A_285 : vector<16xi32>
      %gather3A_287 = tpu.vector_load_idx %arg20[%add3A_124, %add3A_286] : memref<128x128xf32, #tpu.memory_space<vmem>>[vector<16xi32>, vector<16xi32>], vector<16xf32>,
      %mul3A_288 = arith.mulf %gather3A_279, %gather3A_283 : vector<16xf32>
      %mul3A_289 = arith.mulf %mul3A_288, %gather3A_287 : vector<16xf32>
      %add3A_290 = arith.addf %add3A_230, %mul3A_289 : vector<16xf32>
      %add3A_291 = arith.constant 9 : i32
      %add3A_292 = vector.broadcast %add3A_291 : i32 to vector<16xi32>
      %add3A_293 = arith.addi %shift_left3A_133, %add3A_292 : vector<16xi32>
      %gather3A_294 = tpu.vector_load_idx %arg18[%add3A_124, %add3A_293] : memref<128x128xf32, #tpu.memory_space<vmem>>[vector<16xi32>, vector<16xi32>], vector<16xf32>,
      %add3A_295 = arith.constant 9 : i32
      %add3A_296 = vector.broadcast %add3A_295 : i32 to vector<16xi32>
      %add3A_297 = arith.addi %shift_left3A_141, %add3A_296 : vector<16xi32>
      %gather3A_298 = tpu.vector_load_idx %arg19[%add3A_124, %add3A_297] : memref<128x128xf32, #tpu.memory_space<vmem>>[vector<16xi32>, vector<16xi32>], vector<16xf32>,
      %add3A_299 = arith.constant 9 : i32
      %add3A_300 = vector.broadcast %add3A_299 : i32 to vector<16xi32>
      %add3A_301 = arith.addi %shift_left3A_149, %add3A_300 : vector<16xi32>
      %gather3A_302 = tpu.vector_load_idx %arg20[%add3A_124, %add3A_301] : memref<128x128xf32, #tpu.memory_space<vmem>>[vector<16xi32>, vector<16xi32>], vector<16xf32>,
      %mul3A_303 = arith.mulf %gather3A_294, %gather3A_298 : vector<16xf32>
      %mul3A_304 = arith.mulf %mul3A_303, %gather3A_302 : vector<16xf32>
      %add3A_305 = arith.addf %add3A_245, %mul3A_304 : vector<16xf32>
      %add3A_306 = arith.constant 10 : i32
      %add3A_307 = vector.broadcast %add3A_306 : i32 to vector<16xi32>
      %add3A_308 = arith.addi %shift_left3A_133, %add3A_307 : vector<16xi32>
      %gather3A_309 = tpu.vector_load_idx %arg18[%add3A_124, %add3A_308] : memref<128x128xf32, #tpu.memory_space<vmem>>[vector<16xi32>, vector<16xi32>], vector<16xf32>,
      %add3A_310 = arith.constant 10 : i32
      %add3A_311 = vector.broadcast %add3A_310 : i32 to vector<16xi32>
      %add3A_312 = arith.addi %shift_left3A_141, %add3A_311 : vector<16xi32>
      %gather3A_313 = tpu.vector_load_idx %arg19[%add3A_124, %add3A_312] : memref<128x128xf32, #tpu.memory_space<vmem>>[vector<16xi32>, vector<16xi32>], vector<16xf32>,
      %add3A_314 = arith.constant 10 : i32
      %add3A_315 = vector.broadcast %add3A_314 : i32 to vector<16xi32>
      %add3A_316 = arith.addi %shift_left3A_149, %add3A_315 : vector<16xi32>
      %gather3A_317 = tpu.vector_load_idx %arg20[%add3A_124, %add3A_316] : memref<128x128xf32, #tpu.memory_space<vmem>>[vector<16xi32>, vector<16xi32>], vector<16xf32>,
      %mul3A_318 = arith.mulf %gather3A_309, %gather3A_313 : vector<16xf32>
      %mul3A_319 = arith.mulf %mul3A_318, %gather3A_317 : vector<16xf32>
      %add3A_320 = arith.addf %add3A_260, %mul3A_319 : vector<16xf32>
      %add3A_321 = arith.constant 11 : i32
      %add3A_322 = vector.broadcast %add3A_321 : i32 to vector<16xi32>
      %add3A_323 = arith.addi %shift_left3A_133, %add3A_322 : vector<16xi32>
      %gather3A_324 = tpu.vector_load_idx %arg18[%add3A_124, %add3A_323] : memref<128x128xf32, #tpu.memory_space<vmem>>[vector<16xi32>, vector<16xi32>], vector<16xf32>,
      %add3A_325 = arith.constant 11 : i32
      %add3A_326 = vector.broadcast %add3A_325 : i32 to vector<16xi32>
      %add3A_327 = arith.addi %shift_left3A_141, %add3A_326 : vector<16xi32>
      %gather3A_328 = tpu.vector_load_idx %arg19[%add3A_124, %add3A_327] : memref<128x128xf32, #tpu.memory_space<vmem>>[vector<16xi32>, vector<16xi32>], vector<16xf32>,
      %add3A_329 = arith.constant 11 : i32
      %add3A_330 = vector.broadcast %add3A_329 : i32 to vector<16xi32>
      %add3A_331 = arith.addi %shift_left3A_149, %add3A_330 : vector<16xi32>
      %gather3A_332 = tpu.vector_load_idx %arg20[%add3A_124, %add3A_331] : memref<128x128xf32, #tpu.memory_space<vmem>>[vector<16xi32>, vector<16xi32>], vector<16xf32>,
      %mul3A_333 = arith.mulf %gather3A_324, %gather3A_328 : vector<16xf32>
      %mul3A_334 = arith.mulf %mul3A_333, %gather3A_332 : vector<16xf32>
      %add3A_335 = arith.addf %add3A_275, %mul3A_334 : vector<16xf32>
      %add3A_336 = arith.constant 12 : i32
      %add3A_337 = vector.broadcast %add3A_336 : i32 to vector<16xi32>
      %add3A_338 = arith.addi %shift_left3A_133, %add3A_337 : vector<16xi32>
      %gather3A_339 = tpu.vector_load_idx %arg18[%add3A_124, %add3A_338] : memref<128x128xf32, #tpu.memory_space<vmem>>[vector<16xi32>, vector<16xi32>], vector<16xf32>,
      %add3A_340 = arith.constant 12 : i32
      %add3A_341 = vector.broadcast %add3A_340 : i32 to vector<16xi32>
      %add3A_342 = arith.addi %shift_left3A_141, %add3A_341 : vector<16xi32>
      %gather3A_343 = tpu.vector_load_idx %arg19[%add3A_124, %add3A_342] : memref<128x128xf32, #tpu.memory_space<vmem>>[vector<16xi32>, vector<16xi32>], vector<16xf32>,
      %add3A_344 = arith.constant 12 : i32
      %add3A_345 = vector.broadcast %add3A_344 : i32 to vector<16xi32>
      %add3A_346 = arith.addi %shift_left3A_149, %add3A_345 : vector<16xi32>
      %gather3A_347 = tpu.vector_load_idx %arg20[%add3A_124, %add3A_346] : memref<128x128xf32, #tpu.memory_space<vmem>>[vector<16xi32>, vector<16xi32>], vector<16xf32>,
      %mul3A_348 = arith.mulf %gather3A_339, %gather3A_343 : vector<16xf32>
      %mul3A_349 = arith.mulf %mul3A_348, %gather3A_347 : vector<16xf32>
      %add3A_350 = arith.addf %add3A_290, %mul3A_349 : vector<16xf32>
      %add3A_351 = arith.constant 13 : i32
      %add3A_352 = vector.broadcast %add3A_351 : i32 to vector<16xi32>
      %add3A_353 = arith.addi %shift_left3A_133, %add3A_352 : vector<16xi32>
      %gather3A_354 = tpu.vector_load_idx %arg18[%add3A_124, %add3A_353] : memref<128x128xf32, #tpu.memory_space<vmem>>[vector<16xi32>, vector<16xi32>], vector<16xf32>,
      %add3A_355 = arith.constant 13 : i32
      %add3A_356 = vector.broadcast %add3A_355 : i32 to vector<16xi32>
      %add3A_357 = arith.addi %shift_left3A_141, %add3A_356 : vector<16xi32>
      %gather3A_358 = tpu.vector_load_idx %arg19[%add3A_124, %add3A_357] : memref<128x128xf32, #tpu.memory_space<vmem>>[vector<16xi32>, vector<16xi32>], vector<16xf32>,
      %add3A_359 = arith.constant 13 : i32
      %add3A_360 = vector.broadcast %add3A_359 : i32 to vector<16xi32>
      %add3A_361 = arith.addi %shift_left3A_149, %add3A_360 : vector<16xi32>
      %gather3A_362 = tpu.vector_load_idx %arg20[%add3A_124, %add3A_361] : memref<128x128xf32, #tpu.memory_space<vmem>>[vector<16xi32>, vector<16xi32>], vector<16xf32>,
      %mul3A_363 = arith.mulf %gather3A_354, %gather3A_358 : vector<16xf32>
      %mul3A_364 = arith.mulf %mul3A_363, %gather3A_362 : vector<16xf32>
      %add3A_365 = arith.addf %add3A_305, %mul3A_364 : vector<16xf32>
      %add3A_366 = arith.constant 14 : i32
      %add3A_367 = vector.broadcast %add3A_366 : i32 to vector<16xi32>
      %add3A_368 = arith.addi %shift_left3A_133, %add3A_367 : vector<16xi32>
      %gather3A_369 = tpu.vector_load_idx %arg18[%add3A_124, %add3A_368] : memref<128x128xf32, #tpu.memory_space<vmem>>[vector<16xi32>, vector<16xi32>], vector<16xf32>,
      %add3A_370 = arith.constant 14 : i32
      %add3A_371 = vector.broadcast %add3A_370 : i32 to vector<16xi32>
      %add3A_372 = arith.addi %shift_left3A_141, %add3A_371 : vector<16xi32>
      %gather3A_373 = tpu.vector_load_idx %arg19[%add3A_124, %add3A_372] : memref<128x128xf32, #tpu.memory_space<vmem>>[vector<16xi32>, vector<16xi32>], vector<16xf32>,
      %add3A_374 = arith.constant 14 : i32
      %add3A_375 = vector.broadcast %add3A_374 : i32 to vector<16xi32>
      %add3A_376 = arith.addi %shift_left3A_149, %add3A_375 : vector<16xi32>
      %gather3A_377 = tpu.vector_load_idx %arg20[%add3A_124, %add3A_376] : memref<128x128xf32, #tpu.memory_space<vmem>>[vector<16xi32>, vector<16xi32>], vector<16xf32>,
      %mul3A_378 = arith.mulf %gather3A_369, %gather3A_373 : vector<16xf32>
      %mul3A_379 = arith.mulf %mul3A_378, %gather3A_377 : vector<16xf32>
      %add3A_380 = arith.addf %add3A_320, %mul3A_379 : vector<16xf32>
      %add3A_381 = arith.constant 15 : i32
      %add3A_382 = vector.broadcast %add3A_381 : i32 to vector<16xi32>
      %add3A_383 = arith.addi %shift_left3A_133, %add3A_382 : vector<16xi32>
      %gather3A_384 = tpu.vector_load_idx %arg18[%add3A_124, %add3A_383] : memref<128x128xf32, #tpu.memory_space<vmem>>[vector<16xi32>, vector<16xi32>], vector<16xf32>,
      %add3A_385 = arith.constant 15 : i32
      %add3A_386 = vector.broadcast %add3A_385 : i32 to vector<16xi32>
      %add3A_387 = arith.addi %shift_left3A_141, %add3A_386 : vector<16xi32>
      %gather3A_388 = tpu.vector_load_idx %arg19[%add3A_124, %add3A_387] : memref<128x128xf32, #tpu.memory_space<vmem>>[vector<16xi32>, vector<16xi32>], vector<16xf32>,
      %add3A_389 = arith.constant 15 : i32
      %add3A_390 = vector.broadcast %add3A_389 : i32 to vector<16xi32>
      %add3A_391 = arith.addi %shift_left3A_149, %add3A_390 : vector<16xi32>
      %gather3A_392 = tpu.vector_load_idx %arg20[%add3A_124, %add3A_391] : memref<128x128xf32, #tpu.memory_space<vmem>>[vector<16xi32>, vector<16xi32>], vector<16xf32>,
      %mul3A_393 = arith.mulf %gather3A_384, %gather3A_388 : vector<16xf32>
      %mul3A_394 = arith.mulf %mul3A_393, %gather3A_392 : vector<16xf32>
      %add3A_395 = arith.addf %add3A_335, %mul3A_394 : vector<16xf32>
      %add3A_396 = arith.constant 16 : i32
      %add3A_397 = vector.broadcast %add3A_396 : i32 to vector<16xi32>
      %add3A_398 = arith.addi %shift_left3A_133, %add3A_397 : vector<16xi32>
      %gather3A_399 = tpu.vector_load_idx %arg18[%add3A_124, %add3A_398] : memref<128x128xf32, #tpu.memory_space<vmem>>[vector<16xi32>, vector<16xi32>], vector<16xf32>,
      %add3A_400 = arith.constant 16 : i32
      %add3A_401 = vector.broadcast %add3A_400 : i32 to vector<16xi32>
      %add3A_402 = arith.addi %shift_left3A_141, %add3A_401 : vector<16xi32>
      %gather3A_403 = tpu.vector_load_idx %arg19[%add3A_124, %add3A_402] : memref<128x128xf32, #tpu.memory_space<vmem>>[vector<16xi32>, vector<16xi32>], vector<16xf32>,
      %add3A_404 = arith.constant 16 : i32
      %add3A_405 = vector.broadcast %add3A_404 : i32 to vector<16xi32>
      %add3A_406 = arith.addi %shift_left3A_149, %add3A_405 : vector<16xi32>
      %gather3A_407 = tpu.vector_load_idx %arg20[%add3A_124, %add3A_406] : memref<128x128xf32, #tpu.memory_space<vmem>>[vector<16xi32>, vector<16xi32>], vector<16xf32>,
      %mul3A_408 = arith.mulf %gather3A_399, %gather3A_403 : vector<16xf32>
      %mul3A_409 = arith.mulf %mul3A_408, %gather3A_407 : vector<16xf32>
      %add3A_410 = arith.addf %add3A_350, %mul3A_409 : vector<16xf32>
      %add3A_411 = arith.constant 17 : i32
      %add3A_412 = vector.broadcast %add3A_411 : i32 to vector<16xi32>
      %add3A_413 = arith.addi %shift_left3A_133, %add3A_412 : vector<16xi32>
      %gather3A_414 = tpu.vector_load_idx %arg18[%add3A_124, %add3A_413] : memref<128x128xf32, #tpu.memory_space<vmem>>[vector<16xi32>, vector<16xi32>], vector<16xf32>,
      %add3A_415 = arith.constant 17 : i32
      %add3A_416 = vector.broadcast %add3A_415 : i32 to vector<16xi32>
      %add3A_417 = arith.addi %shift_left3A_141, %add3A_416 : vector<16xi32>
      %gather3A_418 = tpu.vector_load_idx %arg19[%add3A_124, %add3A_417] : memref<128x128xf32, #tpu.memory_space<vmem>>[vector<16xi32>, vector<16xi32>], vector<16xf32>,
      %add3A_419 = arith.constant 17 : i32
      %add3A_420 = vector.broadcast %add3A_419 : i32 to vector<16xi32>
      %add3A_421 = arith.addi %shift_left3A_149, %add3A_420 : vector<16xi32>
      %gather3A_422 = tpu.vector_load_idx %arg20[%add3A_124, %add3A_421] : memref<128x128xf32, #tpu.memory_space<vmem>>[vector<16xi32>, vector<16xi32>], vector<16xf32>,
      %mul3A_423 = arith.mulf %gather3A_414, %gather3A_418 : vector<16xf32>
      %mul3A_424 = arith.mulf %mul3A_423, %gather3A_422 : vector<16xf32>
      %add3A_425 = arith.addf %add3A_365, %mul3A_424 : vector<16xf32>
      %add3A_426 = arith.constant 18 : i32
      %add3A_427 = vector.broadcast %add3A_426 : i32 to vector<16xi32>
      %add3A_428 = arith.addi %shift_left3A_133, %add3A_427 : vector<16xi32>
      %gather3A_429 = tpu.vector_load_idx %arg18[%add3A_124, %add3A_428] : memref<128x128xf32, #tpu.memory_space<vmem>>[vector<16xi32>, vector<16xi32>], vector<16xf32>,
      %add3A_430 = arith.constant 18 : i32
      %add3A_431 = vector.broadcast %add3A_430 : i32 to vector<16xi32>
      %add3A_432 = arith.addi %shift_left3A_141, %add3A_431 : vector<16xi32>
      %gather3A_433 = tpu.vector_load_idx %arg19[%add3A_124, %add3A_432] : memref<128x128xf32, #tpu.memory_space<vmem>>[vector<16xi32>, vector<16xi32>], vector<16xf32>,
      %add3A_434 = arith.constant 18 : i32
      %add3A_435 = vector.broadcast %add3A_434 : i32 to vector<16xi32>
      %add3A_436 = arith.addi %shift_left3A_149, %add3A_435 : vector<16xi32>
      %gather3A_437 = tpu.vector_load_idx %arg20[%add3A_124, %add3A_436] : memref<128x128xf32, #tpu.memory_space<vmem>>[vector<16xi32>, vector<16xi32>], vector<16xf32>,
      %mul3A_438 = arith.mulf %gather3A_429, %gather3A_433 : vector<16xf32>
      %mul3A_439 = arith.mulf %mul3A_438, %gather3A_437 : vector<16xf32>
      %add3A_440 = arith.addf %add3A_380, %mul3A_439 : vector<16xf32>
      %add3A_441 = arith.constant 19 : i32
      %add3A_442 = vector.broadcast %add3A_441 : i32 to vector<16xi32>
      %add3A_443 = arith.addi %shift_left3A_133, %add3A_442 : vector<16xi32>
      %gather3A_444 = tpu.vector_load_idx %arg18[%add3A_124, %add3A_443] : memref<128x128xf32, #tpu.memory_space<vmem>>[vector<16xi32>, vector<16xi32>], vector<16xf32>,
      %add3A_445 = arith.constant 19 : i32
      %add3A_446 = vector.broadcast %add3A_445 : i32 to vector<16xi32>
      %add3A_447 = arith.addi %shift_left3A_141, %add3A_446 : vector<16xi32>
      %gather3A_448 = tpu.vector_load_idx %arg19[%add3A_124, %add3A_447] : memref<128x128xf32, #tpu.memory_space<vmem>>[vector<16xi32>, vector<16xi32>], vector<16xf32>,
      %add3A_449 = arith.constant 19 : i32
      %add3A_450 = vector.broadcast %add3A_449 : i32 to vector<16xi32>
      %add3A_451 = arith.addi %shift_left3A_149, %add3A_450 : vector<16xi32>
      %gather3A_452 = tpu.vector_load_idx %arg20[%add3A_124, %add3A_451] : memref<128x128xf32, #tpu.memory_space<vmem>>[vector<16xi32>, vector<16xi32>], vector<16xf32>,
      %mul3A_453 = arith.mulf %gather3A_444, %gather3A_448 : vector<16xf32>
      %mul3A_454 = arith.mulf %mul3A_453, %gather3A_452 : vector<16xf32>
      %add3A_455 = arith.addf %add3A_395, %mul3A_454 : vector<16xf32>
      %add3A_456 = arith.constant 20 : i32
      %add3A_457 = vector.broadcast %add3A_456 : i32 to vector<16xi32>
      %add3A_458 = arith.addi %shift_left3A_133, %add3A_457 : vector<16xi32>
      %gather3A_459 = tpu.vector_load_idx %arg18[%add3A_124, %add3A_458] : memref<128x128xf32, #tpu.memory_space<vmem>>[vector<16xi32>, vector<16xi32>], vector<16xf32>,
      %add3A_460 = arith.constant 20 : i32
      %add3A_461 = vector.broadcast %add3A_460 : i32 to vector<16xi32>
      %add3A_462 = arith.addi %shift_left3A_141, %add3A_461 : vector<16xi32>
      %gather3A_463 = tpu.vector_load_idx %arg19[%add3A_124, %add3A_462] : memref<128x128xf32, #tpu.memory_space<vmem>>[vector<16xi32>, vector<16xi32>], vector<16xf32>,
      %add3A_464 = arith.constant 20 : i32
      %add3A_465 = vector.broadcast %add3A_464 : i32 to vector<16xi32>
      %add3A_466 = arith.addi %shift_left3A_149, %add3A_465 : vector<16xi32>
      %gather3A_467 = tpu.vector_load_idx %arg20[%add3A_124, %add3A_466] : memref<128x128xf32, #tpu.memory_space<vmem>>[vector<16xi32>, vector<16xi32>], vector<16xf32>,
      %mul3A_468 = arith.mulf %gather3A_459, %gather3A_463 : vector<16xf32>
      %mul3A_469 = arith.mulf %mul3A_468, %gather3A_467 : vector<16xf32>
      %add3A_470 = arith.addf %add3A_410, %mul3A_469 : vector<16xf32>
      %add3A_471 = arith.constant 21 : i32
      %add3A_472 = vector.broadcast %add3A_471 : i32 to vector<16xi32>
      %add3A_473 = arith.addi %shift_left3A_133, %add3A_472 : vector<16xi32>
      %gather3A_474 = tpu.vector_load_idx %arg18[%add3A_124, %add3A_473] : memref<128x128xf32, #tpu.memory_space<vmem>>[vector<16xi32>, vector<16xi32>], vector<16xf32>,
      %add3A_475 = arith.constant 21 : i32
      %add3A_476 = vector.broadcast %add3A_475 : i32 to vector<16xi32>
      %add3A_477 = arith.addi %shift_left3A_141, %add3A_476 : vector<16xi32>
      %gather3A_478 = tpu.vector_load_idx %arg19[%add3A_124, %add3A_477] : memref<128x128xf32, #tpu.memory_space<vmem>>[vector<16xi32>, vector<16xi32>], vector<16xf32>,
      %add3A_479 = arith.constant 21 : i32
      %add3A_480 = vector.broadcast %add3A_479 : i32 to vector<16xi32>
      %add3A_481 = arith.addi %shift_left3A_149, %add3A_480 : vector<16xi32>
      %gather3A_482 = tpu.vector_load_idx %arg20[%add3A_124, %add3A_481] : memref<128x128xf32, #tpu.memory_space<vmem>>[vector<16xi32>, vector<16xi32>], vector<16xf32>,
      %mul3A_483 = arith.mulf %gather3A_474, %gather3A_478 : vector<16xf32>
      %mul3A_484 = arith.mulf %mul3A_483, %gather3A_482 : vector<16xf32>
      %add3A_485 = arith.addf %add3A_425, %mul3A_484 : vector<16xf32>
      %add3A_486 = arith.constant 22 : i32
      %add3A_487 = vector.broadcast %add3A_486 : i32 to vector<16xi32>
      %add3A_488 = arith.addi %shift_left3A_133, %add3A_487 : vector<16xi32>
      %gather3A_489 = tpu.vector_load_idx %arg18[%add3A_124, %add3A_488] : memref<128x128xf32, #tpu.memory_space<vmem>>[vector<16xi32>, vector<16xi32>], vector<16xf32>,
      %add3A_490 = arith.constant 22 : i32
      %add3A_491 = vector.broadcast %add3A_490 : i32 to vector<16xi32>
      %add3A_492 = arith.addi %shift_left3A_141, %add3A_491 : vector<16xi32>
      %gather3A_493 = tpu.vector_load_idx %arg19[%add3A_124, %add3A_492] : memref<128x128xf32, #tpu.memory_space<vmem>>[vector<16xi32>, vector<16xi32>], vector<16xf32>,
      %add3A_494 = arith.constant 22 : i32
      %add3A_495 = vector.broadcast %add3A_494 : i32 to vector<16xi32>
      %add3A_496 = arith.addi %shift_left3A_149, %add3A_495 : vector<16xi32>
      %gather3A_497 = tpu.vector_load_idx %arg20[%add3A_124, %add3A_496] : memref<128x128xf32, #tpu.memory_space<vmem>>[vector<16xi32>, vector<16xi32>], vector<16xf32>,
      %mul3A_498 = arith.mulf %gather3A_489, %gather3A_493 : vector<16xf32>
      %mul3A_499 = arith.mulf %mul3A_498, %gather3A_497 : vector<16xf32>
      %add3A_500 = arith.addf %add3A_440, %mul3A_499 : vector<16xf32>
      %add3A_501 = arith.constant 23 : i32
      %add3A_502 = vector.broadcast %add3A_501 : i32 to vector<16xi32>
      %add3A_503 = arith.addi %shift_left3A_133, %add3A_502 : vector<16xi32>
      %gather3A_504 = tpu.vector_load_idx %arg18[%add3A_124, %add3A_503] : memref<128x128xf32, #tpu.memory_space<vmem>>[vector<16xi32>, vector<16xi32>], vector<16xf32>,
      %add3A_505 = arith.constant 23 : i32
      %add3A_506 = vector.broadcast %add3A_505 : i32 to vector<16xi32>
      %add3A_507 = arith.addi %shift_left3A_141, %add3A_506 : vector<16xi32>
      %gather3A_508 = tpu.vector_load_idx %arg19[%add3A_124, %add3A_507] : memref<128x128xf32, #tpu.memory_space<vmem>>[vector<16xi32>, vector<16xi32>], vector<16xf32>,
      %add3A_509 = arith.constant 23 : i32
      %add3A_510 = vector.broadcast %add3A_509 : i32 to vector<16xi32>
      %add3A_511 = arith.addi %shift_left3A_149, %add3A_510 : vector<16xi32>
      %gather3A_512 = tpu.vector_load_idx %arg20[%add3A_124, %add3A_511] : memref<128x128xf32, #tpu.memory_space<vmem>>[vector<16xi32>, vector<16xi32>], vector<16xf32>,
      %mul3A_513 = arith.mulf %gather3A_504, %gather3A_508 : vector<16xf32>
      %mul3A_514 = arith.mulf %mul3A_513, %gather3A_512 : vector<16xf32>
      %add3A_515 = arith.addf %add3A_455, %mul3A_514 : vector<16xf32>
      %add3A_516 = arith.constant 24 : i32
      %add3A_517 = vector.broadcast %add3A_516 : i32 to vector<16xi32>
      %add3A_518 = arith.addi %shift_left3A_133, %add3A_517 : vector<16xi32>
      %gather3A_519 = tpu.vector_load_idx %arg18[%add3A_124, %add3A_518] : memref<128x128xf32, #tpu.memory_space<vmem>>[vector<16xi32>, vector<16xi32>], vector<16xf32>,
      %add3A_520 = arith.constant 24 : i32
      %add3A_521 = vector.broadcast %add3A_520 : i32 to vector<16xi32>
      %add3A_522 = arith.addi %shift_left3A_141, %add3A_521 : vector<16xi32>
      %gather3A_523 = tpu.vector_load_idx %arg19[%add3A_124, %add3A_522] : memref<128x128xf32, #tpu.memory_space<vmem>>[vector<16xi32>, vector<16xi32>], vector<16xf32>,
      %add3A_524 = arith.constant 24 : i32
      %add3A_525 = vector.broadcast %add3A_524 : i32 to vector<16xi32>
      %add3A_526 = arith.addi %shift_left3A_149, %add3A_525 : vector<16xi32>
      %gather3A_527 = tpu.vector_load_idx %arg20[%add3A_124, %add3A_526] : memref<128x128xf32, #tpu.memory_space<vmem>>[vector<16xi32>, vector<16xi32>], vector<16xf32>,
      %mul3A_528 = arith.mulf %gather3A_519, %gather3A_523 : vector<16xf32>
      %mul3A_529 = arith.mulf %mul3A_528, %gather3A_527 : vector<16xf32>
      %add3A_530 = arith.addf %add3A_470, %mul3A_529 : vector<16xf32>
      %add3A_531 = arith.constant 25 : i32
      %add3A_532 = vector.broadcast %add3A_531 : i32 to vector<16xi32>
      %add3A_533 = arith.addi %shift_left3A_133, %add3A_532 : vector<16xi32>
      %gather3A_534 = tpu.vector_load_idx %arg18[%add3A_124, %add3A_533] : memref<128x128xf32, #tpu.memory_space<vmem>>[vector<16xi32>, vector<16xi32>], vector<16xf32>,
      %add3A_535 = arith.constant 25 : i32
      %add3A_536 = vector.broadcast %add3A_535 : i32 to vector<16xi32>
      %add3A_537 = arith.addi %shift_left3A_141, %add3A_536 : vector<16xi32>
      %gather3A_538 = tpu.vector_load_idx %arg19[%add3A_124, %add3A_537] : memref<128x128xf32, #tpu.memory_space<vmem>>[vector<16xi32>, vector<16xi32>], vector<16xf32>,
      %add3A_539 = arith.constant 25 : i32
      %add3A_540 = vector.broadcast %add3A_539 : i32 to vector<16xi32>
      %add3A_541 = arith.addi %shift_left3A_149, %add3A_540 : vector<16xi32>
      %gather3A_542 = tpu.vector_load_idx %arg20[%add3A_124, %add3A_541] : memref<128x128xf32, #tpu.memory_space<vmem>>[vector<16xi32>, vector<16xi32>], vector<16xf32>,
      %mul3A_543 = arith.mulf %gather3A_534, %gather3A_538 : vector<16xf32>
      %mul3A_544 = arith.mulf %mul3A_543, %gather3A_542 : vector<16xf32>
      %add3A_545 = arith.addf %add3A_485, %mul3A_544 : vector<16xf32>
      %add3A_546 = arith.constant 26 : i32
      %add3A_547 = vector.broadcast %add3A_546 : i32 to vector<16xi32>
      %add3A_548 = arith.addi %shift_left3A_133, %add3A_547 : vector<16xi32>
      %gather3A_549 = tpu.vector_load_idx %arg18[%add3A_124, %add3A_548] : memref<128x128xf32, #tpu.memory_space<vmem>>[vector<16xi32>, vector<16xi32>], vector<16xf32>,
      %add3A_550 = arith.constant 26 : i32
      %add3A_551 = vector.broadcast %add3A_550 : i32 to vector<16xi32>
      %add3A_552 = arith.addi %shift_left3A_141, %add3A_551 : vector<16xi32>
      %gather3A_553 = tpu.vector_load_idx %arg19[%add3A_124, %add3A_552] : memref<128x128xf32, #tpu.memory_space<vmem>>[vector<16xi32>, vector<16xi32>], vector<16xf32>,
      %add3A_554 = arith.constant 26 : i32
      %add3A_555 = vector.broadcast %add3A_554 : i32 to vector<16xi32>
      %add3A_556 = arith.addi %shift_left3A_149, %add3A_555 : vector<16xi32>
      %gather3A_557 = tpu.vector_load_idx %arg20[%add3A_124, %add3A_556] : memref<128x128xf32, #tpu.memory_space<vmem>>[vector<16xi32>, vector<16xi32>], vector<16xf32>,
      %mul3A_558 = arith.mulf %gather3A_549, %gather3A_553 : vector<16xf32>
      %mul3A_559 = arith.mulf %mul3A_558, %gather3A_557 : vector<16xf32>
      %add3A_560 = arith.addf %add3A_500, %mul3A_559 : vector<16xf32>
      %add3A_561 = arith.constant 27 : i32
      %add3A_562 = vector.broadcast %add3A_561 : i32 to vector<16xi32>
      %add3A_563 = arith.addi %shift_left3A_133, %add3A_562 : vector<16xi32>
      %gather3A_564 = tpu.vector_load_idx %arg18[%add3A_124, %add3A_563] : memref<128x128xf32, #tpu.memory_space<vmem>>[vector<16xi32>, vector<16xi32>], vector<16xf32>,
      %add3A_565 = arith.constant 27 : i32
      %add3A_566 = vector.broadcast %add3A_565 : i32 to vector<16xi32>
      %add3A_567 = arith.addi %shift_left3A_141, %add3A_566 : vector<16xi32>
      %gather3A_568 = tpu.vector_load_idx %arg19[%add3A_124, %add3A_567] : memref<128x128xf32, #tpu.memory_space<vmem>>[vector<16xi32>, vector<16xi32>], vector<16xf32>,
      %add3A_569 = arith.constant 27 : i32
      %add3A_570 = vector.broadcast %add3A_569 : i32 to vector<16xi32>
      %add3A_571 = arith.addi %shift_left3A_149, %add3A_570 : vector<16xi32>
      %gather3A_572 = tpu.vector_load_idx %arg20[%add3A_124, %add3A_571] : memref<128x128xf32, #tpu.memory_space<vmem>>[vector<16xi32>, vector<16xi32>], vector<16xf32>,
      %mul3A_573 = arith.mulf %gather3A_564, %gather3A_568 : vector<16xf32>
      %mul3A_574 = arith.mulf %mul3A_573, %gather3A_572 : vector<16xf32>
      %add3A_575 = arith.addf %add3A_515, %mul3A_574 : vector<16xf32>
      %add3A_576 = arith.constant 28 : i32
      %add3A_577 = vector.broadcast %add3A_576 : i32 to vector<16xi32>
      %add3A_578 = arith.addi %shift_left3A_133, %add3A_577 : vector<16xi32>
      %gather3A_579 = tpu.vector_load_idx %arg18[%add3A_124, %add3A_578] : memref<128x128xf32, #tpu.memory_space<vmem>>[vector<16xi32>, vector<16xi32>], vector<16xf32>,
      %add3A_580 = arith.constant 28 : i32
      %add3A_581 = vector.broadcast %add3A_580 : i32 to vector<16xi32>
      %add3A_582 = arith.addi %shift_left3A_141, %add3A_581 : vector<16xi32>
      %gather3A_583 = tpu.vector_load_idx %arg19[%add3A_124, %add3A_582] : memref<128x128xf32, #tpu.memory_space<vmem>>[vector<16xi32>, vector<16xi32>], vector<16xf32>,
      %add3A_584 = arith.constant 28 : i32
      %add3A_585 = vector.broadcast %add3A_584 : i32 to vector<16xi32>
      %add3A_586 = arith.addi %shift_left3A_149, %add3A_585 : vector<16xi32>
      %gather3A_587 = tpu.vector_load_idx %arg20[%add3A_124, %add3A_586] : memref<128x128xf32, #tpu.memory_space<vmem>>[vector<16xi32>, vector<16xi32>], vector<16xf32>,
      %mul3A_588 = arith.mulf %gather3A_579, %gather3A_583 : vector<16xf32>
      %mul3A_589 = arith.mulf %mul3A_588, %gather3A_587 : vector<16xf32>
      %add3A_590 = arith.addf %add3A_530, %mul3A_589 : vector<16xf32>
      %add3A_591 = arith.constant 29 : i32
      %add3A_592 = vector.broadcast %add3A_591 : i32 to vector<16xi32>
      %add3A_593 = arith.addi %shift_left3A_133, %add3A_592 : vector<16xi32>
      %gather3A_594 = tpu.vector_load_idx %arg18[%add3A_124, %add3A_593] : memref<128x128xf32, #tpu.memory_space<vmem>>[vector<16xi32>, vector<16xi32>], vector<16xf32>,
      %add3A_595 = arith.constant 29 : i32
      %add3A_596 = vector.broadcast %add3A_595 : i32 to vector<16xi32>
      %add3A_597 = arith.addi %shift_left3A_141, %add3A_596 : vector<16xi32>
      %gather3A_598 = tpu.vector_load_idx %arg19[%add3A_124, %add3A_597] : memref<128x128xf32, #tpu.memory_space<vmem>>[vector<16xi32>, vector<16xi32>], vector<16xf32>,
      %add3A_599 = arith.constant 29 : i32
      %add3A_600 = vector.broadcast %add3A_599 : i32 to vector<16xi32>
      %add3A_601 = arith.addi %shift_left3A_149, %add3A_600 : vector<16xi32>
      %gather3A_602 = tpu.vector_load_idx %arg20[%add3A_124, %add3A_601] : memref<128x128xf32, #tpu.memory_space<vmem>>[vector<16xi32>, vector<16xi32>], vector<16xf32>,
      %mul3A_603 = arith.mulf %gather3A_594, %gather3A_598 : vector<16xf32>
      %mul3A_604 = arith.mulf %mul3A_603, %gather3A_602 : vector<16xf32>
      %add3A_605 = arith.addf %add3A_545, %mul3A_604 : vector<16xf32>
      %add3A_606 = arith.constant 30 : i32
      %add3A_607 = vector.broadcast %add3A_606 : i32 to vector<16xi32>
      %add3A_608 = arith.addi %shift_left3A_133, %add3A_607 : vector<16xi32>
      %gather3A_609 = tpu.vector_load_idx %arg18[%add3A_124, %add3A_608] : memref<128x128xf32, #tpu.memory_space<vmem>>[vector<16xi32>, vector<16xi32>], vector<16xf32>,
      %add3A_610 = arith.constant 30 : i32
      %add3A_611 = vector.broadcast %add3A_610 : i32 to vector<16xi32>
      %add3A_612 = arith.addi %shift_left3A_141, %add3A_611 : vector<16xi32>
      %gather3A_613 = tpu.vector_load_idx %arg19[%add3A_124, %add3A_612] : memref<128x128xf32, #tpu.memory_space<vmem>>[vector<16xi32>, vector<16xi32>], vector<16xf32>,
      %add3A_614 = arith.constant 30 : i32
      %add3A_615 = vector.broadcast %add3A_614 : i32 to vector<16xi32>
      %add3A_616 = arith.addi %shift_left3A_149, %add3A_615 : vector<16xi32>
      %gather3A_617 = tpu.vector_load_idx %arg20[%add3A_124, %add3A_616] : memref<128x128xf32, #tpu.memory_space<vmem>>[vector<16xi32>, vector<16xi32>], vector<16xf32>,
      %mul3A_618 = arith.mulf %gather3A_609, %gather3A_613 : vector<16xf32>
      %mul3A_619 = arith.mulf %mul3A_618, %gather3A_617 : vector<16xf32>
      %add3A_620 = arith.addf %add3A_560, %mul3A_619 : vector<16xf32>
      %add3A_621 = arith.constant 31 : i32
      %add3A_622 = vector.broadcast %add3A_621 : i32 to vector<16xi32>
      %add3A_623 = arith.addi %shift_left3A_133, %add3A_622 : vector<16xi32>
      %gather3A_624 = tpu.vector_load_idx %arg18[%add3A_124, %add3A_623] : memref<128x128xf32, #tpu.memory_space<vmem>>[vector<16xi32>, vector<16xi32>], vector<16xf32>,
      %add3A_625 = arith.constant 31 : i32
      %add3A_626 = vector.broadcast %add3A_625 : i32 to vector<16xi32>
      %add3A_627 = arith.addi %shift_left3A_141, %add3A_626 : vector<16xi32>
      %gather3A_628 = tpu.vector_load_idx %arg19[%add3A_124, %add3A_627] : memref<128x128xf32, #tpu.memory_space<vmem>>[vector<16xi32>, vector<16xi32>], vector<16xf32>,
      %add3A_629 = arith.constant 31 : i32
      %add3A_630 = vector.broadcast %add3A_629 : i32 to vector<16xi32>
      %add3A_631 = arith.addi %shift_left3A_149, %add3A_630 : vector<16xi32>
      %gather3A_632 = tpu.vector_load_idx %arg20[%add3A_124, %add3A_631] : memref<128x128xf32, #tpu.memory_space<vmem>>[vector<16xi32>, vector<16xi32>], vector<16xf32>,
      %mul3A_633 = arith.mulf %gather3A_624, %gather3A_628 : vector<16xf32>
      %mul3A_634 = arith.mulf %mul3A_633, %gather3A_632 : vector<16xf32>
      %add3A_635 = arith.addf %add3A_575, %mul3A_634 : vector<16xf32>
      %add3A_636 = arith.addf %add3A_590, %add3A_605 : vector<16xf32>
      %add3A_637 = arith.addf %add3A_620, %add3A_635 : vector<16xf32>
      %add3A_638 = arith.addf %add3A_636, %add3A_637 : vector<16xf32>
      %swap3A = arith.index_cast %add3A_128 : i32 to index
      %swap3A_639 = tpu.vector_load %arg24[%swap3A] {strides = array<i32>} : memref<512xf32, #tpu.memory_space<vmem>>, vector<16xf32>,
      tpu.vector_store %arg24[%swap3A], %add3A_638 {strides = array<i32>} : memref<512xf32, #tpu.memory_space<vmem>>, vector<16xf32>,
    }
    %scan3A_104 = arith.constant 8 : i32
    %dma_wait3A_105 = arith.constant 0 : i32
    %dma_wait3A_106 = arith.constant 0 : i32
    %dma_wait3A_107 = tpu.memref_slice %arg5[%dma_wait3A_105, %dma_wait3A_106] : memref<25000x128xf32, #tpu.memory_space<hbm>> -> memref<25000x128xf32, #tpu.memory_space<hbm>>
    tpu.wait_indirect_dma semaphore(%arg28 : memref<!tpu.dma_semaphore, #tpu.memory_space<semaphore_mem>>) src(%dma_wait3A_107 : memref<25000x128xf32, #tpu.memory_space<hbm>>) dst(%arg21 : memref<128x128xf32, #tpu.memory_space<vmem>>)
    %dma_wait3A_108 = arith.constant 0 : i32
    %dma_wait3A_109 = arith.constant 0 : i32
    %dma_wait3A_110 = tpu.memref_slice %arg6[%dma_wait3A_108, %dma_wait3A_109] : memref<25000x128xf32, #tpu.memory_space<hbm>> -> memref<25000x128xf32, #tpu.memory_space<hbm>>
    tpu.wait_indirect_dma semaphore(%arg29 : memref<!tpu.dma_semaphore, #tpu.memory_space<semaphore_mem>>) src(%dma_wait3A_110 : memref<25000x128xf32, #tpu.memory_space<hbm>>) dst(%arg22 : memref<128x128xf32, #tpu.memory_space<vmem>>)
    %dma_wait3A_111 = arith.constant 0 : i32
    %dma_wait3A_112 = arith.constant 0 : i32
    %dma_wait3A_113 = tpu.memref_slice %arg7[%dma_wait3A_111, %dma_wait3A_112] : memref<25000x128xf32, #tpu.memory_space<hbm>> -> memref<25000x128xf32, #tpu.memory_space<hbm>>
    tpu.wait_indirect_dma semaphore(%arg30 : memref<!tpu.dma_semaphore, #tpu.memory_space<semaphore_mem>>) src(%dma_wait3A_113 : memref<25000x128xf32, #tpu.memory_space<hbm>>) dst(%arg23 : memref<128x128xf32, #tpu.memory_space<vmem>>)
    %scan3A_114 = arith.constant 0 : i32
    %scan3A_115 = arith.constant 0 : i32
    %scan3A_116 = arith.constant 8 : i32
    %scan3A_117 = arith.addi %scan3A_115, %scan3A_116 : i32
    %scan3A_118 = arith.constant 1 : i32
    scf.for %scan3A_120 = %scan3A_115 to %scan3A_117 step %scan3A_118  : i32 {
      %mul3A_121 = arith.constant 16 : i32
      %mul3A_122 = arith.muli %scan3A_120, %mul3A_121 : i32
      %iota3A = tpu.iota {dimensions = array<i32: 0>} : vector<16xi32>
      %add3A_123 = vector.broadcast %mul3A_122 : i32 to vector<16xi32>
      %add3A_124 = arith.addi %add3A_123, %iota3A : vector<16xi32>
      %mul3A_125 = arith.constant 16 : i32
      %mul3A_126 = arith.muli %scan3A_120, %mul3A_125 : i32
      %add3A_127 = arith.constant 384 : i32
      %add3A_128 = arith.addi %add3A_127, %mul3A_126 : i32
      %get3A = arith.index_cast %add3A_128 : i32 to index
      %get3A_129 = tpu.vector_load %arg9[%get3A] {strides = array<i32>} : memref<512xi32, #tpu.memory_space<vmem>>, vector<16xi32>,
      %and3A = arith.constant 3 : i32
      %and3A_130 = vector.broadcast %and3A : i32 to vector<16xi32>
      %and3A_131 = arith.andi %get3A_129, %and3A_130 : vector<16xi32>
      %shift_left3A = arith.constant 5 : i32
      %shift_left3A_132 = vector.broadcast %shift_left3A : i32 to vector<16xi32>
      %shift_left3A_133 = arith.shli %and3A_131, %shift_left3A_132 : vector<16xi32>
      %get3A_134 = arith.index_cast %add3A_128 : i32 to index
      %get3A_135 = tpu.vector_load %arg10[%get3A_134] {strides = array<i32>} : memref<512xi32, #tpu.memory_space<vmem>>, vector<16xi32>,
      %and3A_136 = arith.constant 3 : i32
      %and3A_137 = vector.broadcast %and3A_136 : i32 to vector<16xi32>
      %and3A_138 = arith.andi %get3A_135, %and3A_137 : vector<16xi32>
      %shift_left3A_139 = arith.constant 5 : i32
      %shift_left3A_140 = vector.broadcast %shift_left3A_139 : i32 to vector<16xi32>
      %shift_left3A_141 = arith.shli %and3A_138, %shift_left3A_140 : vector<16xi32>
      %get3A_142 = arith.index_cast %add3A_128 : i32 to index
      %get3A_143 = tpu.vector_load %arg11[%get3A_142] {strides = array<i32>} : memref<512xi32, #tpu.memory_space<vmem>>, vector<16xi32>,
      %and3A_144 = arith.constant 3 : i32
      %and3A_145 = vector.broadcast %and3A_144 : i32 to vector<16xi32>
      %and3A_146 = arith.andi %get3A_143, %and3A_145 : vector<16xi32>
      %shift_left3A_147 = arith.constant 5 : i32
      %shift_left3A_148 = vector.broadcast %shift_left3A_147 : i32 to vector<16xi32>
      %shift_left3A_149 = arith.shli %and3A_146, %shift_left3A_148 : vector<16xi32>
      %broadcast_in_dim3A = arith.constant 0.000000e+00 : f32
      %broadcast_in_dim3A_150 = vector.broadcast %broadcast_in_dim3A : f32 to vector<16xf32>
      %broadcast_in_dim3A_151 = arith.constant 0.000000e+00 : f32
      %broadcast_in_dim3A_152 = vector.broadcast %broadcast_in_dim3A_151 : f32 to vector<16xf32>
      %broadcast_in_dim3A_153 = arith.constant 0.000000e+00 : f32
      %broadcast_in_dim3A_154 = vector.broadcast %broadcast_in_dim3A_153 : f32 to vector<16xf32>
      %broadcast_in_dim3A_155 = arith.constant 0.000000e+00 : f32
      %broadcast_in_dim3A_156 = vector.broadcast %broadcast_in_dim3A_155 : f32 to vector<16xf32>
      %add3A_157 = arith.constant 0 : i32
      %add3A_158 = vector.broadcast %add3A_157 : i32 to vector<16xi32>
      %add3A_159 = arith.addi %shift_left3A_133, %add3A_158 : vector<16xi32>
      %gather3A = tpu.vector_load_idx %arg21[%add3A_124, %add3A_159] : memref<128x128xf32, #tpu.memory_space<vmem>>[vector<16xi32>, vector<16xi32>], vector<16xf32>,
      %add3A_160 = arith.constant 0 : i32
      %add3A_161 = vector.broadcast %add3A_160 : i32 to vector<16xi32>
      %add3A_162 = arith.addi %shift_left3A_141, %add3A_161 : vector<16xi32>
      %gather3A_163 = tpu.vector_load_idx %arg22[%add3A_124, %add3A_162] : memref<128x128xf32, #tpu.memory_space<vmem>>[vector<16xi32>, vector<16xi32>], vector<16xf32>,
      %add3A_164 = arith.constant 0 : i32
      %add3A_165 = vector.broadcast %add3A_164 : i32 to vector<16xi32>
      %add3A_166 = arith.addi %shift_left3A_149, %add3A_165 : vector<16xi32>
      %gather3A_167 = tpu.vector_load_idx %arg23[%add3A_124, %add3A_166] : memref<128x128xf32, #tpu.memory_space<vmem>>[vector<16xi32>, vector<16xi32>], vector<16xf32>,
      %mul3A_168 = arith.mulf %gather3A, %gather3A_163 : vector<16xf32>
      %mul3A_169 = arith.mulf %mul3A_168, %gather3A_167 : vector<16xf32>
      %add3A_170 = arith.addf %broadcast_in_dim3A_150, %mul3A_169 : vector<16xf32>
      %add3A_171 = arith.constant 1 : i32
      %add3A_172 = vector.broadcast %add3A_171 : i32 to vector<16xi32>
      %add3A_173 = arith.addi %shift_left3A_133, %add3A_172 : vector<16xi32>
      %gather3A_174 = tpu.vector_load_idx %arg21[%add3A_124, %add3A_173] : memref<128x128xf32, #tpu.memory_space<vmem>>[vector<16xi32>, vector<16xi32>], vector<16xf32>,
      %add3A_175 = arith.constant 1 : i32
      %add3A_176 = vector.broadcast %add3A_175 : i32 to vector<16xi32>
      %add3A_177 = arith.addi %shift_left3A_141, %add3A_176 : vector<16xi32>
      %gather3A_178 = tpu.vector_load_idx %arg22[%add3A_124, %add3A_177] : memref<128x128xf32, #tpu.memory_space<vmem>>[vector<16xi32>, vector<16xi32>], vector<16xf32>,
      %add3A_179 = arith.constant 1 : i32
      %add3A_180 = vector.broadcast %add3A_179 : i32 to vector<16xi32>
      %add3A_181 = arith.addi %shift_left3A_149, %add3A_180 : vector<16xi32>
      %gather3A_182 = tpu.vector_load_idx %arg23[%add3A_124, %add3A_181] : memref<128x128xf32, #tpu.memory_space<vmem>>[vector<16xi32>, vector<16xi32>], vector<16xf32>,
      %mul3A_183 = arith.mulf %gather3A_174, %gather3A_178 : vector<16xf32>
      %mul3A_184 = arith.mulf %mul3A_183, %gather3A_182 : vector<16xf32>
      %add3A_185 = arith.addf %broadcast_in_dim3A_152, %mul3A_184 : vector<16xf32>
      %add3A_186 = arith.constant 2 : i32
      %add3A_187 = vector.broadcast %add3A_186 : i32 to vector<16xi32>
      %add3A_188 = arith.addi %shift_left3A_133, %add3A_187 : vector<16xi32>
      %gather3A_189 = tpu.vector_load_idx %arg21[%add3A_124, %add3A_188] : memref<128x128xf32, #tpu.memory_space<vmem>>[vector<16xi32>, vector<16xi32>], vector<16xf32>,
      %add3A_190 = arith.constant 2 : i32
      %add3A_191 = vector.broadcast %add3A_190 : i32 to vector<16xi32>
      %add3A_192 = arith.addi %shift_left3A_141, %add3A_191 : vector<16xi32>
      %gather3A_193 = tpu.vector_load_idx %arg22[%add3A_124, %add3A_192] : memref<128x128xf32, #tpu.memory_space<vmem>>[vector<16xi32>, vector<16xi32>], vector<16xf32>,
      %add3A_194 = arith.constant 2 : i32
      %add3A_195 = vector.broadcast %add3A_194 : i32 to vector<16xi32>
      %add3A_196 = arith.addi %shift_left3A_149, %add3A_195 : vector<16xi32>
      %gather3A_197 = tpu.vector_load_idx %arg23[%add3A_124, %add3A_196] : memref<128x128xf32, #tpu.memory_space<vmem>>[vector<16xi32>, vector<16xi32>], vector<16xf32>,
      %mul3A_198 = arith.mulf %gather3A_189, %gather3A_193 : vector<16xf32>
      %mul3A_199 = arith.mulf %mul3A_198, %gather3A_197 : vector<16xf32>
      %add3A_200 = arith.addf %broadcast_in_dim3A_154, %mul3A_199 : vector<16xf32>
      %add3A_201 = arith.constant 3 : i32
      %add3A_202 = vector.broadcast %add3A_201 : i32 to vector<16xi32>
      %add3A_203 = arith.addi %shift_left3A_133, %add3A_202 : vector<16xi32>
      %gather3A_204 = tpu.vector_load_idx %arg21[%add3A_124, %add3A_203] : memref<128x128xf32, #tpu.memory_space<vmem>>[vector<16xi32>, vector<16xi32>], vector<16xf32>,
      %add3A_205 = arith.constant 3 : i32
      %add3A_206 = vector.broadcast %add3A_205 : i32 to vector<16xi32>
      %add3A_207 = arith.addi %shift_left3A_141, %add3A_206 : vector<16xi32>
      %gather3A_208 = tpu.vector_load_idx %arg22[%add3A_124, %add3A_207] : memref<128x128xf32, #tpu.memory_space<vmem>>[vector<16xi32>, vector<16xi32>], vector<16xf32>,
      %add3A_209 = arith.constant 3 : i32
      %add3A_210 = vector.broadcast %add3A_209 : i32 to vector<16xi32>
      %add3A_211 = arith.addi %shift_left3A_149, %add3A_210 : vector<16xi32>
      %gather3A_212 = tpu.vector_load_idx %arg23[%add3A_124, %add3A_211] : memref<128x128xf32, #tpu.memory_space<vmem>>[vector<16xi32>, vector<16xi32>], vector<16xf32>,
      %mul3A_213 = arith.mulf %gather3A_204, %gather3A_208 : vector<16xf32>
      %mul3A_214 = arith.mulf %mul3A_213, %gather3A_212 : vector<16xf32>
      %add3A_215 = arith.addf %broadcast_in_dim3A_156, %mul3A_214 : vector<16xf32>
      %add3A_216 = arith.constant 4 : i32
      %add3A_217 = vector.broadcast %add3A_216 : i32 to vector<16xi32>
      %add3A_218 = arith.addi %shift_left3A_133, %add3A_217 : vector<16xi32>
      %gather3A_219 = tpu.vector_load_idx %arg21[%add3A_124, %add3A_218] : memref<128x128xf32, #tpu.memory_space<vmem>>[vector<16xi32>, vector<16xi32>], vector<16xf32>,
      %add3A_220 = arith.constant 4 : i32
      %add3A_221 = vector.broadcast %add3A_220 : i32 to vector<16xi32>
      %add3A_222 = arith.addi %shift_left3A_141, %add3A_221 : vector<16xi32>
      %gather3A_223 = tpu.vector_load_idx %arg22[%add3A_124, %add3A_222] : memref<128x128xf32, #tpu.memory_space<vmem>>[vector<16xi32>, vector<16xi32>], vector<16xf32>,
      %add3A_224 = arith.constant 4 : i32
      %add3A_225 = vector.broadcast %add3A_224 : i32 to vector<16xi32>
      %add3A_226 = arith.addi %shift_left3A_149, %add3A_225 : vector<16xi32>
      %gather3A_227 = tpu.vector_load_idx %arg23[%add3A_124, %add3A_226] : memref<128x128xf32, #tpu.memory_space<vmem>>[vector<16xi32>, vector<16xi32>], vector<16xf32>,
      %mul3A_228 = arith.mulf %gather3A_219, %gather3A_223 : vector<16xf32>
      %mul3A_229 = arith.mulf %mul3A_228, %gather3A_227 : vector<16xf32>
      %add3A_230 = arith.addf %add3A_170, %mul3A_229 : vector<16xf32>
      %add3A_231 = arith.constant 5 : i32
      %add3A_232 = vector.broadcast %add3A_231 : i32 to vector<16xi32>
      %add3A_233 = arith.addi %shift_left3A_133, %add3A_232 : vector<16xi32>
      %gather3A_234 = tpu.vector_load_idx %arg21[%add3A_124, %add3A_233] : memref<128x128xf32, #tpu.memory_space<vmem>>[vector<16xi32>, vector<16xi32>], vector<16xf32>,
      %add3A_235 = arith.constant 5 : i32
      %add3A_236 = vector.broadcast %add3A_235 : i32 to vector<16xi32>
      %add3A_237 = arith.addi %shift_left3A_141, %add3A_236 : vector<16xi32>
      %gather3A_238 = tpu.vector_load_idx %arg22[%add3A_124, %add3A_237] : memref<128x128xf32, #tpu.memory_space<vmem>>[vector<16xi32>, vector<16xi32>], vector<16xf32>,
      %add3A_239 = arith.constant 5 : i32
      %add3A_240 = vector.broadcast %add3A_239 : i32 to vector<16xi32>
      %add3A_241 = arith.addi %shift_left3A_149, %add3A_240 : vector<16xi32>
      %gather3A_242 = tpu.vector_load_idx %arg23[%add3A_124, %add3A_241] : memref<128x128xf32, #tpu.memory_space<vmem>>[vector<16xi32>, vector<16xi32>], vector<16xf32>,
      %mul3A_243 = arith.mulf %gather3A_234, %gather3A_238 : vector<16xf32>
      %mul3A_244 = arith.mulf %mul3A_243, %gather3A_242 : vector<16xf32>
      %add3A_245 = arith.addf %add3A_185, %mul3A_244 : vector<16xf32>
      %add3A_246 = arith.constant 6 : i32
      %add3A_247 = vector.broadcast %add3A_246 : i32 to vector<16xi32>
      %add3A_248 = arith.addi %shift_left3A_133, %add3A_247 : vector<16xi32>
      %gather3A_249 = tpu.vector_load_idx %arg21[%add3A_124, %add3A_248] : memref<128x128xf32, #tpu.memory_space<vmem>>[vector<16xi32>, vector<16xi32>], vector<16xf32>,
      %add3A_250 = arith.constant 6 : i32
      %add3A_251 = vector.broadcast %add3A_250 : i32 to vector<16xi32>
      %add3A_252 = arith.addi %shift_left3A_141, %add3A_251 : vector<16xi32>
      %gather3A_253 = tpu.vector_load_idx %arg22[%add3A_124, %add3A_252] : memref<128x128xf32, #tpu.memory_space<vmem>>[vector<16xi32>, vector<16xi32>], vector<16xf32>,
      %add3A_254 = arith.constant 6 : i32
      %add3A_255 = vector.broadcast %add3A_254 : i32 to vector<16xi32>
      %add3A_256 = arith.addi %shift_left3A_149, %add3A_255 : vector<16xi32>
      %gather3A_257 = tpu.vector_load_idx %arg23[%add3A_124, %add3A_256] : memref<128x128xf32, #tpu.memory_space<vmem>>[vector<16xi32>, vector<16xi32>], vector<16xf32>,
      %mul3A_258 = arith.mulf %gather3A_249, %gather3A_253 : vector<16xf32>
      %mul3A_259 = arith.mulf %mul3A_258, %gather3A_257 : vector<16xf32>
      %add3A_260 = arith.addf %add3A_200, %mul3A_259 : vector<16xf32>
      %add3A_261 = arith.constant 7 : i32
      %add3A_262 = vector.broadcast %add3A_261 : i32 to vector<16xi32>
      %add3A_263 = arith.addi %shift_left3A_133, %add3A_262 : vector<16xi32>
      %gather3A_264 = tpu.vector_load_idx %arg21[%add3A_124, %add3A_263] : memref<128x128xf32, #tpu.memory_space<vmem>>[vector<16xi32>, vector<16xi32>], vector<16xf32>,
      %add3A_265 = arith.constant 7 : i32
      %add3A_266 = vector.broadcast %add3A_265 : i32 to vector<16xi32>
      %add3A_267 = arith.addi %shift_left3A_141, %add3A_266 : vector<16xi32>
      %gather3A_268 = tpu.vector_load_idx %arg22[%add3A_124, %add3A_267] : memref<128x128xf32, #tpu.memory_space<vmem>>[vector<16xi32>, vector<16xi32>], vector<16xf32>,
      %add3A_269 = arith.constant 7 : i32
      %add3A_270 = vector.broadcast %add3A_269 : i32 to vector<16xi32>
      %add3A_271 = arith.addi %shift_left3A_149, %add3A_270 : vector<16xi32>
      %gather3A_272 = tpu.vector_load_idx %arg23[%add3A_124, %add3A_271] : memref<128x128xf32, #tpu.memory_space<vmem>>[vector<16xi32>, vector<16xi32>], vector<16xf32>,
      %mul3A_273 = arith.mulf %gather3A_264, %gather3A_268 : vector<16xf32>
      %mul3A_274 = arith.mulf %mul3A_273, %gather3A_272 : vector<16xf32>
      %add3A_275 = arith.addf %add3A_215, %mul3A_274 : vector<16xf32>
      %add3A_276 = arith.constant 8 : i32
      %add3A_277 = vector.broadcast %add3A_276 : i32 to vector<16xi32>
      %add3A_278 = arith.addi %shift_left3A_133, %add3A_277 : vector<16xi32>
      %gather3A_279 = tpu.vector_load_idx %arg21[%add3A_124, %add3A_278] : memref<128x128xf32, #tpu.memory_space<vmem>>[vector<16xi32>, vector<16xi32>], vector<16xf32>,
      %add3A_280 = arith.constant 8 : i32
      %add3A_281 = vector.broadcast %add3A_280 : i32 to vector<16xi32>
      %add3A_282 = arith.addi %shift_left3A_141, %add3A_281 : vector<16xi32>
      %gather3A_283 = tpu.vector_load_idx %arg22[%add3A_124, %add3A_282] : memref<128x128xf32, #tpu.memory_space<vmem>>[vector<16xi32>, vector<16xi32>], vector<16xf32>,
      %add3A_284 = arith.constant 8 : i32
      %add3A_285 = vector.broadcast %add3A_284 : i32 to vector<16xi32>
      %add3A_286 = arith.addi %shift_left3A_149, %add3A_285 : vector<16xi32>
      %gather3A_287 = tpu.vector_load_idx %arg23[%add3A_124, %add3A_286] : memref<128x128xf32, #tpu.memory_space<vmem>>[vector<16xi32>, vector<16xi32>], vector<16xf32>,
      %mul3A_288 = arith.mulf %gather3A_279, %gather3A_283 : vector<16xf32>
      %mul3A_289 = arith.mulf %mul3A_288, %gather3A_287 : vector<16xf32>
      %add3A_290 = arith.addf %add3A_230, %mul3A_289 : vector<16xf32>
      %add3A_291 = arith.constant 9 : i32
      %add3A_292 = vector.broadcast %add3A_291 : i32 to vector<16xi32>
      %add3A_293 = arith.addi %shift_left3A_133, %add3A_292 : vector<16xi32>
      %gather3A_294 = tpu.vector_load_idx %arg21[%add3A_124, %add3A_293] : memref<128x128xf32, #tpu.memory_space<vmem>>[vector<16xi32>, vector<16xi32>], vector<16xf32>,
      %add3A_295 = arith.constant 9 : i32
      %add3A_296 = vector.broadcast %add3A_295 : i32 to vector<16xi32>
      %add3A_297 = arith.addi %shift_left3A_141, %add3A_296 : vector<16xi32>
      %gather3A_298 = tpu.vector_load_idx %arg22[%add3A_124, %add3A_297] : memref<128x128xf32, #tpu.memory_space<vmem>>[vector<16xi32>, vector<16xi32>], vector<16xf32>,
      %add3A_299 = arith.constant 9 : i32
      %add3A_300 = vector.broadcast %add3A_299 : i32 to vector<16xi32>
      %add3A_301 = arith.addi %shift_left3A_149, %add3A_300 : vector<16xi32>
      %gather3A_302 = tpu.vector_load_idx %arg23[%add3A_124, %add3A_301] : memref<128x128xf32, #tpu.memory_space<vmem>>[vector<16xi32>, vector<16xi32>], vector<16xf32>,
      %mul3A_303 = arith.mulf %gather3A_294, %gather3A_298 : vector<16xf32>
      %mul3A_304 = arith.mulf %mul3A_303, %gather3A_302 : vector<16xf32>
      %add3A_305 = arith.addf %add3A_245, %mul3A_304 : vector<16xf32>
      %add3A_306 = arith.constant 10 : i32
      %add3A_307 = vector.broadcast %add3A_306 : i32 to vector<16xi32>
      %add3A_308 = arith.addi %shift_left3A_133, %add3A_307 : vector<16xi32>
      %gather3A_309 = tpu.vector_load_idx %arg21[%add3A_124, %add3A_308] : memref<128x128xf32, #tpu.memory_space<vmem>>[vector<16xi32>, vector<16xi32>], vector<16xf32>,
      %add3A_310 = arith.constant 10 : i32
      %add3A_311 = vector.broadcast %add3A_310 : i32 to vector<16xi32>
      %add3A_312 = arith.addi %shift_left3A_141, %add3A_311 : vector<16xi32>
      %gather3A_313 = tpu.vector_load_idx %arg22[%add3A_124, %add3A_312] : memref<128x128xf32, #tpu.memory_space<vmem>>[vector<16xi32>, vector<16xi32>], vector<16xf32>,
      %add3A_314 = arith.constant 10 : i32
      %add3A_315 = vector.broadcast %add3A_314 : i32 to vector<16xi32>
      %add3A_316 = arith.addi %shift_left3A_149, %add3A_315 : vector<16xi32>
      %gather3A_317 = tpu.vector_load_idx %arg23[%add3A_124, %add3A_316] : memref<128x128xf32, #tpu.memory_space<vmem>>[vector<16xi32>, vector<16xi32>], vector<16xf32>,
      %mul3A_318 = arith.mulf %gather3A_309, %gather3A_313 : vector<16xf32>
      %mul3A_319 = arith.mulf %mul3A_318, %gather3A_317 : vector<16xf32>
      %add3A_320 = arith.addf %add3A_260, %mul3A_319 : vector<16xf32>
      %add3A_321 = arith.constant 11 : i32
      %add3A_322 = vector.broadcast %add3A_321 : i32 to vector<16xi32>
      %add3A_323 = arith.addi %shift_left3A_133, %add3A_322 : vector<16xi32>
      %gather3A_324 = tpu.vector_load_idx %arg21[%add3A_124, %add3A_323] : memref<128x128xf32, #tpu.memory_space<vmem>>[vector<16xi32>, vector<16xi32>], vector<16xf32>,
      %add3A_325 = arith.constant 11 : i32
      %add3A_326 = vector.broadcast %add3A_325 : i32 to vector<16xi32>
      %add3A_327 = arith.addi %shift_left3A_141, %add3A_326 : vector<16xi32>
      %gather3A_328 = tpu.vector_load_idx %arg22[%add3A_124, %add3A_327] : memref<128x128xf32, #tpu.memory_space<vmem>>[vector<16xi32>, vector<16xi32>], vector<16xf32>,
      %add3A_329 = arith.constant 11 : i32
      %add3A_330 = vector.broadcast %add3A_329 : i32 to vector<16xi32>
      %add3A_331 = arith.addi %shift_left3A_149, %add3A_330 : vector<16xi32>
      %gather3A_332 = tpu.vector_load_idx %arg23[%add3A_124, %add3A_331] : memref<128x128xf32, #tpu.memory_space<vmem>>[vector<16xi32>, vector<16xi32>], vector<16xf32>,
      %mul3A_333 = arith.mulf %gather3A_324, %gather3A_328 : vector<16xf32>
      %mul3A_334 = arith.mulf %mul3A_333, %gather3A_332 : vector<16xf32>
      %add3A_335 = arith.addf %add3A_275, %mul3A_334 : vector<16xf32>
      %add3A_336 = arith.constant 12 : i32
      %add3A_337 = vector.broadcast %add3A_336 : i32 to vector<16xi32>
      %add3A_338 = arith.addi %shift_left3A_133, %add3A_337 : vector<16xi32>
      %gather3A_339 = tpu.vector_load_idx %arg21[%add3A_124, %add3A_338] : memref<128x128xf32, #tpu.memory_space<vmem>>[vector<16xi32>, vector<16xi32>], vector<16xf32>,
      %add3A_340 = arith.constant 12 : i32
      %add3A_341 = vector.broadcast %add3A_340 : i32 to vector<16xi32>
      %add3A_342 = arith.addi %shift_left3A_141, %add3A_341 : vector<16xi32>
      %gather3A_343 = tpu.vector_load_idx %arg22[%add3A_124, %add3A_342] : memref<128x128xf32, #tpu.memory_space<vmem>>[vector<16xi32>, vector<16xi32>], vector<16xf32>,
      %add3A_344 = arith.constant 12 : i32
      %add3A_345 = vector.broadcast %add3A_344 : i32 to vector<16xi32>
      %add3A_346 = arith.addi %shift_left3A_149, %add3A_345 : vector<16xi32>
      %gather3A_347 = tpu.vector_load_idx %arg23[%add3A_124, %add3A_346] : memref<128x128xf32, #tpu.memory_space<vmem>>[vector<16xi32>, vector<16xi32>], vector<16xf32>,
      %mul3A_348 = arith.mulf %gather3A_339, %gather3A_343 : vector<16xf32>
      %mul3A_349 = arith.mulf %mul3A_348, %gather3A_347 : vector<16xf32>
      %add3A_350 = arith.addf %add3A_290, %mul3A_349 : vector<16xf32>
      %add3A_351 = arith.constant 13 : i32
      %add3A_352 = vector.broadcast %add3A_351 : i32 to vector<16xi32>
      %add3A_353 = arith.addi %shift_left3A_133, %add3A_352 : vector<16xi32>
      %gather3A_354 = tpu.vector_load_idx %arg21[%add3A_124, %add3A_353] : memref<128x128xf32, #tpu.memory_space<vmem>>[vector<16xi32>, vector<16xi32>], vector<16xf32>,
      %add3A_355 = arith.constant 13 : i32
      %add3A_356 = vector.broadcast %add3A_355 : i32 to vector<16xi32>
      %add3A_357 = arith.addi %shift_left3A_141, %add3A_356 : vector<16xi32>
      %gather3A_358 = tpu.vector_load_idx %arg22[%add3A_124, %add3A_357] : memref<128x128xf32, #tpu.memory_space<vmem>>[vector<16xi32>, vector<16xi32>], vector<16xf32>,
      %add3A_359 = arith.constant 13 : i32
      %add3A_360 = vector.broadcast %add3A_359 : i32 to vector<16xi32>
      %add3A_361 = arith.addi %shift_left3A_149, %add3A_360 : vector<16xi32>
      %gather3A_362 = tpu.vector_load_idx %arg23[%add3A_124, %add3A_361] : memref<128x128xf32, #tpu.memory_space<vmem>>[vector<16xi32>, vector<16xi32>], vector<16xf32>,
      %mul3A_363 = arith.mulf %gather3A_354, %gather3A_358 : vector<16xf32>
      %mul3A_364 = arith.mulf %mul3A_363, %gather3A_362 : vector<16xf32>
      %add3A_365 = arith.addf %add3A_305, %mul3A_364 : vector<16xf32>
      %add3A_366 = arith.constant 14 : i32
      %add3A_367 = vector.broadcast %add3A_366 : i32 to vector<16xi32>
      %add3A_368 = arith.addi %shift_left3A_133, %add3A_367 : vector<16xi32>
      %gather3A_369 = tpu.vector_load_idx %arg21[%add3A_124, %add3A_368] : memref<128x128xf32, #tpu.memory_space<vmem>>[vector<16xi32>, vector<16xi32>], vector<16xf32>,
      %add3A_370 = arith.constant 14 : i32
      %add3A_371 = vector.broadcast %add3A_370 : i32 to vector<16xi32>
      %add3A_372 = arith.addi %shift_left3A_141, %add3A_371 : vector<16xi32>
      %gather3A_373 = tpu.vector_load_idx %arg22[%add3A_124, %add3A_372] : memref<128x128xf32, #tpu.memory_space<vmem>>[vector<16xi32>, vector<16xi32>], vector<16xf32>,
      %add3A_374 = arith.constant 14 : i32
      %add3A_375 = vector.broadcast %add3A_374 : i32 to vector<16xi32>
      %add3A_376 = arith.addi %shift_left3A_149, %add3A_375 : vector<16xi32>
      %gather3A_377 = tpu.vector_load_idx %arg23[%add3A_124, %add3A_376] : memref<128x128xf32, #tpu.memory_space<vmem>>[vector<16xi32>, vector<16xi32>], vector<16xf32>,
      %mul3A_378 = arith.mulf %gather3A_369, %gather3A_373 : vector<16xf32>
      %mul3A_379 = arith.mulf %mul3A_378, %gather3A_377 : vector<16xf32>
      %add3A_380 = arith.addf %add3A_320, %mul3A_379 : vector<16xf32>
      %add3A_381 = arith.constant 15 : i32
      %add3A_382 = vector.broadcast %add3A_381 : i32 to vector<16xi32>
      %add3A_383 = arith.addi %shift_left3A_133, %add3A_382 : vector<16xi32>
      %gather3A_384 = tpu.vector_load_idx %arg21[%add3A_124, %add3A_383] : memref<128x128xf32, #tpu.memory_space<vmem>>[vector<16xi32>, vector<16xi32>], vector<16xf32>,
      %add3A_385 = arith.constant 15 : i32
      %add3A_386 = vector.broadcast %add3A_385 : i32 to vector<16xi32>
      %add3A_387 = arith.addi %shift_left3A_141, %add3A_386 : vector<16xi32>
      %gather3A_388 = tpu.vector_load_idx %arg22[%add3A_124, %add3A_387] : memref<128x128xf32, #tpu.memory_space<vmem>>[vector<16xi32>, vector<16xi32>], vector<16xf32>,
      %add3A_389 = arith.constant 15 : i32
      %add3A_390 = vector.broadcast %add3A_389 : i32 to vector<16xi32>
      %add3A_391 = arith.addi %shift_left3A_149, %add3A_390 : vector<16xi32>
      %gather3A_392 = tpu.vector_load_idx %arg23[%add3A_124, %add3A_391] : memref<128x128xf32, #tpu.memory_space<vmem>>[vector<16xi32>, vector<16xi32>], vector<16xf32>,
      %mul3A_393 = arith.mulf %gather3A_384, %gather3A_388 : vector<16xf32>
      %mul3A_394 = arith.mulf %mul3A_393, %gather3A_392 : vector<16xf32>
      %add3A_395 = arith.addf %add3A_335, %mul3A_394 : vector<16xf32>
      %add3A_396 = arith.constant 16 : i32
      %add3A_397 = vector.broadcast %add3A_396 : i32 to vector<16xi32>
      %add3A_398 = arith.addi %shift_left3A_133, %add3A_397 : vector<16xi32>
      %gather3A_399 = tpu.vector_load_idx %arg21[%add3A_124, %add3A_398] : memref<128x128xf32, #tpu.memory_space<vmem>>[vector<16xi32>, vector<16xi32>], vector<16xf32>,
      %add3A_400 = arith.constant 16 : i32
      %add3A_401 = vector.broadcast %add3A_400 : i32 to vector<16xi32>
      %add3A_402 = arith.addi %shift_left3A_141, %add3A_401 : vector<16xi32>
      %gather3A_403 = tpu.vector_load_idx %arg22[%add3A_124, %add3A_402] : memref<128x128xf32, #tpu.memory_space<vmem>>[vector<16xi32>, vector<16xi32>], vector<16xf32>,
      %add3A_404 = arith.constant 16 : i32
      %add3A_405 = vector.broadcast %add3A_404 : i32 to vector<16xi32>
      %add3A_406 = arith.addi %shift_left3A_149, %add3A_405 : vector<16xi32>
      %gather3A_407 = tpu.vector_load_idx %arg23[%add3A_124, %add3A_406] : memref<128x128xf32, #tpu.memory_space<vmem>>[vector<16xi32>, vector<16xi32>], vector<16xf32>,
      %mul3A_408 = arith.mulf %gather3A_399, %gather3A_403 : vector<16xf32>
      %mul3A_409 = arith.mulf %mul3A_408, %gather3A_407 : vector<16xf32>
      %add3A_410 = arith.addf %add3A_350, %mul3A_409 : vector<16xf32>
      %add3A_411 = arith.constant 17 : i32
      %add3A_412 = vector.broadcast %add3A_411 : i32 to vector<16xi32>
      %add3A_413 = arith.addi %shift_left3A_133, %add3A_412 : vector<16xi32>
      %gather3A_414 = tpu.vector_load_idx %arg21[%add3A_124, %add3A_413] : memref<128x128xf32, #tpu.memory_space<vmem>>[vector<16xi32>, vector<16xi32>], vector<16xf32>,
      %add3A_415 = arith.constant 17 : i32
      %add3A_416 = vector.broadcast %add3A_415 : i32 to vector<16xi32>
      %add3A_417 = arith.addi %shift_left3A_141, %add3A_416 : vector<16xi32>
      %gather3A_418 = tpu.vector_load_idx %arg22[%add3A_124, %add3A_417] : memref<128x128xf32, #tpu.memory_space<vmem>>[vector<16xi32>, vector<16xi32>], vector<16xf32>,
      %add3A_419 = arith.constant 17 : i32
      %add3A_420 = vector.broadcast %add3A_419 : i32 to vector<16xi32>
      %add3A_421 = arith.addi %shift_left3A_149, %add3A_420 : vector<16xi32>
      %gather3A_422 = tpu.vector_load_idx %arg23[%add3A_124, %add3A_421] : memref<128x128xf32, #tpu.memory_space<vmem>>[vector<16xi32>, vector<16xi32>], vector<16xf32>,
      %mul3A_423 = arith.mulf %gather3A_414, %gather3A_418 : vector<16xf32>
      %mul3A_424 = arith.mulf %mul3A_423, %gather3A_422 : vector<16xf32>
      %add3A_425 = arith.addf %add3A_365, %mul3A_424 : vector<16xf32>
      %add3A_426 = arith.constant 18 : i32
      %add3A_427 = vector.broadcast %add3A_426 : i32 to vector<16xi32>
      %add3A_428 = arith.addi %shift_left3A_133, %add3A_427 : vector<16xi32>
      %gather3A_429 = tpu.vector_load_idx %arg21[%add3A_124, %add3A_428] : memref<128x128xf32, #tpu.memory_space<vmem>>[vector<16xi32>, vector<16xi32>], vector<16xf32>,
      %add3A_430 = arith.constant 18 : i32
      %add3A_431 = vector.broadcast %add3A_430 : i32 to vector<16xi32>
      %add3A_432 = arith.addi %shift_left3A_141, %add3A_431 : vector<16xi32>
      %gather3A_433 = tpu.vector_load_idx %arg22[%add3A_124, %add3A_432] : memref<128x128xf32, #tpu.memory_space<vmem>>[vector<16xi32>, vector<16xi32>], vector<16xf32>,
      %add3A_434 = arith.constant 18 : i32
      %add3A_435 = vector.broadcast %add3A_434 : i32 to vector<16xi32>
      %add3A_436 = arith.addi %shift_left3A_149, %add3A_435 : vector<16xi32>
      %gather3A_437 = tpu.vector_load_idx %arg23[%add3A_124, %add3A_436] : memref<128x128xf32, #tpu.memory_space<vmem>>[vector<16xi32>, vector<16xi32>], vector<16xf32>,
      %mul3A_438 = arith.mulf %gather3A_429, %gather3A_433 : vector<16xf32>
      %mul3A_439 = arith.mulf %mul3A_438, %gather3A_437 : vector<16xf32>
      %add3A_440 = arith.addf %add3A_380, %mul3A_439 : vector<16xf32>
      %add3A_441 = arith.constant 19 : i32
      %add3A_442 = vector.broadcast %add3A_441 : i32 to vector<16xi32>
      %add3A_443 = arith.addi %shift_left3A_133, %add3A_442 : vector<16xi32>
      %gather3A_444 = tpu.vector_load_idx %arg21[%add3A_124, %add3A_443] : memref<128x128xf32, #tpu.memory_space<vmem>>[vector<16xi32>, vector<16xi32>], vector<16xf32>,
      %add3A_445 = arith.constant 19 : i32
      %add3A_446 = vector.broadcast %add3A_445 : i32 to vector<16xi32>
      %add3A_447 = arith.addi %shift_left3A_141, %add3A_446 : vector<16xi32>
      %gather3A_448 = tpu.vector_load_idx %arg22[%add3A_124, %add3A_447] : memref<128x128xf32, #tpu.memory_space<vmem>>[vector<16xi32>, vector<16xi32>], vector<16xf32>,
      %add3A_449 = arith.constant 19 : i32
      %add3A_450 = vector.broadcast %add3A_449 : i32 to vector<16xi32>
      %add3A_451 = arith.addi %shift_left3A_149, %add3A_450 : vector<16xi32>
      %gather3A_452 = tpu.vector_load_idx %arg23[%add3A_124, %add3A_451] : memref<128x128xf32, #tpu.memory_space<vmem>>[vector<16xi32>, vector<16xi32>], vector<16xf32>,
      %mul3A_453 = arith.mulf %gather3A_444, %gather3A_448 : vector<16xf32>
      %mul3A_454 = arith.mulf %mul3A_453, %gather3A_452 : vector<16xf32>
      %add3A_455 = arith.addf %add3A_395, %mul3A_454 : vector<16xf32>
      %add3A_456 = arith.constant 20 : i32
      %add3A_457 = vector.broadcast %add3A_456 : i32 to vector<16xi32>
      %add3A_458 = arith.addi %shift_left3A_133, %add3A_457 : vector<16xi32>
      %gather3A_459 = tpu.vector_load_idx %arg21[%add3A_124, %add3A_458] : memref<128x128xf32, #tpu.memory_space<vmem>>[vector<16xi32>, vector<16xi32>], vector<16xf32>,
      %add3A_460 = arith.constant 20 : i32
      %add3A_461 = vector.broadcast %add3A_460 : i32 to vector<16xi32>
      %add3A_462 = arith.addi %shift_left3A_141, %add3A_461 : vector<16xi32>
      %gather3A_463 = tpu.vector_load_idx %arg22[%add3A_124, %add3A_462] : memref<128x128xf32, #tpu.memory_space<vmem>>[vector<16xi32>, vector<16xi32>], vector<16xf32>,
      %add3A_464 = arith.constant 20 : i32
      %add3A_465 = vector.broadcast %add3A_464 : i32 to vector<16xi32>
      %add3A_466 = arith.addi %shift_left3A_149, %add3A_465 : vector<16xi32>
      %gather3A_467 = tpu.vector_load_idx %arg23[%add3A_124, %add3A_466] : memref<128x128xf32, #tpu.memory_space<vmem>>[vector<16xi32>, vector<16xi32>], vector<16xf32>,
      %mul3A_468 = arith.mulf %gather3A_459, %gather3A_463 : vector<16xf32>
      %mul3A_469 = arith.mulf %mul3A_468, %gather3A_467 : vector<16xf32>
      %add3A_470 = arith.addf %add3A_410, %mul3A_469 : vector<16xf32>
      %add3A_471 = arith.constant 21 : i32
      %add3A_472 = vector.broadcast %add3A_471 : i32 to vector<16xi32>
      %add3A_473 = arith.addi %shift_left3A_133, %add3A_472 : vector<16xi32>
      %gather3A_474 = tpu.vector_load_idx %arg21[%add3A_124, %add3A_473] : memref<128x128xf32, #tpu.memory_space<vmem>>[vector<16xi32>, vector<16xi32>], vector<16xf32>,
      %add3A_475 = arith.constant 21 : i32
      %add3A_476 = vector.broadcast %add3A_475 : i32 to vector<16xi32>
      %add3A_477 = arith.addi %shift_left3A_141, %add3A_476 : vector<16xi32>
      %gather3A_478 = tpu.vector_load_idx %arg22[%add3A_124, %add3A_477] : memref<128x128xf32, #tpu.memory_space<vmem>>[vector<16xi32>, vector<16xi32>], vector<16xf32>,
      %add3A_479 = arith.constant 21 : i32
      %add3A_480 = vector.broadcast %add3A_479 : i32 to vector<16xi32>
      %add3A_481 = arith.addi %shift_left3A_149, %add3A_480 : vector<16xi32>
      %gather3A_482 = tpu.vector_load_idx %arg23[%add3A_124, %add3A_481] : memref<128x128xf32, #tpu.memory_space<vmem>>[vector<16xi32>, vector<16xi32>], vector<16xf32>,
      %mul3A_483 = arith.mulf %gather3A_474, %gather3A_478 : vector<16xf32>
      %mul3A_484 = arith.mulf %mul3A_483, %gather3A_482 : vector<16xf32>
      %add3A_485 = arith.addf %add3A_425, %mul3A_484 : vector<16xf32>
      %add3A_486 = arith.constant 22 : i32
      %add3A_487 = vector.broadcast %add3A_486 : i32 to vector<16xi32>
      %add3A_488 = arith.addi %shift_left3A_133, %add3A_487 : vector<16xi32>
      %gather3A_489 = tpu.vector_load_idx %arg21[%add3A_124, %add3A_488] : memref<128x128xf32, #tpu.memory_space<vmem>>[vector<16xi32>, vector<16xi32>], vector<16xf32>,
      %add3A_490 = arith.constant 22 : i32
      %add3A_491 = vector.broadcast %add3A_490 : i32 to vector<16xi32>
      %add3A_492 = arith.addi %shift_left3A_141, %add3A_491 : vector<16xi32>
      %gather3A_493 = tpu.vector_load_idx %arg22[%add3A_124, %add3A_492] : memref<128x128xf32, #tpu.memory_space<vmem>>[vector<16xi32>, vector<16xi32>], vector<16xf32>,
      %add3A_494 = arith.constant 22 : i32
      %add3A_495 = vector.broadcast %add3A_494 : i32 to vector<16xi32>
      %add3A_496 = arith.addi %shift_left3A_149, %add3A_495 : vector<16xi32>
      %gather3A_497 = tpu.vector_load_idx %arg23[%add3A_124, %add3A_496] : memref<128x128xf32, #tpu.memory_space<vmem>>[vector<16xi32>, vector<16xi32>], vector<16xf32>,
      %mul3A_498 = arith.mulf %gather3A_489, %gather3A_493 : vector<16xf32>
      %mul3A_499 = arith.mulf %mul3A_498, %gather3A_497 : vector<16xf32>
      %add3A_500 = arith.addf %add3A_440, %mul3A_499 : vector<16xf32>
      %add3A_501 = arith.constant 23 : i32
      %add3A_502 = vector.broadcast %add3A_501 : i32 to vector<16xi32>
      %add3A_503 = arith.addi %shift_left3A_133, %add3A_502 : vector<16xi32>
      %gather3A_504 = tpu.vector_load_idx %arg21[%add3A_124, %add3A_503] : memref<128x128xf32, #tpu.memory_space<vmem>>[vector<16xi32>, vector<16xi32>], vector<16xf32>,
      %add3A_505 = arith.constant 23 : i32
      %add3A_506 = vector.broadcast %add3A_505 : i32 to vector<16xi32>
      %add3A_507 = arith.addi %shift_left3A_141, %add3A_506 : vector<16xi32>
      %gather3A_508 = tpu.vector_load_idx %arg22[%add3A_124, %add3A_507] : memref<128x128xf32, #tpu.memory_space<vmem>>[vector<16xi32>, vector<16xi32>], vector<16xf32>,
      %add3A_509 = arith.constant 23 : i32
      %add3A_510 = vector.broadcast %add3A_509 : i32 to vector<16xi32>
      %add3A_511 = arith.addi %shift_left3A_149, %add3A_510 : vector<16xi32>
      %gather3A_512 = tpu.vector_load_idx %arg23[%add3A_124, %add3A_511] : memref<128x128xf32, #tpu.memory_space<vmem>>[vector<16xi32>, vector<16xi32>], vector<16xf32>,
      %mul3A_513 = arith.mulf %gather3A_504, %gather3A_508 : vector<16xf32>
      %mul3A_514 = arith.mulf %mul3A_513, %gather3A_512 : vector<16xf32>
      %add3A_515 = arith.addf %add3A_455, %mul3A_514 : vector<16xf32>
      %add3A_516 = arith.constant 24 : i32
      %add3A_517 = vector.broadcast %add3A_516 : i32 to vector<16xi32>
      %add3A_518 = arith.addi %shift_left3A_133, %add3A_517 : vector<16xi32>
      %gather3A_519 = tpu.vector_load_idx %arg21[%add3A_124, %add3A_518] : memref<128x128xf32, #tpu.memory_space<vmem>>[vector<16xi32>, vector<16xi32>], vector<16xf32>,
      %add3A_520 = arith.constant 24 : i32
      %add3A_521 = vector.broadcast %add3A_520 : i32 to vector<16xi32>
      %add3A_522 = arith.addi %shift_left3A_141, %add3A_521 : vector<16xi32>
      %gather3A_523 = tpu.vector_load_idx %arg22[%add3A_124, %add3A_522] : memref<128x128xf32, #tpu.memory_space<vmem>>[vector<16xi32>, vector<16xi32>], vector<16xf32>,
      %add3A_524 = arith.constant 24 : i32
      %add3A_525 = vector.broadcast %add3A_524 : i32 to vector<16xi32>
      %add3A_526 = arith.addi %shift_left3A_149, %add3A_525 : vector<16xi32>
      %gather3A_527 = tpu.vector_load_idx %arg23[%add3A_124, %add3A_526] : memref<128x128xf32, #tpu.memory_space<vmem>>[vector<16xi32>, vector<16xi32>], vector<16xf32>,
      %mul3A_528 = arith.mulf %gather3A_519, %gather3A_523 : vector<16xf32>
      %mul3A_529 = arith.mulf %mul3A_528, %gather3A_527 : vector<16xf32>
      %add3A_530 = arith.addf %add3A_470, %mul3A_529 : vector<16xf32>
      %add3A_531 = arith.constant 25 : i32
      %add3A_532 = vector.broadcast %add3A_531 : i32 to vector<16xi32>
      %add3A_533 = arith.addi %shift_left3A_133, %add3A_532 : vector<16xi32>
      %gather3A_534 = tpu.vector_load_idx %arg21[%add3A_124, %add3A_533] : memref<128x128xf32, #tpu.memory_space<vmem>>[vector<16xi32>, vector<16xi32>], vector<16xf32>,
      %add3A_535 = arith.constant 25 : i32
      %add3A_536 = vector.broadcast %add3A_535 : i32 to vector<16xi32>
      %add3A_537 = arith.addi %shift_left3A_141, %add3A_536 : vector<16xi32>
      %gather3A_538 = tpu.vector_load_idx %arg22[%add3A_124, %add3A_537] : memref<128x128xf32, #tpu.memory_space<vmem>>[vector<16xi32>, vector<16xi32>], vector<16xf32>,
      %add3A_539 = arith.constant 25 : i32
      %add3A_540 = vector.broadcast %add3A_539 : i32 to vector<16xi32>
      %add3A_541 = arith.addi %shift_left3A_149, %add3A_540 : vector<16xi32>
      %gather3A_542 = tpu.vector_load_idx %arg23[%add3A_124, %add3A_541] : memref<128x128xf32, #tpu.memory_space<vmem>>[vector<16xi32>, vector<16xi32>], vector<16xf32>,
      %mul3A_543 = arith.mulf %gather3A_534, %gather3A_538 : vector<16xf32>
      %mul3A_544 = arith.mulf %mul3A_543, %gather3A_542 : vector<16xf32>
      %add3A_545 = arith.addf %add3A_485, %mul3A_544 : vector<16xf32>
      %add3A_546 = arith.constant 26 : i32
      %add3A_547 = vector.broadcast %add3A_546 : i32 to vector<16xi32>
      %add3A_548 = arith.addi %shift_left3A_133, %add3A_547 : vector<16xi32>
      %gather3A_549 = tpu.vector_load_idx %arg21[%add3A_124, %add3A_548] : memref<128x128xf32, #tpu.memory_space<vmem>>[vector<16xi32>, vector<16xi32>], vector<16xf32>,
      %add3A_550 = arith.constant 26 : i32
      %add3A_551 = vector.broadcast %add3A_550 : i32 to vector<16xi32>
      %add3A_552 = arith.addi %shift_left3A_141, %add3A_551 : vector<16xi32>
      %gather3A_553 = tpu.vector_load_idx %arg22[%add3A_124, %add3A_552] : memref<128x128xf32, #tpu.memory_space<vmem>>[vector<16xi32>, vector<16xi32>], vector<16xf32>,
      %add3A_554 = arith.constant 26 : i32
      %add3A_555 = vector.broadcast %add3A_554 : i32 to vector<16xi32>
      %add3A_556 = arith.addi %shift_left3A_149, %add3A_555 : vector<16xi32>
      %gather3A_557 = tpu.vector_load_idx %arg23[%add3A_124, %add3A_556] : memref<128x128xf32, #tpu.memory_space<vmem>>[vector<16xi32>, vector<16xi32>], vector<16xf32>,
      %mul3A_558 = arith.mulf %gather3A_549, %gather3A_553 : vector<16xf32>
      %mul3A_559 = arith.mulf %mul3A_558, %gather3A_557 : vector<16xf32>
      %add3A_560 = arith.addf %add3A_500, %mul3A_559 : vector<16xf32>
      %add3A_561 = arith.constant 27 : i32
      %add3A_562 = vector.broadcast %add3A_561 : i32 to vector<16xi32>
      %add3A_563 = arith.addi %shift_left3A_133, %add3A_562 : vector<16xi32>
      %gather3A_564 = tpu.vector_load_idx %arg21[%add3A_124, %add3A_563] : memref<128x128xf32, #tpu.memory_space<vmem>>[vector<16xi32>, vector<16xi32>], vector<16xf32>,
      %add3A_565 = arith.constant 27 : i32
      %add3A_566 = vector.broadcast %add3A_565 : i32 to vector<16xi32>
      %add3A_567 = arith.addi %shift_left3A_141, %add3A_566 : vector<16xi32>
      %gather3A_568 = tpu.vector_load_idx %arg22[%add3A_124, %add3A_567] : memref<128x128xf32, #tpu.memory_space<vmem>>[vector<16xi32>, vector<16xi32>], vector<16xf32>,
      %add3A_569 = arith.constant 27 : i32
      %add3A_570 = vector.broadcast %add3A_569 : i32 to vector<16xi32>
      %add3A_571 = arith.addi %shift_left3A_149, %add3A_570 : vector<16xi32>
      %gather3A_572 = tpu.vector_load_idx %arg23[%add3A_124, %add3A_571] : memref<128x128xf32, #tpu.memory_space<vmem>>[vector<16xi32>, vector<16xi32>], vector<16xf32>,
      %mul3A_573 = arith.mulf %gather3A_564, %gather3A_568 : vector<16xf32>
      %mul3A_574 = arith.mulf %mul3A_573, %gather3A_572 : vector<16xf32>
      %add3A_575 = arith.addf %add3A_515, %mul3A_574 : vector<16xf32>
      %add3A_576 = arith.constant 28 : i32
      %add3A_577 = vector.broadcast %add3A_576 : i32 to vector<16xi32>
      %add3A_578 = arith.addi %shift_left3A_133, %add3A_577 : vector<16xi32>
      %gather3A_579 = tpu.vector_load_idx %arg21[%add3A_124, %add3A_578] : memref<128x128xf32, #tpu.memory_space<vmem>>[vector<16xi32>, vector<16xi32>], vector<16xf32>,
      %add3A_580 = arith.constant 28 : i32
      %add3A_581 = vector.broadcast %add3A_580 : i32 to vector<16xi32>
      %add3A_582 = arith.addi %shift_left3A_141, %add3A_581 : vector<16xi32>
      %gather3A_583 = tpu.vector_load_idx %arg22[%add3A_124, %add3A_582] : memref<128x128xf32, #tpu.memory_space<vmem>>[vector<16xi32>, vector<16xi32>], vector<16xf32>,
      %add3A_584 = arith.constant 28 : i32
      %add3A_585 = vector.broadcast %add3A_584 : i32 to vector<16xi32>
      %add3A_586 = arith.addi %shift_left3A_149, %add3A_585 : vector<16xi32>
      %gather3A_587 = tpu.vector_load_idx %arg23[%add3A_124, %add3A_586] : memref<128x128xf32, #tpu.memory_space<vmem>>[vector<16xi32>, vector<16xi32>], vector<16xf32>,
      %mul3A_588 = arith.mulf %gather3A_579, %gather3A_583 : vector<16xf32>
      %mul3A_589 = arith.mulf %mul3A_588, %gather3A_587 : vector<16xf32>
      %add3A_590 = arith.addf %add3A_530, %mul3A_589 : vector<16xf32>
      %add3A_591 = arith.constant 29 : i32
      %add3A_592 = vector.broadcast %add3A_591 : i32 to vector<16xi32>
      %add3A_593 = arith.addi %shift_left3A_133, %add3A_592 : vector<16xi32>
      %gather3A_594 = tpu.vector_load_idx %arg21[%add3A_124, %add3A_593] : memref<128x128xf32, #tpu.memory_space<vmem>>[vector<16xi32>, vector<16xi32>], vector<16xf32>,
      %add3A_595 = arith.constant 29 : i32
      %add3A_596 = vector.broadcast %add3A_595 : i32 to vector<16xi32>
      %add3A_597 = arith.addi %shift_left3A_141, %add3A_596 : vector<16xi32>
      %gather3A_598 = tpu.vector_load_idx %arg22[%add3A_124, %add3A_597] : memref<128x128xf32, #tpu.memory_space<vmem>>[vector<16xi32>, vector<16xi32>], vector<16xf32>,
      %add3A_599 = arith.constant 29 : i32
      %add3A_600 = vector.broadcast %add3A_599 : i32 to vector<16xi32>
      %add3A_601 = arith.addi %shift_left3A_149, %add3A_600 : vector<16xi32>
      %gather3A_602 = tpu.vector_load_idx %arg23[%add3A_124, %add3A_601] : memref<128x128xf32, #tpu.memory_space<vmem>>[vector<16xi32>, vector<16xi32>], vector<16xf32>,
      %mul3A_603 = arith.mulf %gather3A_594, %gather3A_598 : vector<16xf32>
      %mul3A_604 = arith.mulf %mul3A_603, %gather3A_602 : vector<16xf32>
      %add3A_605 = arith.addf %add3A_545, %mul3A_604 : vector<16xf32>
      %add3A_606 = arith.constant 30 : i32
      %add3A_607 = vector.broadcast %add3A_606 : i32 to vector<16xi32>
      %add3A_608 = arith.addi %shift_left3A_133, %add3A_607 : vector<16xi32>
      %gather3A_609 = tpu.vector_load_idx %arg21[%add3A_124, %add3A_608] : memref<128x128xf32, #tpu.memory_space<vmem>>[vector<16xi32>, vector<16xi32>], vector<16xf32>,
      %add3A_610 = arith.constant 30 : i32
      %add3A_611 = vector.broadcast %add3A_610 : i32 to vector<16xi32>
      %add3A_612 = arith.addi %shift_left3A_141, %add3A_611 : vector<16xi32>
      %gather3A_613 = tpu.vector_load_idx %arg22[%add3A_124, %add3A_612] : memref<128x128xf32, #tpu.memory_space<vmem>>[vector<16xi32>, vector<16xi32>], vector<16xf32>,
      %add3A_614 = arith.constant 30 : i32
      %add3A_615 = vector.broadcast %add3A_614 : i32 to vector<16xi32>
      %add3A_616 = arith.addi %shift_left3A_149, %add3A_615 : vector<16xi32>
      %gather3A_617 = tpu.vector_load_idx %arg23[%add3A_124, %add3A_616] : memref<128x128xf32, #tpu.memory_space<vmem>>[vector<16xi32>, vector<16xi32>], vector<16xf32>,
      %mul3A_618 = arith.mulf %gather3A_609, %gather3A_613 : vector<16xf32>
      %mul3A_619 = arith.mulf %mul3A_618, %gather3A_617 : vector<16xf32>
      %add3A_620 = arith.addf %add3A_560, %mul3A_619 : vector<16xf32>
      %add3A_621 = arith.constant 31 : i32
      %add3A_622 = vector.broadcast %add3A_621 : i32 to vector<16xi32>
      %add3A_623 = arith.addi %shift_left3A_133, %add3A_622 : vector<16xi32>
      %gather3A_624 = tpu.vector_load_idx %arg21[%add3A_124, %add3A_623] : memref<128x128xf32, #tpu.memory_space<vmem>>[vector<16xi32>, vector<16xi32>], vector<16xf32>,
      %add3A_625 = arith.constant 31 : i32
      %add3A_626 = vector.broadcast %add3A_625 : i32 to vector<16xi32>
      %add3A_627 = arith.addi %shift_left3A_141, %add3A_626 : vector<16xi32>
      %gather3A_628 = tpu.vector_load_idx %arg22[%add3A_124, %add3A_627] : memref<128x128xf32, #tpu.memory_space<vmem>>[vector<16xi32>, vector<16xi32>], vector<16xf32>,
      %add3A_629 = arith.constant 31 : i32
      %add3A_630 = vector.broadcast %add3A_629 : i32 to vector<16xi32>
      %add3A_631 = arith.addi %shift_left3A_149, %add3A_630 : vector<16xi32>
      %gather3A_632 = tpu.vector_load_idx %arg23[%add3A_124, %add3A_631] : memref<128x128xf32, #tpu.memory_space<vmem>>[vector<16xi32>, vector<16xi32>], vector<16xf32>,
      %mul3A_633 = arith.mulf %gather3A_624, %gather3A_628 : vector<16xf32>
      %mul3A_634 = arith.mulf %mul3A_633, %gather3A_632 : vector<16xf32>
      %add3A_635 = arith.addf %add3A_575, %mul3A_634 : vector<16xf32>
      %add3A_636 = arith.addf %add3A_590, %add3A_605 : vector<16xf32>
      %add3A_637 = arith.addf %add3A_620, %add3A_635 : vector<16xf32>
      %add3A_638 = arith.addf %add3A_636, %add3A_637 : vector<16xf32>
      %swap3A = arith.index_cast %add3A_128 : i32 to index
      %swap3A_639 = tpu.vector_load %arg24[%swap3A] {strides = array<i32>} : memref<512xf32, #tpu.memory_space<vmem>>, vector<16xf32>,
      tpu.vector_store %arg24[%swap3A], %add3A_638 {strides = array<i32>} : memref<512xf32, #tpu.memory_space<vmem>>, vector<16xf32>,
    }
    %scan3A_119 = arith.constant 8 : i32
    "tpu.region"() ({
      %run_scoped3A = tpu.sem_alloc : memref<!tpu.dma_semaphore, #tpu.memory_space<semaphore_mem>>
      %dma_start3A_120 = tpu.memref_slice %arg8[%mul3A_2] : memref<16384xf32, #tpu.memory_space<hbm>> -> memref<512xf32, #tpu.memory_space<hbm>>
      %dma_start3A_121 = tpu.memref_slice %arg8[%mul3A_2] : memref<16384xf32, #tpu.memory_space<hbm>> -> memref<512xf32, #tpu.memory_space<hbm>>
      tpu.enqueue_dma source(%arg24 : memref<512xf32, #tpu.memory_space<vmem>>) target(%dma_start3A_121 : memref<512xf32, #tpu.memory_space<hbm>>) target_semaphore(%run_scoped3A : memref<!tpu.dma_semaphore, #tpu.memory_space<semaphore_mem>>)
      %dma_wait3A_122 = tpu.memref_slice %arg8[%mul3A_2] : memref<16384xf32, #tpu.memory_space<hbm>> -> memref<512xf32, #tpu.memory_space<hbm>>
      %dma_wait3A_123 = tpu.memref_slice %arg8[%mul3A_2] : memref<16384xf32, #tpu.memory_space<hbm>> -> memref<512xf32, #tpu.memory_space<hbm>>
      tpu.wait_dma2 semaphore(%run_scoped3A : memref<!tpu.dma_semaphore, #tpu.memory_space<semaphore_mem>>) src(%arg24 : memref<512xf32, #tpu.memory_space<vmem>>) dst(%dma_wait3A_123 : memref<512xf32, #tpu.memory_space<hbm>>)
      tpu.yield
    }) : () -> ()
    return
  }
}

</mosaic_0001>

<sc_bundles>
// kernel: kernel.3.cloned.1.call-start
scs
__scs_entry_jumppad:
0x0: {  	(pc) =	sbr.rel $0x88, $3  }
0x1: {  	(tag) =	ssettag $0x0;
	lr =	simm.s32 $0x1  }
0x2: {  	[smem:$0x3F9D] =	sst lr;
	_ =	strace $0xD0000000  }
0x3: {  	_ = 	snop  }
0x4: {  	_ = 	snop  }
0x5: {  	_ = 	snop  }
0x6: {  	_ = 	snop  }
0x7: {  	_ = 	snop  }
__scs_overlays_trampoline_lowered:
0x8: {  	[smem:$0x3FAC] =	sst s0  }
0x9: {  	[smem:$0x3FAD] =	sst s1  }
0xa: {  	[smem:$0x3FAE] =	sst s2  }
0xb: {  	[smem:$0x3FAF] =	sst s3  }
0xc: {  	[smem:$0x3FB0] =	sst s4  }
0xd: {  	[smem:$0x3FB1] =	sst s5  }
0xe: {  	[smem:$0x3FB2] =	sst s6  }
0xf: {  	[smem:$0x3FB3] =	sst s7  }
0x10: {  	[smem:$0x3FB4] =	sst s8  }
0x11: {  	[smem:$0x3FB5] =	sst s9;
	s0 =	simm.s32 @!p0 $0x0  }
0x12: {  	s1 =	sld [smem:$0x3F9B];
	s0 =	simm.s32 @p0 $0x1  }
0x13: {  	[smem:$0x3FB6] =	sst s0;
	s0 =	simm.s32 @!p1 $0x0  }
0x14: {  	s2 =	sld [smem:$0x3F9A];
	s0 =	simm.s32 @p1 $0x1  }
0x15: {  	[smem:$0x3FB7] =	sst s0;
	s0 =	simm.s32 @!p2 $0x0  }
0x16: {  	s3 =	sld [smem:$0x3FDB];
	s0 =	simm.s32 @p2 $0x1  }
0x17: {  	s4 =	simm.s32 $0x1BF5;
	[smem:$0x3FB9] =	sst s0  }
0x18: {  	s0 =	sld [smem:$0x3F9C];
	_ =	swait.ge [sflag:s4], $0x0  }
0x19: {  	s7 =	sld [smem:$0x3F9D]  }
0x1a: {  	s8 =	sadd.s32 $0xFFFFE003, lr  }
0x1b: {  	s9 =	sadd.s32 $0xFFFFFEF7, lr;
	s5 =	simm.s32 $0xFFFFFFFF;
	p2 =	slt.u32 s8, $0xFFFFF086  }
0x1c: {  	p1 =	slt.u32 s9, $0xF7A;
	s5 =	simm.s32 @!p2 $0x0  }
0x1d: {  	s5 =	simm.s32 @p1 $0x1;
	p0 =	seq.s32 s7, s2  }
0x1e: {  	s7 =	smul.u32 @!p0 $0xF7A, s2;
	p2 =	seq.s32 @!p0 s5, $0x0  }
0x1f: {  	s9 =	smul.u32 $0xF7A, s1;
	s8 =	simm.s32 @!p0 $0x1BF5;
	p2 =	por !p2, p0  }
0x20: {  	[sflag:s8] =	ssyncset.s32 @!p0 $0xFFFFF086;
	s6 =	sadd.s32 @!p0 s3, s7;
	s7 =	simm.s32 @!p0 $0x108  }
0x21: {  	s3 =	sadd.s32 s3, s9;
	s6 =	sadd.s32 @!p0 $0x88, s6;
	s7 =	simm.s32 @p2 $0x1082  }
0x22: {  	[simem:s7], [sflag:s8] =	dma.local @!p0 [hbm:s6], $0xF7A  }
0x23: {  	s9 =	sor.u32 $0xD0000000, s2;
	s6 =	simm.s32 $0x108;
	_ =	swait.ge @!p0 [sflag:s8], $0x0  }
0x24: {  	s3 =	sadd.s32 $0x88, s3;
	s6 =	simm.s32 @!p1 $0x1082;
	[sflag:s4] =	ssyncset.s32 $0xFFFFF086  }
0x25: {  	[simem:s6], [sflag:s4] =	dma.local [hbm:s3], $0xF7A  }
0x26: {  	[smem:$0x3F9D] =	sst s1;
	(tag) =	ssettag s2;
	_ =	strace s9  }
0x27: {  	s1 =	sld [smem:$0x3FAD]  }
0x28: {  	s2 =	sld [smem:$0x3FAE]  }
0x29: {  	s4 =	sld [smem:$0x3FB0]  }
0x2a: {  	p0 =	seq.s32 s5, $0x0;
	s5 =	sld [smem:$0x3FB1]  }
0x2b: {  	s6 =	sld [smem:$0x3FB2]  }
0x2c: {  	s7 =	sld [smem:$0x3FB3]  }
0x2d: {  	s3 =	simm.s32 $0x108;
	s8 =	sld [smem:$0x3FB4]  }
0x2e: {  	s3 =	simm.s32 @!p0 $0x1082;
	s9 =	sld [smem:$0x3FB5]  }
0x2f: {  	lr =	sadd.s32 s0, s3;
	s0 =	sld [smem:$0x3FAC]  }
0x30: {  	s3 =	sld [smem:$0x3FAF]  }
0x31: {  	[smem:$0x3FB8] =	sst s10  }
0x32: {  	s10 =	sld [smem:$0x3FB6];
	_ =	sdelay $0x3  }
0x33: {  	p0 =	seq.s32 s10, $0x1;
	s10 =	sld [smem:$0x3FB8];
	_ =	sdelay $0x3  }
0x34: {  	[smem:$0x3FB8] =	sst s10  }
0x35: {  	s10 =	sld [smem:$0x3FB7];
	_ =	sdelay $0x3  }
0x36: {  	p1 =	seq.s32 s10, $0x1;
	s10 =	sld [smem:$0x3FB8];
	_ =	sdelay $0x3  }
0x37: {  	[smem:$0x3FB8] =	sst s10  }
0x38: {  	s10 =	sld [smem:$0x3FB9]  }
0x39: {  	_ = 	snop;
	(pc) =	sbr.ind lr, $3  }
0x3a: {  	_ = 	snop  }
0x3b: {  	_ = 	snop  }
0x3c: {  	p2 =	seq.s32 s10, $0x1;
	s10 =	sld [smem:$0x3FB8]  }
0x3d: {  	_ =	shalt  }
0x3e: {  	_ =	shalt  }
0x3f: {  	_ =	shalt  }
0x40: {  	_ =	shalt  }
0x41: {  	_ =	shalt  }
0x42: {  	_ =	shalt  }
0x43: {  	_ =	shalt  }
0x44: {  	_ =	shalt  }
0x45: {  	_ =	shalt  }
0x46: {  	_ =	shalt  }
0x47: {  	_ =	shalt  }
0x48: {  	_ =	shalt  }
0x49: {  	_ =	shalt  }
0x4a: {  	_ =	shalt  }
0x4b: {  	_ =	shalt  }
0x4c: {  	_ =	shalt  }
0x4d: {  	_ =	shalt  }
0x4e: {  	_ =	shalt  }
0x4f: {  	_ =	shalt  }
0x50: {  	_ =	shalt  }
0x51: {  	_ =	shalt  }
0x52: {  	_ =	shalt  }
0x53: {  	_ =	shalt  }
0x54: {  	_ =	shalt  }
0x55: {  	_ =	shalt  }
0x56: {  	_ =	shalt  }
0x57: {  	_ =	shalt  }
0x58: {  	_ =	shalt  }
0x59: {  	_ =	shalt  }
0x5a: {  	_ =	shalt  }
0x5b: {  	_ =	shalt  }
0x5c: {  	_ =	shalt  }
0x5d: {  	_ =	shalt  }
0x5e: {  	_ =	shalt  }
0x5f: {  	_ =	shalt  }
0x60: {  	_ =	shalt  }
0x61: {  	_ =	shalt  }
0x62: {  	_ =	shalt  }
0x63: {  	_ =	shalt  }
0x64: {  	_ =	shalt  }
0x65: {  	_ =	shalt  }
0x66: {  	_ =	shalt  }
0x67: {  	_ =	shalt  }
0x68: {  	_ =	shalt  }
0x69: {  	_ =	shalt  }
0x6a: {  	_ =	shalt  }
0x6b: {  	_ =	shalt  }
0x6c: {  	_ =	shalt  }
0x6d: {  	_ =	shalt  }
0x6e: {  	_ =	shalt  }
0x6f: {  	_ =	shalt  }
0x70: {  	_ =	shalt  }
0x71: {  	_ =	shalt  }
0x72: {  	_ =	shalt  }
0x73: {  	_ =	shalt  }
0x74: {  	_ =	shalt  }
0x75: {  	_ =	shalt  }
0x76: {  	_ =	shalt  }
0x77: {  	_ =	shalt  }
0x78: {  	_ =	shalt  }
0x79: {  	_ =	shalt  }
0x7a: {  	_ =	shalt  }
0x7b: {  	_ =	shalt  }
0x7c: {  	_ =	shalt  }
0x7d: {  	_ =	shalt  }
0x7e: {  	_ =	shalt  }
0x7f: {  	_ =	shalt  }
0x80: {  	_ =	shalt  }
0x81: {  	_ =	shalt  }
0x82: {  	_ =	shalt  }
0x83: {  	_ =	shalt  }
0x84: {  	_ =	shalt  }
0x85: {  	_ =	shalt  }
0x86: {  	_ =	shalt  }
0x87: {  	_ =	shalt  }
.Lfunc_end0:
.L_simem_size_0:
called_computation_lowered:
.L_overlay_start_0:
0x88: {  	s2 =	sld [smem:$0x3FD9]  }
0x89: {  	s3 =	sld [smem:$0x3FFE];
	_ =	sdelay $0x1  }
0x8a: {  	s1 =	srdreg.scid  }
0x8b: {  	s0 =	sand.u32 $0x1, s1  }
0x8c: {  	s17 =	sshll.u32 s0, $0xA;
	s2 =	sadd.s32 s3, s2  }
0x8d: {  	s2 =	sadd.s32 s2, s17  }
0x8e: {  	[smem:$0x3FC4] =	sst s2  }
0x8f: {  	_ = 	snop  }
0x90: {  	s2 =	sld [smem:$0x3FD0];
	(tm) =	ssettm $0x1  }
0x91: {  	s18 =	sld [smem:$0x3FFB];
	_ =	sdelay $0x3  }
0x92: {  	_ =	strace s18  }
0x93: {  	s3 =	sld [smem:$0x3FFC];
	_ =	sdelay $0x3  }
0x94: {  	_ =	strace s3  }
0x95: {  	s3 =	sld [smem:$0x3FFD];
	_ =	sdelay $0x3  }
0x96: {  	_ =	strace s3  }
0x97: {  	_ =	strace $0x8FFFFFFF  }
0x98: {  	s19 =	sld [smem:$0x3FDB];
	_ =	sdelay $0x1  }
0x99: {  	s4 =	simm.s32 $_scs_section_size  }
0x9a: {  	s5 =	simm.s32 $_size__tile_overlayer_lowered;
	s6 =	simm.s32 $_tile_overlayer_lowered  }
0x9b: {  	s22 =	simm.s32 $0x1BFF;
	s21 =	sshll.u32 s6, $0x1;
	s3 =	sadd.s32 s4, s19  }
0x9c: {  	s7 =	simm.s32 $0x0;
	s20 =	sshll.u32 s5, $0x1;
	s5 =	sadd.s32 s21, s3  }
0x9d: {  	[timem:s7], [sflag:s22] =	dma.local [hbm:s5], s20  }
0x9e: {  	_ =	swait.ge [sflag:s22], s20  }
0x9f: {  	s4 =	ssub.s32 $0x0, s20;
	[sflag:s22] =	ssyncset.done $0x0  }
0xa0: {  	[sflag:s22] =	ssyncadd.s32 s4;
	_ =	sdelay $0x1  }
0xa1: {  	s23 =	simm.s32 $0x1B8B  }
0xa2: {  	_ =	swait.ge [sflag:s23], $0x1  }
0xa3: {  	[sflag:s23] =	ssyncset.done $0x0  }
0xa4: {  	s25 =	simm.s32 $0x1B8E;
	s24 =	sld [smem:$0x3FFE];
	[sflag:s23] =	ssyncadd.s32 $0xFFFFFFFF  }
0xa5: {  	s26 =	simm.s32 $execute0_lowered;
	[smem:$0x3FD2] =	sst s25  }
0xa6: {  	s5 =	sshll.u32 s26, $0x1;
	_ =	strace $0x80000046;
	[dreg:$0x1] =	wrdreg $0xFFFFFFFF  }
0xa7: {  	s28 =	simm.s32 $_size_execute0_lowered;
	s3 =	sadd.s32 s3, s5;
	[dreg:$0x0] =	wrdreg $0x0  }
0xa8: {  	s5 =	sshll.u32 s28, $0x1;
	[dreg:$0x2] =	wrdreg s3  }
0xa9: {  	[dreg:$0x3] =	wrdreg s5  }
0xaa: {  	[dreg:$0x4] =	wrdreg $0xC0  }
0xab: {  	_ =	task [dreg:s7], $0x5FFFF  }
0xac: {  	[dreg:$0x1] =	wrdreg $0xFFFFFFFF  }
0xad: {  	[dreg:$0x0] =	wrdreg $0x60  }
0xae: {  	[dreg:$0x2] =	wrdreg s24  }
0xaf: {  	[dreg:$0x3] =	wrdreg s2  }
0xb0: {  	[dreg:$0x4] =	wrdreg $0x9  }
0xb1: {  	_ =	task.clear_ibuf [dreg:s7], $0x5FFFF;
	_ =	strace $0x90000046  }
0xb2: {  	s29 =	simm.s32 $0x9;
	_ =	strace $0x80000048  }
0xb3: {  	_ =	swait.ge [sflag:s29], $0x1  }
0xb4: {  	[sflag:s29] =	ssyncadd.s32 $0xFFFFFFFF  }
0xb5: {  	_ =	strace $0x90000048  }
0xb6: {  	_ =	sfence  }
0xb7: {  	s30 =	sld [smem:$0x0];
	_ =	sdelay $0x2  }
0xb8: {  	s31 =	sshll.u32 s1, $0xD;
	s1 =	sshrl.u32 s1, $0x2  }
0xb9: {  	s3 =	sand.u32 $0x4000, s31;
	s1 =	sadd.s32 s1, s30  }
0xba: {  	s0 =	sor.u32 s3, s0;
	s1 =	sshll.u32 s1, $0x11  }
0xbb: {  	s0 =	sor.u32 s1, s0  }
0xbc: {  	s0 =	sadd.s32 $0x8F2B, s0  }
0xbd: {  	[sflag:s0] =	ssyncadd.remote.s32 $0x1  }
0xbe: {  	_ =	sfence.sel $0xFFFF  }
0xbf: {  	[dreg:$0x0] =	wrdreg $0xFFFFFFFF;
	(pc) =	sbr.abs _section_cstart, $3  }
0xc0: {  	[dreg:$0x1] =	wrdreg $0xFFFFFFFF  }
0xc1: {  	_ =	task.clear_ibuf [dreg:s7], $0x2FFFF;
	_ =	strace $0x9FFFFFFF  }
0xc2: {  	(tm) =	ssettm $0x7FFFFFFF  }
0xc3: {  	_ =	shalt  }
tec
execute0_lowered:
.L_overlay_start_1:
0x0: {  	(tag) =	ssettag $0x1  }
0x1: {  	s0 =	rddreg [dreg:$0x0]  }
0x2: {  	s1 =	rddreg [dreg:$0x1];
	s3 =	srdreg.scid;
	s2 =	simm.s32 $0x0  }
0x3: {  	s4 =	stileid.u32;
	s11 =	simm.s32 $0x7;
	s12 =	simm.s32 $0x80  }
0x4: {  	s14 =	simm.s32 $0x900;
	s16 =	simm.s32 $0x4900;
	s18 =	simm.s32 $0x8900  }
0x5: {  	s19 =	simm.s32 $0x1;
	s20 =	simm.s32 $0x2;
	s21 =	simm.s32 $0x3  }
0x6: {  	s23 =	simm.s32 $0xC900;
	s25 =	simm.s32 $0x10900;
	s28 =	simm.s32 $0x14900  }
0x7: {  	s29 =	simm.s32 $0x4;
	s30 =	simm.s32 $0x5;
	s31 =	simm.s32 $0x6  }
0x8: {  	s3 =	sand.u32 $0x1, s3;
	[smem:$0x7FF] =	sst s2;
	s4 =	sshll.u32 s4, $0x7  }
0x9: {  	s5 =	sshll.u32 s3, $0x6;
	_ =	strace $0x80000047;
	s6 =	ssub.s32 $0x2, s3  }
0xa: {  	s3 =	sadd.s32 $0x18A800, s0;
	s9 =	sor.u32 s5, s4;
	s7 =	sshrl.u32 s6, $0x1  }
0xb: {  	v0 =	vlaneseq.u32;
	s4 =	sadd.s32 $0x1EC400, s0;
	s5 =	sadd.s32 $0x24E000, s0;
	s8 =	sadd.s32 s9, s0  }
0xc: {  	v6 =	vmul.u32 $0x80, v0;
	s26 =	ssub.s32 s6, s7;
	s9 =	sadd.s32 s1, s9;
	s0 =	simm.s32 $0x18900  }
0xd: {  	s1 =	simm.s32 $0x0;
	s6 =	sadd.s32 $0x3600, s8;
	s7 =	sadd.s32 $0x2E00, s8  }
0xe: {  	[tilespmem:$0x1FFF0] =	vst v6;
	s8 =	sadd.s32 $0x2600, s8;
	s10 =	smax.u32 s26, $0x1;
	s26 =	simm.s32 $0x880  }
.LBB2_1:
0xf: {  	[tilespmem:s2], [sflag:$0x7] =	stream.linear.gather [hbm4b:s6+s2], $0x200, $0x38;
	[tilespmem:$0x18B00] =	vst v63  }
0x10: {  	_ =	swait.ge [sflag:s11], $0x200  }
0x11: {  	[sflag:s11] =	ssyncset.done $0x0  }
0x12: {  	s13 =	simm.s32 $0x200;
	[sflag:s11] =	ssyncadd.s32 $0xFFFFFE00  }
0x13: {  	[tilespmem:s13], [sflag:$0x7] =	stream.linear.gather [hbm4b:s7+s2], $0x200, $0x38;
	[tilespmem:$0x18B00] =	vst v63  }
0x14: {  	_ =	swait.ge [sflag:s11], $0x200  }
0x15: {  	[sflag:s11] =	ssyncset.done $0x0  }
0x16: {  	s15 =	simm.s32 $0x400;
	[sflag:s11] =	ssyncadd.s32 $0xFFFFFE00  }
0x17: {  	[tilespmem:s15], [sflag:$0x7] =	stream.linear.gather [hbm4b:s8+s2], $0x200, $0x38;
	[tilespmem:$0x18B00] =	vst v63  }
0x18: {  	_ =	swait.ge [sflag:s11], $0x200  }
0x19: {  	[sflag:s11] =	ssyncset.done $0x0  }
0x1a: {  	[sflag:s11] =	ssyncadd.s32 $0xFFFFFE00  }
0x1b: {  	v0 =	vld [tilespmem:$0x0]  }
0x1c: {  	v1 =	vld [tilespmem:$0x200]  }
0x1d: {  	v2 =	vld [tilespmem:$0x400]  }
0x1e: {  	v3 =	vld [tilespmem:$0x10]  }
0x1f: {  	v4 =	vld [tilespmem:$0x210]  }
0x20: {  	v5 =	vld [tilespmem:$0x410];
	v0 =	vshrl.u32 v0, $0x2  }
0x21: {  	[tilespmem:$0x600] =	vst v0;
	v0 =	vshrl.u32 v1, $0x2;
	v1 =	vld [tilespmem:$0x20]  }
0x22: {  	[tilespmem:$0x680] =	vst v0;
	v0 =	vshrl.u32 v2, $0x2;
	v2 =	vld [tilespmem:$0x220]  }
0x23: {  	[tilespmem:$0x700] =	vst v0;
	v0 =	vshrl.u32 v3, $0x2;
	v3 =	vld [tilespmem:$0x420]  }
0x24: {  	[tilespmem:$0x610] =	vst v0;
	v0 =	vshrl.u32 v4, $0x2;
	v4 =	vld [tilespmem:$0x30]  }
0x25: {  	[tilespmem:$0x690] =	vst v0;
	v0 =	vshrl.u32 v5, $0x2;
	v5 =	vld [tilespmem:$0x230]  }
0x26: {  	[tilespmem:$0x710] =	vst v0;
	v0 =	vshrl.u32 v1, $0x2;
	v1 =	vld [tilespmem:$0x430]  }
0x27: {  	[tilespmem:$0x620] =	vst v0;
	v0 =	vshrl.u32 v2, $0x2;
	v2 =	vld [tilespmem:$0x40]  }
0x28: {  	[tilespmem:$0x6A0] =	vst v0;
	v0 =	vshrl.u32 v3, $0x2;
	v3 =	vld [tilespmem:$0x240]  }
0x29: {  	[tilespmem:$0x720] =	vst v0;
	v0 =	vshrl.u32 v4, $0x2;
	v4 =	vld [tilespmem:$0x440]  }
0x2a: {  	[tilespmem:$0x630] =	vst v0;
	v0 =	vshrl.u32 v5, $0x2;
	v5 =	vld [tilespmem:$0x50]  }
0x2b: {  	[tilespmem:$0x6B0] =	vst v0;
	v0 =	vshrl.u32 v1, $0x2;
	v1 =	vld [tilespmem:$0x250]  }
0x2c: {  	[tilespmem:$0x730] =	vst v0;
	v0 =	vshrl.u32 v2, $0x2;
	v2 =	vld [tilespmem:$0x450]  }
0x2d: {  	[tilespmem:$0x640] =	vst v0;
	v0 =	vshrl.u32 v3, $0x2;
	v3 =	vld [tilespmem:$0x60]  }
0x2e: {  	[tilespmem:$0x6C0] =	vst v0;
	v0 =	vshrl.u32 v4, $0x2;
	v4 =	vld [tilespmem:$0x260]  }
0x2f: {  	[tilespmem:$0x740] =	vst v0;
	v0 =	vshrl.u32 v5, $0x2;
	v5 =	vld [tilespmem:$0x460]  }
0x30: {  	[tilespmem:$0x650] =	vst v0;
	v0 =	vshrl.u32 v1, $0x2;
	v1 =	vld [tilespmem:$0x70]  }
0x31: {  	[tilespmem:$0x6D0] =	vst v0;
	v0 =	vshrl.u32 v2, $0x2;
	v2 =	vld [tilespmem:$0x270]  }
0x32: {  	[tilespmem:$0x750] =	vst v0;
	v0 =	vshrl.u32 v3, $0x2;
	v3 =	vld [tilespmem:$0x470]  }
0x33: {  	[tilespmem:$0x660] =	vst v0;
	v0 =	vshrl.u32 v4, $0x2  }
0x34: {  	[tilespmem:$0x6E0] =	vst v0;
	v0 =	vshrl.u32 v5, $0x2  }
0x35: {  	[tilespmem:$0x760] =	vst v0;
	v0 =	vshrl.u32 v1, $0x2  }
0x36: {  	[tilespmem:$0x670] =	vst v0;
	v0 =	vshrl.u32 v2, $0x2  }
0x37: {  	[tilespmem:$0x6F0] =	vst v0;
	v0 =	vshrl.u32 v3, $0x2  }
0x38: {  	s17 =	simm.s32 $0x600;
	[tilespmem:$0x770] =	vst v0  }
0x39: {  	[tilespmem:s14], [sflag:$0x1] =	stream.indirect.gather [hbm4b:s3+s12], $0x80, s17, s12, $0xb8;
	[tilespmem:$0x18B00] =	vst v63  }
0x3a: {  	s22 =	simm.s32 $0x680  }
0x3b: {  	[tilespmem:s16], [sflag:$0x2] =	stream.indirect.gather [hbm4b:s4+s12], $0x80, s22, s12, $0xb8;
	[tilespmem:$0x18B00] =	vst v63  }
0x3c: {  	s24 =	simm.s32 $0x700  }
0x3d: {  	[tilespmem:s18], [sflag:$0x3] =	stream.indirect.gather [hbm4b:s5+s12], $0x80, s24, s12, $0xb8;
	[tilespmem:$0x18B00] =	vst v63  }
0x3e: {  	_ =	swait.ge [sflag:s19], $0x4000  }
0x3f: {  	[sflag:s19] =	ssyncset.done $0x0  }
0x40: {  	[sflag:s19] =	ssyncadd.s32 $0xFFFFC000  }
0x41: {  	_ =	swait.ge [sflag:s20], $0x4000  }
0x42: {  	[sflag:s20] =	ssyncset.done $0x0  }
0x43: {  	[sflag:s20] =	ssyncadd.s32 $0xFFFFC000  }
0x44: {  	_ =	swait.ge [sflag:s21], $0x4000  }
0x45: {  	[sflag:s21] =	ssyncset.done $0x0  }
0x46: {  	[sflag:s21] =	ssyncadd.s32 $0xFFFFC000  }
0x47: {  	v0 =	vld [tilespmem:$0x80]  }
0x48: {  	v1 =	vld [tilespmem:$0x280]  }
0x49: {  	v2 =	vld [tilespmem:$0x480]  }
0x4a: {  	v3 =	vld [tilespmem:$0x90]  }
0x4b: {  	v4 =	vld [tilespmem:$0x290]  }
0x4c: {  	v5 =	vld [tilespmem:$0x490];
	v0 =	vshrl.u32 v0, $0x2  }
0x4d: {  	[tilespmem:$0x780] =	vst v0;
	v0 =	vshrl.u32 v1, $0x2;
	v1 =	vld [tilespmem:$0xA0]  }
0x4e: {  	[tilespmem:$0x800] =	vst v0;
	v0 =	vshrl.u32 v2, $0x2;
	v2 =	vld [tilespmem:$0x2A0]  }
0x4f: {  	[tilespmem:$0x880] =	vst v0;
	v0 =	vshrl.u32 v3, $0x2;
	v3 =	vld [tilespmem:$0x4A0]  }
0x50: {  	[tilespmem:$0x790] =	vst v0;
	v0 =	vshrl.u32 v4, $0x2;
	v4 =	vld [tilespmem:$0xB0]  }
0x51: {  	[tilespmem:$0x810] =	vst v0;
	v0 =	vshrl.u32 v5, $0x2;
	v5 =	vld [tilespmem:$0x2B0]  }
0x52: {  	[tilespmem:$0x890] =	vst v0;
	v0 =	vshrl.u32 v1, $0x2;
	v1 =	vld [tilespmem:$0x4B0]  }
0x53: {  	[tilespmem:$0x7A0] =	vst v0;
	v0 =	vshrl.u32 v2, $0x2;
	v2 =	vld [tilespmem:$0xC0]  }
0x54: {  	[tilespmem:$0x820] =	vst v0;
	v0 =	vshrl.u32 v3, $0x2;
	v3 =	vld [tilespmem:$0x2C0]  }
0x55: {  	[tilespmem:$0x8A0] =	vst v0;
	v0 =	vshrl.u32 v4, $0x2;
	v4 =	vld [tilespmem:$0x4C0]  }
0x56: {  	[tilespmem:$0x7B0] =	vst v0;
	v0 =	vshrl.u32 v5, $0x2;
	v5 =	vld [tilespmem:$0xD0]  }
0x57: {  	[tilespmem:$0x830] =	vst v0;
	v0 =	vshrl.u32 v1, $0x2;
	v1 =	vld [tilespmem:$0x2D0]  }
0x58: {  	[tilespmem:$0x8B0] =	vst v0;
	v0 =	vshrl.u32 v2, $0x2;
	v2 =	vld [tilespmem:$0x4D0]  }
0x59: {  	[tilespmem:$0x7C0] =	vst v0;
	v0 =	vshrl.u32 v3, $0x2;
	v3 =	vld [tilespmem:$0xE0]  }
0x5a: {  	[tilespmem:$0x840] =	vst v0;
	v0 =	vshrl.u32 v4, $0x2;
	v4 =	vld [tilespmem:$0x2E0]  }
0x5b: {  	[tilespmem:$0x8C0] =	vst v0;
	v0 =	vshrl.u32 v5, $0x2;
	v5 =	vld [tilespmem:$0x4E0]  }
0x5c: {  	[tilespmem:$0x7D0] =	vst v0;
	v0 =	vshrl.u32 v1, $0x2;
	v1 =	vld [tilespmem:$0xF0]  }
0x5d: {  	[tilespmem:$0x850] =	vst v0;
	v0 =	vshrl.u32 v2, $0x2;
	v2 =	vld [tilespmem:$0x2F0]  }
0x5e: {  	[tilespmem:$0x8D0] =	vst v0;
	v0 =	vshrl.u32 v3, $0x2;
	v3 =	vld [tilespmem:$0x4F0]  }
0x5f: {  	[tilespmem:$0x7E0] =	vst v0;
	v0 =	vshrl.u32 v4, $0x2  }
0x60: {  	[tilespmem:$0x860] =	vst v0;
	v0 =	vshrl.u32 v5, $0x2  }
0x61: {  	[tilespmem:$0x8E0] =	vst v0;
	v0 =	vshrl.u32 v1, $0x2  }
0x62: {  	[tilespmem:$0x7F0] =	vst v0;
	v0 =	vshrl.u32 v2, $0x2  }
0x63: {  	[tilespmem:$0x870] =	vst v0;
	v0 =	vshrl.u32 v3, $0x2  }
0x64: {  	s22 =	simm.s32 $0x780;
	[tilespmem:$0x8F0] =	vst v0  }
0x65: {  	[tilespmem:s23], [sflag:$0x4] =	stream.indirect.gather [hbm4b:s3+s12], $0x80, s22, s12, $0xb8;
	[tilespmem:$0x18B00] =	vst v63  }
0x66: {  	s24 =	simm.s32 $0x800  }
0x67: {  	[tilespmem:s25], [sflag:$0x5] =	stream.indirect.gather [hbm4b:s4+s12], $0x80, s24, s12, $0xb8;
	[tilespmem:$0x18B00] =	vst v63  }
0x68: {  	_ = 	snop  }
0x69: {  	[tilespmem:s28], [sflag:$0x6] =	stream.indirect.gather [hbm4b:s5+s12], $0x80, s26, s12, $0xb8;
	[tilespmem:$0x18B00] =	vst v63  }
0x6a: {  	v0 =	vld [tilespmem:s15+$0x0]  }
0x6b: {  	v36 =	vld [tilespmem:s13+$0x0];
	_ =	sdelay $0x3  }
0x6c: {  	v1 =	vmov s2  }
0x6d: {  	v1 =	vshll.u32 v1, $0x7;
	v0 =	vshll.u32 v0, $0x5;
	v36 =	vshll.u32 v36, $0x5  }
0x6e: {  	v10 =	vor.u32 v6, v1;
	v0 =	vand.u32 $0x60, v0;
	v36 =	vand.u32 $0x60, v36  }
0x6f: {  	v1 =	vor.u32 v10, v0;
	v36 =	vor.u32 v10, v36  }
0x70: {  	v0 =	vor.u32 $0x1C, v1  }
0x71: {  	v2 =	vld [tilespmem:s2+$0x0];
	v3 =	vor.u32 $0x1D, v1  }
0x72: {  	v5 =	vor.u32 $0x18, v1  }
0x73: {  	v6 =	vor.u32 $0x19, v1  }
0x74: {  	v7 =	vor.u32 $0x14, v1;
	v46 =	vld.idx.msk [tilespmem:v36+s16+$0x0], $0xffff  }
0x75: {  	v12 =	vor.u32 $0x11, v1;
	v4 =	vld.idx.msk [tilespmem:v0+s18+$0x0], $0xffff  }
0x76: {  	v43 =	vor.u32 $0x1D, v36;
	v0 =	vshll.u32 v2, $0x5;
	v2 =	vld.idx.msk [tilespmem:v3+s18+$0x0], $0xffff  }
0x77: {  	v44 =	vor.u32 $0x1E, v36;
	v9 =	vld.idx.msk [tilespmem:v5+s18+$0x0], $0xffff  }
0x78: {  	v45 =	vor.u32 $0x1F, v36;
	v5 =	vld.idx.msk [tilespmem:v6+s18+$0x0], $0xffff  }
0x79: {  	v47 =	vor.u32 $0x18, v36;
	v7 =	vld.idx.msk [tilespmem:v7+s18+$0x0], $0xffff  }
0x7a: {  	v48 =	vor.u32 $0x19, v36;
	v6 =	vld.idx.msk [tilespmem:v12+s18+$0x0], $0xffff  }
0x7b: {  	v49 =	vor.u32 $0x1A, v36;
	v43 =	vld.idx.msk [tilespmem:v43+s16+$0x0], $0xffff  }
0x7c: {  	v50 =	vor.u32 $0x1B, v36;
	v44 =	vld.idx.msk [tilespmem:v44+s16+$0x0], $0xffff  }
0x7d: {  	v51 =	vor.u32 $0x14, v36;
	v45 =	vld.idx.msk [tilespmem:v45+s16+$0x0], $0xffff  }
0x7e: {  	v52 =	vor.u32 $0x15, v36;
	v47 =	vld.idx.msk [tilespmem:v47+s16+$0x0], $0xffff  }
0x7f: {  	v53 =	vor.u32 $0x16, v36;
	v48 =	vld.idx.msk [tilespmem:v48+s16+$0x0], $0xffff  }
0x80: {  	v54 =	vor.u32 $0x17, v36;
	v49 =	vld.idx.msk [tilespmem:v49+s16+$0x0], $0xffff  }
0x81: {  	v55 =	vor.u32 $0x10, v36;
	v50 =	vld.idx.msk [tilespmem:v50+s16+$0x0], $0xffff  }
0x82: {  	v56 =	vor.u32 $0x11, v36;
	v51 =	vld.idx.msk [tilespmem:v51+s16+$0x0], $0xffff  }
0x83: {  	v57 =	vor.u32 $0x12, v36;
	v52 =	vld.idx.msk [tilespmem:v52+s16+$0x0], $0xffff  }
0x84: {  	v58 =	vor.u32 $0x13, v36;
	v53 =	vld.idx.msk [tilespmem:v53+s16+$0x0], $0xffff  }
0x85: {  	v59 =	vor.u32 $0xC, v36;
	v54 =	vld.idx.msk [tilespmem:v54+s16+$0x0], $0xffff  }
0x86: {  	v60 =	vor.u32 $0xD, v36;
	v55 =	vld.idx.msk [tilespmem:v55+s16+$0x0], $0xffff  }
0x87: {  	v61 =	vor.u32 $0xE, v36;
	v56 =	vld.idx.msk [tilespmem:v56+s16+$0x0], $0xffff  }
0x88: {  	v8 =	vor.u32 $0x15, v1;
	v57 =	vld.idx.msk [tilespmem:v57+s16+$0x0], $0xffff  }
0x89: {  	v11 =	vor.u32 $0x10, v1;
	v58 =	vld.idx.msk [tilespmem:v58+s16+$0x0], $0xffff;
	v0 =	vand.u32 $0x60, v0  }
0x8a: {  	v59 =	vld.idx.msk [tilespmem:v59+s16+$0x0], $0xffff;
	v0 =	vor.u32 v10, v0  }
0x8b: {  	v60 =	vld.idx.msk [tilespmem:v60+s16+$0x0], $0xffff;
	v10 =	vor.u32 $0x1C, v36  }
0x8c: {  	v61 =	vld.idx.msk [tilespmem:v61+s16+$0x0], $0xffff;
	v13 =	vor.u32 $0x1C, v0  }
0x8d: {  	v14 =	vor.u32 $0x1D, v0;
	[tilespmem:$0x1FF10] =	vst v2;
	v2 =	vld.idx.msk [tilespmem:v8+s18+$0x0], $0xffff  }
0x8e: {  	v12 =	vor.u32 $0x1F, v0;
	v8 =	vld.idx.msk [tilespmem:v11+s18+$0x0], $0xffff  }
0x8f: {  	v16 =	vor.u32 $0x18, v0;
	v15 =	vld.idx.msk [tilespmem:v0+s14+$0x0], $0xffff  }
0x90: {  	v17 =	vor.u32 $0x19, v0;
	v10 =	vld.idx.msk [tilespmem:v10+s16+$0x0], $0xffff  }
0x91: {  	v18 =	vor.u32 $0x1A, v0;
	v13 =	vld.idx.msk [tilespmem:v13+s14+$0x0], $0xffff  }
0x92: {  	v19 =	vor.u32 $0x1B, v0;
	v14 =	vld.idx.msk [tilespmem:v14+s14+$0x0], $0xffff  }
0x93: {  	v20 =	vor.u32 $0x14, v0;
	v12 =	vld.idx.msk [tilespmem:v12+s14+$0x0], $0xffff  }
0x94: {  	v21 =	vor.u32 $0x15, v0;
	v16 =	vld.idx.msk [tilespmem:v16+s14+$0x0], $0xffff  }
0x95: {  	v22 =	vor.u32 $0x16, v0;
	v17 =	vld.idx.msk [tilespmem:v17+s14+$0x0], $0xffff  }
0x96: {  	v23 =	vor.u32 $0x17, v0;
	v18 =	vld.idx.msk [tilespmem:v18+s14+$0x0], $0xffff  }
0x97: {  	v24 =	vor.u32 $0x10, v0;
	v19 =	vld.idx.msk [tilespmem:v19+s14+$0x0], $0xffff  }
0x98: {  	v25 =	vor.u32 $0x11, v0;
	v20 =	vld.idx.msk [tilespmem:v20+s14+$0x0], $0xffff  }
0x99: {  	v26 =	vor.u32 $0x12, v0;
	v21 =	vld.idx.msk [tilespmem:v21+s14+$0x0], $0xffff  }
0x9a: {  	v27 =	vor.u32 $0x13, v0;
	v22 =	vld.idx.msk [tilespmem:v22+s14+$0x0], $0xffff  }
0x9b: {  	v28 =	vor.u32 $0xC, v0;
	v23 =	vld.idx.msk [tilespmem:v23+s14+$0x0], $0xffff  }
0x9c: {  	v29 =	vor.u32 $0xD, v0;
	v24 =	vld.idx.msk [tilespmem:v24+s14+$0x0], $0xffff  }
0x9d: {  	v30 =	vor.u32 $0xE, v0;
	v25 =	vld.idx.msk [tilespmem:v25+s14+$0x0], $0xffff  }
0x9e: {  	v31 =	vor.u32 $0xF, v0;
	v26 =	vld.idx.msk [tilespmem:v26+s14+$0x0], $0xffff  }
0x9f: {  	v32 =	vor.u32 $0x8, v0;
	v27 =	vld.idx.msk [tilespmem:v27+s14+$0x0], $0xffff  }
0xa0: {  	v33 =	vor.u32 $0x9, v0;
	v28 =	vld.idx.msk [tilespmem:v28+s14+$0x0], $0xffff  }
0xa1: {  	v34 =	vor.u32 $0xA, v0;
	v29 =	vld.idx.msk [tilespmem:v29+s14+$0x0], $0xffff  }
0xa2: {  	v35 =	vor.u32 $0xB, v0;
	v30 =	vld.idx.msk [tilespmem:v30+s14+$0x0], $0xffff  }
0xa3: {  	v37 =	vor.u32 $0x4, v0;
	v31 =	vld.idx.msk [tilespmem:v31+s14+$0x0], $0xffff  }
0xa4: {  	v38 =	vor.u32 $0x5, v0;
	v32 =	vld.idx.msk [tilespmem:v32+s14+$0x0], $0xffff  }
0xa5: {  	v39 =	vor.u32 $0x6, v0;
	v33 =	vld.idx.msk [tilespmem:v33+s14+$0x0], $0xffff  }
0xa6: {  	v40 =	vor.u32 $0x7, v0;
	v34 =	vld.idx.msk [tilespmem:v34+s14+$0x0], $0xffff  }
0xa7: {  	v41 =	vor.u32 $0x1, v0;
	v35 =	vld.idx.msk [tilespmem:v35+s14+$0x0], $0xffff  }
0xa8: {  	v11 =	vor.u32 $0x1E, v0;
	v37 =	vld.idx.msk [tilespmem:v37+s14+$0x0], $0xffff  }
0xa9: {  	v42 =	vor.u32 $0x2, v0;
	v38 =	vld.idx.msk [tilespmem:v38+s14+$0x0], $0xffff  }
0xaa: {  	v0 =	vor.u32 $0x3, v0;
	v39 =	vld.idx.msk [tilespmem:v39+s14+$0x0], $0xffff  }
0xab: {  	v40 =	vld.idx.msk [tilespmem:v40+s14+$0x0], $0xffff  }
0xac: {  	v63 =	vor.u32 $0x8, v36;
	v41 =	vld.idx.msk [tilespmem:v41+s14+$0x0], $0xffff  }
0xad: {  	v62 =	vor.u32 $0xF, v36;
	v11 =	vld.idx.msk [tilespmem:v11+s14+$0x0], $0xffff  }
0xae: {  	v42 =	vld.idx.msk [tilespmem:v42+s14+$0x0], $0xffff;
	[tilespmem:$0x1FF20] =	vst v2;
	v2 =	vor.u32 $0xA, v36  }
0xaf: {  	v3 =	vld.idx.msk [tilespmem:v0+s14+$0x0], $0xffff  }
0xb0: {  	v15 =	vmul.f32 v46, v15;
	v46 =	vmul.f32 v10, v13;
	v10 =	vld.idx.msk [tilespmem:v1+s18+$0x0], $0xffff  }
0xb1: {  	v0 =	vor.u32 $0x9, v36;
	v16 =	vmul.f32 v47, v16;
	v47 =	vld.idx.msk [tilespmem:v63+s16+$0x0], $0xffff  }
0xb2: {  	v13 =	vor.u32 $0xB, v36;
	v43 =	vmul.f32 v43, v14;
	v14 =	vmul.f32 v44, v11;
	v44 =	vld.idx.msk [tilespmem:v62+s16+$0x0], $0xffff  }
0xb3: {  	v17 =	vmul.f32 v48, v17;
	v48 =	vor.u32 $0x6, v36;
	v24 =	vmul.f32 v55, v24;
	v2 =	vld.idx.msk [tilespmem:v2+s16+$0x0], $0xffff  }
0xb4: {  	v20 =	vmul.f32 v51, v20;
	v51 =	vor.u32 $0x2, v36;
	v9 =	vmul.f32 v9, v16;
	v16 =	vld [tilespmem:$0x1FF10]  }
0xb5: {  	v62 =	vor.u32 $0x4, v36;
	v8 =	vmul.f32 v8, v24;
	v24 =	vld [tilespmem:$0x1FF20]  }
0xb6: {  	v11 =	vmul.f32 v45, v12;
	v45 =	vor.u32 $0x5, v36;
	v63 =	vld.idx.msk [tilespmem:v0+s16+$0x0], $0xffff  }
0xb7: {  	v12 =	vmul.f32 v49, v18;
	v49 =	vor.u32 $0x7, v36;
	v13 =	vld.idx.msk [tilespmem:v13+s16+$0x0], $0xffff  }
0xb8: {  	v21 =	vmul.f32 v52, v21;
	v23 =	vmul.f32 v54, v23;
	v54 =	vor.u32 $0xC, v1;
	v48 =	vld.idx.msk [tilespmem:v48+s16+$0x0], $0xffff  }
0xb9: {  	v22 =	vmul.f32 v53, v22;
	v53 =	vor.u32 $0x1F, v1;
	v55 =	vor.u32 $0xD, v1;
	v51 =	vld.idx.msk [tilespmem:v51+s16+$0x0], $0xffff  }
0xba: {  	v25 =	vmul.f32 v56, v25;
	v0 =	vmul.f32 v50, v19;
	v19 =	vor.u32 $0x1, v36;
	v52 =	vld.idx.msk [tilespmem:v62+s16+$0x0], $0xffff  }
0xbb: {  	v26 =	vmul.f32 v57, v26;
	v28 =	vmul.f32 v59, v28;
	v36 =	vor.u32 $0x3, v36;
	v45 =	vld.idx.msk [tilespmem:v45+s16+$0x0], $0xffff  }
0xbc: {  	v27 =	vmul.f32 v58, v27;
	v58 =	vor.u32 $0x4, v1;
	v29 =	vmul.f32 v60, v29;
	v49 =	vld.idx.msk [tilespmem:v49+s16+$0x0], $0xffff  }
0xbd: {  	v56 =	vor.u32 $0x8, v1;
	v30 =	vmul.f32 v61, v30;
	v31 =	vmul.f32 v44, v31;
	v44 =	vld.idx.msk [tilespmem:v54+s18+$0x0], $0xffff  }
0xbe: {  	v59 =	vor.u32 $0x5, v1;
	v60 =	vor.u32 $0x2, v1;
	v2 =	vmul.f32 v2, v34;
	v34 =	vld.idx.msk [tilespmem:v55+s18+$0x0], $0xffff  }
0xbf: {  	v61 =	vor.u32 $0x3, v1;
	v4 =	vmul.f32 v4, v46;
	v62 =	vor.u32 $0x9, v1;
	v19 =	vld.idx.msk [tilespmem:v19+s16+$0x0], $0xffff  }
0xc0: {  	v7 =	vmul.f32 v7, v20;
	v32 =	vmul.f32 v47, v32;
	v47 =	vor.u32 $0x1, v1;
	v36 =	vld.idx.msk [tilespmem:v36+s16+$0x0], $0xffff  }
0xc1: {  	v18 =	vor.u32 $0x1E, v1;
	v5 =	vmul.f32 v5, v17;
	v33 =	vmul.f32 v63, v33;
	v63 =	vld.idx.msk [tilespmem:v58+s18+$0x0], $0xffff  }
0xc2: {  	v20 =	vor.u32 $0xF, v1;
	v6 =	vmul.f32 v6, v25;
	v13 =	vmul.f32 v13, v35;
	v35 =	vld.idx.msk [tilespmem:v56+s18+$0x0], $0xffff  }
0xc3: {  	v25 =	vor.u32 $0x12, v1;
	v50 =	vor.u32 $0x1A, v1;
	v55 =	vor.u32 $0x7, v1;
	v56 =	vld.idx.msk [tilespmem:v59+s18+$0x0], $0xffff  }
0xc4: {  	v10 =	vmul.f32 v10, v15;
	v38 =	vmul.f32 v45, v38;
	v45 =	vld.idx.msk [tilespmem:v62+s18+$0x0], $0xffff;
	v62 =	vor.u32 $0x6, v1  }
0xc5: {  	v21 =	vmul.f32 v24, v21;
	v58 =	vor.u32 $0xB, v1;
	v39 =	vmul.f32 v48, v39;
	v57 =	vld.idx.msk [tilespmem:v47+s18+$0x0], $0xffff  }
0xc6: {  	v15 =	vor.u32 $0xA, v1;
	v17 =	vld.idx.msk [tilespmem:v61+s18+$0x0], $0xffff;
	v42 =	vmul.f32 v51, v42;
	v37 =	vmul.f32 v52, v37  }
0xc7: {  	v61 =	vor.u32 $0x13, v1;
	v59 =	vld.idx.msk [tilespmem:v60+s18+$0x0], $0xffff;
	v40 =	vmul.f32 v49, v40;
	v28 =	vmul.f32 v44, v28  }
0xc8: {  	v60 =	vor.u32 $0xE, v1;
	v19 =	vmul.f32 v19, v41;
	v3 =	vmul.f32 v36, v3;
	v36 =	vld.idx.msk [tilespmem:v55+s18+$0x0], $0xffff  }
0xc9: {  	v10 =	vadd.f32 $0.0e+00, v10;
	v29 =	vmul.f32 v34, v29;
	v32 =	vmul.f32 v35, v32;
	v24 =	vld.idx.msk [tilespmem:v62+s18+$0x0], $0xffff  }
0xca: {  	v49 =	vor.u32 $0x17, v1;
	v48 =	vld.idx.msk [tilespmem:v58+s18+$0x0], $0xffff;
	v38 =	vmul.f32 v56, v38;
	v19 =	vmul.f32 v57, v19  }
0xcb: {  	v15 =	vld.idx.msk [tilespmem:v15+s18+$0x0], $0xffff;
	v3 =	vmul.f32 v17, v3;
	v62 =	vmul.f32 v63, v37;
	v63 =	vor.u32 $0x16, v1  }
0xcc: {  	v42 =	vmul.f32 v59, v42;
	v17 =	vld.idx.msk [tilespmem:v20+s18+$0x0], $0xffff;
	v33 =	vmul.f32 v45, v33;
	v1 =	vor.u32 $0x1B, v1  }
0xcd: {  	v52 =	vld.idx.msk [tilespmem:v60+s18+$0x0], $0xffff;
	v19 =	vadd.f32 $0.0e+00, v19;
	v3 =	vadd.f32 $0.0e+00, v3;
	v36 =	vmul.f32 v36, v40  }
0xce: {  	v10 =	vadd.f32 v62, v10;
	v20 =	vmul.f32 v24, v39;
	v24 =	vld.idx.msk [tilespmem:v25+s18+$0x0], $0xffff;
	v25 =	vadd.f32 $0.0e+00, v42  }
0xcf: {  	v34 =	vld.idx.msk [tilespmem:v61+s18+$0x0], $0xffff;
	v13 =	vmul.f32 v48, v13;
	v19 =	vadd.f32 v38, v19;
	v3 =	vadd.f32 v36, v3  }
0xd0: {  	v2 =	vmul.f32 v15, v2;
	v10 =	vadd.f32 v32, v10;
	v15 =	vld.idx.msk [tilespmem:v63+s18+$0x0], $0xffff;
	v20 =	vadd.f32 v20, v25  }
0xd1: {  	v19 =	vadd.f32 v33, v19;
	v3 =	vadd.f32 v13, v3;
	v13 =	vmul.f32 v17, v31;
	v25 =	vld.idx.msk [tilespmem:v49+s18+$0x0], $0xffff  }
0xd2: {  	v54 =	vld.idx.msk [tilespmem:v50+s18+$0x0], $0xffff;
	v30 =	vmul.f32 v52, v30;
	v10 =	vadd.f32 v28, v10;
	v2 =	vadd.f32 v2, v20  }
0xd3: {  	v16 =	vmul.f32 v16, v43;
	v1 =	vld.idx.msk [tilespmem:v1+s18+$0x0], $0xffff;
	v17 =	vadd.f32 v29, v19;
	v3 =	vadd.f32 v13, v3  }
0xd4: {  	v18 =	vld.idx.msk [tilespmem:v18+s18+$0x0], $0xffff;
	v13 =	vmul.f32 v34, v27;
	v19 =	vmul.f32 v24, v26;
	v2 =	vadd.f32 v30, v2  }
0xd5: {  	v8 =	vadd.f32 v8, v10;
	v20 =	vld.idx.msk [tilespmem:v53+s18+$0x0], $0xffff;
	v6 =	vadd.f32 v6, v17;
	v10 =	vmul.f32 v15, v22  }
0xd6: {  	v3 =	vadd.f32 v13, v3;
	v13 =	vmul.f32 v25, v23;
	v2 =	vadd.f32 v19, v2  }
0xd7: {  	v7 =	vadd.f32 v7, v8;
	v8 =	vmul.f32 v54, v12;
	v6 =	vadd.f32 v21, v6  }
0xd8: {  	v0 =	vmul.f32 v1, v0;
	v3 =	vadd.f32 v13, v3;
	v2 =	vadd.f32 v10, v2  }
0xd9: {  	v1 =	vadd.f32 v9, v7;
	v5 =	vadd.f32 v5, v6;
	v6 =	vmul.f32 v18, v14  }
0xda: {  	v0 =	vadd.f32 v0, v3;
	v3 =	vmul.f32 v20, v11;
	v2 =	vadd.f32 v8, v2  }
0xdb: {  	v1 =	vadd.f32 v4, v1;
	v4 =	vadd.f32 v16, v5  }
0xdc: {  	v0 =	vadd.f32 v3, v0;
	v2 =	vadd.f32 v6, v2;
	_ =	sdelay $0x1  }
0xdd: {  	v1 =	vadd.f32 v4, v1;
	v0 =	vadd.f32 v0, v2;
	_ =	sdelay $0x1  }
0xde: {  	v0 =	vadd.f32 v0, v1;
	_ =	sdelay $0x1  }
0xdf: {  	s13 =	simm.s32 $0x410;
	[tilespmem:s0+$0x0] =	vst v0  }
0xe0: {  	v0 =	vld [tilespmem:s13+$0x0]  }
0xe1: {  	v2 =	vld [tilespmem:$0x1FFF0];
	_ =	sdelay $0x1  }
0xe2: {  	s15 =	simm.s32 $0x10  }
0xe3: {  	v1 =	vmov s15  }
0xe4: {  	v1 =	vshll.u32 v1, $0x7;
	v0 =	vshll.u32 v0, $0x5  }
0xe5: {  	v2 =	vor.u32 v2, v1;
	v0 =	vand.u32 $0x60, v0  }
0xe6: {  	v1 =	vor.u32 v2, v0  }
0xe7: {  	v5 =	vor.u32 $0x18, v1  }
0xe8: {  	v0 =	vor.u32 $0x1C, v1  }
0xe9: {  	v4 =	vor.u32 $0x1D, v1;
	_ =	sdelay $0x1  }
0xea: {  	v3 =	vld [tilespmem:s15+$0x0]  }
0xeb: {  	v6 =	vor.u32 $0x19, v1;
	v5 =	vld.idx.msk [tilespmem:v5+s18+$0x0], $0xffff  }
0xec: {  	v0 =	vld.idx.msk [tilespmem:v0+s18+$0x0], $0xffff  }
0xed: {  	v4 =	vld.idx.msk [tilespmem:v4+s18+$0x0], $0xffff;
	_ =	sdelay $0x1  }
0xee: {  	v9 =	vor.u32 $0x15, v1  }
0xef: {  	v7 =	vor.u32 $0x14, v1;
	[tilespmem:$0x1FF50] =	vst v5;
	v5 =	vld.idx.msk [tilespmem:v6+s18+$0x0], $0xffff  }
0xf0: {  	[tilespmem:$0x1FF30] =	vst v0;
	v0 =	vshll.u32 v3, $0x5;
	v3 =	vor.u32 $0x10, v1  }
0xf1: {  	[tilespmem:$0x1FF40] =	vst v4;
	v4 =	vor.u32 $0x11, v1;
	v0 =	vand.u32 $0x60, v0  }
0xf2: {  	v0 =	vor.u32 v2, v0  }
0xf3: {  	v6 =	vld.idx.msk [tilespmem:v9+s18+$0x0], $0xffff;
	v10 =	vor.u32 $0x18, v0  }
0xf4: {  	v11 =	vor.u32 $0x19, v0;
	[tilespmem:$0x1FF60] =	vst v5;
	v5 =	vld.idx.msk [tilespmem:v7+s18+$0x0], $0xffff  }
0xf5: {  	v12 =	vor.u32 $0x1A, v0;
	v3 =	vld.idx.msk [tilespmem:v3+s18+$0x0], $0xffff  }
0xf6: {  	v13 =	vor.u32 $0x1B, v0;
	v4 =	vld.idx.msk [tilespmem:v4+s18+$0x0], $0xffff  }
0xf7: {  	v15 =	vor.u32 $0x15, v0;
	v62 =	vld.idx.msk [tilespmem:v0+s14+$0x0], $0xffff  }
0xf8: {  	v17 =	vor.u32 $0x16, v0;
	v10 =	vld.idx.msk [tilespmem:v10+s14+$0x0], $0xffff  }
0xf9: {  	v19 =	vor.u32 $0xC, v0;
	v35 =	vld.idx.msk [tilespmem:v11+s14+$0x0], $0xffff  }
0xfa: {  	v31 =	vor.u32 $0x4, v0;
	v46 =	vld.idx.msk [tilespmem:v12+s14+$0x0], $0xffff  }
0xfb: {  	v55 =	vor.u32 $0x5, v0;
	v14 =	vld.idx.msk [tilespmem:v13+s14+$0x0], $0xffff  }
0xfc: {  	[tilespmem:$0x1FF80] =	vst v6;
	v6 =	vor.u32 $0x1D, v0;
	v21 =	vld.idx.msk [tilespmem:v15+s14+$0x0], $0xffff  }
0xfd: {  	v11 =	vor.u32 $0x17, v0;
	v25 =	vld.idx.msk [tilespmem:v17+s14+$0x0], $0xffff  }
0xfe: {  	v12 =	vor.u32 $0x10, v0;
	v27 =	vld.idx.msk [tilespmem:v19+s14+$0x0], $0xffff  }
0xff: {  	v13 =	vor.u32 $0x11, v0;
	v36 =	vld.idx.msk [tilespmem:v31+s14+$0x0], $0xffff  }
0x100: {  	v15 =	vor.u32 $0x13, v0;
	v34 =	vld.idx.msk [tilespmem:v55+s14+$0x0], $0xffff  }
0x101: {  	[tilespmem:$0x1FF70] =	vst v5;
	v5 =	vor.u32 $0x1C, v0;
	v45 =	vld.idx.msk [tilespmem:v6+s14+$0x0], $0xffff  }
0x102: {  	[tilespmem:$0x1FFA0] =	vst v4;
	v4 =	vor.u32 $0x1F, v0;
	v18 =	vld.idx.msk [tilespmem:v11+s14+$0x0], $0xffff  }
0x103: {  	v11 =	vor.u32 $0xD, v0;
	v29 =	vld.idx.msk [tilespmem:v12+s14+$0x0], $0xffff  }
0x104: {  	v12 =	vor.u32 $0xE, v0;
	v23 =	vld.idx.msk [tilespmem:v13+s14+$0x0], $0xffff  }
0x105: {  	v13 =	vor.u32 $0xF, v0;
	v17 =	vld.idx.msk [tilespmem:v15+s14+$0x0], $0xffff  }
0x106: {  	v63 =	vld.idx.msk [tilespmem:v5+s14+$0x0], $0xffff  }
0x107: {  	v16 =	vld.idx.msk [tilespmem:v4+s14+$0x0], $0xffff;
	v4 =	vor.u32 $0x12, v0  }
0x108: {  	[tilespmem:$0x1FF90] =	vst v3;
	v3 =	vor.u32 $0x1E, v0;
	v20 =	vld.idx.msk [tilespmem:v11+s14+$0x0], $0xffff  }
0x109: {  	v15 =	vor.u32 $0x9, v0;
	v24 =	vld.idx.msk [tilespmem:v12+s14+$0x0], $0xffff  }
0x10a: {  	s22 =	simm.s32 $0x210;
	v11 =	vor.u32 $0xA, v0;
	v19 =	vld.idx.msk [tilespmem:v13+s14+$0x0], $0xffff  }
0x10b: {  	v12 =	vor.u32 $0xB, v0;
	v13 =	vld [tilespmem:s22+$0x0]  }
0x10c: {  	v26 =	vld.idx.msk [tilespmem:v4+s14+$0x0], $0xffff;
	v4 =	vor.u32 $0x8, v0  }
0x10d: {  	v3 =	vld.idx.msk [tilespmem:v3+s14+$0x0], $0xffff;
	v5 =	vor.u32 $0x14, v0  }
0x10e: {  	v30 =	vld.idx.msk [tilespmem:v15+s14+$0x0], $0xffff;
	v15 =	vor.u32 $0x7, v0  }
0x10f: {  	v32 =	vld.idx.msk [tilespmem:v11+s14+$0x0], $0xffff;
	v11 =	vor.u32 $0x1, v0  }
0x110: {  	v28 =	vld.idx.msk [tilespmem:v12+s14+$0x0], $0xffff;
	v12 =	vshll.u32 v13, $0x5;
	v13 =	vor.u32 $0x2, v0  }
0x111: {  	v33 =	vld.idx.msk [tilespmem:v4+s14+$0x0], $0xffff;
	v4 =	vor.u32 $0x6, v0  }
0x112: {  	v22 =	vld.idx.msk [tilespmem:v5+s14+$0x0], $0xffff;
	v12 =	vand.u32 $0x60, v12;
	v0 =	vor.u32 $0x3, v0  }
0x113: {  	v31 =	vld.idx.msk [tilespmem:v15+s14+$0x0], $0xffff;
	v41 =	vor.u32 v2, v12  }
0x114: {  	v2 =	vor.u32 $0x1C, v41;
	v40 =	vld.idx.msk [tilespmem:v11+s14+$0x0], $0xffff  }
0x115: {  	v12 =	vor.u32 $0x1E, v41;
	v37 =	vld.idx.msk [tilespmem:v13+s14+$0x0], $0xffff  }
0x116: {  	v15 =	vor.u32 $0x19, v41;
	v38 =	vld.idx.msk [tilespmem:v4+s14+$0x0], $0xffff  }
0x117: {  	v56 =	vor.u32 $0x1A, v41;
	v39 =	vld.idx.msk [tilespmem:v0+s14+$0x0], $0xffff  }
0x118: {  	v57 =	vor.u32 $0x1B, v41;
	v13 =	vld.idx.msk [tilespmem:v41+s16+$0x0], $0xffff  }
0x119: {  	v58 =	vor.u32 $0x14, v41;
	v2 =	vld.idx.msk [tilespmem:v2+s16+$0x0], $0xffff  }
0x11a: {  	v59 =	vor.u32 $0x16, v41;
	v12 =	vld.idx.msk [tilespmem:v12+s16+$0x0], $0xffff  }
0x11b: {  	v60 =	vor.u32 $0x17, v41;
	v15 =	vld.idx.msk [tilespmem:v15+s16+$0x0], $0xffff  }
0x11c: {  	v61 =	vor.u32 $0x10, v41;
	v6 =	vld.idx.msk [tilespmem:v56+s16+$0x0], $0xffff  }
0x11d: {  	v0 =	vor.u32 $0x1F, v41;
	v49 =	vld.idx.msk [tilespmem:v57+s16+$0x0], $0xffff  }
0x11e: {  	v43 =	vor.u32 $0x11, v41;
	v55 =	vld.idx.msk [tilespmem:v58+s16+$0x0], $0xffff  }
0x11f: {  	v11 =	vor.u32 $0x1D, v41;
	v57 =	vld.idx.msk [tilespmem:v59+s16+$0x0], $0xffff  }
0x120: {  	v4 =	vor.u32 $0x18, v41;
	v50 =	vld.idx.msk [tilespmem:v60+s16+$0x0], $0xffff  }
0x121: {  	v44 =	vor.u32 $0x12, v41;
	v61 =	vld.idx.msk [tilespmem:v61+s16+$0x0], $0xffff  }
0x122: {  	v8 =	vld.idx.msk [tilespmem:v0+s16+$0x0], $0xffff;
	v0 =	vor.u32 $0x15, v41  }
0x123: {  	v47 =	vor.u32 $0xC, v41;
	v56 =	vld.idx.msk [tilespmem:v43+s16+$0x0], $0xffff  }
0x124: {  	v42 =	vor.u32 $0xE, v41;
	v11 =	vld.idx.msk [tilespmem:v11+s16+$0x0], $0xffff  }
0x125: {  	v9 =	vld.idx.msk [tilespmem:v4+s16+$0x0], $0xffff;
	v4 =	vor.u32 $0x4, v41  }
0x126: {  	v58 =	vld.idx.msk [tilespmem:v44+s16+$0x0], $0xffff  }
0x127: {  	v53 =	vld.idx.msk [tilespmem:v0+s16+$0x0], $0xffff;
	v0 =	vor.u32 $0x13, v41  }
0x128: {  	v48 =	vor.u32 $0xD, v41;
	v60 =	vld.idx.msk [tilespmem:v47+s16+$0x0], $0xffff  }
0x129: {  	v43 =	vor.u32 $0xF, v41;
	v59 =	vld.idx.msk [tilespmem:v42+s16+$0x0], $0xffff  }
0x12a: {  	v44 =	vor.u32 $0x8, v41;
	v42 =	vmul.f32 v11, v45;
	v45 =	vld.idx.msk [tilespmem:v4+s16+$0x0], $0xffff  }
0x12b: {  	v5 =	vor.u32 $0xB, v41;
	v4 =	vld.idx.msk [tilespmem:v1+s18+$0x0], $0xffff  }
0x12c: {  	v47 =	vmul.f32 v2, v63;
	v2 =	vmul.f32 v12, v3;
	v51 =	vld.idx.msk [tilespmem:v0+s16+$0x0], $0xffff;
	v0 =	vor.u32 $0x9, v41  }
0x12d: {  	v7 =	vor.u32 $0xA, v41;
	v54 =	vld.idx.msk [tilespmem:v48+s16+$0x0], $0xffff  }
0x12e: {  	v52 =	vld.idx.msk [tilespmem:v43+s16+$0x0], $0xffff;
	[tilespmem:$0x1FFB0] =	vst v2;
	v2 =	vmul.f32 v8, v16  }
0x12f: {  	v48 =	vmul.f32 v13, v62;
	v62 =	vld.idx.msk [tilespmem:v44+s16+$0x0], $0xffff;
	v3 =	vor.u32 $0x5, v41;
	v43 =	vmul.f32 v15, v35  }
0x130: {  	v35 =	vor.u32 $0x1A, v1;
	v15 =	vor.u32 $0x1F, v1;
	v11 =	vmul.f32 v6, v46;
	[tilespmem:$0x1FFD0] =	vst v2;
	v2 =	vld.idx.msk [tilespmem:v5+s16+$0x0], $0xffff  }
0x131: {  	v6 =	vor.u32 $0x7, v41;
	v44 =	vmul.f32 v9, v10;
	[tilespmem:$0x1FFE0] =	vst v4;
	v63 =	vld.idx.msk [tilespmem:v0+s16+$0x0], $0xffff;
	v0 =	vor.u32 $0x1E, v1  }
0x132: {  	s17 =	simm.s32 $0x18900;
	s24 =	simm.s32 $0x20;
	v5 =	vor.u32 $0x1, v41;
	v4 =	vor.u32 $0x2, v41;
	[tilespmem:$0x1FFC0] =	vst v0;
	v0 =	vld.idx.msk [tilespmem:v7+s16+$0x0], $0xffff;
	v7 =	vor.u32 $0x6, v41  }
.LBB2_2:
0x133: {  	_ =	sdelay $0x3  }
0x134: {  	v3 =	vld.idx.msk [tilespmem:v3+s16+$0x0], $0xffff  }
0x135: {  	v7 =	vld.idx.msk [tilespmem:v7+s16+$0x0], $0xffff  }
0x136: {  	v6 =	vld.idx.msk [tilespmem:v6+s16+$0x0], $0xffff  }
0x137: {  	v41 =	vor.u32 $0x3, v41;
	v5 =	vld.idx.msk [tilespmem:v5+s16+$0x0], $0xffff  }
0x138: {  	v16 =	vmul.f32 v49, v14;
	v46 =	vor.u32 $0xC, v1;
	v4 =	vld.idx.msk [tilespmem:v4+s16+$0x0], $0xffff  }
0x139: {  	v49 =	vmul.f32 v53, v21;
	v21 =	vmul.f32 v57, v25;
	v25 =	vor.u32 $0xD, v1;
	v8 =	vld [tilespmem:$0x1FFE0]  }
0x13a: {  	v18 =	vmul.f32 v50, v18;
	v50 =	vor.u32 $0x8, v1;
	v9 =	vld [tilespmem:$0x1FF40]  }
0x13b: {  	v53 =	vor.u32 $0x9, v1;
	v12 =	vld [tilespmem:$0x1FF80]  }
0x13c: {  	v29 =	vmul.f32 v61, v29;
	v61 =	vor.u32 $0x5, v1;
	v41 =	vld.idx.msk [tilespmem:v41+s16+$0x0], $0xffff  }
0x13d: {  	v46 =	vld.idx.msk [tilespmem:v46+s18+$0x0], $0xffff  }
0x13e: {  	v23 =	vmul.f32 v56, v23;
	v56 =	vor.u32 $0x1, v1;
	v25 =	vld.idx.msk [tilespmem:v25+s18+$0x0], $0xffff  }
0x13f: {  	v26 =	vmul.f32 v58, v26;
	v58 =	vld.idx.msk [tilespmem:v50+s18+$0x0], $0xffff  }
0x140: {  	v57 =	vor.u32 $0x2, v1;
	v3 =	vmul.f32 v3, v34;
	v34 =	vld.idx.msk [tilespmem:v53+s18+$0x0], $0xffff  }
0x141: {  	v27 =	vmul.f32 v60, v27;
	v60 =	vor.u32 $0x4, v1;
	v4 =	vmul.f32 v4, v37;
	v37 =	vld.idx.msk [tilespmem:v61+s18+$0x0], $0xffff  }
0x142: {  	v42 =	vmul.f32 v9, v42;
	v9 =	vld [tilespmem:$0x1FF70]  }
0x143: {  	v33 =	vmul.f32 v62, v33;
	v2 =	vmul.f32 v2, v28;
	v28 =	vor.u32 $0x3, v1;
	v62 =	vld.idx.msk [tilespmem:v56+s18+$0x0], $0xffff  }
0x144: {  	v22 =	vmul.f32 v55, v22;
	v61 =	vor.u32 $0x7, v1;
	v10 =	vmul.f32 v8, v48;
	v8 =	vld [tilespmem:$0x1FF30]  }
0x145: {  	v30 =	vmul.f32 v63, v30;
	v0 =	vmul.f32 v0, v32;
	v63 =	vor.u32 $0xA, v1;
	v32 =	vld.idx.msk [tilespmem:v57+s18+$0x0], $0xffff  }
0x146: {  	v24 =	vmul.f32 v59, v24;
	v59 =	vld.idx.msk [tilespmem:v60+s18+$0x0], $0xffff;
	v60 =	vor.u32 $0x6, v1  }
0x147: {  	v19 =	vmul.f32 v52, v19;
	v22 =	vmul.f32 v9, v22;
	v9 =	vld [tilespmem:$0x1FF60]  }
0x148: {  	v55 =	vor.u32 $0xE, v1;
	v20 =	vmul.f32 v54, v20;
	v36 =	vmul.f32 v45, v36;
	v28 =	vld.idx.msk [tilespmem:v28+s18+$0x0], $0xffff  }
0x149: {  	v54 =	vor.u32 $0xB, v1;
	v6 =	vmul.f32 v6, v31;
	v31 =	vmul.f32 v41, v39;
	v39 =	vld.idx.msk [tilespmem:v61+s18+$0x0], $0xffff  }
0x14a: {  	v5 =	vmul.f32 v5, v40;
	v57 =	vor.u32 $0x12, v1;
	v33 =	vmul.f32 v58, v33;
	v58 =	vld.idx.msk [tilespmem:v63+s18+$0x0], $0xffff  }
0x14b: {  	v7 =	vmul.f32 v7, v38;
	v56 =	vor.u32 $0xF, v1;
	v20 =	vmul.f32 v25, v20;
	v40 =	vld.idx.msk [tilespmem:v60+s18+$0x0], $0xffff  }
0x14c: {  	v5 =	vmul.f32 v62, v5;
	v43 =	vmul.f32 v9, v43;
	v9 =	vld [tilespmem:$0x1FF90]  }
0x14d: {  	v25 =	vor.u32 $0x13, v1;
	v3 =	vmul.f32 v37, v3;
	v61 =	vld.idx.msk [tilespmem:v55+s18+$0x0], $0xffff;
	v4 =	vmul.f32 v32, v4  }
0x14e: {  	v62 =	vor.u32 $0x17, v1;
	v36 =	vmul.f32 v59, v36;
	v59 =	vld.idx.msk [tilespmem:v54+s18+$0x0], $0xffff;
	v60 =	vor.u32 $0x16, v1  }
0x14f: {  	v63 =	vld.idx.msk [tilespmem:v57+s18+$0x0], $0xffff;
	v5 =	vadd.f32 $0.0e+00, v5;
	v4 =	vadd.f32 $0.0e+00, v4;
	v28 =	vmul.f32 v28, v31  }
0x150: {  	v31 =	vld.idx.msk [tilespmem:v56+s18+$0x0], $0xffff;
	v1 =	vor.u32 $0x1B, v1;
	v6 =	vmul.f32 v39, v6;
	v7 =	vmul.f32 v40, v7  }
0x151: {  	v28 =	vadd.f32 $0.0e+00, v28;
	v9 =	vmul.f32 v9, v29;
	v29 =	vmul.f32 v12, v49;
	v12 =	vld [tilespmem:$0x1FFA0]  }
0x152: {  	v10 =	vadd.f32 $0.0e+00, v10;
	v3 =	vadd.f32 v3, v5;
	v25 =	vld.idx.msk [tilespmem:v25+s18+$0x0], $0xffff;
	v0 =	vmul.f32 v58, v0  }
0x153: {  	v6 =	vadd.f32 v6, v28;
	v5 =	vld.idx.msk [tilespmem:v60+s18+$0x0], $0xffff;
	v2 =	vmul.f32 v59, v2;
	v4 =	vadd.f32 v7, v4  }
0x154: {  	v17 =	vmul.f32 v51, v17;
	v27 =	vmul.f32 v46, v27;
	v10 =	vadd.f32 v36, v10;
	v7 =	vld.idx.msk [tilespmem:v62+s18+$0x0], $0xffff  }
0x155: {  	v1 =	vld.idx.msk [tilespmem:v1+s18+$0x0], $0xffff;
	v2 =	vadd.f32 v2, v6;
	v0 =	vadd.f32 v0, v4;
	v4 =	vmul.f32 v31, v19  }
0x156: {  	v24 =	vmul.f32 v61, v24;
	v10 =	vadd.f32 v33, v10;
	v23 =	vmul.f32 v12, v23;
	v12 =	vld [tilespmem:$0x1FFC0]  }
0x157: {  	v30 =	vmul.f32 v34, v30;
	v2 =	vadd.f32 v4, v2;
	v4 =	vmul.f32 v25, v17  }
0x158: {  	v6 =	vadd.f32 v27, v10;
	v10 =	vmul.f32 v63, v26;
	v0 =	vadd.f32 v24, v0  }
0x159: {  	v15 =	vld.idx.msk [tilespmem:v15+s18+$0x0], $0xffff;
	v47 =	vmul.f32 v8, v47;
	v2 =	vadd.f32 v4, v2;
	v4 =	vmul.f32 v7, v18  }
0x15a: {  	v8 =	vld [tilespmem:$0x1FF50];
	v3 =	vadd.f32 v30, v3;
	v5 =	vmul.f32 v5, v21;
	v0 =	vadd.f32 v10, v0  }
0x15b: {  	v28 =	vld.idx.msk [tilespmem:v35+s18+$0x0], $0xffff;
	v1 =	vmul.f32 v1, v16;
	v2 =	vadd.f32 v4, v2  }
0x15c: {  	v3 =	vadd.f32 v20, v3;
	v0 =	vadd.f32 v5, v0;
	v5 =	vld [tilespmem:$0x1FFB0]  }
0x15d: {  	v1 =	vadd.f32 v1, v2;
	v2 =	vld [tilespmem:$0x1FFD0]  }
0x15e: {  	v6 =	vadd.f32 v9, v6;
	v3 =	vadd.f32 v23, v3;
	v13 =	vld.idx.msk [tilespmem:v12+s18+$0x0], $0xffff;
	_ =	sdelay $0x1  }
0x15f: {  	v8 =	vmul.f32 v8, v44;
	v6 =	vadd.f32 v22, v6;
	v3 =	vadd.f32 v29, v3  }
0x160: {  	v7 =	vmul.f32 v28, v11  }
0x161: {  	v4 =	vadd.f32 v8, v6;
	v3 =	vadd.f32 v43, v3  }
0x162: {  	v0 =	vadd.f32 v7, v0;
	v2 =	vmul.f32 v15, v2;
	v5 =	vmul.f32 v13, v5  }
0x163: {  	v4 =	vadd.f32 v47, v4;
	v3 =	vadd.f32 v42, v3  }
0x164: {  	v1 =	vadd.f32 v2, v1;
	v0 =	vadd.f32 v5, v0;
	_ =	sdelay $0x1  }
0x165: {  	v2 =	vadd.f32 v3, v4;
	v0 =	vadd.f32 v1, v0;
	_ =	sdelay $0x1  }
0x166: {  	v0 =	vadd.f32 v0, v2  }
0x167: {  	s17 =	sadd.s32 $0x10, s17  }
0x168: {  	s13 =	sadd.s32 $0x10, s13;
	[tilespmem:s17+$0x0] =	vst v0  }
0x169: {  	v0 =	vld [tilespmem:s13+$0x0]  }
0x16a: {  	v2 =	vld [tilespmem:$0x1FFF0];
	_ =	sdelay $0x2  }
0x16b: {  	v1 =	vmov s24  }
0x16c: {  	v1 =	vshll.u32 v1, $0x7;
	v0 =	vshll.u32 v0, $0x5  }
0x16d: {  	v13 =	vor.u32 v2, v1;
	v0 =	vand.u32 $0x60, v0  }
0x16e: {  	v1 =	vor.u32 v13, v0  }
0x16f: {  	v4 =	vor.u32 $0x18, v1;
	_ =	sdelay $0x1  }
0x170: {  	v3 =	vor.u32 $0x1D, v1;
	_ =	sdelay $0x1  }
0x171: {  	v0 =	vor.u32 $0x1C, v1;
	v6 =	vld.idx.msk [tilespmem:v1+s18+$0x0], $0xffff  }
0x172: {  	v5 =	vor.u32 $0x19, v1;
	v4 =	vld.idx.msk [tilespmem:v4+s18+$0x0], $0xffff;
	_ =	sdelay $0x1  }
0x173: {  	s15 =	sadd.s32 $0x10, s15;
	v3 =	vld.idx.msk [tilespmem:v3+s18+$0x0], $0xffff  }
0x174: {  	v2 =	vld [tilespmem:s15+$0x0];
	v7 =	vor.u32 $0x15, v1  }
0x175: {  	v0 =	vld.idx.msk [tilespmem:v0+s18+$0x0], $0xffff;
	[tilespmem:$0x1FFE0] =	vst v6  }
0x176: {  	v6 =	vor.u32 $0x14, v1;
	[tilespmem:$0x1FF50] =	vst v4;
	v4 =	vld.idx.msk [tilespmem:v5+s18+$0x0], $0xffff;
	_ =	sdelay $0x1  }
0x177: {  	[tilespmem:$0x1FF40] =	vst v3;
	v3 =	vor.u32 $0x11, v1  }
0x178: {  	v5 =	vld.idx.msk [tilespmem:v7+s18+$0x0], $0xffff  }
0x179: {  	[tilespmem:$0x1FF30] =	vst v0  }
0x17a: {  	v0 =	vshll.u32 v2, $0x5;
	[tilespmem:$0x1FF60] =	vst v4;
	v4 =	vld.idx.msk [tilespmem:v6+s18+$0x0], $0xffff  }
0x17b: {  	v2 =	vor.u32 $0x10, v1;
	v0 =	vand.u32 $0x60, v0  }
0x17c: {  	v0 =	vor.u32 v13, v0;
	v3 =	vld.idx.msk [tilespmem:v3+s18+$0x0], $0xffff  }
0x17d: {  	[tilespmem:$0x1FF80] =	vst v5;
	v5 =	vor.u32 $0x1D, v0;
	_ =	sdelay $0x1  }
0x17e: {  	[tilespmem:$0x1FF70] =	vst v4;
	v4 =	vor.u32 $0x1C, v0  }
0x17f: {  	v2 =	vld.idx.msk [tilespmem:v2+s18+$0x0], $0xffff  }
0x180: {  	[tilespmem:$0x1FFA0] =	vst v3;
	v3 =	vor.u32 $0x1F, v0  }
0x181: {  	v7 =	vor.u32 $0x19, v0;
	v5 =	vld.idx.msk [tilespmem:v5+s14+$0x0], $0xffff  }
0x182: {  	v6 =	vor.u32 $0x18, v0  }
0x183: {  	v42 =	vld.idx.msk [tilespmem:v4+s14+$0x0], $0xffff;
	v4 =	vor.u32 $0x1A, v0  }
0x184: {  	v47 =	vld.idx.msk [tilespmem:v0+s14+$0x0], $0xffff;
	[tilespmem:$0x1FF90] =	vst v2;
	v2 =	vor.u32 $0x1E, v0  }
0x185: {  	v15 =	vor.u32 $0x5, v0;
	v3 =	vld.idx.msk [tilespmem:v3+s14+$0x0], $0xffff  }
0x186: {  	v43 =	vld.idx.msk [tilespmem:v7+s14+$0x0], $0xffff;
	[tilespmem:$0x1FEE0] =	vst v5;
	v5 =	vor.u32 $0x1B, v0  }
0x187: {  	v45 =	vld.idx.msk [tilespmem:v6+s14+$0x0], $0xffff;
	v6 =	vor.u32 $0x16, v0  }
0x188: {  	v7 =	vor.u32 $0x17, v0;
	v4 =	vld.idx.msk [tilespmem:v4+s14+$0x0], $0xffff  }
0x189: {  	v44 =	vld.idx.msk [tilespmem:v2+s14+$0x0], $0xffff;
	v2 =	vor.u32 $0x14, v0  }
0x18a: {  	v34 =	vld.idx.msk [tilespmem:v15+s14+$0x0], $0xffff;
	[tilespmem:$0x1FEF0] =	vst v3;
	v3 =	vor.u32 $0x15, v0  }
0x18b: {  	v14 =	vld.idx.msk [tilespmem:v5+s14+$0x0], $0xffff;
	v5 =	vor.u32 $0x11, v0  }
0x18c: {  	v25 =	vld.idx.msk [tilespmem:v6+s14+$0x0], $0xffff;
	v6 =	vor.u32 $0xC, v0  }
0x18d: {  	v18 =	vld.idx.msk [tilespmem:v7+s14+$0x0], $0xffff;
	[tilespmem:$0x1FF00] =	vst v4;
	v4 =	vor.u32 $0x10, v0  }
0x18e: {  	v22 =	vld.idx.msk [tilespmem:v2+s14+$0x0], $0xffff;
	v2 =	vor.u32 $0x12, v0  }
0x18f: {  	v21 =	vld.idx.msk [tilespmem:v3+s14+$0x0], $0xffff;
	v3 =	vor.u32 $0x13, v0  }
0x190: {  	v23 =	vld.idx.msk [tilespmem:v5+s14+$0x0], $0xffff;
	v5 =	vor.u32 $0xF, v0  }
0x191: {  	v27 =	vld.idx.msk [tilespmem:v6+s14+$0x0], $0xffff  }
0x192: {  	v29 =	vld.idx.msk [tilespmem:v4+s14+$0x0], $0xffff;
	v4 =	vor.u32 $0xE, v0  }
0x193: {  	v7 =	vor.u32 $0xD, v0;
	v26 =	vld.idx.msk [tilespmem:v2+s14+$0x0], $0xffff  }
0x194: {  	v6 =	vor.u32 $0xA, v0;
	v17 =	vld.idx.msk [tilespmem:v3+s14+$0x0], $0xffff  }
0x195: {  	s22 =	sadd.s32 $0x10, s22;
	v2 =	vor.u32 $0x8, v0;
	v19 =	vld.idx.msk [tilespmem:v5+s14+$0x0], $0xffff  }
0x196: {  	v3 =	vor.u32 $0x9, v0;
	v5 =	vld [tilespmem:s22+$0x0]  }
0x197: {  	v24 =	vld.idx.msk [tilespmem:v4+s14+$0x0], $0xffff;
	v4 =	vor.u32 $0xB, v0  }
0x198: {  	v20 =	vld.idx.msk [tilespmem:v7+s14+$0x0], $0xffff;
	v7 =	vor.u32 $0x4, v0  }
0x199: {  	v32 =	vld.idx.msk [tilespmem:v6+s14+$0x0], $0xffff;
	v6 =	vor.u32 $0x1, v0  }
0x19a: {  	v33 =	vld.idx.msk [tilespmem:v2+s14+$0x0], $0xffff;
	v2 =	vor.u32 $0x6, v0  }
0x19b: {  	v30 =	vld.idx.msk [tilespmem:v3+s14+$0x0], $0xffff;
	v3 =	vor.u32 $0x7, v0  }
0x19c: {  	v28 =	vld.idx.msk [tilespmem:v4+s14+$0x0], $0xffff;
	v4 =	vshll.u32 v5, $0x5;
	v5 =	vor.u32 $0x2, v0  }
0x19d: {  	v36 =	vld.idx.msk [tilespmem:v7+s14+$0x0], $0xffff;
	v0 =	vor.u32 $0x3, v0;
	v4 =	vand.u32 $0x60, v4  }
0x19e: {  	v40 =	vld.idx.msk [tilespmem:v6+s14+$0x0], $0xffff;
	v41 =	vor.u32 v13, v4  }
0x19f: {  	v38 =	vld.idx.msk [tilespmem:v2+s14+$0x0], $0xffff;
	v2 =	vor.u32 $0x1C, v41  }
0x1a0: {  	v31 =	vld.idx.msk [tilespmem:v3+s14+$0x0], $0xffff;
	v3 =	vor.u32 $0x1D, v41  }
0x1a1: {  	v4 =	vor.u32 $0x1E, v41;
	v37 =	vld.idx.msk [tilespmem:v5+s14+$0x0], $0xffff  }
0x1a2: {  	v6 =	vor.u32 $0x18, v41;
	v39 =	vld.idx.msk [tilespmem:v0+s14+$0x0], $0xffff  }
0x1a3: {  	v7 =	vor.u32 $0x19, v41;
	v5 =	vld.idx.msk [tilespmem:v41+s16+$0x0], $0xffff  }
0x1a4: {  	v13 =	vor.u32 $0x1A, v41;
	v2 =	vld.idx.msk [tilespmem:v2+s16+$0x0], $0xffff  }
0x1a5: {  	v15 =	vor.u32 $0x14, v41;
	v8 =	vld.idx.msk [tilespmem:v3+s16+$0x0], $0xffff  }
0x1a6: {  	v12 =	vor.u32 $0x10, v41;
	v4 =	vld.idx.msk [tilespmem:v4+s16+$0x0], $0xffff  }
0x1a7: {  	v0 =	vor.u32 $0x1F, v41;
	v10 =	vld.idx.msk [tilespmem:v6+s16+$0x0], $0xffff  }
0x1a8: {  	v3 =	vor.u32 $0x1B, v41;
	v11 =	vld.idx.msk [tilespmem:v7+s16+$0x0], $0xffff  }
0x1a9: {  	v6 =	vor.u32 $0x16, v41;
	v13 =	vld.idx.msk [tilespmem:v13+s16+$0x0], $0xffff  }
0x1aa: {  	v7 =	vor.u32 $0x17, v41;
	v55 =	vld.idx.msk [tilespmem:v15+s16+$0x0], $0xffff  }
0x1ab: {  	v15 =	vor.u32 $0x12, v41;
	v61 =	vld.idx.msk [tilespmem:v12+s16+$0x0], $0xffff  }
0x1ac: {  	v12 =	vor.u32 $0xE, v41;
	v9 =	vld.idx.msk [tilespmem:v0+s16+$0x0], $0xffff  }
0x1ad: {  	v49 =	vld.idx.msk [tilespmem:v3+s16+$0x0], $0xffff  }
0x1ae: {  	v0 =	vor.u32 $0x15, v41;
	v57 =	vld.idx.msk [tilespmem:v6+s16+$0x0], $0xffff  }
0x1af: {  	v3 =	vor.u32 $0x11, v41;
	v50 =	vld.idx.msk [tilespmem:v7+s16+$0x0], $0xffff  }
0x1b0: {  	v6 =	vor.u32 $0xC, v41;
	v58 =	vld.idx.msk [tilespmem:v15+s16+$0x0], $0xffff  }
0x1b1: {  	v7 =	vor.u32 $0xD, v41;
	v59 =	vld.idx.msk [tilespmem:v12+s16+$0x0], $0xffff  }
0x1b2: {  	v48 =	vmul.f32 v5, v47;
	v15 =	vor.u32 $0x8, v41;
	v47 =	vmul.f32 v2, v42;
	v2 =	vld [tilespmem:$0x1FEE0]  }
0x1b3: {  	v53 =	vld.idx.msk [tilespmem:v0+s16+$0x0], $0xffff  }
0x1b4: {  	v0 =	vor.u32 $0x13, v41;
	v56 =	vld.idx.msk [tilespmem:v3+s16+$0x0], $0xffff  }
0x1b5: {  	v60 =	vld.idx.msk [tilespmem:v6+s16+$0x0], $0xffff  }
0x1b6: {  	v12 =	vor.u32 $0x4, v41;
	v54 =	vld.idx.msk [tilespmem:v7+s16+$0x0], $0xffff  }
0x1b7: {  	v46 =	vor.u32 $0xB, v41;
	v62 =	vld.idx.msk [tilespmem:v15+s16+$0x0], $0xffff  }
0x1b8: {  	v3 =	vor.u32 $0xF, v41;
	v42 =	vmul.f32 v8, v2;
	v2 =	vmul.f32 v4, v44;
	v4 =	vld [tilespmem:$0x1FEF0]  }
0x1b9: {  	v51 =	vld.idx.msk [tilespmem:v0+s16+$0x0], $0xffff;
	v0 =	vor.u32 $0x9, v41  }
0x1ba: {  	p0 =	sne.s32 s24, $0x70;
	v16 =	vor.u32 $0xA, v41;
	v8 =	vld [tilespmem:$0x1FF00]  }
.Ltmp0:
0x1bb: {  	v44 =	vmul.f32 v10, v45;
	v45 =	vld.idx.msk [tilespmem:v12+s16+$0x0], $0xffff;
	(pc) =	sbr.rel @p0 .LBB2_2-.Ltmp0, $4  }
0x1bc: {  	v35 =	vor.u32 $0x1A, v1;
	v5 =	vor.u32 $0x1, v41;
	[tilespmem:$0x1FFB0] =	vst v2;
	v2 =	vld.idx.msk [tilespmem:v46+s16+$0x0], $0xffff  }
0x1bd: {  	v43 =	vmul.f32 v11, v43;
	v52 =	vld.idx.msk [tilespmem:v3+s16+$0x0], $0xffff;
	v3 =	vor.u32 $0x1E, v1;
	v4 =	vmul.f32 v9, v4  }
0x1be: {  	v15 =	vor.u32 $0x1F, v1;
	v7 =	vor.u32 $0x6, v41;
	v6 =	vor.u32 $0x7, v41;
	[tilespmem:$0x1FFC0] =	vst v3;
	v63 =	vld.idx.msk [tilespmem:v0+s16+$0x0], $0xffff  }
0x1bf: {  	s24 =	sadd.s32 $0x10, s24;
	v11 =	vmul.f32 v13, v8;
	v3 =	vor.u32 $0x5, v41;
	v0 =	vld.idx.msk [tilespmem:v16+s16+$0x0], $0xffff;
	[tilespmem:$0x1FFD0] =	vst v4;
	v4 =	vor.u32 $0x2, v41  }
0x1c0: {  	_ =	sdelay $0x3  }
0x1c1: {  	v3 =	vld.idx.msk [tilespmem:v3+s16+$0x0], $0xffff  }
0x1c2: {  	v7 =	vld.idx.msk [tilespmem:v7+s16+$0x0], $0xffff  }
0x1c3: {  	v6 =	vld.idx.msk [tilespmem:v6+s16+$0x0], $0xffff  }
0x1c4: {  	v5 =	vld.idx.msk [tilespmem:v5+s16+$0x0], $0xffff  }
0x1c5: {  	v4 =	vld.idx.msk [tilespmem:v4+s16+$0x0], $0xffff  }
0x1c6: {  	v9 =	vmul.f32 v49, v14;
	v14 =	vor.u32 $0x3, v41;
	v24 =	vmul.f32 v59, v24;
	v59 =	vld [tilespmem:$0x1FFE0]  }
0x1c7: {  	v13 =	vmul.f32 v61, v29;
	v16 =	vmul.f32 v50, v18;
	v18 =	vor.u32 $0xC, v1;
	v61 =	vld [tilespmem:$0x1FF30]  }
0x1c8: {  	v8 =	vmul.f32 v55, v22;
	v10 =	vmul.f32 v53, v21;
	v22 =	vor.u32 $0xD, v1;
	v53 =	vld [tilespmem:$0x1FF40]  }
0x1c9: {  	v12 =	vmul.f32 v57, v25;
	v21 =	vmul.f32 v56, v23;
	v25 =	vor.u32 $0x8, v1;
	v55 =	vld [tilespmem:$0x1FF70]  }
0x1ca: {  	v23 =	vmul.f32 v58, v26;
	v26 =	vmul.f32 v60, v27;
	v27 =	vor.u32 $0x9, v1;
	v56 =	vld [tilespmem:$0x1FF60]  }
0x1cb: {  	v29 =	vor.u32 $0x4, v1;
	v14 =	vld.idx.msk [tilespmem:v14+s16+$0x0], $0xffff  }
0x1cc: {  	v57 =	vor.u32 $0x5, v1;
	v18 =	vld.idx.msk [tilespmem:v18+s18+$0x0], $0xffff  }
0x1cd: {  	v46 =	vor.u32 $0x1, v1;
	v22 =	vld.idx.msk [tilespmem:v22+s18+$0x0], $0xffff  }
0x1ce: {  	v2 =	vmul.f32 v2, v28;
	v28 =	vor.u32 $0x3, v1;
	v25 =	vld.idx.msk [tilespmem:v25+s18+$0x0], $0xffff  }
0x1cf: {  	v17 =	vmul.f32 v51, v17;
	v20 =	vmul.f32 v54, v20;
	v58 =	vor.u32 $0x2, v1;
	v27 =	vld.idx.msk [tilespmem:v27+s18+$0x0], $0xffff  }
0x1d0: {  	v33 =	vmul.f32 v62, v33;
	v36 =	vmul.f32 v45, v36;
	v29 =	vld.idx.msk [tilespmem:v29+s18+$0x0], $0xffff  }
0x1d1: {  	v6 =	vmul.f32 v6, v31;
	v4 =	vmul.f32 v4, v37;
	v31 =	vor.u32 $0x7, v1;
	v37 =	vld.idx.msk [tilespmem:v57+s18+$0x0], $0xffff  }
0x1d2: {  	v30 =	vmul.f32 v63, v30;
	v3 =	vmul.f32 v3, v34;
	v34 =	vor.u32 $0x6, v1;
	v62 =	vld.idx.msk [tilespmem:v46+s18+$0x0], $0xffff  }
0x1d3: {  	v63 =	vor.u32 $0xB, v1;
	v0 =	vmul.f32 v0, v32;
	v7 =	vmul.f32 v7, v38;
	v28 =	vld.idx.msk [tilespmem:v28+s18+$0x0], $0xffff  }
0x1d4: {  	v60 =	vor.u32 $0xA, v1;
	v5 =	vmul.f32 v5, v40;
	v38 =	vmul.f32 v59, v48;
	v32 =	vld.idx.msk [tilespmem:v58+s18+$0x0], $0xffff  }
0x1d5: {  	v54 =	vor.u32 $0xE, v1;
	v40 =	vmul.f32 v61, v47;
	v18 =	vmul.f32 v18, v26;
	v26 =	vld [tilespmem:$0x1FFA0]  }
0x1d6: {  	v57 =	vor.u32 $0xF, v1;
	v14 =	vmul.f32 v14, v39;
	v31 =	vld.idx.msk [tilespmem:v31+s18+$0x0], $0xffff;
	v25 =	vmul.f32 v25, v33  }
0x1d7: {  	v41 =	vadd.f32 $0.0e+00, v38;
	v34 =	vld.idx.msk [tilespmem:v34+s18+$0x0], $0xffff;
	v20 =	vmul.f32 v22, v20;
	v29 =	vmul.f32 v29, v36  }
0x1d8: {  	v61 =	vld.idx.msk [tilespmem:v63+s18+$0x0], $0xffff;
	v22 =	vor.u32 $0x13, v1;
	v27 =	vmul.f32 v27, v30;
	v14 =	vmul.f32 v28, v14  }
0x1d9: {  	v60 =	vld.idx.msk [tilespmem:v60+s18+$0x0], $0xffff;
	v30 =	vor.u32 $0x16, v1;
	v5 =	vmul.f32 v62, v5;
	v62 =	vor.u32 $0x17, v1  }
0x1da: {  	v58 =	vld [tilespmem:$0x1FF90];
	v4 =	vmul.f32 v32, v4;
	v29 =	vadd.f32 v29, v41;
	v14 =	vadd.f32 $0.0e+00, v14  }
0x1db: {  	v28 =	vld.idx.msk [tilespmem:v57+s18+$0x0], $0xffff;
	v21 =	vmul.f32 v26, v21;
	v26 =	vor.u32 $0x12, v1;
	v6 =	vmul.f32 v31, v6  }
0x1dc: {  	v63 =	vld.idx.msk [tilespmem:v54+s18+$0x0], $0xffff;
	v4 =	vadd.f32 $0.0e+00, v4;
	v1 =	vor.u32 $0x1B, v1;
	v7 =	vmul.f32 v34, v7  }
0x1dd: {  	v2 =	vmul.f32 v61, v2;
	v22 =	vld.idx.msk [tilespmem:v22+s18+$0x0], $0xffff;
	v6 =	vadd.f32 v6, v14;
	v14 =	vadd.f32 v25, v29  }
0x1de: {  	v19 =	vmul.f32 v52, v19;
	v0 =	vmul.f32 v60, v0;
	v4 =	vadd.f32 v7, v4;
	v7 =	vld.idx.msk [tilespmem:v62+s18+$0x0], $0xffff  }
0x1df: {  	v3 =	vmul.f32 v37, v3;
	v2 =	vadd.f32 v2, v6;
	v6 =	vadd.f32 v18, v14;
	v18 =	vld [tilespmem:$0x1FFC0]  }
0x1e0: {  	v5 =	vadd.f32 $0.0e+00, v5;
	v0 =	vadd.f32 v0, v4;
	v4 =	vmul.f32 v28, v19;
	v26 =	vld.idx.msk [tilespmem:v26+s18+$0x0], $0xffff  }
0x1e1: {  	v1 =	vld.idx.msk [tilespmem:v1+s18+$0x0], $0xffff  }
0x1e2: {  	v3 =	vadd.f32 v3, v5;
	v5 =	vld.idx.msk [tilespmem:v30+s18+$0x0], $0xffff;
	v2 =	vadd.f32 v4, v2;
	v4 =	vmul.f32 v22, v17  }
0x1e3: {  	v15 =	vld.idx.msk [tilespmem:v15+s18+$0x0], $0xffff;
	v24 =	vmul.f32 v63, v24  }
0x1e4: {  	v59 =	vld [tilespmem:$0x1FF80];
	v3 =	vadd.f32 v27, v3;
	v2 =	vadd.f32 v4, v2;
	v4 =	vmul.f32 v7, v16  }
0x1e5: {  	v52 =	vld [tilespmem:$0x1FF50];
	v0 =	vadd.f32 v24, v0;
	v14 =	vmul.f32 v26, v23  }
0x1e6: {  	v25 =	vld.idx.msk [tilespmem:v35+s18+$0x0], $0xffff;
	v3 =	vadd.f32 v20, v3;
	v2 =	vadd.f32 v4, v2;
	v1 =	vmul.f32 v1, v9  }
0x1e7: {  	v13 =	vmul.f32 v58, v13;
	v5 =	vmul.f32 v5, v12;
	v18 =	vld.idx.msk [tilespmem:v18+s18+$0x0], $0xffff;
	v0 =	vadd.f32 v14, v0  }
0x1e8: {  	v8 =	vmul.f32 v55, v8;
	v3 =	vadd.f32 v21, v3;
	v1 =	vadd.f32 v1, v2;
	v2 =	vld [tilespmem:$0x1FFD0]  }
0x1e9: {  	v10 =	vmul.f32 v59, v10;
	v6 =	vadd.f32 v13, v6;
	v0 =	vadd.f32 v5, v0;
	v5 =	vld [tilespmem:$0x1FFB0]  }
0x1ea: {  	v43 =	vmul.f32 v56, v43  }
0x1eb: {  	v44 =	vmul.f32 v52, v44;
	v3 =	vadd.f32 v10, v3;
	v6 =	vadd.f32 v8, v6  }
0x1ec: {  	v7 =	vmul.f32 v25, v11  }
0x1ed: {  	v42 =	vmul.f32 v53, v42;
	v3 =	vadd.f32 v43, v3;
	v4 =	vadd.f32 v44, v6  }
0x1ee: {  	v0 =	vadd.f32 v7, v0;
	v2 =	vmul.f32 v15, v2;
	v5 =	vmul.f32 v18, v5  }
0x1ef: {  	v3 =	vadd.f32 v42, v3;
	v4 =	vadd.f32 v40, v4  }
0x1f0: {  	v1 =	vadd.f32 v2, v1;
	v0 =	vadd.f32 v5, v0;
	_ =	sdelay $0x1  }
0x1f1: {  	v2 =	vadd.f32 v3, v4;
	v0 =	vadd.f32 v1, v0;
	_ =	sdelay $0x1  }
0x1f2: {  	v0 =	vadd.f32 v0, v2  }
0x1f3: {  	s13 =	sadd.s32 $0x10, s17  }
0x1f4: {  	[tilespmem:s13+$0x0] =	vst v0  }
0x1f5: {  	_ =	swait.ge [sflag:s29], $0x4000  }
0x1f6: {  	[sflag:s29] =	ssyncset.done $0x0  }
0x1f7: {  	[sflag:s29] =	ssyncadd.s32 $0xFFFFC000  }
0x1f8: {  	_ =	swait.ge [sflag:s30], $0x4000  }
0x1f9: {  	[sflag:s30] =	ssyncset.done $0x0  }
0x1fa: {  	[sflag:s30] =	ssyncadd.s32 $0xFFFFC000  }
0x1fb: {  	_ =	swait.ge [sflag:s31], $0x4000  }
0x1fc: {  	[sflag:s31] =	ssyncset.done $0x0  }
0x1fd: {  	[sflag:s31] =	ssyncadd.s32 $0xFFFFC000  }
0x1fe: {  	v0 =	vld [tilespmem:$0x100]  }
0x1ff: {  	v1 =	vld [tilespmem:$0x300]  }
0x200: {  	v2 =	vld [tilespmem:$0x500]  }
0x201: {  	v3 =	vld [tilespmem:$0x110]  }
0x202: {  	v4 =	vld [tilespmem:$0x310]  }
0x203: {  	v5 =	vld [tilespmem:$0x510];
	v0 =	vshrl.u32 v0, $0x2  }
0x204: {  	[tilespmem:$0x600] =	vst v0;
	v0 =	vshrl.u32 v1, $0x2;
	v1 =	vld [tilespmem:$0x120]  }
0x205: {  	[tilespmem:$0x680] =	vst v0;
	v0 =	vshrl.u32 v2, $0x2;
	v2 =	vld [tilespmem:$0x320]  }
0x206: {  	[tilespmem:$0x700] =	vst v0;
	v0 =	vshrl.u32 v3, $0x2;
	v3 =	vld [tilespmem:$0x520]  }
0x207: {  	[tilespmem:$0x610] =	vst v0;
	v0 =	vshrl.u32 v4, $0x2;
	v4 =	vld [tilespmem:$0x130]  }
0x208: {  	[tilespmem:$0x690] =	vst v0;
	v0 =	vshrl.u32 v5, $0x2;
	v5 =	vld [tilespmem:$0x330]  }
0x209: {  	[tilespmem:$0x710] =	vst v0;
	v0 =	vshrl.u32 v1, $0x2;
	v1 =	vld [tilespmem:$0x530]  }
0x20a: {  	[tilespmem:$0x620] =	vst v0;
	v0 =	vshrl.u32 v2, $0x2;
	v2 =	vld [tilespmem:$0x140]  }
0x20b: {  	[tilespmem:$0x6A0] =	vst v0;
	v0 =	vshrl.u32 v3, $0x2;
	v3 =	vld [tilespmem:$0x340]  }
0x20c: {  	[tilespmem:$0x720] =	vst v0;
	v0 =	vshrl.u32 v4, $0x2;
	v4 =	vld [tilespmem:$0x540]  }
0x20d: {  	[tilespmem:$0x630] =	vst v0;
	v0 =	vshrl.u32 v5, $0x2;
	v5 =	vld [tilespmem:$0x150]  }
0x20e: {  	[tilespmem:$0x6B0] =	vst v0;
	v0 =	vshrl.u32 v1, $0x2;
	v1 =	vld [tilespmem:$0x350]  }
0x20f: {  	[tilespmem:$0x730] =	vst v0;
	v0 =	vshrl.u32 v2, $0x2;
	v2 =	vld [tilespmem:$0x550]  }
0x210: {  	[tilespmem:$0x640] =	vst v0;
	v0 =	vshrl.u32 v3, $0x2;
	v3 =	vld [tilespmem:$0x160]  }
0x211: {  	[tilespmem:$0x6C0] =	vst v0;
	v0 =	vshrl.u32 v4, $0x2;
	v4 =	vld [tilespmem:$0x360]  }
0x212: {  	[tilespmem:$0x740] =	vst v0;
	v0 =	vshrl.u32 v5, $0x2;
	v5 =	vld [tilespmem:$0x560]  }
0x213: {  	[tilespmem:$0x650] =	vst v0;
	v0 =	vshrl.u32 v1, $0x2;
	v1 =	vld [tilespmem:$0x170]  }
0x214: {  	[tilespmem:$0x6D0] =	vst v0;
	v0 =	vshrl.u32 v2, $0x2;
	v2 =	vld [tilespmem:$0x370]  }
0x215: {  	[tilespmem:$0x750] =	vst v0;
	v0 =	vshrl.u32 v3, $0x2;
	v3 =	vld [tilespmem:$0x570]  }
0x216: {  	[tilespmem:$0x660] =	vst v0;
	v0 =	vshrl.u32 v4, $0x2  }
0x217: {  	[tilespmem:$0x6E0] =	vst v0;
	v0 =	vshrl.u32 v5, $0x2  }
0x218: {  	[tilespmem:$0x760] =	vst v0;
	v0 =	vshrl.u32 v1, $0x2  }
0x219: {  	[tilespmem:$0x670] =	vst v0;
	v0 =	vshrl.u32 v2, $0x2  }
0x21a: {  	[tilespmem:$0x6F0] =	vst v0;
	v0 =	vshrl.u32 v3, $0x2  }
0x21b: {  	s15 =	simm.s32 $0x600;
	s13 =	simm.s32 $0x80;
	[tilespmem:$0x770] =	vst v0  }
0x21c: {  	[tilespmem:s14], [sflag:$0x1] =	stream.indirect.gather [hbm4b:s3+s13], $0x80, s15, s13, $0xb8;
	[tilespmem:$0x18B00] =	vst v63  }
0x21d: {  	s17 =	simm.s32 $0x680  }
0x21e: {  	[tilespmem:s16], [sflag:$0x2] =	stream.indirect.gather [hbm4b:s4+s13], $0x80, s17, s13, $0xb8;
	[tilespmem:$0x18B00] =	vst v63  }
0x21f: {  	s22 =	simm.s32 $0x700;
	s24 =	simm.s32 $0x480  }
0x220: {  	[tilespmem:s18], [sflag:$0x3] =	stream.indirect.gather [hbm4b:s5+s13], $0x80, s22, s13, $0xb8;
	[tilespmem:$0x18B00] =	vst v63  }
0x221: {  	s22 =	simm.s32 $0x280;
	v0 =	vld [tilespmem:s24+$0x0]  }
0x222: {  	v46 =	vld [tilespmem:s22+$0x0]  }
0x223: {  	v2 =	vld [tilespmem:$0x1FFF0];
	_ =	sdelay $0x1  }
0x224: {  	s17 =	simm.s32 $0x0  }
0x225: {  	v1 =	vmov s17  }
0x226: {  	v1 =	vshll.u32 v1, $0x7;
	v0 =	vshll.u32 v0, $0x5;
	v36 =	vshll.u32 v46, $0x5  }
0x227: {  	v10 =	vor.u32 v2, v1;
	v0 =	vand.u32 $0x60, v0;
	v36 =	vand.u32 $0x60, v36  }
0x228: {  	v1 =	vor.u32 v10, v0;
	v36 =	vor.u32 v10, v36  }
0x229: {  	v0 =	vor.u32 $0x1C, v1  }
0x22a: {  	v2 =	vld [tilespmem:s13+$0x0];
	v3 =	vor.u32 $0x1D, v1  }
0x22b: {  	v5 =	vor.u32 $0x18, v1  }
0x22c: {  	v6 =	vor.u32 $0x19, v1  }
0x22d: {  	v7 =	vor.u32 $0x14, v1;
	v46 =	vld.idx.msk [tilespmem:v36+s25+$0x0], $0xffff  }
0x22e: {  	v12 =	vor.u32 $0x11, v1;
	v4 =	vld.idx.msk [tilespmem:v0+s28+$0x0], $0xffff  }
0x22f: {  	v8 =	vor.u32 $0x15, v1;
	v0 =	vshll.u32 v2, $0x5;
	v2 =	vld.idx.msk [tilespmem:v3+s28+$0x0], $0xffff  }
0x230: {  	v11 =	vor.u32 $0x10, v1;
	v9 =	vld.idx.msk [tilespmem:v5+s28+$0x0], $0xffff;
	v0 =	vand.u32 $0x60, v0  }
0x231: {  	v5 =	vld.idx.msk [tilespmem:v6+s28+$0x0], $0xffff;
	v0 =	vor.u32 v10, v0  }
0x232: {  	v7 =	vld.idx.msk [tilespmem:v7+s28+$0x0], $0xffff;
	v10 =	vor.u32 $0x1C, v36  }
0x233: {  	v6 =	vld.idx.msk [tilespmem:v12+s28+$0x0], $0xffff;
	v13 =	vor.u32 $0x1C, v0  }
0x234: {  	v14 =	vor.u32 $0x1D, v0;
	[tilespmem:$0x1FE00] =	vst v2;
	v2 =	vld.idx.msk [tilespmem:v8+s28+$0x0], $0xffff  }
0x235: {  	v12 =	vor.u32 $0x1F, v0;
	v8 =	vld.idx.msk [tilespmem:v11+s28+$0x0], $0xffff  }
0x236: {  	v16 =	vor.u32 $0x18, v0;
	v15 =	vld.idx.msk [tilespmem:v0+s23+$0x0], $0xffff  }
0x237: {  	v17 =	vor.u32 $0x19, v0;
	v10 =	vld.idx.msk [tilespmem:v10+s25+$0x0], $0xffff  }
0x238: {  	v18 =	vor.u32 $0x1A, v0;
	v13 =	vld.idx.msk [tilespmem:v13+s23+$0x0], $0xffff  }
0x239: {  	v19 =	vor.u32 $0x1B, v0;
	v14 =	vld.idx.msk [tilespmem:v14+s23+$0x0], $0xffff  }
0x23a: {  	v20 =	vor.u32 $0x14, v0;
	v12 =	vld.idx.msk [tilespmem:v12+s23+$0x0], $0xffff  }
0x23b: {  	v21 =	vor.u32 $0x15, v0;
	v16 =	vld.idx.msk [tilespmem:v16+s23+$0x0], $0xffff  }
0x23c: {  	v22 =	vor.u32 $0x16, v0;
	v17 =	vld.idx.msk [tilespmem:v17+s23+$0x0], $0xffff  }
0x23d: {  	v23 =	vor.u32 $0x17, v0;
	v18 =	vld.idx.msk [tilespmem:v18+s23+$0x0], $0xffff  }
0x23e: {  	v24 =	vor.u32 $0x10, v0;
	v19 =	vld.idx.msk [tilespmem:v19+s23+$0x0], $0xffff  }
0x23f: {  	v25 =	vor.u32 $0x11, v0;
	v20 =	vld.idx.msk [tilespmem:v20+s23+$0x0], $0xffff  }
0x240: {  	v26 =	vor.u32 $0x12, v0;
	v21 =	vld.idx.msk [tilespmem:v21+s23+$0x0], $0xffff  }
0x241: {  	v27 =	vor.u32 $0x13, v0;
	v22 =	vld.idx.msk [tilespmem:v22+s23+$0x0], $0xffff  }
0x242: {  	v28 =	vor.u32 $0xC, v0;
	v23 =	vld.idx.msk [tilespmem:v23+s23+$0x0], $0xffff  }
0x243: {  	v29 =	vor.u32 $0xD, v0;
	v24 =	vld.idx.msk [tilespmem:v24+s23+$0x0], $0xffff  }
0x244: {  	v30 =	vor.u32 $0xE, v0;
	v25 =	vld.idx.msk [tilespmem:v25+s23+$0x0], $0xffff  }
0x245: {  	v31 =	vor.u32 $0xF, v0;
	v26 =	vld.idx.msk [tilespmem:v26+s23+$0x0], $0xffff  }
0x246: {  	v42 =	vor.u32 $0x8, v0;
	v27 =	vld.idx.msk [tilespmem:v27+s23+$0x0], $0xffff  }
0x247: {  	v43 =	vor.u32 $0x9, v0;
	v28 =	vld.idx.msk [tilespmem:v28+s23+$0x0], $0xffff  }
0x248: {  	v44 =	vor.u32 $0xA, v0;
	v29 =	vld.idx.msk [tilespmem:v29+s23+$0x0], $0xffff  }
0x249: {  	v45 =	vor.u32 $0xB, v0;
	v30 =	vld.idx.msk [tilespmem:v30+s23+$0x0], $0xffff  }
0x24a: {  	v47 =	vor.u32 $0x4, v0;
	v31 =	vld.idx.msk [tilespmem:v31+s23+$0x0], $0xffff  }
0x24b: {  	v48 =	vor.u32 $0x5, v0;
	v32 =	vld.idx.msk [tilespmem:v42+s23+$0x0], $0xffff  }
0x24c: {  	v49 =	vor.u32 $0x6, v0;
	v33 =	vld.idx.msk [tilespmem:v43+s23+$0x0], $0xffff  }
0x24d: {  	v50 =	vor.u32 $0x7, v0;
	v34 =	vld.idx.msk [tilespmem:v44+s23+$0x0], $0xffff  }
0x24e: {  	v51 =	vor.u32 $0x1, v0;
	v35 =	vld.idx.msk [tilespmem:v45+s23+$0x0], $0xffff  }
0x24f: {  	v52 =	vor.u32 $0x2, v0;
	v37 =	vld.idx.msk [tilespmem:v47+s23+$0x0], $0xffff  }
0x250: {  	v53 =	vor.u32 $0x1D, v36;
	v38 =	vld.idx.msk [tilespmem:v48+s23+$0x0], $0xffff  }
0x251: {  	v54 =	vor.u32 $0x1E, v36;
	v39 =	vld.idx.msk [tilespmem:v49+s23+$0x0], $0xffff  }
0x252: {  	v55 =	vor.u32 $0x1F, v36;
	v40 =	vld.idx.msk [tilespmem:v50+s23+$0x0], $0xffff  }
0x253: {  	v56 =	vor.u32 $0x18, v36;
	v41 =	vld.idx.msk [tilespmem:v51+s23+$0x0], $0xffff  }
0x254: {  	v57 =	vor.u32 $0x19, v36;
	v42 =	vld.idx.msk [tilespmem:v52+s23+$0x0], $0xffff  }
0x255: {  	v58 =	vor.u32 $0x1A, v36;
	v43 =	vld.idx.msk [tilespmem:v53+s25+$0x0], $0xffff  }
0x256: {  	v59 =	vor.u32 $0x1B, v36;
	v44 =	vld.idx.msk [tilespmem:v54+s25+$0x0], $0xffff  }
0x257: {  	v62 =	vor.u32 $0x14, v36;
	v45 =	vld.idx.msk [tilespmem:v55+s25+$0x0], $0xffff  }
0x258: {  	v63 =	vor.u32 $0x15, v36;
	v47 =	vld.idx.msk [tilespmem:v56+s25+$0x0], $0xffff  }
0x259: {  	v60 =	vor.u32 $0x16, v36;
	v48 =	vld.idx.msk [tilespmem:v57+s25+$0x0], $0xffff  }
0x25a: {  	v61 =	vor.u32 $0x17, v36;
	v49 =	vld.idx.msk [tilespmem:v58+s25+$0x0], $0xffff  }
0x25b: {  	v11 =	vor.u32 $0x1E, v0;
	v50 =	vld.idx.msk [tilespmem:v59+s25+$0x0], $0xffff  }
0x25c: {  	v0 =	vor.u32 $0x3, v0;
	v51 =	vld.idx.msk [tilespmem:v62+s25+$0x0], $0xffff  }
0x25d: {  	v55 =	vor.u32 $0x10, v36;
	v52 =	vld.idx.msk [tilespmem:v63+s25+$0x0], $0xffff  }
0x25e: {  	v56 =	vor.u32 $0x11, v36;
	v53 =	vld.idx.msk [tilespmem:v60+s25+$0x0], $0xffff  }
0x25f: {  	v57 =	vor.u32 $0x12, v36;
	v54 =	vld.idx.msk [tilespmem:v61+s25+$0x0], $0xffff  }
0x260: {  	v58 =	vor.u32 $0x13, v36;
	v11 =	vld.idx.msk [tilespmem:v11+s23+$0x0], $0xffff  }
0x261: {  	v59 =	vor.u32 $0xC, v36;
	v3 =	vld.idx.msk [tilespmem:v0+s23+$0x0], $0xffff  }
0x262: {  	v60 =	vor.u32 $0xD, v36;
	v55 =	vld.idx.msk [tilespmem:v55+s25+$0x0], $0xffff  }
0x263: {  	v61 =	vor.u32 $0xE, v36;
	v56 =	vld.idx.msk [tilespmem:v56+s25+$0x0], $0xffff  }
0x264: {  	v57 =	vld.idx.msk [tilespmem:v57+s25+$0x0], $0xffff  }
0x265: {  	v63 =	vor.u32 $0x8, v36;
	v58 =	vld.idx.msk [tilespmem:v58+s25+$0x0], $0xffff  }
0x266: {  	v62 =	vor.u32 $0xF, v36;
	v59 =	vld.idx.msk [tilespmem:v59+s25+$0x0], $0xffff  }
0x267: {  	[tilespmem:$0x1FE10] =	vst v2;
	v2 =	vor.u32 $0xA, v36;
	v60 =	vld.idx.msk [tilespmem:v60+s25+$0x0], $0xffff  }
0x268: {  	v61 =	vld.idx.msk [tilespmem:v61+s25+$0x0], $0xffff  }
0x269: {  	v0 =	vor.u32 $0x9, v36;
	v15 =	vmul.f32 v46, v15;
	v46 =	vmul.f32 v10, v13;
	v10 =	vld.idx.msk [tilespmem:v1+s28+$0x0], $0xffff  }
0x26a: {  	v13 =	vor.u32 $0xB, v36;
	v43 =	vmul.f32 v43, v14;
	v16 =	vmul.f32 v47, v16;
	v47 =	vld.idx.msk [tilespmem:v63+s25+$0x0], $0xffff  }
0x26b: {  	v17 =	vmul.f32 v48, v17;
	v48 =	vor.u32 $0x6, v36;
	v14 =	vmul.f32 v44, v11;
	v44 =	vld.idx.msk [tilespmem:v62+s25+$0x0], $0xffff  }
0x26c: {  	v20 =	vmul.f32 v51, v20;
	v51 =	vor.u32 $0x2, v36;
	v2 =	vld.idx.msk [tilespmem:v2+s25+$0x0], $0xffff  }
0x26d: {  	v62 =	vor.u32 $0x4, v36;
	v9 =	vmul.f32 v9, v16;
	v16 =	vld [tilespmem:$0x1FE00]  }
0x26e: {  	v11 =	vmul.f32 v45, v12;
	v45 =	vor.u32 $0x5, v36;
	v63 =	vld.idx.msk [tilespmem:v0+s25+$0x0], $0xffff  }
0x26f: {  	v12 =	vmul.f32 v49, v18;
	v49 =	vor.u32 $0x7, v36;
	v13 =	vld.idx.msk [tilespmem:v13+s25+$0x0], $0xffff  }
0x270: {  	v23 =	vmul.f32 v54, v23;
	v54 =	vor.u32 $0xC, v1;
	v48 =	vld.idx.msk [tilespmem:v48+s25+$0x0], $0xffff  }
0x271: {  	v21 =	vmul.f32 v52, v21;
	v22 =	vmul.f32 v53, v22;
	v53 =	vor.u32 $0x1F, v1;
	v51 =	vld.idx.msk [tilespmem:v51+s25+$0x0], $0xffff  }
0x272: {  	v18 =	vor.u32 $0x1E, v1;
	v0 =	vmul.f32 v50, v19;
	v19 =	vor.u32 $0x1, v36;
	v52 =	vld.idx.msk [tilespmem:v62+s25+$0x0], $0xffff  }
0x273: {  	v4 =	vmul.f32 v4, v46;
	v7 =	vmul.f32 v7, v20;
	v36 =	vor.u32 $0x3, v36;
	v45 =	vld.idx.msk [tilespmem:v45+s25+$0x0], $0xffff  }
0x274: {  	v5 =	vmul.f32 v5, v17;
	v24 =	vmul.f32 v55, v24;
	v55 =	vor.u32 $0xD, v1;
	v49 =	vld.idx.msk [tilespmem:v49+s25+$0x0], $0xffff  }
0x275: {  	v25 =	vmul.f32 v56, v25;
	v56 =	vor.u32 $0x8, v1;
	v31 =	vmul.f32 v44, v31;
	v44 =	vld.idx.msk [tilespmem:v54+s28+$0x0], $0xffff  }
0x276: {  	v27 =	vmul.f32 v58, v27;
	v58 =	vor.u32 $0x4, v1;
	v8 =	vmul.f32 v8, v24;
	v24 =	vld [tilespmem:$0x1FE10]  }
0x277: {  	v20 =	vor.u32 $0xF, v1;
	v28 =	vmul.f32 v59, v28;
	v59 =	vor.u32 $0x5, v1;
	v19 =	vld.idx.msk [tilespmem:v19+s25+$0x0], $0xffff  }
0x278: {  	v50 =	vor.u32 $0x1A, v1;
	v26 =	vmul.f32 v57, v26;
	v62 =	vor.u32 $0x9, v1;
	v36 =	vld.idx.msk [tilespmem:v36+s25+$0x0], $0xffff  }
0x279: {  	v32 =	vmul.f32 v47, v32;
	v47 =	vor.u32 $0x1, v1;
	v2 =	vmul.f32 v2, v34;
	v34 =	vld.idx.msk [tilespmem:v55+s28+$0x0], $0xffff  }
0x27a: {  	v30 =	vmul.f32 v61, v30;
	v61 =	vor.u32 $0x3, v1;
	v13 =	vmul.f32 v13, v35;
	v35 =	vld.idx.msk [tilespmem:v56+s28+$0x0], $0xffff  }
0x27b: {  	v29 =	vmul.f32 v60, v29;
	v60 =	vor.u32 $0x2, v1;
	v33 =	vmul.f32 v63, v33;
	v63 =	vld.idx.msk [tilespmem:v58+s28+$0x0], $0xffff  }
0x27c: {  	v10 =	vmul.f32 v10, v15;
	v15 =	vor.u32 $0xA, v1;
	v55 =	vor.u32 $0x7, v1;
	v56 =	vld.idx.msk [tilespmem:v59+s28+$0x0], $0xffff  }
0x27d: {  	v6 =	vmul.f32 v6, v25;
	v38 =	vmul.f32 v45, v38;
	v45 =	vld.idx.msk [tilespmem:v62+s28+$0x0], $0xffff;
	v62 =	vor.u32 $0x6, v1  }
0x27e: {  	v39 =	vmul.f32 v48, v39;
	v42 =	vmul.f32 v51, v42;
	v57 =	vld.idx.msk [tilespmem:v47+s28+$0x0], $0xffff;
	v58 =	vor.u32 $0xB, v1  }
0x27f: {  	v25 =	vor.u32 $0x12, v1;
	v17 =	vld.idx.msk [tilespmem:v61+s28+$0x0], $0xffff;
	v37 =	vmul.f32 v52, v37;
	v40 =	vmul.f32 v49, v40  }
0x280: {  	v10 =	vadd.f32 $0.0e+00, v10;
	v59 =	vld.idx.msk [tilespmem:v60+s28+$0x0], $0xffff;
	v21 =	vmul.f32 v24, v21;
	v28 =	vmul.f32 v44, v28  }
0x281: {  	v60 =	vor.u32 $0xE, v1;
	v19 =	vmul.f32 v19, v41;
	v3 =	vmul.f32 v36, v3;
	v36 =	vld.idx.msk [tilespmem:v55+s28+$0x0], $0xffff  }
0x282: {  	v61 =	vor.u32 $0x13, v1;
	v32 =	vmul.f32 v35, v32;
	v29 =	vmul.f32 v34, v29;
	v24 =	vld.idx.msk [tilespmem:v62+s28+$0x0], $0xffff  }
0x283: {  	v49 =	vor.u32 $0x17, v1;
	v48 =	vld.idx.msk [tilespmem:v58+s28+$0x0], $0xffff;
	v38 =	vmul.f32 v56, v38;
	v19 =	vmul.f32 v57, v19  }
0x284: {  	v15 =	vld.idx.msk [tilespmem:v15+s28+$0x0], $0xffff;
	v3 =	vmul.f32 v17, v3;
	v62 =	vmul.f32 v63, v37;
	v63 =	vor.u32 $0x16, v1  }
0x285: {  	v42 =	vmul.f32 v59, v42;
	v17 =	vld.idx.msk [tilespmem:v20+s28+$0x0], $0xffff;
	v33 =	vmul.f32 v45, v33;
	v1 =	vor.u32 $0x1B, v1  }
0x286: {  	v52 =	vld.idx.msk [tilespmem:v60+s28+$0x0], $0xffff;
	v19 =	vadd.f32 $0.0e+00, v19;
	v3 =	vadd.f32 $0.0e+00, v3;
	v36 =	vmul.f32 v36, v40  }
0x287: {  	v10 =	vadd.f32 v62, v10;
	v20 =	vmul.f32 v24, v39;
	v24 =	vld.idx.msk [tilespmem:v25+s28+$0x0], $0xffff;
	v25 =	vadd.f32 $0.0e+00, v42  }
0x288: {  	v34 =	vld.idx.msk [tilespmem:v61+s28+$0x0], $0xffff;
	v19 =	vadd.f32 v38, v19;
	v13 =	vmul.f32 v48, v13;
	v3 =	vadd.f32 v36, v3  }
0x289: {  	v2 =	vmul.f32 v15, v2;
	v10 =	vadd.f32 v32, v10;
	v15 =	vld.idx.msk [tilespmem:v63+s28+$0x0], $0xffff;
	v20 =	vadd.f32 v20, v25  }
0x28a: {  	v19 =	vadd.f32 v33, v19;
	v25 =	vld.idx.msk [tilespmem:v49+s28+$0x0], $0xffff;
	v3 =	vadd.f32 v13, v3;
	v13 =	vmul.f32 v17, v31  }
0x28b: {  	v54 =	vld.idx.msk [tilespmem:v50+s28+$0x0], $0xffff;
	v30 =	vmul.f32 v52, v30;
	v10 =	vadd.f32 v28, v10;
	v2 =	vadd.f32 v2, v20  }
0x28c: {  	v16 =	vmul.f32 v16, v43;
	v1 =	vld.idx.msk [tilespmem:v1+s28+$0x0], $0xffff;
	v17 =	vadd.f32 v29, v19;
	v3 =	vadd.f32 v13, v3  }
0x28d: {  	v18 =	vld.idx.msk [tilespmem:v18+s28+$0x0], $0xffff;
	v13 =	vmul.f32 v34, v27;
	v19 =	vmul.f32 v24, v26;
	v2 =	vadd.f32 v30, v2  }
0x28e: {  	v8 =	vadd.f32 v8, v10;
	v20 =	vld.idx.msk [tilespmem:v53+s28+$0x0], $0xffff;
	v6 =	vadd.f32 v6, v17;
	v10 =	vmul.f32 v15, v22  }
0x28f: {  	v3 =	vadd.f32 v13, v3;
	v13 =	vmul.f32 v25, v23;
	v2 =	vadd.f32 v19, v2  }
0x290: {  	v7 =	vadd.f32 v7, v8;
	v8 =	vmul.f32 v54, v12;
	v6 =	vadd.f32 v21, v6  }
0x291: {  	v0 =	vmul.f32 v1, v0;
	v3 =	vadd.f32 v13, v3;
	v2 =	vadd.f32 v10, v2  }
0x292: {  	v1 =	vadd.f32 v9, v7;
	v5 =	vadd.f32 v5, v6;
	v6 =	vmul.f32 v18, v14  }
0x293: {  	v0 =	vadd.f32 v0, v3;
	v3 =	vmul.f32 v20, v11;
	v2 =	vadd.f32 v8, v2  }
0x294: {  	v1 =	vadd.f32 v4, v1;
	v4 =	vadd.f32 v16, v5  }
0x295: {  	v0 =	vadd.f32 v3, v0;
	v2 =	vadd.f32 v6, v2;
	_ =	sdelay $0x1  }
0x296: {  	v1 =	vadd.f32 v4, v1;
	v0 =	vadd.f32 v0, v2;
	_ =	sdelay $0x1  }
0x297: {  	v0 =	vadd.f32 v0, v1  }
0x298: {  	s13 =	simm.s32 $0x18980  }
0x299: {  	s15 =	simm.s32 $0x490;
	[tilespmem:s13+$0x0] =	vst v0  }
0x29a: {  	v0 =	vld [tilespmem:s15+$0x0]  }
0x29b: {  	v2 =	vld [tilespmem:$0x1FFF0];
	_ =	sdelay $0x1  }
0x29c: {  	s24 =	simm.s32 $0x10  }
0x29d: {  	v1 =	vmov s24  }
0x29e: {  	v1 =	vshll.u32 v1, $0x7;
	v0 =	vshll.u32 v0, $0x5  }
0x29f: {  	v2 =	vor.u32 v2, v1;
	v0 =	vand.u32 $0x60, v0  }
0x2a0: {  	v1 =	vor.u32 v2, v0  }
0x2a1: {  	v5 =	vor.u32 $0x18, v1  }
0x2a2: {  	v0 =	vor.u32 $0x1C, v1  }
0x2a3: {  	v4 =	vor.u32 $0x1D, v1  }
0x2a4: {  	s17 =	simm.s32 $0x90  }
0x2a5: {  	v3 =	vld [tilespmem:s17+$0x0]  }
0x2a6: {  	v6 =	vor.u32 $0x19, v1;
	v5 =	vld.idx.msk [tilespmem:v5+s28+$0x0], $0xffff  }
0x2a7: {  	v0 =	vld.idx.msk [tilespmem:v0+s28+$0x0], $0xffff  }
0x2a8: {  	v4 =	vld.idx.msk [tilespmem:v4+s28+$0x0], $0xffff;
	_ =	sdelay $0x1  }
0x2a9: {  	v9 =	vor.u32 $0x15, v1  }
0x2aa: {  	v7 =	vor.u32 $0x14, v1;
	[tilespmem:$0x1FE40] =	vst v5;
	v5 =	vld.idx.msk [tilespmem:v6+s28+$0x0], $0xffff  }
0x2ab: {  	[tilespmem:$0x1FE20] =	vst v0;
	v0 =	vshll.u32 v3, $0x5;
	v3 =	vor.u32 $0x10, v1  }
0x2ac: {  	[tilespmem:$0x1FE30] =	vst v4;
	v4 =	vor.u32 $0x11, v1;
	v0 =	vand.u32 $0x60, v0  }
0x2ad: {  	v0 =	vor.u32 v2, v0  }
0x2ae: {  	v6 =	vld.idx.msk [tilespmem:v9+s28+$0x0], $0xffff;
	v10 =	vor.u32 $0x18, v0  }
0x2af: {  	v11 =	vor.u32 $0x19, v0;
	[tilespmem:$0x1FE50] =	vst v5;
	v5 =	vld.idx.msk [tilespmem:v7+s28+$0x0], $0xffff  }
0x2b0: {  	v12 =	vor.u32 $0x1A, v0;
	v3 =	vld.idx.msk [tilespmem:v3+s28+$0x0], $0xffff  }
0x2b1: {  	v13 =	vor.u32 $0x1B, v0;
	v4 =	vld.idx.msk [tilespmem:v4+s28+$0x0], $0xffff  }
0x2b2: {  	v15 =	vor.u32 $0x15, v0;
	v62 =	vld.idx.msk [tilespmem:v0+s23+$0x0], $0xffff  }
0x2b3: {  	v17 =	vor.u32 $0x16, v0;
	v10 =	vld.idx.msk [tilespmem:v10+s23+$0x0], $0xffff  }
0x2b4: {  	v19 =	vor.u32 $0xC, v0;
	v35 =	vld.idx.msk [tilespmem:v11+s23+$0x0], $0xffff  }
0x2b5: {  	v31 =	vor.u32 $0x4, v0;
	v46 =	vld.idx.msk [tilespmem:v12+s23+$0x0], $0xffff  }
0x2b6: {  	v55 =	vor.u32 $0x5, v0;
	v14 =	vld.idx.msk [tilespmem:v13+s23+$0x0], $0xffff  }
0x2b7: {  	[tilespmem:$0x1FE70] =	vst v6;
	v6 =	vor.u32 $0x1D, v0;
	v21 =	vld.idx.msk [tilespmem:v15+s23+$0x0], $0xffff  }
0x2b8: {  	v11 =	vor.u32 $0x17, v0;
	v25 =	vld.idx.msk [tilespmem:v17+s23+$0x0], $0xffff  }
0x2b9: {  	v12 =	vor.u32 $0x10, v0;
	v27 =	vld.idx.msk [tilespmem:v19+s23+$0x0], $0xffff  }
0x2ba: {  	v13 =	vor.u32 $0x11, v0;
	v36 =	vld.idx.msk [tilespmem:v31+s23+$0x0], $0xffff  }
0x2bb: {  	v15 =	vor.u32 $0x13, v0;
	v34 =	vld.idx.msk [tilespmem:v55+s23+$0x0], $0xffff  }
0x2bc: {  	[tilespmem:$0x1FE60] =	vst v5;
	v5 =	vor.u32 $0x1C, v0;
	v45 =	vld.idx.msk [tilespmem:v6+s23+$0x0], $0xffff  }
0x2bd: {  	[tilespmem:$0x1FE90] =	vst v4;
	v4 =	vor.u32 $0x1F, v0;
	v18 =	vld.idx.msk [tilespmem:v11+s23+$0x0], $0xffff  }
0x2be: {  	v11 =	vor.u32 $0xD, v0;
	v29 =	vld.idx.msk [tilespmem:v12+s23+$0x0], $0xffff  }
0x2bf: {  	v12 =	vor.u32 $0xE, v0;
	v23 =	vld.idx.msk [tilespmem:v13+s23+$0x0], $0xffff  }
0x2c0: {  	v13 =	vor.u32 $0xF, v0;
	v17 =	vld.idx.msk [tilespmem:v15+s23+$0x0], $0xffff  }
0x2c1: {  	v63 =	vld.idx.msk [tilespmem:v5+s23+$0x0], $0xffff  }
0x2c2: {  	v16 =	vld.idx.msk [tilespmem:v4+s23+$0x0], $0xffff;
	v4 =	vor.u32 $0x12, v0  }
0x2c3: {  	[tilespmem:$0x1FE80] =	vst v3;
	v3 =	vor.u32 $0x1E, v0;
	v20 =	vld.idx.msk [tilespmem:v11+s23+$0x0], $0xffff  }
0x2c4: {  	v15 =	vor.u32 $0x9, v0;
	v24 =	vld.idx.msk [tilespmem:v12+s23+$0x0], $0xffff  }
0x2c5: {  	s22 =	simm.s32 $0x290;
	v11 =	vor.u32 $0xA, v0;
	v19 =	vld.idx.msk [tilespmem:v13+s23+$0x0], $0xffff  }
0x2c6: {  	v12 =	vor.u32 $0xB, v0;
	v13 =	vld [tilespmem:s22+$0x0]  }
0x2c7: {  	v26 =	vld.idx.msk [tilespmem:v4+s23+$0x0], $0xffff;
	v4 =	vor.u32 $0x8, v0  }
0x2c8: {  	v3 =	vld.idx.msk [tilespmem:v3+s23+$0x0], $0xffff;
	v5 =	vor.u32 $0x14, v0  }
0x2c9: {  	v30 =	vld.idx.msk [tilespmem:v15+s23+$0x0], $0xffff;
	v15 =	vor.u32 $0x7, v0  }
0x2ca: {  	v32 =	vld.idx.msk [tilespmem:v11+s23+$0x0], $0xffff;
	v11 =	vor.u32 $0x1, v0  }
0x2cb: {  	v28 =	vld.idx.msk [tilespmem:v12+s23+$0x0], $0xffff;
	v12 =	vshll.u32 v13, $0x5;
	v13 =	vor.u32 $0x2, v0  }
0x2cc: {  	v33 =	vld.idx.msk [tilespmem:v4+s23+$0x0], $0xffff;
	v4 =	vor.u32 $0x6, v0  }
0x2cd: {  	v22 =	vld.idx.msk [tilespmem:v5+s23+$0x0], $0xffff;
	v12 =	vand.u32 $0x60, v12;
	v0 =	vor.u32 $0x3, v0  }
0x2ce: {  	v31 =	vld.idx.msk [tilespmem:v15+s23+$0x0], $0xffff;
	v41 =	vor.u32 v2, v12  }
0x2cf: {  	v2 =	vor.u32 $0x1C, v41;
	v40 =	vld.idx.msk [tilespmem:v11+s23+$0x0], $0xffff  }
0x2d0: {  	v12 =	vor.u32 $0x1E, v41;
	v37 =	vld.idx.msk [tilespmem:v13+s23+$0x0], $0xffff  }
0x2d1: {  	v15 =	vor.u32 $0x19, v41;
	v38 =	vld.idx.msk [tilespmem:v4+s23+$0x0], $0xffff  }
0x2d2: {  	v56 =	vor.u32 $0x1A, v41;
	v39 =	vld.idx.msk [tilespmem:v0+s23+$0x0], $0xffff  }
0x2d3: {  	v57 =	vor.u32 $0x1B, v41;
	v13 =	vld.idx.msk [tilespmem:v41+s25+$0x0], $0xffff  }
0x2d4: {  	v58 =	vor.u32 $0x14, v41;
	v2 =	vld.idx.msk [tilespmem:v2+s25+$0x0], $0xffff  }
0x2d5: {  	v59 =	vor.u32 $0x16, v41;
	v12 =	vld.idx.msk [tilespmem:v12+s25+$0x0], $0xffff  }
0x2d6: {  	v60 =	vor.u32 $0x17, v41;
	v15 =	vld.idx.msk [tilespmem:v15+s25+$0x0], $0xffff  }
0x2d7: {  	v61 =	vor.u32 $0x10, v41;
	v6 =	vld.idx.msk [tilespmem:v56+s25+$0x0], $0xffff  }
0x2d8: {  	v0 =	vor.u32 $0x1F, v41;
	v49 =	vld.idx.msk [tilespmem:v57+s25+$0x0], $0xffff  }
0x2d9: {  	v43 =	vor.u32 $0x11, v41;
	v55 =	vld.idx.msk [tilespmem:v58+s25+$0x0], $0xffff  }
0x2da: {  	v11 =	vor.u32 $0x1D, v41;
	v57 =	vld.idx.msk [tilespmem:v59+s25+$0x0], $0xffff  }
0x2db: {  	v4 =	vor.u32 $0x18, v41;
	v50 =	vld.idx.msk [tilespmem:v60+s25+$0x0], $0xffff  }
0x2dc: {  	v44 =	vor.u32 $0x12, v41;
	v61 =	vld.idx.msk [tilespmem:v61+s25+$0x0], $0xffff  }
0x2dd: {  	v8 =	vld.idx.msk [tilespmem:v0+s25+$0x0], $0xffff;
	v0 =	vor.u32 $0x15, v41  }
0x2de: {  	v47 =	vor.u32 $0xC, v41;
	v56 =	vld.idx.msk [tilespmem:v43+s25+$0x0], $0xffff  }
0x2df: {  	v42 =	vor.u32 $0xE, v41;
	v11 =	vld.idx.msk [tilespmem:v11+s25+$0x0], $0xffff  }
0x2e0: {  	v9 =	vld.idx.msk [tilespmem:v4+s25+$0x0], $0xffff;
	v4 =	vor.u32 $0x4, v41  }
0x2e1: {  	v58 =	vld.idx.msk [tilespmem:v44+s25+$0x0], $0xffff  }
0x2e2: {  	v53 =	vld.idx.msk [tilespmem:v0+s25+$0x0], $0xffff;
	v0 =	vor.u32 $0x13, v41  }
0x2e3: {  	v48 =	vor.u32 $0xD, v41;
	v60 =	vld.idx.msk [tilespmem:v47+s25+$0x0], $0xffff  }
0x2e4: {  	v43 =	vor.u32 $0xF, v41;
	v59 =	vld.idx.msk [tilespmem:v42+s25+$0x0], $0xffff  }
0x2e5: {  	v44 =	vor.u32 $0x8, v41;
	v42 =	vmul.f32 v11, v45;
	v45 =	vld.idx.msk [tilespmem:v4+s25+$0x0], $0xffff  }
0x2e6: {  	v5 =	vor.u32 $0xB, v41;
	v4 =	vld.idx.msk [tilespmem:v1+s28+$0x0], $0xffff  }
0x2e7: {  	v47 =	vmul.f32 v2, v63;
	v2 =	vmul.f32 v12, v3;
	v51 =	vld.idx.msk [tilespmem:v0+s25+$0x0], $0xffff;
	v0 =	vor.u32 $0x9, v41  }
0x2e8: {  	v7 =	vor.u32 $0xA, v41;
	v54 =	vld.idx.msk [tilespmem:v48+s25+$0x0], $0xffff  }
0x2e9: {  	v52 =	vld.idx.msk [tilespmem:v43+s25+$0x0], $0xffff;
	[tilespmem:$0x1FEA0] =	vst v2;
	v2 =	vmul.f32 v8, v16  }
0x2ea: {  	v48 =	vmul.f32 v13, v62;
	v62 =	vld.idx.msk [tilespmem:v44+s25+$0x0], $0xffff;
	v3 =	vor.u32 $0x5, v41;
	v43 =	vmul.f32 v15, v35  }
0x2eb: {  	v35 =	vor.u32 $0x1A, v1;
	v15 =	vor.u32 $0x1F, v1;
	v11 =	vmul.f32 v6, v46;
	[tilespmem:$0x1FEC0] =	vst v2;
	v2 =	vld.idx.msk [tilespmem:v5+s25+$0x0], $0xffff  }
0x2ec: {  	v6 =	vor.u32 $0x7, v41;
	v44 =	vmul.f32 v9, v10;
	[tilespmem:$0x1FED0] =	vst v4;
	v63 =	vld.idx.msk [tilespmem:v0+s25+$0x0], $0xffff;
	v0 =	vor.u32 $0x1E, v1  }
0x2ed: {  	s24 =	simm.s32 $0x20;
	v5 =	vor.u32 $0x1, v41;
	v4 =	vor.u32 $0x2, v41;
	[tilespmem:$0x1FEB0] =	vst v0;
	v0 =	vld.idx.msk [tilespmem:v7+s25+$0x0], $0xffff;
	v7 =	vor.u32 $0x6, v41  }
.LBB2_4:
0x2ee: {  	_ =	sdelay $0x3  }
0x2ef: {  	v3 =	vld.idx.msk [tilespmem:v3+s25+$0x0], $0xffff  }
0x2f0: {  	v7 =	vld.idx.msk [tilespmem:v7+s25+$0x0], $0xffff  }
0x2f1: {  	v6 =	vld.idx.msk [tilespmem:v6+s25+$0x0], $0xffff  }
0x2f2: {  	v41 =	vor.u32 $0x3, v41;
	v5 =	vld.idx.msk [tilespmem:v5+s25+$0x0], $0xffff  }
0x2f3: {  	v16 =	vmul.f32 v49, v14;
	v46 =	vor.u32 $0xC, v1;
	v4 =	vld.idx.msk [tilespmem:v4+s25+$0x0], $0xffff  }
0x2f4: {  	v49 =	vmul.f32 v53, v21;
	v21 =	vmul.f32 v57, v25;
	v25 =	vor.u32 $0xD, v1;
	v8 =	vld [tilespmem:$0x1FED0]  }
0x2f5: {  	v18 =	vmul.f32 v50, v18;
	v50 =	vor.u32 $0x8, v1;
	v9 =	vld [tilespmem:$0x1FE30]  }
0x2f6: {  	v53 =	vor.u32 $0x9, v1;
	v12 =	vld [tilespmem:$0x1FE70]  }
0x2f7: {  	v29 =	vmul.f32 v61, v29;
	v61 =	vor.u32 $0x5, v1;
	v41 =	vld.idx.msk [tilespmem:v41+s25+$0x0], $0xffff  }
0x2f8: {  	v46 =	vld.idx.msk [tilespmem:v46+s28+$0x0], $0xffff  }
0x2f9: {  	v23 =	vmul.f32 v56, v23;
	v56 =	vor.u32 $0x1, v1;
	v25 =	vld.idx.msk [tilespmem:v25+s28+$0x0], $0xffff  }
0x2fa: {  	v26 =	vmul.f32 v58, v26;
	v58 =	vld.idx.msk [tilespmem:v50+s28+$0x0], $0xffff  }
0x2fb: {  	v57 =	vor.u32 $0x2, v1;
	v3 =	vmul.f32 v3, v34;
	v34 =	vld.idx.msk [tilespmem:v53+s28+$0x0], $0xffff  }
0x2fc: {  	v27 =	vmul.f32 v60, v27;
	v60 =	vor.u32 $0x4, v1;
	v4 =	vmul.f32 v4, v37;
	v37 =	vld.idx.msk [tilespmem:v61+s28+$0x0], $0xffff  }
0x2fd: {  	v42 =	vmul.f32 v9, v42;
	v9 =	vld [tilespmem:$0x1FE60]  }
0x2fe: {  	v33 =	vmul.f32 v62, v33;
	v2 =	vmul.f32 v2, v28;
	v28 =	vor.u32 $0x3, v1;
	v62 =	vld.idx.msk [tilespmem:v56+s28+$0x0], $0xffff  }
0x2ff: {  	v22 =	vmul.f32 v55, v22;
	v61 =	vor.u32 $0x7, v1;
	v10 =	vmul.f32 v8, v48;
	v8 =	vld [tilespmem:$0x1FE20]  }
0x300: {  	v30 =	vmul.f32 v63, v30;
	v0 =	vmul.f32 v0, v32;
	v63 =	vor.u32 $0xA, v1;
	v32 =	vld.idx.msk [tilespmem:v57+s28+$0x0], $0xffff  }
0x301: {  	v24 =	vmul.f32 v59, v24;
	v59 =	vld.idx.msk [tilespmem:v60+s28+$0x0], $0xffff;
	v60 =	vor.u32 $0x6, v1  }
0x302: {  	v19 =	vmul.f32 v52, v19;
	v22 =	vmul.f32 v9, v22;
	v9 =	vld [tilespmem:$0x1FE50]  }
0x303: {  	v55 =	vor.u32 $0xE, v1;
	v20 =	vmul.f32 v54, v20;
	v36 =	vmul.f32 v45, v36;
	v28 =	vld.idx.msk [tilespmem:v28+s28+$0x0], $0xffff  }
0x304: {  	v54 =	vor.u32 $0xB, v1;
	v6 =	vmul.f32 v6, v31;
	v31 =	vmul.f32 v41, v39;
	v39 =	vld.idx.msk [tilespmem:v61+s28+$0x0], $0xffff  }
0x305: {  	v5 =	vmul.f32 v5, v40;
	v57 =	vor.u32 $0x12, v1;
	v33 =	vmul.f32 v58, v33;
	v58 =	vld.idx.msk [tilespmem:v63+s28+$0x0], $0xffff  }
0x306: {  	v7 =	vmul.f32 v7, v38;
	v56 =	vor.u32 $0xF, v1;
	v20 =	vmul.f32 v25, v20;
	v40 =	vld.idx.msk [tilespmem:v60+s28+$0x0], $0xffff  }
0x307: {  	v5 =	vmul.f32 v62, v5;
	v43 =	vmul.f32 v9, v43;
	v9 =	vld [tilespmem:$0x1FE80]  }
0x308: {  	v25 =	vor.u32 $0x13, v1;
	v3 =	vmul.f32 v37, v3;
	v61 =	vld.idx.msk [tilespmem:v55+s28+$0x0], $0xffff;
	v4 =	vmul.f32 v32, v4  }
0x309: {  	v62 =	vor.u32 $0x17, v1;
	v36 =	vmul.f32 v59, v36;
	v59 =	vld.idx.msk [tilespmem:v54+s28+$0x0], $0xffff;
	v60 =	vor.u32 $0x16, v1  }
0x30a: {  	v63 =	vld.idx.msk [tilespmem:v57+s28+$0x0], $0xffff;
	v5 =	vadd.f32 $0.0e+00, v5;
	v4 =	vadd.f32 $0.0e+00, v4;
	v28 =	vmul.f32 v28, v31  }
0x30b: {  	v31 =	vld.idx.msk [tilespmem:v56+s28+$0x0], $0xffff;
	v1 =	vor.u32 $0x1B, v1;
	v6 =	vmul.f32 v39, v6;
	v7 =	vmul.f32 v40, v7  }
0x30c: {  	v28 =	vadd.f32 $0.0e+00, v28;
	v9 =	vmul.f32 v9, v29;
	v29 =	vmul.f32 v12, v49;
	v12 =	vld [tilespmem:$0x1FE90]  }
0x30d: {  	v10 =	vadd.f32 $0.0e+00, v10;
	v3 =	vadd.f32 v3, v5;
	v25 =	vld.idx.msk [tilespmem:v25+s28+$0x0], $0xffff;
	v0 =	vmul.f32 v58, v0  }
0x30e: {  	v6 =	vadd.f32 v6, v28;
	v5 =	vld.idx.msk [tilespmem:v60+s28+$0x0], $0xffff;
	v2 =	vmul.f32 v59, v2;
	v4 =	vadd.f32 v7, v4  }
0x30f: {  	v17 =	vmul.f32 v51, v17;
	v27 =	vmul.f32 v46, v27;
	v10 =	vadd.f32 v36, v10;
	v7 =	vld.idx.msk [tilespmem:v62+s28+$0x0], $0xffff  }
0x310: {  	v1 =	vld.idx.msk [tilespmem:v1+s28+$0x0], $0xffff;
	v2 =	vadd.f32 v2, v6;
	v0 =	vadd.f32 v0, v4;
	v4 =	vmul.f32 v31, v19  }
0x311: {  	v24 =	vmul.f32 v61, v24;
	v10 =	vadd.f32 v33, v10;
	v23 =	vmul.f32 v12, v23;
	v12 =	vld [tilespmem:$0x1FEB0]  }
0x312: {  	v30 =	vmul.f32 v34, v30;
	v2 =	vadd.f32 v4, v2;
	v4 =	vmul.f32 v25, v17  }
0x313: {  	v6 =	vadd.f32 v27, v10;
	v10 =	vmul.f32 v63, v26;
	v0 =	vadd.f32 v24, v0  }
0x314: {  	v15 =	vld.idx.msk [tilespmem:v15+s28+$0x0], $0xffff;
	v47 =	vmul.f32 v8, v47;
	v2 =	vadd.f32 v4, v2;
	v4 =	vmul.f32 v7, v18  }
0x315: {  	v8 =	vld [tilespmem:$0x1FE40];
	v3 =	vadd.f32 v30, v3;
	v5 =	vmul.f32 v5, v21;
	v0 =	vadd.f32 v10, v0  }
0x316: {  	v28 =	vld.idx.msk [tilespmem:v35+s28+$0x0], $0xffff;
	v1 =	vmul.f32 v1, v16;
	v2 =	vadd.f32 v4, v2  }
0x317: {  	v3 =	vadd.f32 v20, v3;
	v0 =	vadd.f32 v5, v0;
	v5 =	vld [tilespmem:$0x1FEA0]  }
0x318: {  	v1 =	vadd.f32 v1, v2;
	v2 =	vld [tilespmem:$0x1FEC0]  }
0x319: {  	v6 =	vadd.f32 v9, v6;
	v3 =	vadd.f32 v23, v3;
	v13 =	vld.idx.msk [tilespmem:v12+s28+$0x0], $0xffff;
	_ =	sdelay $0x1  }
0x31a: {  	v8 =	vmul.f32 v8, v44;
	v6 =	vadd.f32 v22, v6;
	v3 =	vadd.f32 v29, v3  }
0x31b: {  	v7 =	vmul.f32 v28, v11  }
0x31c: {  	v4 =	vadd.f32 v8, v6;
	v3 =	vadd.f32 v43, v3  }
0x31d: {  	v0 =	vadd.f32 v7, v0;
	v2 =	vmul.f32 v15, v2;
	v5 =	vmul.f32 v13, v5  }
0x31e: {  	v4 =	vadd.f32 v47, v4;
	v3 =	vadd.f32 v42, v3  }
0x31f: {  	v1 =	vadd.f32 v2, v1;
	v0 =	vadd.f32 v5, v0;
	_ =	sdelay $0x1  }
0x320: {  	v2 =	vadd.f32 v3, v4;
	v0 =	vadd.f32 v1, v0;
	_ =	sdelay $0x1  }
0x321: {  	v0 =	vadd.f32 v0, v2  }
0x322: {  	s13 =	sadd.s32 $0x10, s13  }
0x323: {  	s15 =	sadd.s32 $0x10, s15;
	[tilespmem:s13+$0x0] =	vst v0  }
0x324: {  	v0 =	vld [tilespmem:s15+$0x0]  }
0x325: {  	v2 =	vld [tilespmem:$0x1FFF0];
	_ =	sdelay $0x2  }
0x326: {  	v1 =	vmov s24  }
0x327: {  	v1 =	vshll.u32 v1, $0x7;
	v0 =	vshll.u32 v0, $0x5  }
0x328: {  	v13 =	vor.u32 v2, v1;
	v0 =	vand.u32 $0x60, v0  }
0x329: {  	v1 =	vor.u32 v13, v0  }
0x32a: {  	v4 =	vor.u32 $0x18, v1;
	_ =	sdelay $0x1  }
0x32b: {  	v3 =	vor.u32 $0x1D, v1;
	_ =	sdelay $0x1  }
0x32c: {  	v0 =	vor.u32 $0x1C, v1;
	v6 =	vld.idx.msk [tilespmem:v1+s28+$0x0], $0xffff  }
0x32d: {  	v5 =	vor.u32 $0x19, v1;
	v4 =	vld.idx.msk [tilespmem:v4+s28+$0x0], $0xffff;
	_ =	sdelay $0x1  }
0x32e: {  	s17 =	sadd.s32 $0x10, s17;
	v3 =	vld.idx.msk [tilespmem:v3+s28+$0x0], $0xffff  }
0x32f: {  	v2 =	vld [tilespmem:s17+$0x0];
	v7 =	vor.u32 $0x15, v1  }
0x330: {  	v0 =	vld.idx.msk [tilespmem:v0+s28+$0x0], $0xffff;
	[tilespmem:$0x1FED0] =	vst v6  }
0x331: {  	v6 =	vor.u32 $0x14, v1;
	[tilespmem:$0x1FE40] =	vst v4;
	v4 =	vld.idx.msk [tilespmem:v5+s28+$0x0], $0xffff;
	_ =	sdelay $0x1  }
0x332: {  	[tilespmem:$0x1FE30] =	vst v3;
	v3 =	vor.u32 $0x11, v1  }
0x333: {  	v5 =	vld.idx.msk [tilespmem:v7+s28+$0x0], $0xffff  }
0x334: {  	[tilespmem:$0x1FE20] =	vst v0  }
0x335: {  	v0 =	vshll.u32 v2, $0x5;
	[tilespmem:$0x1FE50] =	vst v4;
	v4 =	vld.idx.msk [tilespmem:v6+s28+$0x0], $0xffff  }
0x336: {  	v2 =	vor.u32 $0x10, v1;
	v0 =	vand.u32 $0x60, v0  }
0x337: {  	v0 =	vor.u32 v13, v0;
	v3 =	vld.idx.msk [tilespmem:v3+s28+$0x0], $0xffff  }
0x338: {  	[tilespmem:$0x1FE70] =	vst v5;
	v5 =	vor.u32 $0x1D, v0;
	_ =	sdelay $0x1  }
0x339: {  	[tilespmem:$0x1FE60] =	vst v4;
	v4 =	vor.u32 $0x1C, v0  }
0x33a: {  	v2 =	vld.idx.msk [tilespmem:v2+s28+$0x0], $0xffff  }
0x33b: {  	[tilespmem:$0x1FE90] =	vst v3;
	v3 =	vor.u32 $0x1F, v0  }
0x33c: {  	v7 =	vor.u32 $0x19, v0;
	v5 =	vld.idx.msk [tilespmem:v5+s23+$0x0], $0xffff  }
0x33d: {  	v6 =	vor.u32 $0x18, v0  }
0x33e: {  	v42 =	vld.idx.msk [tilespmem:v4+s23+$0x0], $0xffff;
	v4 =	vor.u32 $0x1A, v0  }
0x33f: {  	v47 =	vld.idx.msk [tilespmem:v0+s23+$0x0], $0xffff;
	[tilespmem:$0x1FE80] =	vst v2;
	v2 =	vor.u32 $0x1E, v0  }
0x340: {  	v15 =	vor.u32 $0x5, v0;
	v3 =	vld.idx.msk [tilespmem:v3+s23+$0x0], $0xffff  }
0x341: {  	v43 =	vld.idx.msk [tilespmem:v7+s23+$0x0], $0xffff;
	[tilespmem:$0x1FDD0] =	vst v5;
	v5 =	vor.u32 $0x1B, v0  }
0x342: {  	v45 =	vld.idx.msk [tilespmem:v6+s23+$0x0], $0xffff;
	v6 =	vor.u32 $0x16, v0  }
0x343: {  	v7 =	vor.u32 $0x17, v0;
	v4 =	vld.idx.msk [tilespmem:v4+s23+$0x0], $0xffff  }
0x344: {  	v44 =	vld.idx.msk [tilespmem:v2+s23+$0x0], $0xffff;
	v2 =	vor.u32 $0x14, v0  }
0x345: {  	v34 =	vld.idx.msk [tilespmem:v15+s23+$0x0], $0xffff;
	[tilespmem:$0x1FDE0] =	vst v3;
	v3 =	vor.u32 $0x15, v0  }
0x346: {  	v14 =	vld.idx.msk [tilespmem:v5+s23+$0x0], $0xffff;
	v5 =	vor.u32 $0x11, v0  }
0x347: {  	v25 =	vld.idx.msk [tilespmem:v6+s23+$0x0], $0xffff;
	v6 =	vor.u32 $0xC, v0  }
0x348: {  	v18 =	vld.idx.msk [tilespmem:v7+s23+$0x0], $0xffff;
	[tilespmem:$0x1FDF0] =	vst v4;
	v4 =	vor.u32 $0x10, v0  }
0x349: {  	v22 =	vld.idx.msk [tilespmem:v2+s23+$0x0], $0xffff;
	v2 =	vor.u32 $0x12, v0  }
0x34a: {  	v21 =	vld.idx.msk [tilespmem:v3+s23+$0x0], $0xffff;
	v3 =	vor.u32 $0x13, v0  }
0x34b: {  	v23 =	vld.idx.msk [tilespmem:v5+s23+$0x0], $0xffff;
	v5 =	vor.u32 $0xF, v0  }
0x34c: {  	v27 =	vld.idx.msk [tilespmem:v6+s23+$0x0], $0xffff  }
0x34d: {  	v29 =	vld.idx.msk [tilespmem:v4+s23+$0x0], $0xffff;
	v4 =	vor.u32 $0xE, v0  }
0x34e: {  	v7 =	vor.u32 $0xD, v0;
	v26 =	vld.idx.msk [tilespmem:v2+s23+$0x0], $0xffff  }
0x34f: {  	v6 =	vor.u32 $0xA, v0;
	v17 =	vld.idx.msk [tilespmem:v3+s23+$0x0], $0xffff  }
0x350: {  	s22 =	sadd.s32 $0x10, s22;
	v2 =	vor.u32 $0x8, v0;
	v19 =	vld.idx.msk [tilespmem:v5+s23+$0x0], $0xffff  }
0x351: {  	v3 =	vor.u32 $0x9, v0;
	v5 =	vld [tilespmem:s22+$0x0]  }
0x352: {  	v24 =	vld.idx.msk [tilespmem:v4+s23+$0x0], $0xffff;
	v4 =	vor.u32 $0xB, v0  }
0x353: {  	v20 =	vld.idx.msk [tilespmem:v7+s23+$0x0], $0xffff;
	v7 =	vor.u32 $0x4, v0  }
0x354: {  	v32 =	vld.idx.msk [tilespmem:v6+s23+$0x0], $0xffff;
	v6 =	vor.u32 $0x1, v0  }
0x355: {  	v33 =	vld.idx.msk [tilespmem:v2+s23+$0x0], $0xffff;
	v2 =	vor.u32 $0x6, v0  }
0x356: {  	v30 =	vld.idx.msk [tilespmem:v3+s23+$0x0], $0xffff;
	v3 =	vor.u32 $0x7, v0  }
0x357: {  	v28 =	vld.idx.msk [tilespmem:v4+s23+$0x0], $0xffff;
	v4 =	vshll.u32 v5, $0x5;
	v5 =	vor.u32 $0x2, v0  }
0x358: {  	v36 =	vld.idx.msk [tilespmem:v7+s23+$0x0], $0xffff;
	v0 =	vor.u32 $0x3, v0;
	v4 =	vand.u32 $0x60, v4  }
0x359: {  	v40 =	vld.idx.msk [tilespmem:v6+s23+$0x0], $0xffff;
	v41 =	vor.u32 v13, v4  }
0x35a: {  	v38 =	vld.idx.msk [tilespmem:v2+s23+$0x0], $0xffff;
	v2 =	vor.u32 $0x1C, v41  }
0x35b: {  	v31 =	vld.idx.msk [tilespmem:v3+s23+$0x0], $0xffff;
	v3 =	vor.u32 $0x1D, v41  }
0x35c: {  	v4 =	vor.u32 $0x1E, v41;
	v37 =	vld.idx.msk [tilespmem:v5+s23+$0x0], $0xffff  }
0x35d: {  	v6 =	vor.u32 $0x18, v41;
	v39 =	vld.idx.msk [tilespmem:v0+s23+$0x0], $0xffff  }
0x35e: {  	v7 =	vor.u32 $0x19, v41;
	v5 =	vld.idx.msk [tilespmem:v41+s25+$0x0], $0xffff  }
0x35f: {  	v13 =	vor.u32 $0x1A, v41;
	v2 =	vld.idx.msk [tilespmem:v2+s25+$0x0], $0xffff  }
0x360: {  	v15 =	vor.u32 $0x14, v41;
	v8 =	vld.idx.msk [tilespmem:v3+s25+$0x0], $0xffff  }
0x361: {  	v12 =	vor.u32 $0x10, v41;
	v4 =	vld.idx.msk [tilespmem:v4+s25+$0x0], $0xffff  }
0x362: {  	v0 =	vor.u32 $0x1F, v41;
	v10 =	vld.idx.msk [tilespmem:v6+s25+$0x0], $0xffff  }
0x363: {  	v3 =	vor.u32 $0x1B, v41;
	v11 =	vld.idx.msk [tilespmem:v7+s25+$0x0], $0xffff  }
0x364: {  	v6 =	vor.u32 $0x16, v41;
	v13 =	vld.idx.msk [tilespmem:v13+s25+$0x0], $0xffff  }
0x365: {  	v7 =	vor.u32 $0x17, v41;
	v55 =	vld.idx.msk [tilespmem:v15+s25+$0x0], $0xffff  }
0x366: {  	v15 =	vor.u32 $0x12, v41;
	v61 =	vld.idx.msk [tilespmem:v12+s25+$0x0], $0xffff  }
0x367: {  	v12 =	vor.u32 $0xE, v41;
	v9 =	vld.idx.msk [tilespmem:v0+s25+$0x0], $0xffff  }
0x368: {  	v49 =	vld.idx.msk [tilespmem:v3+s25+$0x0], $0xffff  }
0x369: {  	v0 =	vor.u32 $0x15, v41;
	v57 =	vld.idx.msk [tilespmem:v6+s25+$0x0], $0xffff  }
0x36a: {  	v3 =	vor.u32 $0x11, v41;
	v50 =	vld.idx.msk [tilespmem:v7+s25+$0x0], $0xffff  }
0x36b: {  	v6 =	vor.u32 $0xC, v41;
	v58 =	vld.idx.msk [tilespmem:v15+s25+$0x0], $0xffff  }
0x36c: {  	v7 =	vor.u32 $0xD, v41;
	v59 =	vld.idx.msk [tilespmem:v12+s25+$0x0], $0xffff  }
0x36d: {  	v48 =	vmul.f32 v5, v47;
	v15 =	vor.u32 $0x8, v41;
	v47 =	vmul.f32 v2, v42;
	v2 =	vld [tilespmem:$0x1FDD0]  }
0x36e: {  	v53 =	vld.idx.msk [tilespmem:v0+s25+$0x0], $0xffff  }
0x36f: {  	v0 =	vor.u32 $0x13, v41;
	v56 =	vld.idx.msk [tilespmem:v3+s25+$0x0], $0xffff  }
0x370: {  	v60 =	vld.idx.msk [tilespmem:v6+s25+$0x0], $0xffff  }
0x371: {  	v12 =	vor.u32 $0x4, v41;
	v54 =	vld.idx.msk [tilespmem:v7+s25+$0x0], $0xffff  }
0x372: {  	v46 =	vor.u32 $0xB, v41;
	v62 =	vld.idx.msk [tilespmem:v15+s25+$0x0], $0xffff  }
0x373: {  	v3 =	vor.u32 $0xF, v41;
	v42 =	vmul.f32 v8, v2;
	v2 =	vmul.f32 v4, v44;
	v4 =	vld [tilespmem:$0x1FDE0]  }
0x374: {  	v51 =	vld.idx.msk [tilespmem:v0+s25+$0x0], $0xffff;
	v0 =	vor.u32 $0x9, v41  }
0x375: {  	p0 =	sne.s32 s24, $0x70;
	v16 =	vor.u32 $0xA, v41;
	v8 =	vld [tilespmem:$0x1FDF0]  }
.Ltmp1:
0x376: {  	v44 =	vmul.f32 v10, v45;
	v45 =	vld.idx.msk [tilespmem:v12+s25+$0x0], $0xffff;
	(pc) =	sbr.rel @p0 .LBB2_4-.Ltmp1, $4  }
0x377: {  	v35 =	vor.u32 $0x1A, v1;
	v5 =	vor.u32 $0x1, v41;
	[tilespmem:$0x1FEA0] =	vst v2;
	v2 =	vld.idx.msk [tilespmem:v46+s25+$0x0], $0xffff  }
0x378: {  	v43 =	vmul.f32 v11, v43;
	v52 =	vld.idx.msk [tilespmem:v3+s25+$0x0], $0xffff;
	v3 =	vor.u32 $0x1E, v1;
	v4 =	vmul.f32 v9, v4  }
0x379: {  	v15 =	vor.u32 $0x1F, v1;
	v7 =	vor.u32 $0x6, v41;
	v6 =	vor.u32 $0x7, v41;
	[tilespmem:$0x1FEB0] =	vst v3;
	v63 =	vld.idx.msk [tilespmem:v0+s25+$0x0], $0xffff  }
0x37a: {  	s24 =	sadd.s32 $0x10, s24;
	v11 =	vmul.f32 v13, v8;
	v3 =	vor.u32 $0x5, v41;
	v0 =	vld.idx.msk [tilespmem:v16+s25+$0x0], $0xffff;
	[tilespmem:$0x1FEC0] =	vst v4;
	v4 =	vor.u32 $0x2, v41  }
0x37b: {  	_ =	sdelay $0x3  }
0x37c: {  	v3 =	vld.idx.msk [tilespmem:v3+s25+$0x0], $0xffff  }
0x37d: {  	v7 =	vld.idx.msk [tilespmem:v7+s25+$0x0], $0xffff  }
0x37e: {  	v6 =	vld.idx.msk [tilespmem:v6+s25+$0x0], $0xffff  }
0x37f: {  	v5 =	vld.idx.msk [tilespmem:v5+s25+$0x0], $0xffff  }
0x380: {  	v4 =	vld.idx.msk [tilespmem:v4+s25+$0x0], $0xffff  }
0x381: {  	v9 =	vmul.f32 v49, v14;
	v14 =	vor.u32 $0x3, v41;
	v24 =	vmul.f32 v59, v24;
	v59 =	vld [tilespmem:$0x1FED0]  }
0x382: {  	v13 =	vmul.f32 v61, v29;
	v16 =	vmul.f32 v50, v18;
	v18 =	vor.u32 $0xC, v1;
	v61 =	vld [tilespmem:$0x1FE20]  }
0x383: {  	v8 =	vmul.f32 v55, v22;
	v10 =	vmul.f32 v53, v21;
	v22 =	vor.u32 $0xD, v1;
	v53 =	vld [tilespmem:$0x1FE30]  }
0x384: {  	v12 =	vmul.f32 v57, v25;
	v21 =	vmul.f32 v56, v23;
	v25 =	vor.u32 $0x8, v1;
	v55 =	vld [tilespmem:$0x1FE60]  }
0x385: {  	v23 =	vmul.f32 v58, v26;
	v26 =	vmul.f32 v60, v27;
	v27 =	vor.u32 $0x9, v1;
	v56 =	vld [tilespmem:$0x1FE50]  }
0x386: {  	v29 =	vor.u32 $0x4, v1;
	v14 =	vld.idx.msk [tilespmem:v14+s25+$0x0], $0xffff  }
0x387: {  	v57 =	vor.u32 $0x5, v1;
	v18 =	vld.idx.msk [tilespmem:v18+s28+$0x0], $0xffff  }
0x388: {  	v46 =	vor.u32 $0x1, v1;
	v22 =	vld.idx.msk [tilespmem:v22+s28+$0x0], $0xffff  }
0x389: {  	v2 =	vmul.f32 v2, v28;
	v28 =	vor.u32 $0x3, v1;
	v25 =	vld.idx.msk [tilespmem:v25+s28+$0x0], $0xffff  }
0x38a: {  	v17 =	vmul.f32 v51, v17;
	v20 =	vmul.f32 v54, v20;
	v58 =	vor.u32 $0x2, v1;
	v27 =	vld.idx.msk [tilespmem:v27+s28+$0x0], $0xffff  }
0x38b: {  	v33 =	vmul.f32 v62, v33;
	v36 =	vmul.f32 v45, v36;
	v29 =	vld.idx.msk [tilespmem:v29+s28+$0x0], $0xffff  }
0x38c: {  	v6 =	vmul.f32 v6, v31;
	v4 =	vmul.f32 v4, v37;
	v31 =	vor.u32 $0x7, v1;
	v37 =	vld.idx.msk [tilespmem:v57+s28+$0x0], $0xffff  }
0x38d: {  	v30 =	vmul.f32 v63, v30;
	v3 =	vmul.f32 v3, v34;
	v34 =	vor.u32 $0x6, v1;
	v62 =	vld.idx.msk [tilespmem:v46+s28+$0x0], $0xffff  }
0x38e: {  	v63 =	vor.u32 $0xB, v1;
	v0 =	vmul.f32 v0, v32;
	v7 =	vmul.f32 v7, v38;
	v28 =	vld.idx.msk [tilespmem:v28+s28+$0x0], $0xffff  }
0x38f: {  	v60 =	vor.u32 $0xA, v1;
	v5 =	vmul.f32 v5, v40;
	v38 =	vmul.f32 v59, v48;
	v32 =	vld.idx.msk [tilespmem:v58+s28+$0x0], $0xffff  }
0x390: {  	v54 =	vor.u32 $0xE, v1;
	v40 =	vmul.f32 v61, v47;
	v18 =	vmul.f32 v18, v26;
	v26 =	vld [tilespmem:$0x1FE90]  }
0x391: {  	v57 =	vor.u32 $0xF, v1;
	v14 =	vmul.f32 v14, v39;
	v31 =	vld.idx.msk [tilespmem:v31+s28+$0x0], $0xffff;
	v25 =	vmul.f32 v25, v33  }
0x392: {  	v41 =	vadd.f32 $0.0e+00, v38;
	v34 =	vld.idx.msk [tilespmem:v34+s28+$0x0], $0xffff;
	v20 =	vmul.f32 v22, v20;
	v29 =	vmul.f32 v29, v36  }
0x393: {  	v61 =	vld.idx.msk [tilespmem:v63+s28+$0x0], $0xffff;
	v22 =	vor.u32 $0x13, v1;
	v27 =	vmul.f32 v27, v30;
	v14 =	vmul.f32 v28, v14  }
0x394: {  	v60 =	vld.idx.msk [tilespmem:v60+s28+$0x0], $0xffff;
	v30 =	vor.u32 $0x16, v1;
	v5 =	vmul.f32 v62, v5;
	v62 =	vor.u32 $0x17, v1  }
0x395: {  	v58 =	vld [tilespmem:$0x1FE80];
	v4 =	vmul.f32 v32, v4;
	v29 =	vadd.f32 v29, v41;
	v14 =	vadd.f32 $0.0e+00, v14  }
0x396: {  	v28 =	vld.idx.msk [tilespmem:v57+s28+$0x0], $0xffff;
	v21 =	vmul.f32 v26, v21;
	v26 =	vor.u32 $0x12, v1;
	v6 =	vmul.f32 v31, v6  }
0x397: {  	v63 =	vld.idx.msk [tilespmem:v54+s28+$0x0], $0xffff;
	v4 =	vadd.f32 $0.0e+00, v4;
	v1 =	vor.u32 $0x1B, v1;
	v7 =	vmul.f32 v34, v7  }
0x398: {  	v2 =	vmul.f32 v61, v2;
	v22 =	vld.idx.msk [tilespmem:v22+s28+$0x0], $0xffff;
	v6 =	vadd.f32 v6, v14;
	v14 =	vadd.f32 v25, v29  }
0x399: {  	v19 =	vmul.f32 v52, v19;
	v0 =	vmul.f32 v60, v0;
	v4 =	vadd.f32 v7, v4;
	v7 =	vld.idx.msk [tilespmem:v62+s28+$0x0], $0xffff  }
0x39a: {  	v3 =	vmul.f32 v37, v3;
	v2 =	vadd.f32 v2, v6;
	v6 =	vadd.f32 v18, v14;
	v18 =	vld [tilespmem:$0x1FEB0]  }
0x39b: {  	v5 =	vadd.f32 $0.0e+00, v5;
	v0 =	vadd.f32 v0, v4;
	v4 =	vmul.f32 v28, v19;
	v26 =	vld.idx.msk [tilespmem:v26+s28+$0x0], $0xffff  }
0x39c: {  	v1 =	vld.idx.msk [tilespmem:v1+s28+$0x0], $0xffff  }
0x39d: {  	v3 =	vadd.f32 v3, v5;
	v5 =	vld.idx.msk [tilespmem:v30+s28+$0x0], $0xffff;
	v2 =	vadd.f32 v4, v2;
	v4 =	vmul.f32 v22, v17  }
0x39e: {  	v15 =	vld.idx.msk [tilespmem:v15+s28+$0x0], $0xffff;
	v24 =	vmul.f32 v63, v24  }
0x39f: {  	v59 =	vld [tilespmem:$0x1FE70];
	v3 =	vadd.f32 v27, v3;
	v2 =	vadd.f32 v4, v2;
	v4 =	vmul.f32 v7, v16  }
0x3a0: {  	v52 =	vld [tilespmem:$0x1FE40];
	v0 =	vadd.f32 v24, v0;
	v14 =	vmul.f32 v26, v23  }
0x3a1: {  	v25 =	vld.idx.msk [tilespmem:v35+s28+$0x0], $0xffff;
	v3 =	vadd.f32 v20, v3;
	v2 =	vadd.f32 v4, v2;
	v1 =	vmul.f32 v1, v9  }
0x3a2: {  	v13 =	vmul.f32 v58, v13;
	v5 =	vmul.f32 v5, v12;
	v18 =	vld.idx.msk [tilespmem:v18+s28+$0x0], $0xffff;
	v0 =	vadd.f32 v14, v0  }
0x3a3: {  	v8 =	vmul.f32 v55, v8;
	v3 =	vadd.f32 v21, v3;
	v1 =	vadd.f32 v1, v2;
	v2 =	vld [tilespmem:$0x1FEC0]  }
0x3a4: {  	v10 =	vmul.f32 v59, v10;
	v6 =	vadd.f32 v13, v6;
	v0 =	vadd.f32 v5, v0;
	v5 =	vld [tilespmem:$0x1FEA0]  }
0x3a5: {  	v43 =	vmul.f32 v56, v43  }
0x3a6: {  	v44 =	vmul.f32 v52, v44;
	v3 =	vadd.f32 v10, v3;
	v6 =	vadd.f32 v8, v6  }
0x3a7: {  	v7 =	vmul.f32 v25, v11  }
0x3a8: {  	v42 =	vmul.f32 v53, v42;
	v3 =	vadd.f32 v43, v3;
	v4 =	vadd.f32 v44, v6  }
0x3a9: {  	v0 =	vadd.f32 v7, v0;
	v2 =	vmul.f32 v15, v2;
	v5 =	vmul.f32 v18, v5  }
0x3aa: {  	v3 =	vadd.f32 v42, v3;
	v4 =	vadd.f32 v40, v4  }
0x3ab: {  	v1 =	vadd.f32 v2, v1;
	v0 =	vadd.f32 v5, v0;
	_ =	sdelay $0x1  }
0x3ac: {  	v2 =	vadd.f32 v3, v4;
	v0 =	vadd.f32 v1, v0;
	_ =	sdelay $0x1  }
0x3ad: {  	v0 =	vadd.f32 v0, v2  }
0x3ae: {  	s13 =	sadd.s32 $0x10, s13  }
0x3af: {  	[tilespmem:s13+$0x0] =	vst v0  }
0x3b0: {  	_ =	swait.ge [sflag:s19], $0x4000  }
0x3b1: {  	[sflag:s19] =	ssyncset.done $0x0  }
0x3b2: {  	[sflag:s19] =	ssyncadd.s32 $0xFFFFC000  }
0x3b3: {  	_ =	swait.ge [sflag:s20], $0x4000  }
0x3b4: {  	[sflag:s20] =	ssyncset.done $0x0  }
0x3b5: {  	[sflag:s20] =	ssyncadd.s32 $0xFFFFC000  }
0x3b6: {  	_ =	swait.ge [sflag:s21], $0x4000  }
0x3b7: {  	[sflag:s21] =	ssyncset.done $0x0  }
0x3b8: {  	[sflag:s21] =	ssyncadd.s32 $0xFFFFC000  }
0x3b9: {  	v0 =	vld [tilespmem:$0x180]  }
0x3ba: {  	v1 =	vld [tilespmem:$0x380]  }
0x3bb: {  	v2 =	vld [tilespmem:$0x580]  }
0x3bc: {  	v3 =	vld [tilespmem:$0x190]  }
0x3bd: {  	v4 =	vld [tilespmem:$0x390]  }
0x3be: {  	v5 =	vld [tilespmem:$0x590];
	v0 =	vshrl.u32 v0, $0x2  }
0x3bf: {  	[tilespmem:$0x780] =	vst v0;
	v0 =	vshrl.u32 v1, $0x2;
	v1 =	vld [tilespmem:$0x1A0]  }
0x3c0: {  	[tilespmem:$0x800] =	vst v0;
	v0 =	vshrl.u32 v2, $0x2;
	v2 =	vld [tilespmem:$0x3A0]  }
0x3c1: {  	[tilespmem:$0x880] =	vst v0;
	v0 =	vshrl.u32 v3, $0x2;
	v3 =	vld [tilespmem:$0x5A0]  }
0x3c2: {  	[tilespmem:$0x790] =	vst v0;
	v0 =	vshrl.u32 v4, $0x2;
	v4 =	vld [tilespmem:$0x1B0]  }
0x3c3: {  	[tilespmem:$0x810] =	vst v0;
	v0 =	vshrl.u32 v5, $0x2;
	v5 =	vld [tilespmem:$0x3B0]  }
0x3c4: {  	[tilespmem:$0x890] =	vst v0;
	v0 =	vshrl.u32 v1, $0x2;
	v1 =	vld [tilespmem:$0x5B0]  }
0x3c5: {  	[tilespmem:$0x7A0] =	vst v0;
	v0 =	vshrl.u32 v2, $0x2;
	v2 =	vld [tilespmem:$0x1C0]  }
0x3c6: {  	[tilespmem:$0x820] =	vst v0;
	v0 =	vshrl.u32 v3, $0x2;
	v3 =	vld [tilespmem:$0x3C0]  }
0x3c7: {  	[tilespmem:$0x8A0] =	vst v0;
	v0 =	vshrl.u32 v4, $0x2;
	v4 =	vld [tilespmem:$0x5C0]  }
0x3c8: {  	[tilespmem:$0x7B0] =	vst v0;
	v0 =	vshrl.u32 v5, $0x2;
	v5 =	vld [tilespmem:$0x1D0]  }
0x3c9: {  	[tilespmem:$0x830] =	vst v0;
	v0 =	vshrl.u32 v1, $0x2;
	v1 =	vld [tilespmem:$0x3D0]  }
0x3ca: {  	[tilespmem:$0x8B0] =	vst v0;
	v0 =	vshrl.u32 v2, $0x2;
	v2 =	vld [tilespmem:$0x5D0]  }
0x3cb: {  	[tilespmem:$0x7C0] =	vst v0;
	v0 =	vshrl.u32 v3, $0x2;
	v3 =	vld [tilespmem:$0x1E0]  }
0x3cc: {  	[tilespmem:$0x840] =	vst v0;
	v0 =	vshrl.u32 v4, $0x2;
	v4 =	vld [tilespmem:$0x3E0]  }
0x3cd: {  	[tilespmem:$0x8C0] =	vst v0;
	v0 =	vshrl.u32 v5, $0x2;
	v5 =	vld [tilespmem:$0x5E0]  }
0x3ce: {  	[tilespmem:$0x7D0] =	vst v0;
	v0 =	vshrl.u32 v1, $0x2;
	v1 =	vld [tilespmem:$0x1F0]  }
0x3cf: {  	[tilespmem:$0x850] =	vst v0;
	v0 =	vshrl.u32 v2, $0x2;
	v2 =	vld [tilespmem:$0x3F0]  }
0x3d0: {  	[tilespmem:$0x8D0] =	vst v0;
	v0 =	vshrl.u32 v3, $0x2;
	v3 =	vld [tilespmem:$0x5F0]  }
0x3d1: {  	[tilespmem:$0x7E0] =	vst v0;
	v0 =	vshrl.u32 v4, $0x2  }
0x3d2: {  	[tilespmem:$0x860] =	vst v0;
	v0 =	vshrl.u32 v5, $0x2  }
0x3d3: {  	[tilespmem:$0x8E0] =	vst v0;
	v0 =	vshrl.u32 v1, $0x2  }
0x3d4: {  	[tilespmem:$0x7F0] =	vst v0;
	v0 =	vshrl.u32 v2, $0x2  }
0x3d5: {  	[tilespmem:$0x870] =	vst v0;
	v0 =	vshrl.u32 v3, $0x2  }
0x3d6: {  	s22 =	simm.s32 $0x780;
	[tilespmem:$0x8F0] =	vst v0  }
0x3d7: {  	[tilespmem:s23], [sflag:$0x4] =	stream.indirect.gather [hbm4b:s3+s12], $0x80, s22, s12, $0xb8;
	[tilespmem:$0x18B00] =	vst v63  }
0x3d8: {  	s24 =	simm.s32 $0x800  }
0x3d9: {  	[tilespmem:s25], [sflag:$0x5] =	stream.indirect.gather [hbm4b:s4+s12], $0x80, s24, s12, $0xb8;
	[tilespmem:$0x18B00] =	vst v63  }
0x3da: {  	s15 =	simm.s32 $0x500  }
0x3db: {  	[tilespmem:s28], [sflag:$0x6] =	stream.indirect.gather [hbm4b:s5+s12], $0x80, s26, s12, $0xb8;
	[tilespmem:$0x18B00] =	vst v63  }
0x3dc: {  	s24 =	simm.s32 $0x300;
	v0 =	vld [tilespmem:s15+$0x0]  }
0x3dd: {  	v46 =	vld [tilespmem:s24+$0x0]  }
0x3de: {  	v2 =	vld [tilespmem:$0x1FFF0];
	_ =	sdelay $0x1  }
0x3df: {  	s17 =	simm.s32 $0x0  }
0x3e0: {  	v1 =	vmov s17  }
0x3e1: {  	v1 =	vshll.u32 v1, $0x7;
	v0 =	vshll.u32 v0, $0x5;
	v36 =	vshll.u32 v46, $0x5  }
0x3e2: {  	v10 =	vor.u32 v2, v1;
	v0 =	vand.u32 $0x60, v0;
	v36 =	vand.u32 $0x60, v36  }
0x3e3: {  	v1 =	vor.u32 v10, v0;
	v36 =	vor.u32 v10, v36  }
0x3e4: {  	s22 =	simm.s32 $0x100;
	v0 =	vor.u32 $0x1C, v1  }
0x3e5: {  	v2 =	vld [tilespmem:s22+$0x0];
	v3 =	vor.u32 $0x1D, v1  }
0x3e6: {  	v5 =	vor.u32 $0x18, v1  }
0x3e7: {  	v6 =	vor.u32 $0x19, v1  }
0x3e8: {  	v7 =	vor.u32 $0x14, v1;
	v46 =	vld.idx.msk [tilespmem:v36+s16+$0x0], $0xffff  }
0x3e9: {  	v12 =	vor.u32 $0x11, v1;
	v4 =	vld.idx.msk [tilespmem:v0+s18+$0x0], $0xffff  }
0x3ea: {  	v8 =	vor.u32 $0x15, v1;
	v0 =	vshll.u32 v2, $0x5;
	v2 =	vld.idx.msk [tilespmem:v3+s18+$0x0], $0xffff  }
0x3eb: {  	v11 =	vor.u32 $0x10, v1;
	v9 =	vld.idx.msk [tilespmem:v5+s18+$0x0], $0xffff;
	v0 =	vand.u32 $0x60, v0  }
0x3ec: {  	v5 =	vld.idx.msk [tilespmem:v6+s18+$0x0], $0xffff;
	v0 =	vor.u32 v10, v0  }
0x3ed: {  	v7 =	vld.idx.msk [tilespmem:v7+s18+$0x0], $0xffff;
	v10 =	vor.u32 $0x1C, v36  }
0x3ee: {  	v6 =	vld.idx.msk [tilespmem:v12+s18+$0x0], $0xffff;
	v13 =	vor.u32 $0x1C, v0  }
0x3ef: {  	v14 =	vor.u32 $0x1D, v0;
	[tilespmem:$0x1FCF0] =	vst v2;
	v2 =	vld.idx.msk [tilespmem:v8+s18+$0x0], $0xffff  }
0x3f0: {  	v12 =	vor.u32 $0x1F, v0;
	v8 =	vld.idx.msk [tilespmem:v11+s18+$0x0], $0xffff  }
0x3f1: {  	v16 =	vor.u32 $0x18, v0;
	v15 =	vld.idx.msk [tilespmem:v0+s14+$0x0], $0xffff  }
0x3f2: {  	v17 =	vor.u32 $0x19, v0;
	v10 =	vld.idx.msk [tilespmem:v10+s16+$0x0], $0xffff  }
0x3f3: {  	v18 =	vor.u32 $0x1A, v0;
	v13 =	vld.idx.msk [tilespmem:v13+s14+$0x0], $0xffff  }
0x3f4: {  	v19 =	vor.u32 $0x1B, v0;
	v14 =	vld.idx.msk [tilespmem:v14+s14+$0x0], $0xffff  }
0x3f5: {  	v20 =	vor.u32 $0x14, v0;
	v12 =	vld.idx.msk [tilespmem:v12+s14+$0x0], $0xffff  }
0x3f6: {  	v21 =	vor.u32 $0x15, v0;
	v16 =	vld.idx.msk [tilespmem:v16+s14+$0x0], $0xffff  }
0x3f7: {  	v22 =	vor.u32 $0x16, v0;
	v17 =	vld.idx.msk [tilespmem:v17+s14+$0x0], $0xffff  }
0x3f8: {  	v23 =	vor.u32 $0x17, v0;
	v18 =	vld.idx.msk [tilespmem:v18+s14+$0x0], $0xffff  }
0x3f9: {  	v24 =	vor.u32 $0x10, v0;
	v19 =	vld.idx.msk [tilespmem:v19+s14+$0x0], $0xffff  }
0x3fa: {  	v25 =	vor.u32 $0x11, v0;
	v20 =	vld.idx.msk [tilespmem:v20+s14+$0x0], $0xffff  }
0x3fb: {  	v26 =	vor.u32 $0x12, v0;
	v21 =	vld.idx.msk [tilespmem:v21+s14+$0x0], $0xffff  }
0x3fc: {  	v27 =	vor.u32 $0x13, v0;
	v22 =	vld.idx.msk [tilespmem:v22+s14+$0x0], $0xffff  }
0x3fd: {  	v28 =	vor.u32 $0xC, v0;
	v23 =	vld.idx.msk [tilespmem:v23+s14+$0x0], $0xffff  }
0x3fe: {  	v29 =	vor.u32 $0xD, v0;
	v24 =	vld.idx.msk [tilespmem:v24+s14+$0x0], $0xffff  }
0x3ff: {  	v30 =	vor.u32 $0xE, v0;
	v25 =	vld.idx.msk [tilespmem:v25+s14+$0x0], $0xffff  }
0x400: {  	v31 =	vor.u32 $0xF, v0;
	v26 =	vld.idx.msk [tilespmem:v26+s14+$0x0], $0xffff  }
0x401: {  	v42 =	vor.u32 $0x8, v0;
	v27 =	vld.idx.msk [tilespmem:v27+s14+$0x0], $0xffff  }
0x402: {  	v43 =	vor.u32 $0x9, v0;
	v28 =	vld.idx.msk [tilespmem:v28+s14+$0x0], $0xffff  }
0x403: {  	v44 =	vor.u32 $0xA, v0;
	v29 =	vld.idx.msk [tilespmem:v29+s14+$0x0], $0xffff  }
0x404: {  	v45 =	vor.u32 $0xB, v0;
	v30 =	vld.idx.msk [tilespmem:v30+s14+$0x0], $0xffff  }
0x405: {  	v47 =	vor.u32 $0x4, v0;
	v31 =	vld.idx.msk [tilespmem:v31+s14+$0x0], $0xffff  }
0x406: {  	v48 =	vor.u32 $0x5, v0;
	v32 =	vld.idx.msk [tilespmem:v42+s14+$0x0], $0xffff  }
0x407: {  	v49 =	vor.u32 $0x6, v0;
	v33 =	vld.idx.msk [tilespmem:v43+s14+$0x0], $0xffff  }
0x408: {  	v50 =	vor.u32 $0x7, v0;
	v34 =	vld.idx.msk [tilespmem:v44+s14+$0x0], $0xffff  }
0x409: {  	v51 =	vor.u32 $0x1, v0;
	v35 =	vld.idx.msk [tilespmem:v45+s14+$0x0], $0xffff  }
0x40a: {  	v52 =	vor.u32 $0x2, v0;
	v37 =	vld.idx.msk [tilespmem:v47+s14+$0x0], $0xffff  }
0x40b: {  	v53 =	vor.u32 $0x1D, v36;
	v38 =	vld.idx.msk [tilespmem:v48+s14+$0x0], $0xffff  }
0x40c: {  	v54 =	vor.u32 $0x1E, v36;
	v39 =	vld.idx.msk [tilespmem:v49+s14+$0x0], $0xffff  }
0x40d: {  	v55 =	vor.u32 $0x1F, v36;
	v40 =	vld.idx.msk [tilespmem:v50+s14+$0x0], $0xffff  }
0x40e: {  	v56 =	vor.u32 $0x18, v36;
	v41 =	vld.idx.msk [tilespmem:v51+s14+$0x0], $0xffff  }
0x40f: {  	v57 =	vor.u32 $0x19, v36;
	v42 =	vld.idx.msk [tilespmem:v52+s14+$0x0], $0xffff  }
0x410: {  	v58 =	vor.u32 $0x1A, v36;
	v43 =	vld.idx.msk [tilespmem:v53+s16+$0x0], $0xffff  }
0x411: {  	v59 =	vor.u32 $0x1B, v36;
	v44 =	vld.idx.msk [tilespmem:v54+s16+$0x0], $0xffff  }
0x412: {  	v62 =	vor.u32 $0x14, v36;
	v45 =	vld.idx.msk [tilespmem:v55+s16+$0x0], $0xffff  }
0x413: {  	v63 =	vor.u32 $0x15, v36;
	v47 =	vld.idx.msk [tilespmem:v56+s16+$0x0], $0xffff  }
0x414: {  	v60 =	vor.u32 $0x16, v36;
	v48 =	vld.idx.msk [tilespmem:v57+s16+$0x0], $0xffff  }
0x415: {  	v61 =	vor.u32 $0x17, v36;
	v49 =	vld.idx.msk [tilespmem:v58+s16+$0x0], $0xffff  }
0x416: {  	v11 =	vor.u32 $0x1E, v0;
	v50 =	vld.idx.msk [tilespmem:v59+s16+$0x0], $0xffff  }
0x417: {  	v0 =	vor.u32 $0x3, v0;
	v51 =	vld.idx.msk [tilespmem:v62+s16+$0x0], $0xffff  }
0x418: {  	v55 =	vor.u32 $0x10, v36;
	v52 =	vld.idx.msk [tilespmem:v63+s16+$0x0], $0xffff  }
0x419: {  	v56 =	vor.u32 $0x11, v36;
	v53 =	vld.idx.msk [tilespmem:v60+s16+$0x0], $0xffff  }
0x41a: {  	v57 =	vor.u32 $0x12, v36;
	v54 =	vld.idx.msk [tilespmem:v61+s16+$0x0], $0xffff  }
0x41b: {  	v58 =	vor.u32 $0x13, v36;
	v11 =	vld.idx.msk [tilespmem:v11+s14+$0x0], $0xffff  }
0x41c: {  	v59 =	vor.u32 $0xC, v36;
	v3 =	vld.idx.msk [tilespmem:v0+s14+$0x0], $0xffff  }
0x41d: {  	v60 =	vor.u32 $0xD, v36;
	v55 =	vld.idx.msk [tilespmem:v55+s16+$0x0], $0xffff  }
0x41e: {  	v61 =	vor.u32 $0xE, v36;
	v56 =	vld.idx.msk [tilespmem:v56+s16+$0x0], $0xffff  }
0x41f: {  	v57 =	vld.idx.msk [tilespmem:v57+s16+$0x0], $0xffff  }
0x420: {  	v63 =	vor.u32 $0x8, v36;
	v58 =	vld.idx.msk [tilespmem:v58+s16+$0x0], $0xffff  }
0x421: {  	v62 =	vor.u32 $0xF, v36;
	v59 =	vld.idx.msk [tilespmem:v59+s16+$0x0], $0xffff  }
0x422: {  	[tilespmem:$0x1FD00] =	vst v2;
	v2 =	vor.u32 $0xA, v36;
	v60 =	vld.idx.msk [tilespmem:v60+s16+$0x0], $0xffff  }
0x423: {  	v61 =	vld.idx.msk [tilespmem:v61+s16+$0x0], $0xffff  }
0x424: {  	v0 =	vor.u32 $0x9, v36;
	v15 =	vmul.f32 v46, v15;
	v46 =	vmul.f32 v10, v13;
	v10 =	vld.idx.msk [tilespmem:v1+s18+$0x0], $0xffff  }
0x425: {  	v13 =	vor.u32 $0xB, v36;
	v43 =	vmul.f32 v43, v14;
	v16 =	vmul.f32 v47, v16;
	v47 =	vld.idx.msk [tilespmem:v63+s16+$0x0], $0xffff  }
0x426: {  	v17 =	vmul.f32 v48, v17;
	v48 =	vor.u32 $0x6, v36;
	v14 =	vmul.f32 v44, v11;
	v44 =	vld.idx.msk [tilespmem:v62+s16+$0x0], $0xffff  }
0x427: {  	v20 =	vmul.f32 v51, v20;
	v51 =	vor.u32 $0x2, v36;
	v2 =	vld.idx.msk [tilespmem:v2+s16+$0x0], $0xffff  }
0x428: {  	v62 =	vor.u32 $0x4, v36;
	v9 =	vmul.f32 v9, v16;
	v16 =	vld [tilespmem:$0x1FCF0]  }
0x429: {  	v11 =	vmul.f32 v45, v12;
	v45 =	vor.u32 $0x5, v36;
	v63 =	vld.idx.msk [tilespmem:v0+s16+$0x0], $0xffff  }
0x42a: {  	v12 =	vmul.f32 v49, v18;
	v49 =	vor.u32 $0x7, v36;
	v13 =	vld.idx.msk [tilespmem:v13+s16+$0x0], $0xffff  }
0x42b: {  	v23 =	vmul.f32 v54, v23;
	v54 =	vor.u32 $0xC, v1;
	v48 =	vld.idx.msk [tilespmem:v48+s16+$0x0], $0xffff  }
0x42c: {  	v21 =	vmul.f32 v52, v21;
	v22 =	vmul.f32 v53, v22;
	v53 =	vor.u32 $0x1F, v1;
	v51 =	vld.idx.msk [tilespmem:v51+s16+$0x0], $0xffff  }
0x42d: {  	v18 =	vor.u32 $0x1E, v1;
	v0 =	vmul.f32 v50, v19;
	v19 =	vor.u32 $0x1, v36;
	v52 =	vld.idx.msk [tilespmem:v62+s16+$0x0], $0xffff  }
0x42e: {  	v4 =	vmul.f32 v4, v46;
	v7 =	vmul.f32 v7, v20;
	v36 =	vor.u32 $0x3, v36;
	v45 =	vld.idx.msk [tilespmem:v45+s16+$0x0], $0xffff  }
0x42f: {  	v5 =	vmul.f32 v5, v17;
	v24 =	vmul.f32 v55, v24;
	v55 =	vor.u32 $0xD, v1;
	v49 =	vld.idx.msk [tilespmem:v49+s16+$0x0], $0xffff  }
0x430: {  	v25 =	vmul.f32 v56, v25;
	v56 =	vor.u32 $0x8, v1;
	v31 =	vmul.f32 v44, v31;
	v44 =	vld.idx.msk [tilespmem:v54+s18+$0x0], $0xffff  }
0x431: {  	v27 =	vmul.f32 v58, v27;
	v58 =	vor.u32 $0x4, v1;
	v8 =	vmul.f32 v8, v24;
	v24 =	vld [tilespmem:$0x1FD00]  }
0x432: {  	v20 =	vor.u32 $0xF, v1;
	v28 =	vmul.f32 v59, v28;
	v59 =	vor.u32 $0x5, v1;
	v19 =	vld.idx.msk [tilespmem:v19+s16+$0x0], $0xffff  }
0x433: {  	v50 =	vor.u32 $0x1A, v1;
	v26 =	vmul.f32 v57, v26;
	v62 =	vor.u32 $0x9, v1;
	v36 =	vld.idx.msk [tilespmem:v36+s16+$0x0], $0xffff  }
0x434: {  	v32 =	vmul.f32 v47, v32;
	v47 =	vor.u32 $0x1, v1;
	v2 =	vmul.f32 v2, v34;
	v34 =	vld.idx.msk [tilespmem:v55+s18+$0x0], $0xffff  }
0x435: {  	v30 =	vmul.f32 v61, v30;
	v61 =	vor.u32 $0x3, v1;
	v13 =	vmul.f32 v13, v35;
	v35 =	vld.idx.msk [tilespmem:v56+s18+$0x0], $0xffff  }
0x436: {  	v29 =	vmul.f32 v60, v29;
	v60 =	vor.u32 $0x2, v1;
	v33 =	vmul.f32 v63, v33;
	v63 =	vld.idx.msk [tilespmem:v58+s18+$0x0], $0xffff  }
0x437: {  	v10 =	vmul.f32 v10, v15;
	v15 =	vor.u32 $0xA, v1;
	v55 =	vor.u32 $0x7, v1;
	v56 =	vld.idx.msk [tilespmem:v59+s18+$0x0], $0xffff  }
0x438: {  	v6 =	vmul.f32 v6, v25;
	v38 =	vmul.f32 v45, v38;
	v45 =	vld.idx.msk [tilespmem:v62+s18+$0x0], $0xffff;
	v62 =	vor.u32 $0x6, v1  }
0x439: {  	v39 =	vmul.f32 v48, v39;
	v42 =	vmul.f32 v51, v42;
	v57 =	vld.idx.msk [tilespmem:v47+s18+$0x0], $0xffff;
	v58 =	vor.u32 $0xB, v1  }
0x43a: {  	v25 =	vor.u32 $0x12, v1;
	v17 =	vld.idx.msk [tilespmem:v61+s18+$0x0], $0xffff;
	v37 =	vmul.f32 v52, v37;
	v40 =	vmul.f32 v49, v40  }
0x43b: {  	v10 =	vadd.f32 $0.0e+00, v10;
	v59 =	vld.idx.msk [tilespmem:v60+s18+$0x0], $0xffff;
	v21 =	vmul.f32 v24, v21;
	v28 =	vmul.f32 v44, v28  }
0x43c: {  	v60 =	vor.u32 $0xE, v1;
	v19 =	vmul.f32 v19, v41;
	v3 =	vmul.f32 v36, v3;
	v36 =	vld.idx.msk [tilespmem:v55+s18+$0x0], $0xffff  }
0x43d: {  	v61 =	vor.u32 $0x13, v1;
	v32 =	vmul.f32 v35, v32;
	v29 =	vmul.f32 v34, v29;
	v24 =	vld.idx.msk [tilespmem:v62+s18+$0x0], $0xffff  }
0x43e: {  	v49 =	vor.u32 $0x17, v1;
	v48 =	vld.idx.msk [tilespmem:v58+s18+$0x0], $0xffff;
	v38 =	vmul.f32 v56, v38;
	v19 =	vmul.f32 v57, v19  }
0x43f: {  	v15 =	vld.idx.msk [tilespmem:v15+s18+$0x0], $0xffff;
	v3 =	vmul.f32 v17, v3;
	v62 =	vmul.f32 v63, v37;
	v63 =	vor.u32 $0x16, v1  }
0x440: {  	v42 =	vmul.f32 v59, v42;
	v17 =	vld.idx.msk [tilespmem:v20+s18+$0x0], $0xffff;
	v33 =	vmul.f32 v45, v33;
	v1 =	vor.u32 $0x1B, v1  }
0x441: {  	v52 =	vld.idx.msk [tilespmem:v60+s18+$0x0], $0xffff;
	v19 =	vadd.f32 $0.0e+00, v19;
	v3 =	vadd.f32 $0.0e+00, v3;
	v36 =	vmul.f32 v36, v40  }
0x442: {  	v10 =	vadd.f32 v62, v10;
	v20 =	vmul.f32 v24, v39;
	v24 =	vld.idx.msk [tilespmem:v25+s18+$0x0], $0xffff;
	v25 =	vadd.f32 $0.0e+00, v42  }
0x443: {  	v34 =	vld.idx.msk [tilespmem:v61+s18+$0x0], $0xffff;
	v19 =	vadd.f32 v38, v19;
	v13 =	vmul.f32 v48, v13;
	v3 =	vadd.f32 v36, v3  }
0x444: {  	v2 =	vmul.f32 v15, v2;
	v10 =	vadd.f32 v32, v10;
	v15 =	vld.idx.msk [tilespmem:v63+s18+$0x0], $0xffff;
	v20 =	vadd.f32 v20, v25  }
0x445: {  	v19 =	vadd.f32 v33, v19;
	v25 =	vld.idx.msk [tilespmem:v49+s18+$0x0], $0xffff;
	v3 =	vadd.f32 v13, v3;
	v13 =	vmul.f32 v17, v31  }
0x446: {  	v54 =	vld.idx.msk [tilespmem:v50+s18+$0x0], $0xffff;
	v30 =	vmul.f32 v52, v30;
	v10 =	vadd.f32 v28, v10;
	v2 =	vadd.f32 v2, v20  }
0x447: {  	v16 =	vmul.f32 v16, v43;
	v1 =	vld.idx.msk [tilespmem:v1+s18+$0x0], $0xffff;
	v17 =	vadd.f32 v29, v19;
	v3 =	vadd.f32 v13, v3  }
0x448: {  	v18 =	vld.idx.msk [tilespmem:v18+s18+$0x0], $0xffff;
	v13 =	vmul.f32 v34, v27;
	v19 =	vmul.f32 v24, v26;
	v2 =	vadd.f32 v30, v2  }
0x449: {  	v8 =	vadd.f32 v8, v10;
	v20 =	vld.idx.msk [tilespmem:v53+s18+$0x0], $0xffff;
	v6 =	vadd.f32 v6, v17;
	v10 =	vmul.f32 v15, v22  }
0x44a: {  	v3 =	vadd.f32 v13, v3;
	v13 =	vmul.f32 v25, v23;
	v2 =	vadd.f32 v19, v2  }
0x44b: {  	v7 =	vadd.f32 v7, v8;
	v8 =	vmul.f32 v54, v12;
	v6 =	vadd.f32 v21, v6  }
0x44c: {  	v0 =	vmul.f32 v1, v0;
	v3 =	vadd.f32 v13, v3;
	v2 =	vadd.f32 v10, v2  }
0x44d: {  	v1 =	vadd.f32 v9, v7;
	v5 =	vadd.f32 v5, v6;
	v6 =	vmul.f32 v18, v14  }
0x44e: {  	v0 =	vadd.f32 v0, v3;
	v3 =	vmul.f32 v20, v11;
	v2 =	vadd.f32 v8, v2  }
0x44f: {  	v1 =	vadd.f32 v4, v1;
	v4 =	vadd.f32 v16, v5  }
0x450: {  	v0 =	vadd.f32 v3, v0;
	v2 =	vadd.f32 v6, v2;
	_ =	sdelay $0x1  }
0x451: {  	v1 =	vadd.f32 v4, v1;
	v0 =	vadd.f32 v0, v2;
	_ =	sdelay $0x1  }
0x452: {  	v0 =	vadd.f32 v0, v1  }
0x453: {  	s13 =	simm.s32 $0x18A00  }
0x454: {  	s15 =	simm.s32 $0x510;
	[tilespmem:s13+$0x0] =	vst v0  }
0x455: {  	v0 =	vld [tilespmem:s15+$0x0]  }
0x456: {  	v2 =	vld [tilespmem:$0x1FFF0];
	_ =	sdelay $0x1  }
0x457: {  	s17 =	simm.s32 $0x10  }
0x458: {  	v1 =	vmov s17  }
0x459: {  	v1 =	vshll.u32 v1, $0x7;
	v0 =	vshll.u32 v0, $0x5  }
0x45a: {  	v2 =	vor.u32 v2, v1;
	v0 =	vand.u32 $0x60, v0  }
0x45b: {  	v1 =	vor.u32 v2, v0  }
0x45c: {  	v5 =	vor.u32 $0x18, v1  }
0x45d: {  	v0 =	vor.u32 $0x1C, v1  }
0x45e: {  	v4 =	vor.u32 $0x1D, v1  }
0x45f: {  	s17 =	simm.s32 $0x110  }
0x460: {  	v3 =	vld [tilespmem:s17+$0x0]  }
0x461: {  	v6 =	vor.u32 $0x19, v1;
	v5 =	vld.idx.msk [tilespmem:v5+s18+$0x0], $0xffff  }
0x462: {  	v0 =	vld.idx.msk [tilespmem:v0+s18+$0x0], $0xffff  }
0x463: {  	v4 =	vld.idx.msk [tilespmem:v4+s18+$0x0], $0xffff;
	_ =	sdelay $0x1  }
0x464: {  	v9 =	vor.u32 $0x15, v1  }
0x465: {  	v7 =	vor.u32 $0x14, v1;
	[tilespmem:$0x1FD30] =	vst v5;
	v5 =	vld.idx.msk [tilespmem:v6+s18+$0x0], $0xffff  }
0x466: {  	[tilespmem:$0x1FD10] =	vst v0;
	v0 =	vshll.u32 v3, $0x5;
	v3 =	vor.u32 $0x10, v1  }
0x467: {  	[tilespmem:$0x1FD20] =	vst v4;
	v4 =	vor.u32 $0x11, v1;
	v0 =	vand.u32 $0x60, v0  }
0x468: {  	v0 =	vor.u32 v2, v0  }
0x469: {  	v6 =	vld.idx.msk [tilespmem:v9+s18+$0x0], $0xffff;
	v10 =	vor.u32 $0x18, v0  }
0x46a: {  	v11 =	vor.u32 $0x19, v0;
	[tilespmem:$0x1FD40] =	vst v5;
	v5 =	vld.idx.msk [tilespmem:v7+s18+$0x0], $0xffff  }
0x46b: {  	v12 =	vor.u32 $0x1A, v0;
	v3 =	vld.idx.msk [tilespmem:v3+s18+$0x0], $0xffff  }
0x46c: {  	v13 =	vor.u32 $0x1B, v0;
	v4 =	vld.idx.msk [tilespmem:v4+s18+$0x0], $0xffff  }
0x46d: {  	v15 =	vor.u32 $0x15, v0;
	v62 =	vld.idx.msk [tilespmem:v0+s14+$0x0], $0xffff  }
0x46e: {  	v17 =	vor.u32 $0x16, v0;
	v10 =	vld.idx.msk [tilespmem:v10+s14+$0x0], $0xffff  }
0x46f: {  	v19 =	vor.u32 $0xC, v0;
	v35 =	vld.idx.msk [tilespmem:v11+s14+$0x0], $0xffff  }
0x470: {  	v31 =	vor.u32 $0x4, v0;
	v46 =	vld.idx.msk [tilespmem:v12+s14+$0x0], $0xffff  }
0x471: {  	v55 =	vor.u32 $0x5, v0;
	v14 =	vld.idx.msk [tilespmem:v13+s14+$0x0], $0xffff  }
0x472: {  	[tilespmem:$0x1FD60] =	vst v6;
	v6 =	vor.u32 $0x1D, v0;
	v21 =	vld.idx.msk [tilespmem:v15+s14+$0x0], $0xffff  }
0x473: {  	v11 =	vor.u32 $0x17, v0;
	v25 =	vld.idx.msk [tilespmem:v17+s14+$0x0], $0xffff  }
0x474: {  	v12 =	vor.u32 $0x10, v0;
	v27 =	vld.idx.msk [tilespmem:v19+s14+$0x0], $0xffff  }
0x475: {  	v13 =	vor.u32 $0x11, v0;
	v36 =	vld.idx.msk [tilespmem:v31+s14+$0x0], $0xffff  }
0x476: {  	v15 =	vor.u32 $0x13, v0;
	v34 =	vld.idx.msk [tilespmem:v55+s14+$0x0], $0xffff  }
0x477: {  	[tilespmem:$0x1FD50] =	vst v5;
	v5 =	vor.u32 $0x1C, v0;
	v45 =	vld.idx.msk [tilespmem:v6+s14+$0x0], $0xffff  }
0x478: {  	[tilespmem:$0x1FD80] =	vst v4;
	v4 =	vor.u32 $0x1F, v0;
	v18 =	vld.idx.msk [tilespmem:v11+s14+$0x0], $0xffff  }
0x479: {  	v11 =	vor.u32 $0xD, v0;
	v29 =	vld.idx.msk [tilespmem:v12+s14+$0x0], $0xffff  }
0x47a: {  	v12 =	vor.u32 $0xE, v0;
	v23 =	vld.idx.msk [tilespmem:v13+s14+$0x0], $0xffff  }
0x47b: {  	v13 =	vor.u32 $0xF, v0;
	v17 =	vld.idx.msk [tilespmem:v15+s14+$0x0], $0xffff  }
0x47c: {  	v63 =	vld.idx.msk [tilespmem:v5+s14+$0x0], $0xffff  }
0x47d: {  	v16 =	vld.idx.msk [tilespmem:v4+s14+$0x0], $0xffff;
	v4 =	vor.u32 $0x12, v0  }
0x47e: {  	[tilespmem:$0x1FD70] =	vst v3;
	v3 =	vor.u32 $0x1E, v0;
	v20 =	vld.idx.msk [tilespmem:v11+s14+$0x0], $0xffff  }
0x47f: {  	v15 =	vor.u32 $0x9, v0;
	v24 =	vld.idx.msk [tilespmem:v12+s14+$0x0], $0xffff  }
0x480: {  	s22 =	simm.s32 $0x310;
	v11 =	vor.u32 $0xA, v0;
	v19 =	vld.idx.msk [tilespmem:v13+s14+$0x0], $0xffff  }
0x481: {  	v12 =	vor.u32 $0xB, v0;
	v13 =	vld [tilespmem:s22+$0x0]  }
0x482: {  	v26 =	vld.idx.msk [tilespmem:v4+s14+$0x0], $0xffff;
	v4 =	vor.u32 $0x8, v0  }
0x483: {  	v3 =	vld.idx.msk [tilespmem:v3+s14+$0x0], $0xffff;
	v5 =	vor.u32 $0x14, v0  }
0x484: {  	v30 =	vld.idx.msk [tilespmem:v15+s14+$0x0], $0xffff;
	v15 =	vor.u32 $0x7, v0  }
0x485: {  	v32 =	vld.idx.msk [tilespmem:v11+s14+$0x0], $0xffff;
	v11 =	vor.u32 $0x1, v0  }
0x486: {  	v28 =	vld.idx.msk [tilespmem:v12+s14+$0x0], $0xffff;
	v12 =	vshll.u32 v13, $0x5;
	v13 =	vor.u32 $0x2, v0  }
0x487: {  	v33 =	vld.idx.msk [tilespmem:v4+s14+$0x0], $0xffff;
	v4 =	vor.u32 $0x6, v0  }
0x488: {  	v22 =	vld.idx.msk [tilespmem:v5+s14+$0x0], $0xffff;
	v12 =	vand.u32 $0x60, v12;
	v0 =	vor.u32 $0x3, v0  }
0x489: {  	v31 =	vld.idx.msk [tilespmem:v15+s14+$0x0], $0xffff;
	v41 =	vor.u32 v2, v12  }
0x48a: {  	v2 =	vor.u32 $0x1C, v41;
	v40 =	vld.idx.msk [tilespmem:v11+s14+$0x0], $0xffff  }
0x48b: {  	v12 =	vor.u32 $0x1E, v41;
	v37 =	vld.idx.msk [tilespmem:v13+s14+$0x0], $0xffff  }
0x48c: {  	v15 =	vor.u32 $0x19, v41;
	v38 =	vld.idx.msk [tilespmem:v4+s14+$0x0], $0xffff  }
0x48d: {  	v56 =	vor.u32 $0x1A, v41;
	v39 =	vld.idx.msk [tilespmem:v0+s14+$0x0], $0xffff  }
0x48e: {  	v57 =	vor.u32 $0x1B, v41;
	v13 =	vld.idx.msk [tilespmem:v41+s16+$0x0], $0xffff  }
0x48f: {  	v58 =	vor.u32 $0x14, v41;
	v2 =	vld.idx.msk [tilespmem:v2+s16+$0x0], $0xffff  }
0x490: {  	v59 =	vor.u32 $0x16, v41;
	v12 =	vld.idx.msk [tilespmem:v12+s16+$0x0], $0xffff  }
0x491: {  	v60 =	vor.u32 $0x17, v41;
	v15 =	vld.idx.msk [tilespmem:v15+s16+$0x0], $0xffff  }
0x492: {  	v61 =	vor.u32 $0x10, v41;
	v6 =	vld.idx.msk [tilespmem:v56+s16+$0x0], $0xffff  }
0x493: {  	v0 =	vor.u32 $0x1F, v41;
	v49 =	vld.idx.msk [tilespmem:v57+s16+$0x0], $0xffff  }
0x494: {  	v43 =	vor.u32 $0x11, v41;
	v55 =	vld.idx.msk [tilespmem:v58+s16+$0x0], $0xffff  }
0x495: {  	v11 =	vor.u32 $0x1D, v41;
	v57 =	vld.idx.msk [tilespmem:v59+s16+$0x0], $0xffff  }
0x496: {  	v4 =	vor.u32 $0x18, v41;
	v50 =	vld.idx.msk [tilespmem:v60+s16+$0x0], $0xffff  }
0x497: {  	v44 =	vor.u32 $0x12, v41;
	v61 =	vld.idx.msk [tilespmem:v61+s16+$0x0], $0xffff  }
0x498: {  	v8 =	vld.idx.msk [tilespmem:v0+s16+$0x0], $0xffff;
	v0 =	vor.u32 $0x15, v41  }
0x499: {  	v47 =	vor.u32 $0xC, v41;
	v56 =	vld.idx.msk [tilespmem:v43+s16+$0x0], $0xffff  }
0x49a: {  	v42 =	vor.u32 $0xE, v41;
	v11 =	vld.idx.msk [tilespmem:v11+s16+$0x0], $0xffff  }
0x49b: {  	v9 =	vld.idx.msk [tilespmem:v4+s16+$0x0], $0xffff;
	v4 =	vor.u32 $0x4, v41  }
0x49c: {  	v58 =	vld.idx.msk [tilespmem:v44+s16+$0x0], $0xffff  }
0x49d: {  	v53 =	vld.idx.msk [tilespmem:v0+s16+$0x0], $0xffff;
	v0 =	vor.u32 $0x13, v41  }
0x49e: {  	v48 =	vor.u32 $0xD, v41;
	v60 =	vld.idx.msk [tilespmem:v47+s16+$0x0], $0xffff  }
0x49f: {  	v43 =	vor.u32 $0xF, v41;
	v59 =	vld.idx.msk [tilespmem:v42+s16+$0x0], $0xffff  }
0x4a0: {  	v44 =	vor.u32 $0x8, v41;
	v42 =	vmul.f32 v11, v45;
	v45 =	vld.idx.msk [tilespmem:v4+s16+$0x0], $0xffff  }
0x4a1: {  	v5 =	vor.u32 $0xB, v41;
	v4 =	vld.idx.msk [tilespmem:v1+s18+$0x0], $0xffff  }
0x4a2: {  	v47 =	vmul.f32 v2, v63;
	v2 =	vmul.f32 v12, v3;
	v51 =	vld.idx.msk [tilespmem:v0+s16+$0x0], $0xffff;
	v0 =	vor.u32 $0x9, v41  }
0x4a3: {  	v7 =	vor.u32 $0xA, v41;
	v54 =	vld.idx.msk [tilespmem:v48+s16+$0x0], $0xffff  }
0x4a4: {  	v52 =	vld.idx.msk [tilespmem:v43+s16+$0x0], $0xffff;
	[tilespmem:$0x1FD90] =	vst v2;
	v2 =	vmul.f32 v8, v16  }
0x4a5: {  	v48 =	vmul.f32 v13, v62;
	v62 =	vld.idx.msk [tilespmem:v44+s16+$0x0], $0xffff;
	v3 =	vor.u32 $0x5, v41;
	v43 =	vmul.f32 v15, v35  }
0x4a6: {  	v35 =	vor.u32 $0x1A, v1;
	v15 =	vor.u32 $0x1F, v1;
	v11 =	vmul.f32 v6, v46;
	[tilespmem:$0x1FDB0] =	vst v2;
	v2 =	vld.idx.msk [tilespmem:v5+s16+$0x0], $0xffff  }
0x4a7: {  	v6 =	vor.u32 $0x7, v41;
	v44 =	vmul.f32 v9, v10;
	[tilespmem:$0x1FDC0] =	vst v4;
	v63 =	vld.idx.msk [tilespmem:v0+s16+$0x0], $0xffff;
	v0 =	vor.u32 $0x1E, v1  }
0x4a8: {  	s24 =	simm.s32 $0x20;
	v5 =	vor.u32 $0x1, v41;
	v4 =	vor.u32 $0x2, v41;
	[tilespmem:$0x1FDA0] =	vst v0;
	v0 =	vld.idx.msk [tilespmem:v7+s16+$0x0], $0xffff;
	v7 =	vor.u32 $0x6, v41  }
.LBB2_6:
0x4a9: {  	_ =	sdelay $0x3  }
0x4aa: {  	v3 =	vld.idx.msk [tilespmem:v3+s16+$0x0], $0xffff  }
0x4ab: {  	v7 =	vld.idx.msk [tilespmem:v7+s16+$0x0], $0xffff  }
0x4ac: {  	v6 =	vld.idx.msk [tilespmem:v6+s16+$0x0], $0xffff  }
0x4ad: {  	v41 =	vor.u32 $0x3, v41;
	v5 =	vld.idx.msk [tilespmem:v5+s16+$0x0], $0xffff  }
0x4ae: {  	v16 =	vmul.f32 v49, v14;
	v46 =	vor.u32 $0xC, v1;
	v4 =	vld.idx.msk [tilespmem:v4+s16+$0x0], $0xffff  }
0x4af: {  	v49 =	vmul.f32 v53, v21;
	v21 =	vmul.f32 v57, v25;
	v25 =	vor.u32 $0xD, v1;
	v8 =	vld [tilespmem:$0x1FDC0]  }
0x4b0: {  	v18 =	vmul.f32 v50, v18;
	v50 =	vor.u32 $0x8, v1;
	v9 =	vld [tilespmem:$0x1FD20]  }
0x4b1: {  	v53 =	vor.u32 $0x9, v1;
	v12 =	vld [tilespmem:$0x1FD60]  }
0x4b2: {  	v29 =	vmul.f32 v61, v29;
	v61 =	vor.u32 $0x5, v1;
	v41 =	vld.idx.msk [tilespmem:v41+s16+$0x0], $0xffff  }
0x4b3: {  	v46 =	vld.idx.msk [tilespmem:v46+s18+$0x0], $0xffff  }
0x4b4: {  	v23 =	vmul.f32 v56, v23;
	v56 =	vor.u32 $0x1, v1;
	v25 =	vld.idx.msk [tilespmem:v25+s18+$0x0], $0xffff  }
0x4b5: {  	v26 =	vmul.f32 v58, v26;
	v58 =	vld.idx.msk [tilespmem:v50+s18+$0x0], $0xffff  }
0x4b6: {  	v57 =	vor.u32 $0x2, v1;
	v3 =	vmul.f32 v3, v34;
	v34 =	vld.idx.msk [tilespmem:v53+s18+$0x0], $0xffff  }
0x4b7: {  	v27 =	vmul.f32 v60, v27;
	v60 =	vor.u32 $0x4, v1;
	v4 =	vmul.f32 v4, v37;
	v37 =	vld.idx.msk [tilespmem:v61+s18+$0x0], $0xffff  }
0x4b8: {  	v42 =	vmul.f32 v9, v42;
	v9 =	vld [tilespmem:$0x1FD50]  }
0x4b9: {  	v33 =	vmul.f32 v62, v33;
	v2 =	vmul.f32 v2, v28;
	v28 =	vor.u32 $0x3, v1;
	v62 =	vld.idx.msk [tilespmem:v56+s18+$0x0], $0xffff  }
0x4ba: {  	v22 =	vmul.f32 v55, v22;
	v61 =	vor.u32 $0x7, v1;
	v10 =	vmul.f32 v8, v48;
	v8 =	vld [tilespmem:$0x1FD10]  }
0x4bb: {  	v30 =	vmul.f32 v63, v30;
	v0 =	vmul.f32 v0, v32;
	v63 =	vor.u32 $0xA, v1;
	v32 =	vld.idx.msk [tilespmem:v57+s18+$0x0], $0xffff  }
0x4bc: {  	v24 =	vmul.f32 v59, v24;
	v59 =	vld.idx.msk [tilespmem:v60+s18+$0x0], $0xffff;
	v60 =	vor.u32 $0x6, v1  }
0x4bd: {  	v19 =	vmul.f32 v52, v19;
	v22 =	vmul.f32 v9, v22;
	v9 =	vld [tilespmem:$0x1FD40]  }
0x4be: {  	v55 =	vor.u32 $0xE, v1;
	v20 =	vmul.f32 v54, v20;
	v36 =	vmul.f32 v45, v36;
	v28 =	vld.idx.msk [tilespmem:v28+s18+$0x0], $0xffff  }
0x4bf: {  	v54 =	vor.u32 $0xB, v1;
	v6 =	vmul.f32 v6, v31;
	v31 =	vmul.f32 v41, v39;
	v39 =	vld.idx.msk [tilespmem:v61+s18+$0x0], $0xffff  }
0x4c0: {  	v5 =	vmul.f32 v5, v40;
	v57 =	vor.u32 $0x12, v1;
	v33 =	vmul.f32 v58, v33;
	v58 =	vld.idx.msk [tilespmem:v63+s18+$0x0], $0xffff  }
0x4c1: {  	v7 =	vmul.f32 v7, v38;
	v56 =	vor.u32 $0xF, v1;
	v20 =	vmul.f32 v25, v20;
	v40 =	vld.idx.msk [tilespmem:v60+s18+$0x0], $0xffff  }
0x4c2: {  	v5 =	vmul.f32 v62, v5;
	v43 =	vmul.f32 v9, v43;
	v9 =	vld [tilespmem:$0x1FD70]  }
0x4c3: {  	v25 =	vor.u32 $0x13, v1;
	v3 =	vmul.f32 v37, v3;
	v61 =	vld.idx.msk [tilespmem:v55+s18+$0x0], $0xffff;
	v4 =	vmul.f32 v32, v4  }
0x4c4: {  	v62 =	vor.u32 $0x17, v1;
	v36 =	vmul.f32 v59, v36;
	v59 =	vld.idx.msk [tilespmem:v54+s18+$0x0], $0xffff;
	v60 =	vor.u32 $0x16, v1  }
0x4c5: {  	v63 =	vld.idx.msk [tilespmem:v57+s18+$0x0], $0xffff;
	v5 =	vadd.f32 $0.0e+00, v5;
	v4 =	vadd.f32 $0.0e+00, v4;
	v28 =	vmul.f32 v28, v31  }
0x4c6: {  	v31 =	vld.idx.msk [tilespmem:v56+s18+$0x0], $0xffff;
	v1 =	vor.u32 $0x1B, v1;
	v6 =	vmul.f32 v39, v6;
	v7 =	vmul.f32 v40, v7  }
0x4c7: {  	v28 =	vadd.f32 $0.0e+00, v28;
	v9 =	vmul.f32 v9, v29;
	v29 =	vmul.f32 v12, v49;
	v12 =	vld [tilespmem:$0x1FD80]  }
0x4c8: {  	v10 =	vadd.f32 $0.0e+00, v10;
	v3 =	vadd.f32 v3, v5;
	v25 =	vld.idx.msk [tilespmem:v25+s18+$0x0], $0xffff;
	v0 =	vmul.f32 v58, v0  }
0x4c9: {  	v6 =	vadd.f32 v6, v28;
	v5 =	vld.idx.msk [tilespmem:v60+s18+$0x0], $0xffff;
	v2 =	vmul.f32 v59, v2;
	v4 =	vadd.f32 v7, v4  }
0x4ca: {  	v17 =	vmul.f32 v51, v17;
	v27 =	vmul.f32 v46, v27;
	v10 =	vadd.f32 v36, v10;
	v7 =	vld.idx.msk [tilespmem:v62+s18+$0x0], $0xffff  }
0x4cb: {  	v1 =	vld.idx.msk [tilespmem:v1+s18+$0x0], $0xffff;
	v2 =	vadd.f32 v2, v6;
	v0 =	vadd.f32 v0, v4;
	v4 =	vmul.f32 v31, v19  }
0x4cc: {  	v24 =	vmul.f32 v61, v24;
	v10 =	vadd.f32 v33, v10;
	v23 =	vmul.f32 v12, v23;
	v12 =	vld [tilespmem:$0x1FDA0]  }
0x4cd: {  	v30 =	vmul.f32 v34, v30;
	v2 =	vadd.f32 v4, v2;
	v4 =	vmul.f32 v25, v17  }
0x4ce: {  	v6 =	vadd.f32 v27, v10;
	v10 =	vmul.f32 v63, v26;
	v0 =	vadd.f32 v24, v0  }
0x4cf: {  	v15 =	vld.idx.msk [tilespmem:v15+s18+$0x0], $0xffff;
	v47 =	vmul.f32 v8, v47;
	v2 =	vadd.f32 v4, v2;
	v4 =	vmul.f32 v7, v18  }
0x4d0: {  	v8 =	vld [tilespmem:$0x1FD30];
	v3 =	vadd.f32 v30, v3;
	v5 =	vmul.f32 v5, v21;
	v0 =	vadd.f32 v10, v0  }
0x4d1: {  	v28 =	vld.idx.msk [tilespmem:v35+s18+$0x0], $0xffff;
	v1 =	vmul.f32 v1, v16;
	v2 =	vadd.f32 v4, v2  }
0x4d2: {  	v3 =	vadd.f32 v20, v3;
	v0 =	vadd.f32 v5, v0;
	v5 =	vld [tilespmem:$0x1FD90]  }
0x4d3: {  	v1 =	vadd.f32 v1, v2;
	v2 =	vld [tilespmem:$0x1FDB0]  }
0x4d4: {  	v6 =	vadd.f32 v9, v6;
	v3 =	vadd.f32 v23, v3;
	v13 =	vld.idx.msk [tilespmem:v12+s18+$0x0], $0xffff;
	_ =	sdelay $0x1  }
0x4d5: {  	v8 =	vmul.f32 v8, v44;
	v6 =	vadd.f32 v22, v6;
	v3 =	vadd.f32 v29, v3  }
0x4d6: {  	v7 =	vmul.f32 v28, v11  }
0x4d7: {  	v4 =	vadd.f32 v8, v6;
	v3 =	vadd.f32 v43, v3  }
0x4d8: {  	v0 =	vadd.f32 v7, v0;
	v2 =	vmul.f32 v15, v2;
	v5 =	vmul.f32 v13, v5  }
0x4d9: {  	v4 =	vadd.f32 v47, v4;
	v3 =	vadd.f32 v42, v3  }
0x4da: {  	v1 =	vadd.f32 v2, v1;
	v0 =	vadd.f32 v5, v0;
	_ =	sdelay $0x1  }
0x4db: {  	v2 =	vadd.f32 v3, v4;
	v0 =	vadd.f32 v1, v0;
	_ =	sdelay $0x1  }
0x4dc: {  	v0 =	vadd.f32 v0, v2  }
0x4dd: {  	s13 =	sadd.s32 $0x10, s13  }
0x4de: {  	s15 =	sadd.s32 $0x10, s15;
	[tilespmem:s13+$0x0] =	vst v0  }
0x4df: {  	v0 =	vld [tilespmem:s15+$0x0]  }
0x4e0: {  	v2 =	vld [tilespmem:$0x1FFF0];
	_ =	sdelay $0x2  }
0x4e1: {  	v1 =	vmov s24  }
0x4e2: {  	v1 =	vshll.u32 v1, $0x7;
	v0 =	vshll.u32 v0, $0x5  }
0x4e3: {  	v13 =	vor.u32 v2, v1;
	v0 =	vand.u32 $0x60, v0  }
0x4e4: {  	v1 =	vor.u32 v13, v0  }
0x4e5: {  	v4 =	vor.u32 $0x18, v1;
	_ =	sdelay $0x1  }
0x4e6: {  	v3 =	vor.u32 $0x1D, v1;
	_ =	sdelay $0x1  }
0x4e7: {  	v0 =	vor.u32 $0x1C, v1;
	v6 =	vld.idx.msk [tilespmem:v1+s18+$0x0], $0xffff  }
0x4e8: {  	v5 =	vor.u32 $0x19, v1;
	v4 =	vld.idx.msk [tilespmem:v4+s18+$0x0], $0xffff;
	_ =	sdelay $0x1  }
0x4e9: {  	s17 =	sadd.s32 $0x10, s17;
	v3 =	vld.idx.msk [tilespmem:v3+s18+$0x0], $0xffff  }
0x4ea: {  	v2 =	vld [tilespmem:s17+$0x0];
	v7 =	vor.u32 $0x15, v1  }
0x4eb: {  	v0 =	vld.idx.msk [tilespmem:v0+s18+$0x0], $0xffff;
	[tilespmem:$0x1FDC0] =	vst v6  }
0x4ec: {  	v6 =	vor.u32 $0x14, v1;
	[tilespmem:$0x1FD30] =	vst v4;
	v4 =	vld.idx.msk [tilespmem:v5+s18+$0x0], $0xffff;
	_ =	sdelay $0x1  }
0x4ed: {  	[tilespmem:$0x1FD20] =	vst v3;
	v3 =	vor.u32 $0x11, v1  }
0x4ee: {  	v5 =	vld.idx.msk [tilespmem:v7+s18+$0x0], $0xffff  }
0x4ef: {  	[tilespmem:$0x1FD10] =	vst v0  }
0x4f0: {  	v0 =	vshll.u32 v2, $0x5;
	[tilespmem:$0x1FD40] =	vst v4;
	v4 =	vld.idx.msk [tilespmem:v6+s18+$0x0], $0xffff  }
0x4f1: {  	v2 =	vor.u32 $0x10, v1;
	v0 =	vand.u32 $0x60, v0  }
0x4f2: {  	v0 =	vor.u32 v13, v0;
	v3 =	vld.idx.msk [tilespmem:v3+s18+$0x0], $0xffff  }
0x4f3: {  	[tilespmem:$0x1FD60] =	vst v5;
	v5 =	vor.u32 $0x1D, v0;
	_ =	sdelay $0x1  }
0x4f4: {  	[tilespmem:$0x1FD50] =	vst v4;
	v4 =	vor.u32 $0x1C, v0  }
0x4f5: {  	v2 =	vld.idx.msk [tilespmem:v2+s18+$0x0], $0xffff  }
0x4f6: {  	[tilespmem:$0x1FD80] =	vst v3;
	v3 =	vor.u32 $0x1F, v0  }
0x4f7: {  	v7 =	vor.u32 $0x19, v0;
	v5 =	vld.idx.msk [tilespmem:v5+s14+$0x0], $0xffff  }
0x4f8: {  	v6 =	vor.u32 $0x18, v0  }
0x4f9: {  	v42 =	vld.idx.msk [tilespmem:v4+s14+$0x0], $0xffff;
	v4 =	vor.u32 $0x1A, v0  }
0x4fa: {  	v47 =	vld.idx.msk [tilespmem:v0+s14+$0x0], $0xffff;
	[tilespmem:$0x1FD70] =	vst v2;
	v2 =	vor.u32 $0x1E, v0  }
0x4fb: {  	v15 =	vor.u32 $0x5, v0;
	v3 =	vld.idx.msk [tilespmem:v3+s14+$0x0], $0xffff  }
0x4fc: {  	v43 =	vld.idx.msk [tilespmem:v7+s14+$0x0], $0xffff;
	[tilespmem:$0x1FCC0] =	vst v5;
	v5 =	vor.u32 $0x1B, v0  }
0x4fd: {  	v45 =	vld.idx.msk [tilespmem:v6+s14+$0x0], $0xffff;
	v6 =	vor.u32 $0x16, v0  }
0x4fe: {  	v7 =	vor.u32 $0x17, v0;
	v4 =	vld.idx.msk [tilespmem:v4+s14+$0x0], $0xffff  }
0x4ff: {  	v44 =	vld.idx.msk [tilespmem:v2+s14+$0x0], $0xffff;
	v2 =	vor.u32 $0x14, v0  }
0x500: {  	v34 =	vld.idx.msk [tilespmem:v15+s14+$0x0], $0xffff;
	[tilespmem:$0x1FCD0] =	vst v3;
	v3 =	vor.u32 $0x15, v0  }
0x501: {  	v14 =	vld.idx.msk [tilespmem:v5+s14+$0x0], $0xffff;
	v5 =	vor.u32 $0x11, v0  }
0x502: {  	v25 =	vld.idx.msk [tilespmem:v6+s14+$0x0], $0xffff;
	v6 =	vor.u32 $0xC, v0  }
0x503: {  	v18 =	vld.idx.msk [tilespmem:v7+s14+$0x0], $0xffff;
	[tilespmem:$0x1FCE0] =	vst v4;
	v4 =	vor.u32 $0x10, v0  }
0x504: {  	v22 =	vld.idx.msk [tilespmem:v2+s14+$0x0], $0xffff;
	v2 =	vor.u32 $0x12, v0  }
0x505: {  	v21 =	vld.idx.msk [tilespmem:v3+s14+$0x0], $0xffff;
	v3 =	vor.u32 $0x13, v0  }
0x506: {  	v23 =	vld.idx.msk [tilespmem:v5+s14+$0x0], $0xffff;
	v5 =	vor.u32 $0xF, v0  }
0x507: {  	v27 =	vld.idx.msk [tilespmem:v6+s14+$0x0], $0xffff  }
0x508: {  	v29 =	vld.idx.msk [tilespmem:v4+s14+$0x0], $0xffff;
	v4 =	vor.u32 $0xE, v0  }
0x509: {  	v7 =	vor.u32 $0xD, v0;
	v26 =	vld.idx.msk [tilespmem:v2+s14+$0x0], $0xffff  }
0x50a: {  	v6 =	vor.u32 $0xA, v0;
	v17 =	vld.idx.msk [tilespmem:v3+s14+$0x0], $0xffff  }
0x50b: {  	s22 =	sadd.s32 $0x10, s22;
	v2 =	vor.u32 $0x8, v0;
	v19 =	vld.idx.msk [tilespmem:v5+s14+$0x0], $0xffff  }
0x50c: {  	v3 =	vor.u32 $0x9, v0;
	v5 =	vld [tilespmem:s22+$0x0]  }
0x50d: {  	v24 =	vld.idx.msk [tilespmem:v4+s14+$0x0], $0xffff;
	v4 =	vor.u32 $0xB, v0  }
0x50e: {  	v20 =	vld.idx.msk [tilespmem:v7+s14+$0x0], $0xffff;
	v7 =	vor.u32 $0x4, v0  }
0x50f: {  	v32 =	vld.idx.msk [tilespmem:v6+s14+$0x0], $0xffff;
	v6 =	vor.u32 $0x1, v0  }
0x510: {  	v33 =	vld.idx.msk [tilespmem:v2+s14+$0x0], $0xffff;
	v2 =	vor.u32 $0x6, v0  }
0x511: {  	v30 =	vld.idx.msk [tilespmem:v3+s14+$0x0], $0xffff;
	v3 =	vor.u32 $0x7, v0  }
0x512: {  	v28 =	vld.idx.msk [tilespmem:v4+s14+$0x0], $0xffff;
	v4 =	vshll.u32 v5, $0x5;
	v5 =	vor.u32 $0x2, v0  }
0x513: {  	v36 =	vld.idx.msk [tilespmem:v7+s14+$0x0], $0xffff;
	v0 =	vor.u32 $0x3, v0;
	v4 =	vand.u32 $0x60, v4  }
0x514: {  	v40 =	vld.idx.msk [tilespmem:v6+s14+$0x0], $0xffff;
	v41 =	vor.u32 v13, v4  }
0x515: {  	v38 =	vld.idx.msk [tilespmem:v2+s14+$0x0], $0xffff;
	v2 =	vor.u32 $0x1C, v41  }
0x516: {  	v31 =	vld.idx.msk [tilespmem:v3+s14+$0x0], $0xffff;
	v3 =	vor.u32 $0x1D, v41  }
0x517: {  	v4 =	vor.u32 $0x1E, v41;
	v37 =	vld.idx.msk [tilespmem:v5+s14+$0x0], $0xffff  }
0x518: {  	v6 =	vor.u32 $0x18, v41;
	v39 =	vld.idx.msk [tilespmem:v0+s14+$0x0], $0xffff  }
0x519: {  	v7 =	vor.u32 $0x19, v41;
	v5 =	vld.idx.msk [tilespmem:v41+s16+$0x0], $0xffff  }
0x51a: {  	v13 =	vor.u32 $0x1A, v41;
	v2 =	vld.idx.msk [tilespmem:v2+s16+$0x0], $0xffff  }
0x51b: {  	v15 =	vor.u32 $0x14, v41;
	v8 =	vld.idx.msk [tilespmem:v3+s16+$0x0], $0xffff  }
0x51c: {  	v12 =	vor.u32 $0x10, v41;
	v4 =	vld.idx.msk [tilespmem:v4+s16+$0x0], $0xffff  }
0x51d: {  	v0 =	vor.u32 $0x1F, v41;
	v10 =	vld.idx.msk [tilespmem:v6+s16+$0x0], $0xffff  }
0x51e: {  	v3 =	vor.u32 $0x1B, v41;
	v11 =	vld.idx.msk [tilespmem:v7+s16+$0x0], $0xffff  }
0x51f: {  	v6 =	vor.u32 $0x16, v41;
	v13 =	vld.idx.msk [tilespmem:v13+s16+$0x0], $0xffff  }
0x520: {  	v7 =	vor.u32 $0x17, v41;
	v55 =	vld.idx.msk [tilespmem:v15+s16+$0x0], $0xffff  }
0x521: {  	v15 =	vor.u32 $0x12, v41;
	v61 =	vld.idx.msk [tilespmem:v12+s16+$0x0], $0xffff  }
0x522: {  	v12 =	vor.u32 $0xE, v41;
	v9 =	vld.idx.msk [tilespmem:v0+s16+$0x0], $0xffff  }
0x523: {  	v49 =	vld.idx.msk [tilespmem:v3+s16+$0x0], $0xffff  }
0x524: {  	v0 =	vor.u32 $0x15, v41;
	v57 =	vld.idx.msk [tilespmem:v6+s16+$0x0], $0xffff  }
0x525: {  	v3 =	vor.u32 $0x11, v41;
	v50 =	vld.idx.msk [tilespmem:v7+s16+$0x0], $0xffff  }
0x526: {  	v6 =	vor.u32 $0xC, v41;
	v58 =	vld.idx.msk [tilespmem:v15+s16+$0x0], $0xffff  }
0x527: {  	v7 =	vor.u32 $0xD, v41;
	v59 =	vld.idx.msk [tilespmem:v12+s16+$0x0], $0xffff  }
0x528: {  	v48 =	vmul.f32 v5, v47;
	v15 =	vor.u32 $0x8, v41;
	v47 =	vmul.f32 v2, v42;
	v2 =	vld [tilespmem:$0x1FCC0]  }
0x529: {  	v53 =	vld.idx.msk [tilespmem:v0+s16+$0x0], $0xffff  }
0x52a: {  	v0 =	vor.u32 $0x13, v41;
	v56 =	vld.idx.msk [tilespmem:v3+s16+$0x0], $0xffff  }
0x52b: {  	v60 =	vld.idx.msk [tilespmem:v6+s16+$0x0], $0xffff  }
0x52c: {  	v12 =	vor.u32 $0x4, v41;
	v54 =	vld.idx.msk [tilespmem:v7+s16+$0x0], $0xffff  }
0x52d: {  	v46 =	vor.u32 $0xB, v41;
	v62 =	vld.idx.msk [tilespmem:v15+s16+$0x0], $0xffff  }
0x52e: {  	v3 =	vor.u32 $0xF, v41;
	v42 =	vmul.f32 v8, v2;
	v2 =	vmul.f32 v4, v44;
	v4 =	vld [tilespmem:$0x1FCD0]  }
0x52f: {  	v51 =	vld.idx.msk [tilespmem:v0+s16+$0x0], $0xffff;
	v0 =	vor.u32 $0x9, v41  }
0x530: {  	p0 =	sne.s32 s24, $0x70;
	v16 =	vor.u32 $0xA, v41;
	v8 =	vld [tilespmem:$0x1FCE0]  }
.Ltmp2:
0x531: {  	v44 =	vmul.f32 v10, v45;
	v45 =	vld.idx.msk [tilespmem:v12+s16+$0x0], $0xffff;
	(pc) =	sbr.rel @p0 .LBB2_6-.Ltmp2, $4  }
0x532: {  	v35 =	vor.u32 $0x1A, v1;
	v5 =	vor.u32 $0x1, v41;
	[tilespmem:$0x1FD90] =	vst v2;
	v2 =	vld.idx.msk [tilespmem:v46+s16+$0x0], $0xffff  }
0x533: {  	v43 =	vmul.f32 v11, v43;
	v52 =	vld.idx.msk [tilespmem:v3+s16+$0x0], $0xffff;
	v3 =	vor.u32 $0x1E, v1;
	v4 =	vmul.f32 v9, v4  }
0x534: {  	v15 =	vor.u32 $0x1F, v1;
	v7 =	vor.u32 $0x6, v41;
	v6 =	vor.u32 $0x7, v41;
	[tilespmem:$0x1FDA0] =	vst v3;
	v63 =	vld.idx.msk [tilespmem:v0+s16+$0x0], $0xffff  }
0x535: {  	s24 =	sadd.s32 $0x10, s24;
	v11 =	vmul.f32 v13, v8;
	v3 =	vor.u32 $0x5, v41;
	v0 =	vld.idx.msk [tilespmem:v16+s16+$0x0], $0xffff;
	[tilespmem:$0x1FDB0] =	vst v4;
	v4 =	vor.u32 $0x2, v41  }
0x536: {  	_ =	sdelay $0x3  }
0x537: {  	v3 =	vld.idx.msk [tilespmem:v3+s16+$0x0], $0xffff  }
0x538: {  	v7 =	vld.idx.msk [tilespmem:v7+s16+$0x0], $0xffff  }
0x539: {  	v6 =	vld.idx.msk [tilespmem:v6+s16+$0x0], $0xffff  }
0x53a: {  	v5 =	vld.idx.msk [tilespmem:v5+s16+$0x0], $0xffff  }
0x53b: {  	v4 =	vld.idx.msk [tilespmem:v4+s16+$0x0], $0xffff  }
0x53c: {  	v9 =	vmul.f32 v49, v14;
	v14 =	vor.u32 $0x3, v41;
	v24 =	vmul.f32 v59, v24;
	v59 =	vld [tilespmem:$0x1FDC0]  }
0x53d: {  	v13 =	vmul.f32 v61, v29;
	v16 =	vmul.f32 v50, v18;
	v18 =	vor.u32 $0xC, v1;
	v61 =	vld [tilespmem:$0x1FD10]  }
0x53e: {  	v8 =	vmul.f32 v55, v22;
	v10 =	vmul.f32 v53, v21;
	v22 =	vor.u32 $0xD, v1;
	v53 =	vld [tilespmem:$0x1FD20]  }
0x53f: {  	v12 =	vmul.f32 v57, v25;
	v21 =	vmul.f32 v56, v23;
	v25 =	vor.u32 $0x8, v1;
	v55 =	vld [tilespmem:$0x1FD50]  }
0x540: {  	v23 =	vmul.f32 v58, v26;
	v26 =	vmul.f32 v60, v27;
	v27 =	vor.u32 $0x9, v1;
	v56 =	vld [tilespmem:$0x1FD40]  }
0x541: {  	v29 =	vor.u32 $0x4, v1;
	v14 =	vld.idx.msk [tilespmem:v14+s16+$0x0], $0xffff  }
0x542: {  	v57 =	vor.u32 $0x5, v1;
	v18 =	vld.idx.msk [tilespmem:v18+s18+$0x0], $0xffff  }
0x543: {  	v46 =	vor.u32 $0x1, v1;
	v22 =	vld.idx.msk [tilespmem:v22+s18+$0x0], $0xffff  }
0x544: {  	v2 =	vmul.f32 v2, v28;
	v28 =	vor.u32 $0x3, v1;
	v25 =	vld.idx.msk [tilespmem:v25+s18+$0x0], $0xffff  }
0x545: {  	v17 =	vmul.f32 v51, v17;
	v20 =	vmul.f32 v54, v20;
	v58 =	vor.u32 $0x2, v1;
	v27 =	vld.idx.msk [tilespmem:v27+s18+$0x0], $0xffff  }
0x546: {  	v33 =	vmul.f32 v62, v33;
	v36 =	vmul.f32 v45, v36;
	v29 =	vld.idx.msk [tilespmem:v29+s18+$0x0], $0xffff  }
0x547: {  	v6 =	vmul.f32 v6, v31;
	v4 =	vmul.f32 v4, v37;
	v31 =	vor.u32 $0x7, v1;
	v37 =	vld.idx.msk [tilespmem:v57+s18+$0x0], $0xffff  }
0x548: {  	v30 =	vmul.f32 v63, v30;
	v3 =	vmul.f32 v3, v34;
	v34 =	vor.u32 $0x6, v1;
	v62 =	vld.idx.msk [tilespmem:v46+s18+$0x0], $0xffff  }
0x549: {  	v63 =	vor.u32 $0xB, v1;
	v0 =	vmul.f32 v0, v32;
	v7 =	vmul.f32 v7, v38;
	v28 =	vld.idx.msk [tilespmem:v28+s18+$0x0], $0xffff  }
0x54a: {  	v60 =	vor.u32 $0xA, v1;
	v5 =	vmul.f32 v5, v40;
	v38 =	vmul.f32 v59, v48;
	v32 =	vld.idx.msk [tilespmem:v58+s18+$0x0], $0xffff  }
0x54b: {  	v54 =	vor.u32 $0xE, v1;
	v40 =	vmul.f32 v61, v47;
	v18 =	vmul.f32 v18, v26;
	v26 =	vld [tilespmem:$0x1FD80]  }
0x54c: {  	v57 =	vor.u32 $0xF, v1;
	v14 =	vmul.f32 v14, v39;
	v31 =	vld.idx.msk [tilespmem:v31+s18+$0x0], $0xffff;
	v25 =	vmul.f32 v25, v33  }
0x54d: {  	v41 =	vadd.f32 $0.0e+00, v38;
	v34 =	vld.idx.msk [tilespmem:v34+s18+$0x0], $0xffff;
	v20 =	vmul.f32 v22, v20;
	v29 =	vmul.f32 v29, v36  }
0x54e: {  	v61 =	vld.idx.msk [tilespmem:v63+s18+$0x0], $0xffff;
	v22 =	vor.u32 $0x13, v1;
	v27 =	vmul.f32 v27, v30;
	v14 =	vmul.f32 v28, v14  }
0x54f: {  	v60 =	vld.idx.msk [tilespmem:v60+s18+$0x0], $0xffff;
	v30 =	vor.u32 $0x16, v1;
	v5 =	vmul.f32 v62, v5;
	v62 =	vor.u32 $0x17, v1  }
0x550: {  	v58 =	vld [tilespmem:$0x1FD70];
	v4 =	vmul.f32 v32, v4;
	v29 =	vadd.f32 v29, v41;
	v14 =	vadd.f32 $0.0e+00, v14  }
0x551: {  	v28 =	vld.idx.msk [tilespmem:v57+s18+$0x0], $0xffff;
	v21 =	vmul.f32 v26, v21;
	v26 =	vor.u32 $0x12, v1;
	v6 =	vmul.f32 v31, v6  }
0x552: {  	v63 =	vld.idx.msk [tilespmem:v54+s18+$0x0], $0xffff;
	v4 =	vadd.f32 $0.0e+00, v4;
	v1 =	vor.u32 $0x1B, v1;
	v7 =	vmul.f32 v34, v7  }
0x553: {  	v2 =	vmul.f32 v61, v2;
	v22 =	vld.idx.msk [tilespmem:v22+s18+$0x0], $0xffff;
	v6 =	vadd.f32 v6, v14;
	v14 =	vadd.f32 v25, v29  }
0x554: {  	v19 =	vmul.f32 v52, v19;
	v0 =	vmul.f32 v60, v0;
	v4 =	vadd.f32 v7, v4;
	v7 =	vld.idx.msk [tilespmem:v62+s18+$0x0], $0xffff  }
0x555: {  	v3 =	vmul.f32 v37, v3;
	v2 =	vadd.f32 v2, v6;
	v6 =	vadd.f32 v18, v14;
	v18 =	vld [tilespmem:$0x1FDA0]  }
0x556: {  	v5 =	vadd.f32 $0.0e+00, v5;
	v0 =	vadd.f32 v0, v4;
	v4 =	vmul.f32 v28, v19;
	v26 =	vld.idx.msk [tilespmem:v26+s18+$0x0], $0xffff  }
0x557: {  	v1 =	vld.idx.msk [tilespmem:v1+s18+$0x0], $0xffff  }
0x558: {  	v3 =	vadd.f32 v3, v5;
	v5 =	vld.idx.msk [tilespmem:v30+s18+$0x0], $0xffff;
	v2 =	vadd.f32 v4, v2;
	v4 =	vmul.f32 v22, v17  }
0x559: {  	v15 =	vld.idx.msk [tilespmem:v15+s18+$0x0], $0xffff;
	v24 =	vmul.f32 v63, v24  }
0x55a: {  	v59 =	vld [tilespmem:$0x1FD60];
	v3 =	vadd.f32 v27, v3;
	v2 =	vadd.f32 v4, v2;
	v4 =	vmul.f32 v7, v16  }
0x55b: {  	v52 =	vld [tilespmem:$0x1FD30];
	v0 =	vadd.f32 v24, v0;
	v14 =	vmul.f32 v26, v23  }
0x55c: {  	v25 =	vld.idx.msk [tilespmem:v35+s18+$0x0], $0xffff;
	v3 =	vadd.f32 v20, v3;
	v2 =	vadd.f32 v4, v2;
	v1 =	vmul.f32 v1, v9  }
0x55d: {  	v13 =	vmul.f32 v58, v13;
	v5 =	vmul.f32 v5, v12;
	v18 =	vld.idx.msk [tilespmem:v18+s18+$0x0], $0xffff;
	v0 =	vadd.f32 v14, v0  }
0x55e: {  	v8 =	vmul.f32 v55, v8;
	v3 =	vadd.f32 v21, v3;
	v1 =	vadd.f32 v1, v2;
	v2 =	vld [tilespmem:$0x1FDB0]  }
0x55f: {  	v10 =	vmul.f32 v59, v10;
	v6 =	vadd.f32 v13, v6;
	v0 =	vadd.f32 v5, v0;
	v5 =	vld [tilespmem:$0x1FD90]  }
0x560: {  	v43 =	vmul.f32 v56, v43  }
0x561: {  	v44 =	vmul.f32 v52, v44;
	v3 =	vadd.f32 v10, v3;
	v6 =	vadd.f32 v8, v6  }
0x562: {  	v7 =	vmul.f32 v25, v11  }
0x563: {  	v42 =	vmul.f32 v53, v42;
	v3 =	vadd.f32 v43, v3;
	v4 =	vadd.f32 v44, v6  }
0x564: {  	v0 =	vadd.f32 v7, v0;
	v2 =	vmul.f32 v15, v2;
	v5 =	vmul.f32 v18, v5  }
0x565: {  	v3 =	vadd.f32 v42, v3;
	v4 =	vadd.f32 v40, v4  }
0x566: {  	v1 =	vadd.f32 v2, v1;
	v0 =	vadd.f32 v5, v0;
	_ =	sdelay $0x1  }
0x567: {  	v2 =	vadd.f32 v3, v4;
	v0 =	vadd.f32 v1, v0;
	_ =	sdelay $0x1  }
0x568: {  	v0 =	vadd.f32 v0, v2  }
0x569: {  	s13 =	sadd.s32 $0x10, s13  }
0x56a: {  	[tilespmem:s13+$0x0] =	vst v0  }
0x56b: {  	_ =	swait.ge [sflag:s29], $0x4000  }
0x56c: {  	[sflag:s29] =	ssyncset.done $0x0  }
0x56d: {  	[sflag:s29] =	ssyncadd.s32 $0xFFFFC000  }
0x56e: {  	_ =	swait.ge [sflag:s30], $0x4000  }
0x56f: {  	[sflag:s30] =	ssyncset.done $0x0  }
0x570: {  	[sflag:s30] =	ssyncadd.s32 $0xFFFFC000  }
0x571: {  	_ =	swait.ge [sflag:s31], $0x4000  }
0x572: {  	[sflag:s31] =	ssyncset.done $0x0  }
0x573: {  	s15 =	simm.s32 $0x580;
	[sflag:s31] =	ssyncadd.s32 $0xFFFFC000  }
0x574: {  	s24 =	simm.s32 $0x380;
	v0 =	vld [tilespmem:s15+$0x0]  }
0x575: {  	v46 =	vld [tilespmem:s24+$0x0]  }
0x576: {  	v2 =	vld [tilespmem:$0x1FFF0];
	_ =	sdelay $0x1  }
0x577: {  	s17 =	simm.s32 $0x0  }
0x578: {  	v1 =	vmov s17  }
0x579: {  	v1 =	vshll.u32 v1, $0x7;
	v0 =	vshll.u32 v0, $0x5;
	v36 =	vshll.u32 v46, $0x5  }
0x57a: {  	v10 =	vor.u32 v2, v1;
	v0 =	vand.u32 $0x60, v0;
	v36 =	vand.u32 $0x60, v36  }
0x57b: {  	v1 =	vor.u32 v10, v0;
	v36 =	vor.u32 v10, v36  }
0x57c: {  	s22 =	simm.s32 $0x180;
	v0 =	vor.u32 $0x1C, v1  }
0x57d: {  	v2 =	vld [tilespmem:s22+$0x0];
	v3 =	vor.u32 $0x1D, v1  }
0x57e: {  	v5 =	vor.u32 $0x18, v1  }
0x57f: {  	v6 =	vor.u32 $0x19, v1  }
0x580: {  	v7 =	vor.u32 $0x14, v1;
	v46 =	vld.idx.msk [tilespmem:v36+s25+$0x0], $0xffff  }
0x581: {  	v12 =	vor.u32 $0x11, v1;
	v4 =	vld.idx.msk [tilespmem:v0+s28+$0x0], $0xffff  }
0x582: {  	v8 =	vor.u32 $0x15, v1;
	v0 =	vshll.u32 v2, $0x5;
	v2 =	vld.idx.msk [tilespmem:v3+s28+$0x0], $0xffff  }
0x583: {  	v11 =	vor.u32 $0x10, v1;
	v9 =	vld.idx.msk [tilespmem:v5+s28+$0x0], $0xffff;
	v0 =	vand.u32 $0x60, v0  }
0x584: {  	v5 =	vld.idx.msk [tilespmem:v6+s28+$0x0], $0xffff;
	v0 =	vor.u32 v10, v0  }
0x585: {  	v7 =	vld.idx.msk [tilespmem:v7+s28+$0x0], $0xffff;
	v10 =	vor.u32 $0x1C, v36  }
0x586: {  	v6 =	vld.idx.msk [tilespmem:v12+s28+$0x0], $0xffff;
	v13 =	vor.u32 $0x1C, v0  }
0x587: {  	v14 =	vor.u32 $0x1D, v0;
	[tilespmem:$0x1FBE0] =	vst v2;
	v2 =	vld.idx.msk [tilespmem:v8+s28+$0x0], $0xffff  }
0x588: {  	v12 =	vor.u32 $0x1F, v0;
	v8 =	vld.idx.msk [tilespmem:v11+s28+$0x0], $0xffff  }
0x589: {  	v16 =	vor.u32 $0x18, v0;
	v15 =	vld.idx.msk [tilespmem:v0+s23+$0x0], $0xffff  }
0x58a: {  	v17 =	vor.u32 $0x19, v0;
	v10 =	vld.idx.msk [tilespmem:v10+s25+$0x0], $0xffff  }
0x58b: {  	v18 =	vor.u32 $0x1A, v0;
	v13 =	vld.idx.msk [tilespmem:v13+s23+$0x0], $0xffff  }
0x58c: {  	v19 =	vor.u32 $0x1B, v0;
	v14 =	vld.idx.msk [tilespmem:v14+s23+$0x0], $0xffff  }
0x58d: {  	v20 =	vor.u32 $0x14, v0;
	v12 =	vld.idx.msk [tilespmem:v12+s23+$0x0], $0xffff  }
0x58e: {  	v21 =	vor.u32 $0x15, v0;
	v16 =	vld.idx.msk [tilespmem:v16+s23+$0x0], $0xffff  }
0x58f: {  	v22 =	vor.u32 $0x16, v0;
	v17 =	vld.idx.msk [tilespmem:v17+s23+$0x0], $0xffff  }
0x590: {  	v23 =	vor.u32 $0x17, v0;
	v18 =	vld.idx.msk [tilespmem:v18+s23+$0x0], $0xffff  }
0x591: {  	v24 =	vor.u32 $0x10, v0;
	v19 =	vld.idx.msk [tilespmem:v19+s23+$0x0], $0xffff  }
0x592: {  	v25 =	vor.u32 $0x11, v0;
	v20 =	vld.idx.msk [tilespmem:v20+s23+$0x0], $0xffff  }
0x593: {  	v26 =	vor.u32 $0x12, v0;
	v21 =	vld.idx.msk [tilespmem:v21+s23+$0x0], $0xffff  }
0x594: {  	v27 =	vor.u32 $0x13, v0;
	v22 =	vld.idx.msk [tilespmem:v22+s23+$0x0], $0xffff  }
0x595: {  	v28 =	vor.u32 $0xC, v0;
	v23 =	vld.idx.msk [tilespmem:v23+s23+$0x0], $0xffff  }
0x596: {  	v29 =	vor.u32 $0xD, v0;
	v24 =	vld.idx.msk [tilespmem:v24+s23+$0x0], $0xffff  }
0x597: {  	v30 =	vor.u32 $0xE, v0;
	v25 =	vld.idx.msk [tilespmem:v25+s23+$0x0], $0xffff  }
0x598: {  	v31 =	vor.u32 $0xF, v0;
	v26 =	vld.idx.msk [tilespmem:v26+s23+$0x0], $0xffff  }
0x599: {  	v42 =	vor.u32 $0x8, v0;
	v27 =	vld.idx.msk [tilespmem:v27+s23+$0x0], $0xffff  }
0x59a: {  	v43 =	vor.u32 $0x9, v0;
	v28 =	vld.idx.msk [tilespmem:v28+s23+$0x0], $0xffff  }
0x59b: {  	v44 =	vor.u32 $0xA, v0;
	v29 =	vld.idx.msk [tilespmem:v29+s23+$0x0], $0xffff  }
0x59c: {  	v45 =	vor.u32 $0xB, v0;
	v30 =	vld.idx.msk [tilespmem:v30+s23+$0x0], $0xffff  }
0x59d: {  	v47 =	vor.u32 $0x4, v0;
	v31 =	vld.idx.msk [tilespmem:v31+s23+$0x0], $0xffff  }
0x59e: {  	v48 =	vor.u32 $0x5, v0;
	v32 =	vld.idx.msk [tilespmem:v42+s23+$0x0], $0xffff  }
0x59f: {  	v49 =	vor.u32 $0x6, v0;
	v33 =	vld.idx.msk [tilespmem:v43+s23+$0x0], $0xffff  }
0x5a0: {  	v50 =	vor.u32 $0x7, v0;
	v34 =	vld.idx.msk [tilespmem:v44+s23+$0x0], $0xffff  }
0x5a1: {  	v51 =	vor.u32 $0x1, v0;
	v35 =	vld.idx.msk [tilespmem:v45+s23+$0x0], $0xffff  }
0x5a2: {  	v52 =	vor.u32 $0x2, v0;
	v37 =	vld.idx.msk [tilespmem:v47+s23+$0x0], $0xffff  }
0x5a3: {  	v53 =	vor.u32 $0x1D, v36;
	v38 =	vld.idx.msk [tilespmem:v48+s23+$0x0], $0xffff  }
0x5a4: {  	v54 =	vor.u32 $0x1E, v36;
	v39 =	vld.idx.msk [tilespmem:v49+s23+$0x0], $0xffff  }
0x5a5: {  	v55 =	vor.u32 $0x1F, v36;
	v40 =	vld.idx.msk [tilespmem:v50+s23+$0x0], $0xffff  }
0x5a6: {  	v56 =	vor.u32 $0x18, v36;
	v41 =	vld.idx.msk [tilespmem:v51+s23+$0x0], $0xffff  }
0x5a7: {  	v57 =	vor.u32 $0x19, v36;
	v42 =	vld.idx.msk [tilespmem:v52+s23+$0x0], $0xffff  }
0x5a8: {  	v58 =	vor.u32 $0x1A, v36;
	v43 =	vld.idx.msk [tilespmem:v53+s25+$0x0], $0xffff  }
0x5a9: {  	v59 =	vor.u32 $0x1B, v36;
	v44 =	vld.idx.msk [tilespmem:v54+s25+$0x0], $0xffff  }
0x5aa: {  	v62 =	vor.u32 $0x14, v36;
	v45 =	vld.idx.msk [tilespmem:v55+s25+$0x0], $0xffff  }
0x5ab: {  	v63 =	vor.u32 $0x15, v36;
	v47 =	vld.idx.msk [tilespmem:v56+s25+$0x0], $0xffff  }
0x5ac: {  	v60 =	vor.u32 $0x16, v36;
	v48 =	vld.idx.msk [tilespmem:v57+s25+$0x0], $0xffff  }
0x5ad: {  	v61 =	vor.u32 $0x17, v36;
	v49 =	vld.idx.msk [tilespmem:v58+s25+$0x0], $0xffff  }
0x5ae: {  	v11 =	vor.u32 $0x1E, v0;
	v50 =	vld.idx.msk [tilespmem:v59+s25+$0x0], $0xffff  }
0x5af: {  	v0 =	vor.u32 $0x3, v0;
	v51 =	vld.idx.msk [tilespmem:v62+s25+$0x0], $0xffff  }
0x5b0: {  	v55 =	vor.u32 $0x10, v36;
	v52 =	vld.idx.msk [tilespmem:v63+s25+$0x0], $0xffff  }
0x5b1: {  	v56 =	vor.u32 $0x11, v36;
	v53 =	vld.idx.msk [tilespmem:v60+s25+$0x0], $0xffff  }
0x5b2: {  	v57 =	vor.u32 $0x12, v36;
	v54 =	vld.idx.msk [tilespmem:v61+s25+$0x0], $0xffff  }
0x5b3: {  	v58 =	vor.u32 $0x13, v36;
	v11 =	vld.idx.msk [tilespmem:v11+s23+$0x0], $0xffff  }
0x5b4: {  	v59 =	vor.u32 $0xC, v36;
	v3 =	vld.idx.msk [tilespmem:v0+s23+$0x0], $0xffff  }
0x5b5: {  	v60 =	vor.u32 $0xD, v36;
	v55 =	vld.idx.msk [tilespmem:v55+s25+$0x0], $0xffff  }
0x5b6: {  	v61 =	vor.u32 $0xE, v36;
	v56 =	vld.idx.msk [tilespmem:v56+s25+$0x0], $0xffff  }
0x5b7: {  	v57 =	vld.idx.msk [tilespmem:v57+s25+$0x0], $0xffff  }
0x5b8: {  	v63 =	vor.u32 $0x8, v36;
	v58 =	vld.idx.msk [tilespmem:v58+s25+$0x0], $0xffff  }
0x5b9: {  	v62 =	vor.u32 $0xF, v36;
	v59 =	vld.idx.msk [tilespmem:v59+s25+$0x0], $0xffff  }
0x5ba: {  	[tilespmem:$0x1FBF0] =	vst v2;
	v2 =	vor.u32 $0xA, v36;
	v60 =	vld.idx.msk [tilespmem:v60+s25+$0x0], $0xffff  }
0x5bb: {  	v61 =	vld.idx.msk [tilespmem:v61+s25+$0x0], $0xffff  }
0x5bc: {  	v0 =	vor.u32 $0x9, v36;
	v15 =	vmul.f32 v46, v15;
	v46 =	vmul.f32 v10, v13;
	v10 =	vld.idx.msk [tilespmem:v1+s28+$0x0], $0xffff  }
0x5bd: {  	v13 =	vor.u32 $0xB, v36;
	v43 =	vmul.f32 v43, v14;
	v16 =	vmul.f32 v47, v16;
	v47 =	vld.idx.msk [tilespmem:v63+s25+$0x0], $0xffff  }
0x5be: {  	v17 =	vmul.f32 v48, v17;
	v48 =	vor.u32 $0x6, v36;
	v14 =	vmul.f32 v44, v11;
	v44 =	vld.idx.msk [tilespmem:v62+s25+$0x0], $0xffff  }
0x5bf: {  	v20 =	vmul.f32 v51, v20;
	v51 =	vor.u32 $0x2, v36;
	v2 =	vld.idx.msk [tilespmem:v2+s25+$0x0], $0xffff  }
0x5c0: {  	v62 =	vor.u32 $0x4, v36;
	v9 =	vmul.f32 v9, v16;
	v16 =	vld [tilespmem:$0x1FBE0]  }
0x5c1: {  	v11 =	vmul.f32 v45, v12;
	v45 =	vor.u32 $0x5, v36;
	v63 =	vld.idx.msk [tilespmem:v0+s25+$0x0], $0xffff  }
0x5c2: {  	v12 =	vmul.f32 v49, v18;
	v49 =	vor.u32 $0x7, v36;
	v13 =	vld.idx.msk [tilespmem:v13+s25+$0x0], $0xffff  }
0x5c3: {  	v23 =	vmul.f32 v54, v23;
	v54 =	vor.u32 $0xC, v1;
	v48 =	vld.idx.msk [tilespmem:v48+s25+$0x0], $0xffff  }
0x5c4: {  	v21 =	vmul.f32 v52, v21;
	v22 =	vmul.f32 v53, v22;
	v53 =	vor.u32 $0x1F, v1;
	v51 =	vld.idx.msk [tilespmem:v51+s25+$0x0], $0xffff  }
0x5c5: {  	v18 =	vor.u32 $0x1E, v1;
	v0 =	vmul.f32 v50, v19;
	v19 =	vor.u32 $0x1, v36;
	v52 =	vld.idx.msk [tilespmem:v62+s25+$0x0], $0xffff  }
0x5c6: {  	v4 =	vmul.f32 v4, v46;
	v7 =	vmul.f32 v7, v20;
	v36 =	vor.u32 $0x3, v36;
	v45 =	vld.idx.msk [tilespmem:v45+s25+$0x0], $0xffff  }
0x5c7: {  	v5 =	vmul.f32 v5, v17;
	v24 =	vmul.f32 v55, v24;
	v55 =	vor.u32 $0xD, v1;
	v49 =	vld.idx.msk [tilespmem:v49+s25+$0x0], $0xffff  }
0x5c8: {  	v25 =	vmul.f32 v56, v25;
	v56 =	vor.u32 $0x8, v1;
	v31 =	vmul.f32 v44, v31;
	v44 =	vld.idx.msk [tilespmem:v54+s28+$0x0], $0xffff  }
0x5c9: {  	v27 =	vmul.f32 v58, v27;
	v58 =	vor.u32 $0x4, v1;
	v8 =	vmul.f32 v8, v24;
	v24 =	vld [tilespmem:$0x1FBF0]  }
0x5ca: {  	v20 =	vor.u32 $0xF, v1;
	v28 =	vmul.f32 v59, v28;
	v59 =	vor.u32 $0x5, v1;
	v19 =	vld.idx.msk [tilespmem:v19+s25+$0x0], $0xffff  }
0x5cb: {  	v50 =	vor.u32 $0x1A, v1;
	v26 =	vmul.f32 v57, v26;
	v62 =	vor.u32 $0x9, v1;
	v36 =	vld.idx.msk [tilespmem:v36+s25+$0x0], $0xffff  }
0x5cc: {  	v32 =	vmul.f32 v47, v32;
	v47 =	vor.u32 $0x1, v1;
	v2 =	vmul.f32 v2, v34;
	v34 =	vld.idx.msk [tilespmem:v55+s28+$0x0], $0xffff  }
0x5cd: {  	v30 =	vmul.f32 v61, v30;
	v61 =	vor.u32 $0x3, v1;
	v13 =	vmul.f32 v13, v35;
	v35 =	vld.idx.msk [tilespmem:v56+s28+$0x0], $0xffff  }
0x5ce: {  	v29 =	vmul.f32 v60, v29;
	v60 =	vor.u32 $0x2, v1;
	v33 =	vmul.f32 v63, v33;
	v63 =	vld.idx.msk [tilespmem:v58+s28+$0x0], $0xffff  }
0x5cf: {  	v10 =	vmul.f32 v10, v15;
	v15 =	vor.u32 $0xA, v1;
	v55 =	vor.u32 $0x7, v1;
	v56 =	vld.idx.msk [tilespmem:v59+s28+$0x0], $0xffff  }
0x5d0: {  	v6 =	vmul.f32 v6, v25;
	v38 =	vmul.f32 v45, v38;
	v45 =	vld.idx.msk [tilespmem:v62+s28+$0x0], $0xffff;
	v62 =	vor.u32 $0x6, v1  }
0x5d1: {  	v39 =	vmul.f32 v48, v39;
	v42 =	vmul.f32 v51, v42;
	v57 =	vld.idx.msk [tilespmem:v47+s28+$0x0], $0xffff;
	v58 =	vor.u32 $0xB, v1  }
0x5d2: {  	v25 =	vor.u32 $0x12, v1;
	v17 =	vld.idx.msk [tilespmem:v61+s28+$0x0], $0xffff;
	v37 =	vmul.f32 v52, v37;
	v40 =	vmul.f32 v49, v40  }
0x5d3: {  	v10 =	vadd.f32 $0.0e+00, v10;
	v59 =	vld.idx.msk [tilespmem:v60+s28+$0x0], $0xffff;
	v21 =	vmul.f32 v24, v21;
	v28 =	vmul.f32 v44, v28  }
0x5d4: {  	v60 =	vor.u32 $0xE, v1;
	v19 =	vmul.f32 v19, v41;
	v3 =	vmul.f32 v36, v3;
	v36 =	vld.idx.msk [tilespmem:v55+s28+$0x0], $0xffff  }
0x5d5: {  	v61 =	vor.u32 $0x13, v1;
	v32 =	vmul.f32 v35, v32;
	v29 =	vmul.f32 v34, v29;
	v24 =	vld.idx.msk [tilespmem:v62+s28+$0x0], $0xffff  }
0x5d6: {  	v52 =	vor.u32 $0x17, v1;
	v48 =	vld.idx.msk [tilespmem:v58+s28+$0x0], $0xffff;
	v38 =	vmul.f32 v56, v38;
	v19 =	vmul.f32 v57, v19  }
0x5d7: {  	v15 =	vld.idx.msk [tilespmem:v15+s28+$0x0], $0xffff;
	v3 =	vmul.f32 v17, v3;
	v62 =	vmul.f32 v63, v37;
	v63 =	vor.u32 $0x16, v1  }
0x5d8: {  	v42 =	vmul.f32 v59, v42;
	v17 =	vld.idx.msk [tilespmem:v20+s28+$0x0], $0xffff;
	v33 =	vmul.f32 v45, v33;
	v1 =	vor.u32 $0x1B, v1  }
0x5d9: {  	v54 =	vld.idx.msk [tilespmem:v60+s28+$0x0], $0xffff;
	v19 =	vadd.f32 $0.0e+00, v19;
	v3 =	vadd.f32 $0.0e+00, v3;
	v36 =	vmul.f32 v36, v40  }
0x5da: {  	v10 =	vadd.f32 v62, v10;
	v20 =	vmul.f32 v24, v39;
	v24 =	vld.idx.msk [tilespmem:v25+s28+$0x0], $0xffff;
	v25 =	vadd.f32 $0.0e+00, v42  }
0x5db: {  	v34 =	vld.idx.msk [tilespmem:v61+s28+$0x0], $0xffff;
	v19 =	vadd.f32 v38, v19;
	v13 =	vmul.f32 v48, v13;
	v3 =	vadd.f32 v36, v3  }
0x5dc: {  	v2 =	vmul.f32 v15, v2;
	v10 =	vadd.f32 v32, v10;
	v15 =	vld.idx.msk [tilespmem:v63+s28+$0x0], $0xffff;
	v20 =	vadd.f32 v20, v25  }
0x5dd: {  	v19 =	vadd.f32 v33, v19;
	v25 =	vld.idx.msk [tilespmem:v52+s28+$0x0], $0xffff;
	v3 =	vadd.f32 v13, v3;
	v13 =	vmul.f32 v17, v31  }
0x5de: {  	v55 =	vld.idx.msk [tilespmem:v50+s28+$0x0], $0xffff;
	v30 =	vmul.f32 v54, v30;
	v10 =	vadd.f32 v28, v10;
	v2 =	vadd.f32 v2, v20  }
0x5df: {  	v16 =	vmul.f32 v16, v43;
	v1 =	vld.idx.msk [tilespmem:v1+s28+$0x0], $0xffff;
	v17 =	vadd.f32 v29, v19;
	v3 =	vadd.f32 v13, v3  }
0x5e0: {  	v18 =	vld.idx.msk [tilespmem:v18+s28+$0x0], $0xffff;
	v13 =	vmul.f32 v34, v27;
	v19 =	vmul.f32 v24, v26;
	v2 =	vadd.f32 v30, v2  }
0x5e1: {  	v8 =	vadd.f32 v8, v10;
	v20 =	vld.idx.msk [tilespmem:v53+s28+$0x0], $0xffff;
	v6 =	vadd.f32 v6, v17;
	v10 =	vmul.f32 v15, v22  }
0x5e2: {  	v3 =	vadd.f32 v13, v3;
	v13 =	vmul.f32 v25, v23;
	v2 =	vadd.f32 v19, v2  }
0x5e3: {  	v7 =	vadd.f32 v7, v8;
	v8 =	vmul.f32 v55, v12;
	v6 =	vadd.f32 v21, v6  }
0x5e4: {  	v0 =	vmul.f32 v1, v0;
	v3 =	vadd.f32 v13, v3;
	v2 =	vadd.f32 v10, v2  }
0x5e5: {  	v1 =	vadd.f32 v9, v7;
	v5 =	vadd.f32 v5, v6;
	v6 =	vmul.f32 v18, v14  }
0x5e6: {  	v0 =	vadd.f32 v0, v3;
	v3 =	vmul.f32 v20, v11;
	v2 =	vadd.f32 v8, v2  }
0x5e7: {  	v1 =	vadd.f32 v4, v1;
	v4 =	vadd.f32 v16, v5  }
0x5e8: {  	v0 =	vadd.f32 v3, v0;
	v2 =	vadd.f32 v6, v2;
	_ =	sdelay $0x1  }
0x5e9: {  	v1 =	vadd.f32 v4, v1;
	v0 =	vadd.f32 v0, v2;
	_ =	sdelay $0x1  }
0x5ea: {  	v0 =	vadd.f32 v0, v1  }
0x5eb: {  	s13 =	simm.s32 $0x18A80  }
0x5ec: {  	s15 =	simm.s32 $0x590;
	[tilespmem:s13+$0x0] =	vst v0  }
0x5ed: {  	v0 =	vld [tilespmem:s15+$0x0]  }
0x5ee: {  	v2 =	vld [tilespmem:$0x1FFF0];
	_ =	sdelay $0x1  }
0x5ef: {  	s17 =	simm.s32 $0x10  }
0x5f0: {  	v1 =	vmov s17  }
0x5f1: {  	v1 =	vshll.u32 v1, $0x7;
	v0 =	vshll.u32 v0, $0x5  }
0x5f2: {  	v2 =	vor.u32 v2, v1;
	v0 =	vand.u32 $0x60, v0  }
0x5f3: {  	v1 =	vor.u32 v2, v0  }
0x5f4: {  	v5 =	vor.u32 $0x18, v1  }
0x5f5: {  	v0 =	vor.u32 $0x1C, v1  }
0x5f6: {  	v4 =	vor.u32 $0x1D, v1  }
0x5f7: {  	s17 =	simm.s32 $0x190  }
0x5f8: {  	v3 =	vld [tilespmem:s17+$0x0]  }
0x5f9: {  	v6 =	vor.u32 $0x19, v1;
	v5 =	vld.idx.msk [tilespmem:v5+s28+$0x0], $0xffff  }
0x5fa: {  	v0 =	vld.idx.msk [tilespmem:v0+s28+$0x0], $0xffff  }
0x5fb: {  	v4 =	vld.idx.msk [tilespmem:v4+s28+$0x0], $0xffff;
	_ =	sdelay $0x1  }
0x5fc: {  	v9 =	vor.u32 $0x15, v1  }
0x5fd: {  	v7 =	vor.u32 $0x14, v1;
	[tilespmem:$0x1FC20] =	vst v5;
	v5 =	vld.idx.msk [tilespmem:v6+s28+$0x0], $0xffff  }
0x5fe: {  	[tilespmem:$0x1FC00] =	vst v0;
	v0 =	vshll.u32 v3, $0x5;
	v3 =	vor.u32 $0x10, v1  }
0x5ff: {  	[tilespmem:$0x1FC10] =	vst v4;
	v4 =	vor.u32 $0x11, v1;
	v0 =	vand.u32 $0x60, v0  }
0x600: {  	v0 =	vor.u32 v2, v0  }
0x601: {  	v6 =	vld.idx.msk [tilespmem:v9+s28+$0x0], $0xffff;
	v10 =	vor.u32 $0x18, v0  }
0x602: {  	v11 =	vor.u32 $0x19, v0;
	[tilespmem:$0x1FC30] =	vst v5;
	v5 =	vld.idx.msk [tilespmem:v7+s28+$0x0], $0xffff  }
0x603: {  	v12 =	vor.u32 $0x1A, v0;
	v3 =	vld.idx.msk [tilespmem:v3+s28+$0x0], $0xffff  }
0x604: {  	v13 =	vor.u32 $0x1B, v0;
	v4 =	vld.idx.msk [tilespmem:v4+s28+$0x0], $0xffff  }
0x605: {  	v14 =	vor.u32 $0x14, v0;
	v62 =	vld.idx.msk [tilespmem:v0+s23+$0x0], $0xffff  }
0x606: {  	v17 =	vor.u32 $0x16, v0;
	v10 =	vld.idx.msk [tilespmem:v10+s23+$0x0], $0xffff  }
0x607: {  	v19 =	vor.u32 $0xC, v0;
	v32 =	vld.idx.msk [tilespmem:v11+s23+$0x0], $0xffff  }
0x608: {  	v31 =	vor.u32 $0x4, v0;
	v46 =	vld.idx.msk [tilespmem:v12+s23+$0x0], $0xffff  }
0x609: {  	v56 =	vor.u32 $0x5, v0;
	v15 =	vld.idx.msk [tilespmem:v13+s23+$0x0], $0xffff  }
0x60a: {  	[tilespmem:$0x1FC50] =	vst v6;
	v6 =	vor.u32 $0x1D, v0;
	v24 =	vld.idx.msk [tilespmem:v14+s23+$0x0], $0xffff  }
0x60b: {  	v11 =	vor.u32 $0x17, v0;
	v21 =	vld.idx.msk [tilespmem:v17+s23+$0x0], $0xffff  }
0x60c: {  	v12 =	vor.u32 $0x10, v0;
	v27 =	vld.idx.msk [tilespmem:v19+s23+$0x0], $0xffff  }
0x60d: {  	v13 =	vor.u32 $0x11, v0;
	v38 =	vld.idx.msk [tilespmem:v31+s23+$0x0], $0xffff  }
0x60e: {  	v14 =	vor.u32 $0x12, v0;
	v35 =	vld.idx.msk [tilespmem:v56+s23+$0x0], $0xffff  }
0x60f: {  	[tilespmem:$0x1FC60] =	vst v3;
	v3 =	vor.u32 $0x1E, v0;
	v45 =	vld.idx.msk [tilespmem:v6+s23+$0x0], $0xffff  }
0x610: {  	v17 =	vld.idx.msk [tilespmem:v11+s23+$0x0], $0xffff;
	v11 =	vor.u32 $0xD, v0  }
0x611: {  	v28 =	vld.idx.msk [tilespmem:v12+s23+$0x0], $0xffff;
	v12 =	vor.u32 $0xE, v0  }
0x612: {  	v22 =	vld.idx.msk [tilespmem:v13+s23+$0x0], $0xffff;
	v13 =	vor.u32 $0xF, v0  }
0x613: {  	v25 =	vld.idx.msk [tilespmem:v14+s23+$0x0], $0xffff  }
0x614: {  	v6 =	vld.idx.msk [tilespmem:v3+s23+$0x0], $0xffff;
	v3 =	vor.u32 $0x15, v0  }
0x615: {  	[tilespmem:$0x1FC40] =	vst v5;
	v5 =	vor.u32 $0x1C, v0;
	v23 =	vld.idx.msk [tilespmem:v11+s23+$0x0], $0xffff  }
0x616: {  	v14 =	vor.u32 $0x8, v0;
	v26 =	vld.idx.msk [tilespmem:v12+s23+$0x0], $0xffff  }
0x617: {  	s22 =	simm.s32 $0x390;
	v11 =	vor.u32 $0xA, v0;
	v19 =	vld.idx.msk [tilespmem:v13+s23+$0x0], $0xffff  }
0x618: {  	v12 =	vor.u32 $0xB, v0;
	v13 =	vld [tilespmem:s22+$0x0]  }
0x619: {  	v20 =	vld.idx.msk [tilespmem:v3+s23+$0x0], $0xffff;
	v3 =	vor.u32 $0x13, v0  }
0x61a: {  	[tilespmem:$0x1FC70] =	vst v4;
	v4 =	vor.u32 $0x1F, v0;
	v63 =	vld.idx.msk [tilespmem:v5+s23+$0x0], $0xffff  }
0x61b: {  	v34 =	vld.idx.msk [tilespmem:v14+s23+$0x0], $0xffff;
	v14 =	vor.u32 $0x6, v0  }
0x61c: {  	v33 =	vld.idx.msk [tilespmem:v11+s23+$0x0], $0xffff;
	v11 =	vor.u32 $0x1, v0  }
0x61d: {  	v29 =	vld.idx.msk [tilespmem:v12+s23+$0x0], $0xffff;
	v12 =	vshll.u32 v13, $0x5;
	v13 =	vor.u32 $0x2, v0  }
0x61e: {  	v12 =	vand.u32 $0x60, v12;
	v18 =	vld.idx.msk [tilespmem:v3+s23+$0x0], $0xffff;
	v3 =	vor.u32 $0x9, v0  }
0x61f: {  	v16 =	vld.idx.msk [tilespmem:v4+s23+$0x0], $0xffff;
	v41 =	vor.u32 v2, v12  }
0x620: {  	v37 =	vld.idx.msk [tilespmem:v14+s23+$0x0], $0xffff;
	v2 =	vor.u32 $0x1C, v41  }
0x621: {  	v12 =	vor.u32 $0x1E, v41;
	v40 =	vld.idx.msk [tilespmem:v11+s23+$0x0], $0xffff  }
0x622: {  	v14 =	vor.u32 $0x18, v41;
	v36 =	vld.idx.msk [tilespmem:v13+s23+$0x0], $0xffff  }
0x623: {  	v57 =	vor.u32 $0x1A, v41;
	v30 =	vld.idx.msk [tilespmem:v3+s23+$0x0], $0xffff  }
0x624: {  	v58 =	vor.u32 $0x1B, v41;
	v13 =	vld.idx.msk [tilespmem:v41+s25+$0x0], $0xffff  }
0x625: {  	v59 =	vor.u32 $0x14, v41;
	v4 =	vld.idx.msk [tilespmem:v2+s25+$0x0], $0xffff  }
0x626: {  	v3 =	vor.u32 $0x7, v0;
	v0 =	vor.u32 $0x3, v0;
	v12 =	vld.idx.msk [tilespmem:v12+s25+$0x0], $0xffff  }
0x627: {  	v47 =	vor.u32 $0x16, v41;
	v14 =	vld.idx.msk [tilespmem:v14+s25+$0x0], $0xffff  }
0x628: {  	v60 =	vor.u32 $0x17, v41;
	v7 =	vld.idx.msk [tilespmem:v57+s25+$0x0], $0xffff  }
0x629: {  	v49 =	vld.idx.msk [tilespmem:v58+s25+$0x0], $0xffff  }
0x62a: {  	v61 =	vor.u32 $0x10, v41;
	v56 =	vld.idx.msk [tilespmem:v59+s25+$0x0], $0xffff  }
0x62b: {  	v39 =	vld.idx.msk [tilespmem:v0+s23+$0x0], $0xffff;
	v0 =	vor.u32 $0x1F, v41  }
0x62c: {  	v43 =	vor.u32 $0x11, v41;
	v54 =	vld.idx.msk [tilespmem:v47+s25+$0x0], $0xffff  }
0x62d: {  	v11 =	vor.u32 $0x1D, v41;
	v50 =	vld.idx.msk [tilespmem:v60+s25+$0x0], $0xffff  }
0x62e: {  	v31 =	vld.idx.msk [tilespmem:v3+s23+$0x0], $0xffff;
	v3 =	vor.u32 $0x19, v41  }
0x62f: {  	v59 =	vor.u32 $0x12, v41;
	v60 =	vld.idx.msk [tilespmem:v61+s25+$0x0], $0xffff  }
0x630: {  	v8 =	vld.idx.msk [tilespmem:v0+s25+$0x0], $0xffff;
	v0 =	vor.u32 $0x15, v41  }
0x631: {  	v47 =	vor.u32 $0xC, v41;
	v55 =	vld.idx.msk [tilespmem:v43+s25+$0x0], $0xffff  }
0x632: {  	v42 =	vor.u32 $0xE, v41;
	v11 =	vld.idx.msk [tilespmem:v11+s25+$0x0], $0xffff  }
0x633: {  	v9 =	vld.idx.msk [tilespmem:v3+s25+$0x0], $0xffff;
	v3 =	vor.u32 $0x4, v41  }
0x634: {  	v58 =	vld.idx.msk [tilespmem:v59+s25+$0x0], $0xffff  }
0x635: {  	v52 =	vld.idx.msk [tilespmem:v0+s25+$0x0], $0xffff;
	v0 =	vor.u32 $0x13, v41  }
0x636: {  	v48 =	vor.u32 $0xD, v41;
	v61 =	vld.idx.msk [tilespmem:v47+s25+$0x0], $0xffff  }
0x637: {  	v44 =	vor.u32 $0x8, v41;
	v59 =	vld.idx.msk [tilespmem:v42+s25+$0x0], $0xffff  }
0x638: {  	v43 =	vor.u32 $0xF, v41;
	v42 =	vmul.f32 v11, v45;
	v45 =	vld.idx.msk [tilespmem:v3+s25+$0x0], $0xffff  }
0x639: {  	v2 =	vor.u32 $0xB, v41;
	v3 =	vld.idx.msk [tilespmem:v1+s28+$0x0], $0xffff  }
0x63a: {  	v47 =	vmul.f32 v4, v63;
	v4 =	vmul.f32 v12, v6;
	v51 =	vld.idx.msk [tilespmem:v0+s25+$0x0], $0xffff;
	v0 =	vor.u32 $0x9, v41  }
0x63b: {  	v5 =	vor.u32 $0xA, v41;
	v57 =	vld.idx.msk [tilespmem:v48+s25+$0x0], $0xffff  }
0x63c: {  	v48 =	vmul.f32 v13, v62;
	v62 =	vld.idx.msk [tilespmem:v44+s25+$0x0], $0xffff;
	[tilespmem:$0x1FC80] =	vst v4;
	v4 =	vmul.f32 v8, v16  }
0x63d: {  	v53 =	vld.idx.msk [tilespmem:v43+s25+$0x0], $0xffff;
	v44 =	vmul.f32 v14, v10;
	v14 =	vor.u32 $0x1F, v1  }
0x63e: {  	v2 =	vld.idx.msk [tilespmem:v2+s25+$0x0], $0xffff;
	v6 =	vor.u32 $0x7, v41;
	v11 =	vmul.f32 v7, v46;
	v7 =	vor.u32 $0x6, v41;
	[tilespmem:$0x1FCA0] =	vst v4  }
0x63f: {  	v43 =	vmul.f32 v9, v32;
	v32 =	vor.u32 $0x1A, v1;
	[tilespmem:$0x1FCB0] =	vst v3;
	v63 =	vld.idx.msk [tilespmem:v0+s25+$0x0], $0xffff;
	v0 =	vor.u32 $0x1E, v1  }
0x640: {  	s24 =	simm.s32 $0x20;
	v4 =	vor.u32 $0x5, v41;
	v3 =	vor.u32 $0x2, v41;
	[tilespmem:$0x1FC90] =	vst v0;
	v0 =	vld.idx.msk [tilespmem:v5+s25+$0x0], $0xffff;
	v5 =	vor.u32 $0x1, v41  }
.LBB2_8:
0x641: {  	_ =	sdelay $0x2  }
0x642: {  	v8 =	vld [tilespmem:$0x1FCB0]  }
0x643: {  	v4 =	vld.idx.msk [tilespmem:v4+s25+$0x0], $0xffff  }
0x644: {  	v7 =	vld.idx.msk [tilespmem:v7+s25+$0x0], $0xffff  }
0x645: {  	v6 =	vld.idx.msk [tilespmem:v6+s25+$0x0], $0xffff  }
0x646: {  	v41 =	vor.u32 $0x3, v41;
	v5 =	vld.idx.msk [tilespmem:v5+s25+$0x0], $0xffff  }
0x647: {  	v10 =	vmul.f32 v8, v48;
	v8 =	vld [tilespmem:$0x1FC00]  }
0x648: {  	v16 =	vmul.f32 v49, v15;
	v46 =	vor.u32 $0xC, v1;
	v3 =	vld.idx.msk [tilespmem:v3+s25+$0x0], $0xffff  }
0x649: {  	v49 =	vmul.f32 v52, v20;
	v20 =	vmul.f32 v54, v21;
	v21 =	vor.u32 $0xD, v1;
	v9 =	vld [tilespmem:$0x1FC30]  }
0x64a: {  	v17 =	vmul.f32 v50, v17;
	v50 =	vor.u32 $0x8, v1;
	v12 =	vld [tilespmem:$0x1FC50]  }
0x64b: {  	v52 =	vor.u32 $0x9, v1;
	v41 =	vld.idx.msk [tilespmem:v41+s25+$0x0], $0xffff  }
0x64c: {  	v47 =	vmul.f32 v8, v47;
	v8 =	vld [tilespmem:$0x1FC20]  }
0x64d: {  	v28 =	vmul.f32 v60, v28;
	v60 =	vor.u32 $0x4, v1;
	v46 =	vld.idx.msk [tilespmem:v46+s28+$0x0], $0xffff  }
0x64e: {  	v24 =	vmul.f32 v56, v24;
	v56 =	vor.u32 $0x1, v1;
	v21 =	vld.idx.msk [tilespmem:v21+s28+$0x0], $0xffff  }
0x64f: {  	v25 =	vmul.f32 v58, v25;
	v27 =	vmul.f32 v61, v27;
	v61 =	vor.u32 $0x5, v1;
	v58 =	vld.idx.msk [tilespmem:v50+s28+$0x0], $0xffff  }
0x650: {  	v23 =	vmul.f32 v57, v23;
	v57 =	vor.u32 $0x2, v1;
	v4 =	vmul.f32 v4, v35;
	v35 =	vld.idx.msk [tilespmem:v52+s28+$0x0], $0xffff  }
0x651: {  	v44 =	vmul.f32 v8, v44;
	v8 =	vld [tilespmem:$0x1FC10]  }
0x652: {  	v26 =	vmul.f32 v59, v26;
	v2 =	vmul.f32 v2, v29;
	v29 =	vor.u32 $0x3, v1;
	v59 =	vld.idx.msk [tilespmem:v60+s28+$0x0], $0xffff  }
0x653: {  	v34 =	vmul.f32 v62, v34;
	v60 =	vor.u32 $0x6, v1;
	v62 =	vld.idx.msk [tilespmem:v56+s28+$0x0], $0xffff  }
0x654: {  	v30 =	vmul.f32 v63, v30;
	v63 =	vor.u32 $0xA, v1;
	v3 =	vmul.f32 v3, v36;
	v36 =	vld.idx.msk [tilespmem:v61+s28+$0x0], $0xffff  }
0x655: {  	v0 =	vmul.f32 v0, v33;
	v61 =	vor.u32 $0x7, v1;
	v33 =	vld.idx.msk [tilespmem:v57+s28+$0x0], $0xffff  }
0x656: {  	v22 =	vmul.f32 v55, v22;
	v42 =	vmul.f32 v8, v42;
	v8 =	vld [tilespmem:$0x1FC40]  }
0x657: {  	v18 =	vmul.f32 v51, v18;
	v54 =	vor.u32 $0xB, v1;
	v38 =	vmul.f32 v45, v38;
	v29 =	vld.idx.msk [tilespmem:v29+s28+$0x0], $0xffff  }
0x658: {  	v55 =	vor.u32 $0xE, v1;
	v7 =	vmul.f32 v7, v37;
	v5 =	vmul.f32 v5, v40;
	v40 =	vld.idx.msk [tilespmem:v60+s28+$0x0], $0xffff  }
0x659: {  	v6 =	vmul.f32 v6, v31;
	v56 =	vor.u32 $0xF, v1;
	v34 =	vmul.f32 v58, v34;
	v58 =	vld.idx.msk [tilespmem:v63+s28+$0x0], $0xffff  }
0x65a: {  	v57 =	vor.u32 $0x12, v1;
	v31 =	vmul.f32 v41, v39;
	v21 =	vmul.f32 v21, v23;
	v39 =	vld.idx.msk [tilespmem:v61+s28+$0x0], $0xffff  }
0x65b: {  	v23 =	vor.u32 $0x13, v1;
	v8 =	vmul.f32 v8, v24;
	v24 =	vmul.f32 v9, v43;
	v9 =	vld [tilespmem:$0x1FC60]  }
0x65c: {  	v37 =	vmul.f32 v59, v38;
	v59 =	vld.idx.msk [tilespmem:v54+s28+$0x0], $0xffff;
	v60 =	vor.u32 $0x16, v1;
	v5 =	vmul.f32 v62, v5  }
0x65d: {  	v62 =	vor.u32 $0x17, v1;
	v1 =	vor.u32 $0x1B, v1;
	v61 =	vld.idx.msk [tilespmem:v55+s28+$0x0], $0xffff;
	v3 =	vmul.f32 v33, v3  }
0x65e: {  	v19 =	vmul.f32 v53, v19;
	v10 =	vadd.f32 $0.0e+00, v10;
	v29 =	vmul.f32 v29, v31;
	v31 =	vld.idx.msk [tilespmem:v56+s28+$0x0], $0xffff  }
0x65f: {  	v63 =	vld.idx.msk [tilespmem:v57+s28+$0x0], $0xffff;
	v7 =	vmul.f32 v40, v7;
	v3 =	vadd.f32 $0.0e+00, v3;
	v6 =	vmul.f32 v39, v6  }
0x660: {  	v29 =	vadd.f32 $0.0e+00, v29;
	v9 =	vmul.f32 v9, v28;
	v28 =	vmul.f32 v12, v49;
	v12 =	vld [tilespmem:$0x1FC70]  }
0x661: {  	v5 =	vadd.f32 $0.0e+00, v5;
	v4 =	vmul.f32 v36, v4;
	v23 =	vld.idx.msk [tilespmem:v23+s28+$0x0], $0xffff;
	v0 =	vmul.f32 v58, v0  }
0x662: {  	v2 =	vmul.f32 v59, v2;
	v1 =	vld.idx.msk [tilespmem:v1+s28+$0x0], $0xffff;
	v3 =	vadd.f32 v7, v3;
	v6 =	vadd.f32 v6, v29  }
0x663: {  	v27 =	vmul.f32 v46, v27;
	v10 =	vadd.f32 v37, v10;
	v4 =	vadd.f32 v4, v5;
	v7 =	vld.idx.msk [tilespmem:v62+s28+$0x0], $0xffff  }
0x664: {  	v5 =	vld.idx.msk [tilespmem:v60+s28+$0x0], $0xffff;
	v0 =	vadd.f32 v0, v3;
	v3 =	vmul.f32 v31, v19;
	v2 =	vadd.f32 v2, v6  }
0x665: {  	v10 =	vadd.f32 v34, v10;
	v26 =	vmul.f32 v61, v26;
	v22 =	vmul.f32 v12, v22;
	v12 =	vld [tilespmem:$0x1FC90]  }
0x666: {  	v2 =	vadd.f32 v3, v2;
	v3 =	vmul.f32 v23, v18  }
0x667: {  	v0 =	vadd.f32 v26, v0;
	v6 =	vadd.f32 v27, v10;
	v10 =	vmul.f32 v63, v25  }
0x668: {  	v30 =	vmul.f32 v35, v30;
	v2 =	vadd.f32 v3, v2;
	v3 =	vmul.f32 v7, v17  }
0x669: {  	v14 =	vld.idx.msk [tilespmem:v14+s28+$0x0], $0xffff;
	v5 =	vmul.f32 v5, v20;
	v0 =	vadd.f32 v10, v0  }
0x66a: {  	v4 =	vadd.f32 v30, v4;
	v1 =	vmul.f32 v1, v16;
	v29 =	vld.idx.msk [tilespmem:v32+s28+$0x0], $0xffff;
	v2 =	vadd.f32 v3, v2  }
0x66b: {  	v0 =	vadd.f32 v5, v0;
	v5 =	vld [tilespmem:$0x1FC80]  }
0x66c: {  	v4 =	vadd.f32 v21, v4;
	v1 =	vadd.f32 v1, v2;
	v2 =	vld [tilespmem:$0x1FCA0]  }
0x66d: {  	v6 =	vadd.f32 v9, v6;
	v13 =	vld.idx.msk [tilespmem:v12+s28+$0x0], $0xffff  }
0x66e: {  	v4 =	vadd.f32 v22, v4  }
0x66f: {  	v6 =	vadd.f32 v8, v6  }
0x670: {  	v7 =	vmul.f32 v29, v11;
	v4 =	vadd.f32 v28, v4  }
0x671: {  	v3 =	vadd.f32 v44, v6;
	v2 =	vmul.f32 v14, v2  }
0x672: {  	v0 =	vadd.f32 v7, v0;
	v4 =	vadd.f32 v24, v4;
	v5 =	vmul.f32 v13, v5  }
0x673: {  	v3 =	vadd.f32 v47, v3;
	v1 =	vadd.f32 v2, v1  }
0x674: {  	v4 =	vadd.f32 v42, v4;
	v0 =	vadd.f32 v5, v0;
	_ =	sdelay $0x1  }
0x675: {  	v2 =	vadd.f32 v4, v3;
	v0 =	vadd.f32 v1, v0;
	_ =	sdelay $0x1  }
0x676: {  	v0 =	vadd.f32 v0, v2  }
0x677: {  	s13 =	sadd.s32 $0x10, s13  }
0x678: {  	s15 =	sadd.s32 $0x10, s15;
	[tilespmem:s13+$0x0] =	vst v0  }
0x679: {  	v0 =	vld [tilespmem:s15+$0x0]  }
0x67a: {  	v2 =	vld [tilespmem:$0x1FFF0];
	_ =	sdelay $0x2  }
0x67b: {  	v1 =	vmov s24  }
0x67c: {  	v1 =	vshll.u32 v1, $0x7;
	v0 =	vshll.u32 v0, $0x5  }
0x67d: {  	v13 =	vor.u32 v2, v1;
	v0 =	vand.u32 $0x60, v0  }
0x67e: {  	v1 =	vor.u32 v13, v0  }
0x67f: {  	v4 =	vor.u32 $0x18, v1;
	_ =	sdelay $0x1  }
0x680: {  	v3 =	vor.u32 $0x1D, v1;
	_ =	sdelay $0x1  }
0x681: {  	v0 =	vor.u32 $0x1C, v1;
	v6 =	vld.idx.msk [tilespmem:v1+s28+$0x0], $0xffff  }
0x682: {  	v5 =	vor.u32 $0x19, v1;
	v4 =	vld.idx.msk [tilespmem:v4+s28+$0x0], $0xffff;
	_ =	sdelay $0x1  }
0x683: {  	s17 =	sadd.s32 $0x10, s17;
	v3 =	vld.idx.msk [tilespmem:v3+s28+$0x0], $0xffff  }
0x684: {  	v2 =	vld [tilespmem:s17+$0x0];
	v7 =	vor.u32 $0x15, v1  }
0x685: {  	v0 =	vld.idx.msk [tilespmem:v0+s28+$0x0], $0xffff;
	[tilespmem:$0x1FCB0] =	vst v6  }
0x686: {  	v6 =	vor.u32 $0x14, v1;
	[tilespmem:$0x1FC20] =	vst v4;
	v4 =	vld.idx.msk [tilespmem:v5+s28+$0x0], $0xffff;
	_ =	sdelay $0x1  }
0x687: {  	[tilespmem:$0x1FC10] =	vst v3;
	v3 =	vor.u32 $0x11, v1  }
0x688: {  	v5 =	vld.idx.msk [tilespmem:v7+s28+$0x0], $0xffff  }
0x689: {  	[tilespmem:$0x1FC00] =	vst v0  }
0x68a: {  	v0 =	vshll.u32 v2, $0x5;
	[tilespmem:$0x1FC30] =	vst v4;
	v4 =	vld.idx.msk [tilespmem:v6+s28+$0x0], $0xffff  }
0x68b: {  	v2 =	vor.u32 $0x10, v1;
	v0 =	vand.u32 $0x60, v0  }
0x68c: {  	v0 =	vor.u32 v13, v0;
	v3 =	vld.idx.msk [tilespmem:v3+s28+$0x0], $0xffff  }
0x68d: {  	[tilespmem:$0x1FC50] =	vst v5;
	v5 =	vor.u32 $0x1D, v0;
	_ =	sdelay $0x1  }
0x68e: {  	[tilespmem:$0x1FC40] =	vst v4;
	v4 =	vor.u32 $0x1C, v0  }
0x68f: {  	v2 =	vld.idx.msk [tilespmem:v2+s28+$0x0], $0xffff  }
0x690: {  	[tilespmem:$0x1FC70] =	vst v3;
	v3 =	vor.u32 $0x1F, v0  }
0x691: {  	v7 =	vor.u32 $0x19, v0;
	v5 =	vld.idx.msk [tilespmem:v5+s23+$0x0], $0xffff  }
0x692: {  	v6 =	vor.u32 $0x18, v0  }
0x693: {  	v42 =	vld.idx.msk [tilespmem:v4+s23+$0x0], $0xffff;
	v4 =	vor.u32 $0x1A, v0  }
0x694: {  	v47 =	vld.idx.msk [tilespmem:v0+s23+$0x0], $0xffff;
	[tilespmem:$0x1FC60] =	vst v2;
	v2 =	vor.u32 $0x1E, v0  }
0x695: {  	v14 =	vor.u32 $0x5, v0;
	v3 =	vld.idx.msk [tilespmem:v3+s23+$0x0], $0xffff  }
0x696: {  	v43 =	vld.idx.msk [tilespmem:v7+s23+$0x0], $0xffff;
	[tilespmem:$0x1FBB0] =	vst v5;
	v5 =	vor.u32 $0x1B, v0  }
0x697: {  	v45 =	vld.idx.msk [tilespmem:v6+s23+$0x0], $0xffff;
	v6 =	vor.u32 $0x16, v0  }
0x698: {  	v7 =	vor.u32 $0x17, v0;
	v4 =	vld.idx.msk [tilespmem:v4+s23+$0x0], $0xffff  }
0x699: {  	v44 =	vld.idx.msk [tilespmem:v2+s23+$0x0], $0xffff;
	v2 =	vor.u32 $0x14, v0  }
0x69a: {  	v35 =	vld.idx.msk [tilespmem:v14+s23+$0x0], $0xffff;
	[tilespmem:$0x1FBC0] =	vst v3;
	v3 =	vor.u32 $0x15, v0  }
0x69b: {  	v15 =	vld.idx.msk [tilespmem:v5+s23+$0x0], $0xffff;
	v5 =	vor.u32 $0x11, v0  }
0x69c: {  	v21 =	vld.idx.msk [tilespmem:v6+s23+$0x0], $0xffff;
	v6 =	vor.u32 $0xC, v0  }
0x69d: {  	v17 =	vld.idx.msk [tilespmem:v7+s23+$0x0], $0xffff;
	[tilespmem:$0x1FBD0] =	vst v4;
	v4 =	vor.u32 $0x10, v0  }
0x69e: {  	v24 =	vld.idx.msk [tilespmem:v2+s23+$0x0], $0xffff;
	v2 =	vor.u32 $0x12, v0  }
0x69f: {  	v20 =	vld.idx.msk [tilespmem:v3+s23+$0x0], $0xffff;
	v3 =	vor.u32 $0x13, v0  }
0x6a0: {  	v22 =	vld.idx.msk [tilespmem:v5+s23+$0x0], $0xffff;
	v5 =	vor.u32 $0xF, v0  }
0x6a1: {  	v27 =	vld.idx.msk [tilespmem:v6+s23+$0x0], $0xffff  }
0x6a2: {  	v28 =	vld.idx.msk [tilespmem:v4+s23+$0x0], $0xffff;
	v4 =	vor.u32 $0xE, v0  }
0x6a3: {  	v7 =	vor.u32 $0xD, v0;
	v25 =	vld.idx.msk [tilespmem:v2+s23+$0x0], $0xffff  }
0x6a4: {  	v6 =	vor.u32 $0xA, v0;
	v18 =	vld.idx.msk [tilespmem:v3+s23+$0x0], $0xffff  }
0x6a5: {  	s22 =	sadd.s32 $0x10, s22;
	v2 =	vor.u32 $0x8, v0;
	v19 =	vld.idx.msk [tilespmem:v5+s23+$0x0], $0xffff  }
0x6a6: {  	v3 =	vor.u32 $0x9, v0;
	v5 =	vld [tilespmem:s22+$0x0]  }
0x6a7: {  	v26 =	vld.idx.msk [tilespmem:v4+s23+$0x0], $0xffff;
	v4 =	vor.u32 $0xB, v0  }
0x6a8: {  	v23 =	vld.idx.msk [tilespmem:v7+s23+$0x0], $0xffff;
	v7 =	vor.u32 $0x4, v0  }
0x6a9: {  	v33 =	vld.idx.msk [tilespmem:v6+s23+$0x0], $0xffff;
	v6 =	vor.u32 $0x1, v0  }
0x6aa: {  	v34 =	vld.idx.msk [tilespmem:v2+s23+$0x0], $0xffff;
	v2 =	vor.u32 $0x6, v0  }
0x6ab: {  	v30 =	vld.idx.msk [tilespmem:v3+s23+$0x0], $0xffff;
	v3 =	vor.u32 $0x7, v0  }
0x6ac: {  	v29 =	vld.idx.msk [tilespmem:v4+s23+$0x0], $0xffff;
	v4 =	vshll.u32 v5, $0x5;
	v5 =	vor.u32 $0x2, v0  }
0x6ad: {  	v38 =	vld.idx.msk [tilespmem:v7+s23+$0x0], $0xffff;
	v0 =	vor.u32 $0x3, v0;
	v4 =	vand.u32 $0x60, v4  }
0x6ae: {  	v40 =	vld.idx.msk [tilespmem:v6+s23+$0x0], $0xffff;
	v41 =	vor.u32 v13, v4  }
0x6af: {  	v37 =	vld.idx.msk [tilespmem:v2+s23+$0x0], $0xffff;
	v2 =	vor.u32 $0x1C, v41  }
0x6b0: {  	v31 =	vld.idx.msk [tilespmem:v3+s23+$0x0], $0xffff;
	v3 =	vor.u32 $0x1D, v41  }
0x6b1: {  	v4 =	vor.u32 $0x1E, v41;
	v36 =	vld.idx.msk [tilespmem:v5+s23+$0x0], $0xffff  }
0x6b2: {  	v6 =	vor.u32 $0x18, v41;
	v39 =	vld.idx.msk [tilespmem:v0+s23+$0x0], $0xffff  }
0x6b3: {  	v7 =	vor.u32 $0x19, v41;
	v5 =	vld.idx.msk [tilespmem:v41+s25+$0x0], $0xffff  }
0x6b4: {  	v13 =	vor.u32 $0x1A, v41;
	v2 =	vld.idx.msk [tilespmem:v2+s25+$0x0], $0xffff  }
0x6b5: {  	v14 =	vor.u32 $0x1B, v41;
	v3 =	vld.idx.msk [tilespmem:v3+s25+$0x0], $0xffff  }
0x6b6: {  	v12 =	vor.u32 $0x10, v41;
	v8 =	vld.idx.msk [tilespmem:v4+s25+$0x0], $0xffff  }
0x6b7: {  	v32 =	vor.u32 $0x8, v41;
	v10 =	vld.idx.msk [tilespmem:v6+s25+$0x0], $0xffff  }
0x6b8: {  	v0 =	vor.u32 $0x1F, v41;
	v11 =	vld.idx.msk [tilespmem:v7+s25+$0x0], $0xffff  }
0x6b9: {  	v4 =	vor.u32 $0x14, v41;
	v13 =	vld.idx.msk [tilespmem:v13+s25+$0x0], $0xffff  }
0x6ba: {  	v6 =	vor.u32 $0x16, v41;
	v49 =	vld.idx.msk [tilespmem:v14+s25+$0x0], $0xffff  }
0x6bb: {  	v7 =	vor.u32 $0x17, v41;
	v60 =	vld.idx.msk [tilespmem:v12+s25+$0x0], $0xffff  }
0x6bc: {  	v14 =	vor.u32 $0x11, v41;
	v62 =	vld.idx.msk [tilespmem:v32+s25+$0x0], $0xffff  }
0x6bd: {  	v12 =	vor.u32 $0xE, v41;
	v9 =	vld.idx.msk [tilespmem:v0+s25+$0x0], $0xffff  }
0x6be: {  	v56 =	vld.idx.msk [tilespmem:v4+s25+$0x0], $0xffff  }
0x6bf: {  	v0 =	vor.u32 $0x15, v41;
	v54 =	vld.idx.msk [tilespmem:v6+s25+$0x0], $0xffff  }
0x6c0: {  	v4 =	vor.u32 $0x12, v41;
	v50 =	vld.idx.msk [tilespmem:v7+s25+$0x0], $0xffff  }
0x6c1: {  	v6 =	vor.u32 $0xC, v41;
	v55 =	vld.idx.msk [tilespmem:v14+s25+$0x0], $0xffff  }
0x6c2: {  	v7 =	vor.u32 $0xD, v41;
	v59 =	vld.idx.msk [tilespmem:v12+s25+$0x0], $0xffff  }
0x6c3: {  	v48 =	vmul.f32 v5, v47;
	v47 =	vmul.f32 v2, v42;
	v2 =	vld [tilespmem:$0x1FBB0]  }
0x6c4: {  	v52 =	vld.idx.msk [tilespmem:v0+s25+$0x0], $0xffff;
	v0 =	vor.u32 $0x13, v41  }
0x6c5: {  	v58 =	vld.idx.msk [tilespmem:v4+s25+$0x0], $0xffff  }
0x6c6: {  	v14 =	vor.u32 $0xF, v41;
	v61 =	vld.idx.msk [tilespmem:v6+s25+$0x0], $0xffff  }
0x6c7: {  	v12 =	vor.u32 $0x4, v41;
	v57 =	vld.idx.msk [tilespmem:v7+s25+$0x0], $0xffff  }
0x6c8: {  	v46 =	vor.u32 $0xB, v41;
	v42 =	vmul.f32 v3, v2;
	v3 =	vld [tilespmem:$0x1FBC0]  }
0x6c9: {  	v51 =	vld.idx.msk [tilespmem:v0+s25+$0x0], $0xffff;
	v0 =	vor.u32 $0x9, v41  }
0x6ca: {  	p0 =	sne.s32 s24, $0x70;
	v16 =	vor.u32 $0xA, v41;
	v2 =	vmul.f32 v8, v44;
	v8 =	vld [tilespmem:$0x1FBD0]  }
.Ltmp3:
0x6cb: {  	v53 =	vld.idx.msk [tilespmem:v14+s25+$0x0], $0xffff;
	(pc) =	sbr.rel @p0 .LBB2_8-.Ltmp3, $4  }
0x6cc: {  	v32 =	vor.u32 $0x1A, v1;
	v5 =	vor.u32 $0x1, v41;
	v44 =	vmul.f32 v10, v45;
	v45 =	vld.idx.msk [tilespmem:v12+s25+$0x0], $0xffff  }
0x6cd: {  	v43 =	vmul.f32 v11, v43;
	v4 =	vor.u32 $0x1E, v1;
	[tilespmem:$0x1FC80] =	vst v2;
	v2 =	vld.idx.msk [tilespmem:v46+s25+$0x0], $0xffff;
	v3 =	vmul.f32 v9, v3  }
0x6ce: {  	v14 =	vor.u32 $0x1F, v1;
	v7 =	vor.u32 $0x6, v41;
	v6 =	vor.u32 $0x7, v41;
	[tilespmem:$0x1FC90] =	vst v4;
	v63 =	vld.idx.msk [tilespmem:v0+s25+$0x0], $0xffff  }
0x6cf: {  	s24 =	sadd.s32 $0x10, s24;
	v4 =	vor.u32 $0x5, v41;
	v11 =	vmul.f32 v13, v8;
	v0 =	vld.idx.msk [tilespmem:v16+s25+$0x0], $0xffff;
	[tilespmem:$0x1FCA0] =	vst v3;
	v3 =	vor.u32 $0x2, v41  }
0x6d0: {  	_ =	sdelay $0x3  }
0x6d1: {  	v4 =	vld.idx.msk [tilespmem:v4+s25+$0x0], $0xffff  }
0x6d2: {  	v7 =	vld.idx.msk [tilespmem:v7+s25+$0x0], $0xffff  }
0x6d3: {  	v6 =	vld.idx.msk [tilespmem:v6+s25+$0x0], $0xffff  }
0x6d4: {  	v5 =	vld.idx.msk [tilespmem:v5+s25+$0x0], $0xffff  }
0x6d5: {  	v3 =	vld.idx.msk [tilespmem:v3+s25+$0x0], $0xffff  }
0x6d6: {  	v9 =	vmul.f32 v49, v15;
	v12 =	vor.u32 $0x3, v41;
	v49 =	vld [tilespmem:$0x1FCB0]  }
0x6d7: {  	v16 =	vor.u32 $0xC, v1;
	v18 =	vmul.f32 v51, v18;
	v51 =	vld [tilespmem:$0x1FC00]  }
0x6d8: {  	v10 =	vmul.f32 v52, v20;
	v13 =	vmul.f32 v54, v21;
	v54 =	vor.u32 $0xD, v1;
	v52 =	vld [tilespmem:$0x1FC20]  }
0x6d9: {  	v20 =	vmul.f32 v55, v22;
	v55 =	vor.u32 $0x8, v1;
	v19 =	vmul.f32 v53, v19;
	v53 =	vld [tilespmem:$0x1FC10]  }
0x6da: {  	v8 =	vmul.f32 v56, v24;
	v56 =	vor.u32 $0x9, v1;
	v46 =	vld [tilespmem:$0x1FC50]  }
0x6db: {  	v23 =	vmul.f32 v57, v23;
	v57 =	vor.u32 $0x4, v1;
	v12 =	vld.idx.msk [tilespmem:v12+s25+$0x0], $0xffff  }
0x6dc: {  	v22 =	vmul.f32 v58, v25;
	v58 =	vor.u32 $0x5, v1;
	v16 =	vld.idx.msk [tilespmem:v16+s28+$0x0], $0xffff  }
0x6dd: {  	v26 =	vmul.f32 v59, v26;
	v59 =	vor.u32 $0x1, v1;
	v21 =	vld.idx.msk [tilespmem:v54+s28+$0x0], $0xffff  }
0x6de: {  	v25 =	vld.idx.msk [tilespmem:v55+s28+$0x0], $0xffff  }
0x6df: {  	v15 =	vmul.f32 v60, v28;
	v24 =	vmul.f32 v61, v27;
	v60 =	vor.u32 $0x2, v1;
	v27 =	vld.idx.msk [tilespmem:v56+s28+$0x0], $0xffff  }
0x6e0: {  	v28 =	vmul.f32 v62, v34;
	v62 =	vld.idx.msk [tilespmem:v57+s28+$0x0], $0xffff  }
0x6e1: {  	v3 =	vmul.f32 v3, v36;
	v36 =	vld.idx.msk [tilespmem:v58+s28+$0x0], $0xffff  }
0x6e2: {  	v61 =	vor.u32 $0x3, v1;
	v0 =	vmul.f32 v0, v33;
	v33 =	vmul.f32 v45, v38;
	v38 =	vld.idx.msk [tilespmem:v59+s28+$0x0], $0xffff  }
0x6e3: {  	v17 =	vmul.f32 v50, v17;
	v30 =	vmul.f32 v63, v30;
	v63 =	vor.u32 $0x6, v1;
	v54 =	vld [tilespmem:$0x1FC40]  }
0x6e4: {  	v50 =	vor.u32 $0x7, v1;
	v2 =	vmul.f32 v2, v29;
	v4 =	vmul.f32 v4, v35;
	v29 =	vld.idx.msk [tilespmem:v60+s28+$0x0], $0xffff  }
0x6e5: {  	v7 =	vmul.f32 v7, v37;
	v5 =	vmul.f32 v5, v40;
	v55 =	vor.u32 $0xA, v1;
	v56 =	vld [tilespmem:$0x1FC30]  }
0x6e6: {  	v6 =	vmul.f32 v6, v31;
	v37 =	vmul.f32 v49, v48;
	v57 =	vld [tilespmem:$0x1FC60];
	v58 =	vor.u32 $0xB, v1  }
0x6e7: {  	v40 =	vmul.f32 v51, v47;
	v41 =	vmul.f32 v52, v44;
	v35 =	vld.idx.msk [tilespmem:v61+s28+$0x0], $0xffff;
	v47 =	vor.u32 $0x13, v1  }
0x6e8: {  	v42 =	vmul.f32 v53, v42;
	v59 =	vor.u32 $0xE, v1;
	v34 =	vld.idx.msk [tilespmem:v63+s28+$0x0], $0xffff;
	v5 =	vmul.f32 v38, v5  }
0x6e9: {  	v10 =	vmul.f32 v46, v10;
	v61 =	vor.u32 $0xF, v1;
	v12 =	vmul.f32 v12, v39;
	v39 =	vld.idx.msk [tilespmem:v50+s28+$0x0], $0xffff  }
0x6ea: {  	v63 =	vor.u32 $0x12, v1;
	v46 =	vld.idx.msk [tilespmem:v55+s28+$0x0], $0xffff;
	v4 =	vmul.f32 v36, v4;
	v5 =	vadd.f32 $0.0e+00, v5  }
0x6eb: {  	v49 =	vor.u32 $0x16, v1;
	v8 =	vmul.f32 v54, v8;
	v43 =	vmul.f32 v56, v43;
	v48 =	vld.idx.msk [tilespmem:v58+s28+$0x0], $0xffff  }
0x6ec: {  	v15 =	vmul.f32 v57, v15;
	v3 =	vmul.f32 v29, v3;
	v4 =	vadd.f32 v4, v5;
	v5 =	vld.idx.msk [tilespmem:v47+s28+$0x0], $0xffff  }
0x6ed: {  	v52 =	vor.u32 $0x1B, v1;
	v16 =	vmul.f32 v16, v24;
	v25 =	vmul.f32 v25, v28;
	v24 =	vld.idx.msk [tilespmem:v59+s28+$0x0], $0xffff  }
0x6ee: {  	v21 =	vmul.f32 v21, v23;
	v28 =	vld.idx.msk [tilespmem:v61+s28+$0x0], $0xffff;
	v3 =	vadd.f32 $0.0e+00, v3;
	v7 =	vmul.f32 v34, v7  }
0x6ef: {  	v51 =	vadd.f32 $0.0e+00, v37;
	v62 =	vmul.f32 v62, v33;
	v12 =	vmul.f32 v35, v12;
	v31 =	vld.idx.msk [tilespmem:v63+s28+$0x0], $0xffff  }
0x6f0: {  	v50 =	vor.u32 $0x17, v1;
	v0 =	vmul.f32 v46, v0;
	v3 =	vadd.f32 v7, v3;
	v7 =	vld.idx.msk [tilespmem:v49+s28+$0x0], $0xffff  }
0x6f1: {  	v23 =	vadd.f32 v62, v51;
	v12 =	vadd.f32 $0.0e+00, v12;
	v58 =	vmul.f32 v5, v18;
	v5 =	vld [tilespmem:$0x1FC90]  }
0x6f2: {  	v60 =	vld [tilespmem:$0x1FC70];
	v6 =	vmul.f32 v39, v6;
	v54 =	vmul.f32 v24, v26;
	v0 =	vadd.f32 v0, v3  }
0x6f3: {  	v27 =	vmul.f32 v27, v30;
	v1 =	vld.idx.msk [tilespmem:v52+s28+$0x0], $0xffff;
	v53 =	vadd.f32 v25, v23;
	v2 =	vmul.f32 v48, v2  }
0x6f4: {  	v59 =	vld.idx.msk [tilespmem:v14+s28+$0x0], $0xffff;
	v6 =	vadd.f32 v6, v12;
	v57 =	vmul.f32 v31, v22;
	v0 =	vadd.f32 v54, v0  }
0x6f5: {  	v55 =	vld.idx.msk [tilespmem:v50+s28+$0x0], $0xffff;
	v56 =	vmul.f32 v28, v19;
	v4 =	vadd.f32 v27, v4;
	v12 =	vadd.f32 v16, v53  }
0x6f6: {  	v2 =	vadd.f32 v2, v6;
	v6 =	vld.idx.msk [tilespmem:v32+s28+$0x0], $0xffff;
	v7 =	vmul.f32 v7, v13;
	v0 =	vadd.f32 v57, v0  }
0x6f7: {  	v20 =	vmul.f32 v60, v20;
	v62 =	vld [tilespmem:$0x1FCA0];
	v4 =	vadd.f32 v21, v4;
	v12 =	vadd.f32 v15, v12  }
0x6f8: {  	v2 =	vadd.f32 v56, v2;
	v0 =	vadd.f32 v7, v0;
	v7 =	vld [tilespmem:$0x1FC80]  }
0x6f9: {  	v4 =	vadd.f32 v20, v4;
	v5 =	vld.idx.msk [tilespmem:v5+s28+$0x0], $0xffff  }
0x6fa: {  	v60 =	vmul.f32 v55, v17;
	v8 =	vadd.f32 v8, v12;
	v2 =	vadd.f32 v58, v2  }
0x6fb: {  	v4 =	vadd.f32 v10, v4;
	v6 =	vmul.f32 v6, v11  }
0x6fc: {  	v1 =	vmul.f32 v1, v9;
	v61 =	vadd.f32 v41, v8;
	v2 =	vadd.f32 v60, v2  }
0x6fd: {  	v4 =	vadd.f32 v43, v4;
	v0 =	vadd.f32 v6, v0  }
0x6fe: {  	v1 =	vadd.f32 v1, v2;
	v2 =	vmul.f32 v59, v62;
	v5 =	vmul.f32 v5, v7  }
0x6ff: {  	v3 =	vadd.f32 v40, v61;
	v4 =	vadd.f32 v42, v4  }
0x700: {  	v1 =	vadd.f32 v2, v1;
	v0 =	vadd.f32 v5, v0;
	_ =	sdelay $0x1  }
0x701: {  	v63 =	vadd.f32 v4, v3;
	v0 =	vadd.f32 v1, v0;
	_ =	sdelay $0x1  }
0x702: {  	s1 =	sadd.s32 $0x1, s1;
	v0 =	vadd.f32 v0, v63  }
0x703: {  	s13 =	sadd.s32 $0x10, s13;
	p0 =	sne.s32 s1, s10  }
.Ltmp4:
0x704: {  	[tilespmem:s13+$0x0] =	vst v0;
	(pc) =	sbr.rel @p0 .LBB2_1-.Ltmp4, $4  }
0x705: {  	[hbm4b:s9+s2] =	stream.linear.scatter [tilespmem:s0], [sflag:$0x7], $0x200, $0x38;
	[tilespmem:$0x18B00] =	vst v63  }
0x706: {  	_ =	swait.ge [sflag:s11], $0x200  }
0x707: {  	[sflag:s11] =	ssyncset.done $0x0  }
0x708: {  	v6 =	vld [tilespmem:$0x1FFF0];
	[sflag:s11] =	ssyncadd.s32 $0xFFFFFE00  }
0x709: {  	_ =	sfence.sel $0x180000  }
0x70a: {  	[bflag:$0x0] =	sbarrier.arrive $0xFFFF  }
0x70b: {  	_ =	strace $0x90000047  }
0x70c: {  	s0 =	stileid.u32;
	[bflag:$0x2] =	sbarrier.arrive $0xFFFF  }
0x70d: {  	p0 =	sne.s32 s0, $0x0;
	s0 =	rddreg [dreg:$0x2]  }
0x70e: {  	s0 =	sadd.s32 @!p0 $0x100000, s0  }
0x70f: {  	[sflag:s0] =	ssyncadd.tile.s32 @!p0 $0x1;
	_ =	shalt  }
.Lfunc_end2:
_tile_overlayer_lowered:
.L_overlay_start_2:
0x710: {  	(tag) =	ssettag $0x2  }
0x711: {  	s0 =	rddreg [dreg:$0x0];
	s2 =	stileid.u32  }
0x712: {  	s1 =	rddreg [dreg:$0x1];
	p0 =	sne.s32 s2, $0x0  }
0x713: {  	s3 =	rddreg [dreg:$0x2];
	[bflag:$0x3] =	sbarrier.arrive $0xFFFF;
	s2 =	simm.s32 @!p0 $0x1C07  }
0x714: {  	[timem:s3], [sflag:s2] =	dma.local @!p0 [hbm:s0], s1  }
0x715: {  	s0 =	simm.s32 @!p0 $0x7  }
0x716: {  	_ =	swait.ge @!p0 [sflag:s0], s1  }
0x717: {  	s1 =	ssub.s32 @!p0 $0x0, s1;
	[sflag:s0] =	ssyncset.done @!p0 $0x0  }
0x718: {  	[sflag:s0] =	ssyncadd.s32 @!p0 s1  }
0x719: {  	[bflag:$0x3] =	sbarrier.arrive $0xFFFF  }
0x71a: {  	_ =	shalt  }

</sc_bundles>
